<compile_context>
chip_gen: v7x
topology: tpu7x:2x2x1
jax: 0.10.2.dev20260603
libtpu: 0.0.44.dev20260713+nightly
codegen_flags: <defaults>
</compile_context>

<pallas_src>
import functools

import jax
import jax.numpy as jnp
from jax import lax
from jax.experimental import pallas as pl
from jax.experimental.pallas import tpu as pltpu
from jax.experimental.pallas import tpu_sc as plsc

N = 10000
E = 320000
D = 128
H = 128
C = 4096

_NC = 2
_NS = 16
_NW = _NC * _NS

_NPAD = 10240
_RPW = _NPAD // _NW
_DUMMY = _RPW
_SUB = 448
_CAP = 32 * _SUB
_GCH = _CAP // 128
_SCCH = 2000
_EPW = E // _NW
_NSC = _EPW // _SCCH


def _scalar(x):
    if getattr(x, "ndim", 0):
        return lax.reduce_max(x, axes=(0,))
    return x


@functools.lru_cache(maxsize=None)
def _build_sc_bucket():
    mesh = plsc.VectorSubcoreMesh(core_axis_name="c", subcore_axis_name="s")

    @functools.partial(
        pl.kernel,
        out_type=(jax.ShapeDtypeStruct((_NW, _CAP), jnp.int32),
                  jax.ShapeDtypeStruct((_NW, _CAP), jnp.int32)),
        mesh=mesh,
        compiler_params=pltpu.CompilerParams(needs_layout_passes=False),
        scratch_types=[
            pltpu.VMEM((_SCCH,), jnp.int32),
            pltpu.VMEM((_SCCH,), jnp.int32),
            pltpu.VMEM((_CAP + 16,), jnp.int32),
            pltpu.VMEM((_CAP + 16,), jnp.int32),
            pltpu.VMEM((48,), jnp.int32),
        ],
    )
    def bucket(src_hbm, dst_hbm, slist_hbm, dlist_hbm,
               dbuf_v, sbuf_v, sout_v, dout_v, cnt_v):
        c = lax.axis_index("c")
        s = lax.axis_index("s")
        wid = s * _NC + c
        base_e = wid * _EPW

        iota16 = lax.iota(jnp.int32, 16)
        lane0 = iota16 == 0
        zero16 = jnp.zeros((16,), jnp.int32)
        dummy16 = jnp.full((16,), _DUMMY, jnp.int32)

        def prefill(v, carry):
            sout_v[pl.ds(v * 16, 16)] = zero16
            dout_v[pl.ds(v * 16, 16)] = dummy16
            return carry

        lax.fori_loop(0, (_CAP + 16) // 16, prefill, 0)
        for q in range(3):
            cnt_v[pl.ds(q * 16, 16)] = zero16

        def scan_chunk(k, carry):
            off = base_e + k * _SCCH
            pltpu.sync_copy(dst_hbm.at[pl.ds(off, _SCCH)], dbuf_v)
            pltpu.sync_copy(src_hbm.at[pl.ds(off, _SCCH)], sbuf_v)

            def edge(i, carry):
                ii = jnp.full((16,), i, jnp.int32)
                dsp = plsc.load_gather(dbuf_v, [ii])
                ssp = plsc.load_gather(sbuf_v, [ii])
                b = lax.shift_right_logical(dsp * 52429, 24)
                dl = dsp - b * _RPW
                cnt = jnp.minimum(plsc.load_gather(cnt_v, [b]), _SUB - 1)
                pos = b * _SUB + cnt
                tpos = jnp.where(lane0, pos, _CAP + iota16)
                plsc.store_scatter(sout_v, [tpos], ssp)
                plsc.store_scatter(dout_v, [tpos], dl)
                cpos = jnp.where(lane0, b, 32 + iota16)
                plsc.store_scatter(cnt_v, [cpos], cnt + 1)
                return carry

            lax.fori_loop(0, _SCCH, edge, 0)
            return carry

        lax.fori_loop(0, _NSC, scan_chunk, 0)
        pltpu.sync_copy(sout_v.at[pl.ds(0, _CAP)], slist_hbm.at[wid])
        pltpu.sync_copy(dout_v.at[pl.ds(0, _CAP)], dlist_hbm.at[wid])

    return bucket


@functools.lru_cache(maxsize=None)
def _build_sc_segment_sum():
    mesh = plsc.VectorSubcoreMesh(core_axis_name="c", subcore_axis_name="s")

    @functools.partial(
        pl.kernel,
        out_type=jax.ShapeDtypeStruct((_NPAD, H), jnp.float32),
        mesh=mesh,
        compiler_params=pltpu.CompilerParams(needs_layout_passes=False),
        scratch_types=[
            pltpu.VMEM((_CAP,), jnp.int32),
            pltpu.VMEM((2048,), jnp.int32),
            pltpu.VMEM((128, H), jnp.float32),
            pltpu.VMEM((128, H), jnp.float32),
            pltpu.VMEM((_RPW + 8, H), jnp.float32),
            pltpu.SemaphoreType.DMA,
            pltpu.SemaphoreType.DMA,
        ],
    )
    def seg(h_hbm, slist_hbm, dlist_hbm, out_hbm,
            slist_v, dexp_v, bufa_v, bufb_v, acc_v, sema, semb):
        c = lax.axis_index("c")
        s = lax.axis_index("s")
        wid = s * _NC + c

        zrow = jnp.zeros((16,), jnp.float32)

        def zbody(r, carry):
            for f in range(8):
                acc_v[r, pl.ds(f * 16, 16)] = zrow
            return carry

        lax.fori_loop(0, _RPW + 8, zbody, 0)

        pltpu.sync_copy(slist_hbm.at[wid], slist_v)

        def gstart(kk, buf, sem):
            pltpu.async_copy(h_hbm.at[slist_v.at[pl.ds(kk * 128, 128)]],
                             buf, sem)

        def gwait(kk, buf, sem):
            pltpu.make_async_copy(
                h_hbm.at[slist_v.at[pl.ds(kk * 128, 128)]], buf, sem).wait()

        iota16 = lax.iota(jnp.int32, 16)
        cols = [f * 16 + iota16 for f in range(8)]

        def accumulate(kk, buf):
            pltpu.sync_copy(dlist_hbm.at[wid, pl.ds(kk * 2048, 2048)],
                            dexp_v)

            def edge(i0, carry):
                for u in range(4):
                    i = i0 * 4 + u
                    rl = dexp_v[pl.ds(i * 16, 16)]
                    for f in range(8):
                        plsc.addupdate_scatter(acc_v, [rl, cols[f]],
                                               buf[i, pl.ds(f * 16, 16)])
                return carry

            lax.fori_loop(0, 32, edge, 0)

        gstart(0, bufa_v, sema)

        def body(t, carry):
            k0 = 2 * t
            k1 = 2 * t + 1
            gstart(k1, bufb_v, semb)
            gwait(k0, bufa_v, sema)
            accumulate(k0, bufa_v)

            @pl.when(k1 + 1 < _GCH)
            def _():
                gstart(k1 + 1, bufa_v, sema)

            gwait(k1, bufb_v, semb)
            accumulate(k1, bufb_v)
            return carry

        lax.fori_loop(0, _GCH // 2, body, 0)

        pltpu.sync_copy(acc_v.at[pl.ds(0, _RPW)],
                        out_hbm.at[pl.ds(wid * _RPW, _RPW)])

    return seg


def _sc_bucket(src, dst):
    return _build_sc_bucket()(src, dst)


def _sc_segment_sum(h, slist, dlist):
    return _build_sc_segment_sum()(h, slist, dlist)


_GIDX = 384
_GTOT = _GIDX * _NW


@functools.lru_cache(maxsize=None)
def _build_sc_gather():
    mesh = plsc.VectorSubcoreMesh(core_axis_name="c", subcore_axis_name="s")

    @functools.partial(
        pl.kernel,
        out_type=jax.ShapeDtypeStruct((_GTOT, H), jnp.float32),
        mesh=mesh,
        scratch_types=[
            pltpu.VMEM((3, 128), jnp.int32),
            pltpu.VMEM((128, H), jnp.float32),
            pltpu.SemaphoreType.DMA,
        ],
    )
    def gat(h_hbm, idx_hbm, out_hbm, idx_v, rows_v, sem):
        c = lax.axis_index("c")
        s = lax.axis_index("s")
        wid = s * _NC + c
        pltpu.sync_copy(idx_hbm.at[wid], idx_v)
        for j in range(3):
            pltpu.async_copy(h_hbm.at[idx_v.at[j]], rows_v, sem).wait()
            pltpu.sync_copy(rows_v,
                            out_hbm.at[pl.ds(wid * _GIDX + j * 128, 128)])

    return gat


def _sc_gather(h, idx):
    return _build_sc_gather()(h, idx)


def _gin_mlp_body(h_ref, a_ref, w1_ref, b1_ref, w2_ref, b2_ref, o_ref):
    z = h_ref[...] + a_ref[...]
    m = jnp.dot(z, w1_ref[...], preferred_element_type=jnp.float32)
    m = jnp.maximum(m + b1_ref[...], 0.0)
    o_ref[...] = (jnp.dot(m, w2_ref[...], preferred_element_type=jnp.float32)
                  + b2_ref[...])


_MLP_BLK = 1000


def _tc_gin_mlp(h, a, w1, b1, w2, b2):
    grid = (N // _MLP_BLK,)
    row_spec = pl.BlockSpec((_MLP_BLK, H), lambda i: (i, 0))
    full = pl.BlockSpec((H, H), lambda i: (0, 0))
    vec = pl.BlockSpec((1, H), lambda i: (0, 0))
    return pl.pallas_call(
        _gin_mlp_body,
        grid=grid,
        in_specs=[row_spec, row_spec, full, vec, full, vec],
        out_specs=row_spec,
        out_shape=jax.ShapeDtypeStruct((N, H), jnp.float32),
    )(h, a, w1, b1.reshape(1, H), w2, b2.reshape(1, H))


def _score_body(t_ref, xu_ref, xv_ref, fu_ref, fv_ref, temb_ref,
                w1a_ref, w1b_ref, w1c_ref, w1d_ref, w1e_ref, b1_ref,
                w2_ref, b2_ref, o_ref):
    tv = t_ref[0]
    temb = temb_ref[pl.ds(tv, 1), :]
    fu = fu_ref[...]
    fv = fv_ref[...]
    dot = lambda a, b: jnp.dot(a, b, preferred_element_type=jnp.float32)
    base = (dot(fu + fv, w1a_ref[...])
            + dot(jnp.abs(fu - fv), w1b_ref[...])
            + dot(temb, w1e_ref[...])
            + b1_ref[...])
    xu = xu_ref[...]
    xv = xv_ref[...]
    m = dot(xu + xv, w1c_ref[...]) + dot(jnp.abs(xu - xv), w1d_ref[...])
    m = jnp.maximum(m + base, 0.0)
    o_ref[...] = dot(m, w2_ref[...]) + b2_ref[...]


def _tc_score(t, xu, xv, fu, fv, t_embed_w, edge_W1, edge_b1, edge_W2,
              edge_b2):
    tarr = jnp.asarray(t, jnp.int32).reshape(1)
    w1a = edge_W1[0:H]
    w1b = edge_W1[H:2 * H]
    w1c = edge_W1[2 * H:3 * H]
    w1d = edge_W1[3 * H:4 * H]
    w1e = edge_W1[4 * H:5 * H]
    out = pl.pallas_call(
        _score_body,
        in_specs=[
            pl.BlockSpec(memory_space=pltpu.SMEM),
            pl.BlockSpec((C, H), lambda: (0, 0)),
            pl.BlockSpec((C, H), lambda: (0, 0)),
            pl.BlockSpec((1, H), lambda: (0, 0)),
            pl.BlockSpec((1, H), lambda: (0, 0)),
            pl.BlockSpec(((1000 + 1), H), lambda: (0, 0)),
            pl.BlockSpec((H, H), lambda: (0, 0)),
            pl.BlockSpec((H, H), lambda: (0, 0)),
            pl.BlockSpec((H, H), lambda: (0, 0)),
            pl.BlockSpec((H, H), lambda: (0, 0)),
            pl.BlockSpec((H, H), lambda: (0, 0)),
            pl.BlockSpec((1, H), lambda: (0, 0)),
            pl.BlockSpec((H, 1), lambda: (0, 0)),
            pl.BlockSpec((1, 1), lambda: (0, 0)),
        ],
        out_specs=pl.BlockSpec((C, 1), lambda: (0, 0)),
        out_shape=jax.ShapeDtypeStruct((C, 1), jnp.float32),
    )(tarr, xu, xv, fu, fv, t_embed_w, w1a, w1b, w1c, w1d, w1e,
      edge_b1.reshape(1, H), edge_W2, edge_b2.reshape(1, 1))
    return out.reshape(-1)


def kernel(x, edge_index, first_edge, candidate_edges, t,
           gin_W1_0, gin_b1_0, gin_W2_0, gin_b2_0,
           gin_W1_1, gin_b1_1, gin_W2_1, gin_b2_1,
           gin_W1_2, gin_b1_2, gin_W2_2, gin_b2_2,
           t_embed_w, edge_W1, edge_b1, edge_W2, edge_b2):
    ssub, dsub = _sc_bucket(edge_index[0], edge_index[1])
    slist = ssub.reshape(_NW, _NW, _SUB).transpose(1, 0, 2).reshape(_NW, _CAP)
    dlist = dsub.reshape(_NW, _NW, _SUB).transpose(1, 0, 2).reshape(_NW, _CAP)
    dlist = jnp.repeat(dlist.reshape(_NW, _CAP, 1), 16, axis=2).reshape(
        _NW, _CAP * 16)

    layers = [(gin_W1_0, gin_b1_0, gin_W2_0, gin_b2_0),
              (gin_W1_1, gin_b1_1, gin_W2_1, gin_b2_1),
              (gin_W1_2, gin_b1_2, gin_W2_2, gin_b2_2)]
    h = x
    for w1, b1, w2, b2 in layers:
        agg = _sc_segment_sum(h, slist, dlist)
        h = _tc_gin_mlp(h, agg[:N], w1, b1, w2, b2)

    idx_all = jnp.concatenate([
        candidate_edges[:, 0], candidate_edges[:, 1], first_edge,
        jnp.zeros((_GTOT - 2 * C - 2,), jnp.int32),
    ]).reshape(_NW, 3, 128)
    g = _sc_gather(h, idx_all)
    xu = g[0:C]
    xv = g[C:2 * C]
    fu = g[2 * C:2 * C + 1]
    fv = g[2 * C + 1:2 * C + 2]
    return _tc_score(t, xu, xv, fu, fv, t_embed_w, edge_W1, edge_b1,
                     edge_W2, edge_b2)

# --- scband reference (transcript-rebuilt; emitter-appended) ---
"""Pipeline reference for scband-graph-er-34969623724376 (READ-ONLY COPY).

The authoritative reference and input builder live on the scoring server;
editing this copy changes nothing except your own understanding.
"""

import jax, jax.numpy as jnp
import numpy as np

N = 10000
E = 320000
D = 128
H = 128
C = 4096
T = 1000

def setup_inputs(seed: int = 0):
    key = jax.random.key(seed)
    ks = jax.random.split(key, 24)
    inp = {}
    inp['x'] = jax.random.normal(ks[0], (N, D), dtype=jnp.float32)
    inp['edge_index'] = jax.random.randint(ks[1], (2, E), 0, N, dtype=jnp.int32)
    inp['first_edge'] = jax.random.randint(ks[2], (2,), 0, N, dtype=jnp.int32)
    inp['candidate_edges'] = jax.random.randint(ks[3], (C, 2), 0, N, dtype=jnp.int32)
    inp['t'] = 500
    s = 0.05
    dims = [D, H, H]
    for i in range(3):
        inp['gin_W1_%d' % i] = jax.random.normal(ks[4 + 4 * i], (dims[i], H), dtype=jnp.float32) * s
        inp['gin_b1_%d' % i] = jnp.zeros((H,), dtype=jnp.float32)
        inp['gin_W2_%d' % i] = jax.random.normal(ks[5 + 4 * i], (H, H), dtype=jnp.float32) * s
        inp['gin_b2_%d' % i] = jnp.zeros((H,), dtype=jnp.float32)
    inp['t_embed_w'] = jax.random.normal(ks[16], (T + 1, H), dtype=jnp.float32) * s
    inp['edge_W1'] = jax.random.normal(ks[17], (5 * H, H), dtype=jnp.float32) * s
    inp['edge_b1'] = jnp.zeros((H,), dtype=jnp.float32)
    inp['edge_W2'] = jax.random.normal(ks[18], (H, 1), dtype=jnp.float32) * s
    inp['edge_b2'] = jnp.zeros((1,), dtype=jnp.float32)
    return inp

def _edge_rep(h, u, v):
    xu = h[u]
    xv = h[v]
    return jnp.concatenate([xu + xv, jnp.abs(xu - xv)], axis=-1)

def reference(x, edge_index, first_edge, candidate_edges, t, gin_W1_0, gin_b1_0, gin_W2_0, gin_b2_0, gin_W1_1, gin_b1_1, gin_W2_1, gin_b2_1, gin_W1_2, gin_b1_2, gin_W2_2, gin_b2_2, t_embed_w, edge_W1, edge_b1, edge_W2, edge_b2):
    src = edge_index[0]
    dst = edge_index[1]
    layers = [(gin_W1_0, gin_b1_0, gin_W2_0, gin_b2_0), (gin_W1_1, gin_b1_1, gin_W2_1, gin_b2_1), (gin_W1_2, gin_b1_2, gin_W2_2, gin_b2_2)]
    h = x
    for W1, b1, W2, b2 in layers:
        agg = jax.ops.segment_sum(h[src], dst, num_segments=N)
        h = jnp.maximum((h + agg) @ W1 + b1, 0.0) @ W2 + b2
    first_feat = _edge_rep(h, first_edge[0], first_edge[1])
    temb = t_embed_w[t]
    ef = _edge_rep(h, candidate_edges[:, 0], candidate_edges[:, 1])
    feat = jnp.concatenate([jnp.broadcast_to(first_feat, (C, 2 * H)), ef, jnp.broadcast_to(temb, (C, H))], axis=-1)
    hmid = jnp.maximum(feat @ edge_W1 + edge_b1, 0.0)
    logits = (hmid @ edge_W2 + edge_b2).reshape(-1)
    return logits

if __name__ == "__main__":
    import jax
    _d = setup_inputs()
    print(jax.jit(kernel)(*tuple(_d.values())))

</pallas_src>

<mosaic_0001>
#map = affine_map<(d0, d1) -> (0)>
#map1 = affine_map<(d0, d1) -> (0, 0)>
module attributes {stable_mosaic.version = 14 : i64} {
  func.func @bucket(%arg0: i32, %arg1: i32, %arg2: memref<320000xi32, #tpu.memory_space<hbm>>, %arg3: memref<320000xi32, #tpu.memory_space<hbm>>, %arg4: memref<32x14336xi32, #tpu.memory_space<hbm>>, %arg5: memref<32x14336xi32, #tpu.memory_space<hbm>>, %arg6: memref<2000xi32, #tpu.memory_space<vmem>>, %arg7: memref<2000xi32, #tpu.memory_space<vmem>>, %arg8: memref<14352xi32, #tpu.memory_space<vmem>>, %arg9: memref<14352xi32, #tpu.memory_space<vmem>>, %arg10: memref<48xi32, #tpu.memory_space<vmem>>) attributes {dimension_semantics = [#tpu.dimension_semantics<core_parallel>, #tpu.dimension_semantics<subcore_parallel>], iteration_bounds = array<i64: 2, 16>, scalar_prefetch = 0 : i64, scratch_operands = 5 : i64, tpu.core_type = #tpu.core_type<sc_vector_subcore>, window_params = [{transform_indices = #map}, {transform_indices = #map}, {transform_indices = #map1}, {transform_indices = #map1}]} {
    %mul3A = arith.constant 2 : i32
    %mul3A_0 = arith.muli %arg1, %mul3A : i32
    %add3A = arith.addi %mul3A_0, %arg0 : i32
    %mul3A_1 = arith.constant 10000 : i32
    %mul3A_2 = arith.muli %add3A, %mul3A_1 : i32
    %iota3A = tpu.iota {dimensions = array<i32: 0>} : vector<16xi32>
    %eq3A = arith.constant 0 : i32
    %eq3A_3 = vector.broadcast %eq3A : i32 to vector<16xi32>
    %eq3A_4 = arith.cmpi eq, %iota3A, %eq3A_3 : vector<16xi32>
    %broadcast_in_dim3A = arith.constant 0 : i32
    %broadcast_in_dim3A_5 = vector.broadcast %broadcast_in_dim3A : i32 to vector<16xi32>
    %broadcast_in_dim3A_6 = arith.constant 320 : i32
    %broadcast_in_dim3A_7 = vector.broadcast %broadcast_in_dim3A_6 : i32 to vector<16xi32>
    %scan3A = arith.constant 0 : i32
    %scan3A_8 = arith.constant 0 : i32
    %scan3A_9 = arith.constant 897 : i32
    %scan3A_10 = arith.addi %scan3A_8, %scan3A_9 : i32
    %scan3A_11 = arith.constant 1 : i32
    scf.for %scan3A_24 = %scan3A_8 to %scan3A_10 step %scan3A_11  : i32 {
      %mul3A_25 = arith.constant 16 : i32
      %mul3A_26 = arith.muli %scan3A_24, %mul3A_25 : i32
      %swap3A_27 = arith.index_cast %mul3A_26 : i32 to index
      %swap3A_28 = tpu.vector_load %arg8[%swap3A_27] {strides = array<i32>} : memref<14352xi32, #tpu.memory_space<vmem>>, vector<16xi32>,
      tpu.vector_store %arg8[%swap3A_27], %broadcast_in_dim3A_5 {strides = array<i32>} : memref<14352xi32, #tpu.memory_space<vmem>>, vector<16xi32>,
      %mul3A_29 = arith.constant 16 : i32
      %mul3A_30 = arith.muli %scan3A_24, %mul3A_29 : i32
      %swap3A_31 = arith.index_cast %mul3A_30 : i32 to index
      %swap3A_32 = tpu.vector_load %arg9[%swap3A_31] {strides = array<i32>} : memref<14352xi32, #tpu.memory_space<vmem>>, vector<16xi32>,
      tpu.vector_store %arg9[%swap3A_31], %broadcast_in_dim3A_7 {strides = array<i32>} : memref<14352xi32, #tpu.memory_space<vmem>>, vector<16xi32>,
    }
    %scan3A_12 = arith.constant 897 : i32
    %swap3A = arith.constant 0 : index
    %swap3A_13 = tpu.vector_load %arg10[%swap3A] {strides = array<i32>} : memref<48xi32, #tpu.memory_space<vmem>>, vector<16xi32>,
    tpu.vector_store %arg10[%swap3A], %broadcast_in_dim3A_5 {strides = array<i32>} : memref<48xi32, #tpu.memory_space<vmem>>, vector<16xi32>,
    %swap3A_14 = arith.constant 16 : index
    %swap3A_15 = tpu.vector_load %arg10[%swap3A_14] {strides = array<i32>} : memref<48xi32, #tpu.memory_space<vmem>>, vector<16xi32>,
    tpu.vector_store %arg10[%swap3A_14], %broadcast_in_dim3A_5 {strides = array<i32>} : memref<48xi32, #tpu.memory_space<vmem>>, vector<16xi32>,
    %swap3A_16 = arith.constant 32 : index
    %swap3A_17 = tpu.vector_load %arg10[%swap3A_16] {strides = array<i32>} : memref<48xi32, #tpu.memory_space<vmem>>, vector<16xi32>,
    tpu.vector_store %arg10[%swap3A_16], %broadcast_in_dim3A_5 {strides = array<i32>} : memref<48xi32, #tpu.memory_space<vmem>>, vector<16xi32>,
    %scan3A_18 = arith.constant 0 : i32
    %scan3A_19 = arith.constant 0 : i32
    %scan3A_20 = arith.constant 5 : i32
    %scan3A_21 = arith.addi %scan3A_19, %scan3A_20 : i32
    %scan3A_22 = arith.constant 1 : i32
    scf.for %scan3A_24 = %scan3A_19 to %scan3A_21 step %scan3A_22  : i32 {
      %mul3A_25 = arith.constant 2000 : i32
      %mul3A_26 = arith.muli %scan3A_24, %mul3A_25 : i32
      %add3A_27 = arith.addi %mul3A_2, %mul3A_26 : i32
      "tpu.region"() ({
        %run_scoped3A = tpu.sem_alloc : memref<!tpu.dma_semaphore, #tpu.memory_space<semaphore_mem>>
        %dma_start3A = tpu.memref_slice %arg3[%add3A_27] : memref<320000xi32, #tpu.memory_space<hbm>> -> memref<2000xi32, #tpu.memory_space<hbm>>
        %dma_start3A_34 = tpu.memref_slice %arg3[%add3A_27] : memref<320000xi32, #tpu.memory_space<hbm>> -> memref<2000xi32, #tpu.memory_space<hbm>>
        tpu.enqueue_dma source(%dma_start3A_34 : memref<2000xi32, #tpu.memory_space<hbm>>) target(%arg6 : memref<2000xi32, #tpu.memory_space<vmem>>) target_semaphore(%run_scoped3A : memref<!tpu.dma_semaphore, #tpu.memory_space<semaphore_mem>>)
        %dma_wait3A = tpu.memref_slice %arg3[%add3A_27] : memref<320000xi32, #tpu.memory_space<hbm>> -> memref<2000xi32, #tpu.memory_space<hbm>>
        %dma_wait3A_35 = tpu.memref_slice %arg3[%add3A_27] : memref<320000xi32, #tpu.memory_space<hbm>> -> memref<2000xi32, #tpu.memory_space<hbm>>
        tpu.wait_dma2 semaphore(%run_scoped3A : memref<!tpu.dma_semaphore, #tpu.memory_space<semaphore_mem>>) src(%dma_wait3A_35 : memref<2000xi32, #tpu.memory_space<hbm>>) dst(%arg6 : memref<2000xi32, #tpu.memory_space<vmem>>)
        tpu.yield
      }) : () -> ()
      "tpu.region"() ({
        %run_scoped3A = tpu.sem_alloc : memref<!tpu.dma_semaphore, #tpu.memory_space<semaphore_mem>>
        %dma_start3A = tpu.memref_slice %arg2[%add3A_27] : memref<320000xi32, #tpu.memory_space<hbm>> -> memref<2000xi32, #tpu.memory_space<hbm>>
        %dma_start3A_34 = tpu.memref_slice %arg2[%add3A_27] : memref<320000xi32, #tpu.memory_space<hbm>> -> memref<2000xi32, #tpu.memory_space<hbm>>
        tpu.enqueue_dma source(%dma_start3A_34 : memref<2000xi32, #tpu.memory_space<hbm>>) target(%arg7 : memref<2000xi32, #tpu.memory_space<vmem>>) target_semaphore(%run_scoped3A : memref<!tpu.dma_semaphore, #tpu.memory_space<semaphore_mem>>)
        %dma_wait3A = tpu.memref_slice %arg2[%add3A_27] : memref<320000xi32, #tpu.memory_space<hbm>> -> memref<2000xi32, #tpu.memory_space<hbm>>
        %dma_wait3A_35 = tpu.memref_slice %arg2[%add3A_27] : memref<320000xi32, #tpu.memory_space<hbm>> -> memref<2000xi32, #tpu.memory_space<hbm>>
        tpu.wait_dma2 semaphore(%run_scoped3A : memref<!tpu.dma_semaphore, #tpu.memory_space<semaphore_mem>>) src(%dma_wait3A_35 : memref<2000xi32, #tpu.memory_space<hbm>>) dst(%arg7 : memref<2000xi32, #tpu.memory_space<vmem>>)
        tpu.yield
      }) : () -> ()
      %scan3A_28 = arith.constant 0 : i32
      %scan3A_29 = arith.constant 0 : i32
      %scan3A_30 = arith.constant 2000 : i32
      %scan3A_31 = arith.addi %scan3A_29, %scan3A_30 : i32
      %scan3A_32 = arith.constant 1 : i32
      scf.for %scan3A_34 = %scan3A_29 to %scan3A_31 step %scan3A_32  : i32 {
        %broadcast_in_dim3A_35 = vector.broadcast %scan3A_34 : i32 to vector<16xi32>
        %gather3A = tpu.vector_load_idx %arg6[%broadcast_in_dim3A_35] : memref<2000xi32, #tpu.memory_space<vmem>>[vector<16xi32>], vector<16xi32>,
        %gather3A_36 = tpu.vector_load_idx %arg7[%broadcast_in_dim3A_35] : memref<2000xi32, #tpu.memory_space<vmem>>[vector<16xi32>], vector<16xi32>,
        %mul3A_37 = arith.constant 52429 : i32
        %mul3A_38 = vector.broadcast %mul3A_37 : i32 to vector<16xi32>
        %mul3A_39 = arith.muli %gather3A, %mul3A_38 : vector<16xi32>
        %shift_right_logical3A = arith.constant 24 : i32
        %shift_right_logical3A_40 = vector.broadcast %shift_right_logical3A : i32 to vector<16xi32>
        %shift_right_logical3A_41 = arith.shrui %mul3A_39, %shift_right_logical3A_40 : vector<16xi32>
        %mul3A_42 = arith.constant 320 : i32
        %mul3A_43 = vector.broadcast %mul3A_42 : i32 to vector<16xi32>
        %mul3A_44 = arith.muli %shift_right_logical3A_41, %mul3A_43 : vector<16xi32>
        %sub3A = arith.subi %gather3A, %mul3A_44 : vector<16xi32>
        %gather3A_45 = tpu.vector_load_idx %arg10[%shift_right_logical3A_41] : memref<48xi32, #tpu.memory_space<vmem>>[vector<16xi32>], vector<16xi32>,
        %min3A = arith.constant 447 : i32
        %min3A_46 = vector.broadcast %min3A : i32 to vector<16xi32>
        %min3A_47 = arith.minsi %gather3A_45, %min3A_46 : vector<16xi32>
        %mul3A_48 = arith.constant 448 : i32
        %mul3A_49 = vector.broadcast %mul3A_48 : i32 to vector<16xi32>
        %mul3A_50 = arith.muli %shift_right_logical3A_41, %mul3A_49 : vector<16xi32>
        %add3A_51 = arith.addi %mul3A_50, %min3A_47 : vector<16xi32>
        %add3A_52 = arith.constant 14336 : i32
        %add3A_53 = vector.broadcast %add3A_52 : i32 to vector<16xi32>
        %add3A_54 = arith.addi %add3A_53, %iota3A : vector<16xi32>
        %select_n3A = arith.select %eq3A_4, %add3A_51, %add3A_54 : vector<16xi1>, vector<16xi32>
        tpu.vector_store_idx %arg8[%select_n3A], %gather3A_36 : memref<14352xi32, #tpu.memory_space<vmem>>[vector<16xi32>], vector<16xi32>,
        tpu.vector_store_idx %arg9[%select_n3A], %sub3A : memref<14352xi32, #tpu.memory_space<vmem>>[vector<16xi32>], vector<16xi32>,
        %add3A_55 = arith.constant 32 : i32
        %add3A_56 = vector.broadcast %add3A_55 : i32 to vector<16xi32>
        %add3A_57 = arith.addi %add3A_56, %iota3A : vector<16xi32>
        %select_n3A_58 = arith.select %eq3A_4, %shift_right_logical3A_41, %add3A_57 : vector<16xi1>, vector<16xi32>
        %add3A_59 = arith.constant 1 : i32
        %add3A_60 = vector.broadcast %add3A_59 : i32 to vector<16xi32>
        %add3A_61 = arith.addi %min3A_47, %add3A_60 : vector<16xi32>
        tpu.vector_store_idx %arg10[%select_n3A_58], %add3A_61 : memref<48xi32, #tpu.memory_space<vmem>>[vector<16xi32>], vector<16xi32>,
      }
      %scan3A_33 = arith.constant 2000 : i32
    }
    %scan3A_23 = arith.constant 5 : i32
    "tpu.region"() ({
      %run_scoped3A = tpu.sem_alloc : memref<!tpu.dma_semaphore, #tpu.memory_space<semaphore_mem>>
      %dma_start3A = arith.constant 0 : i32
      %dma_start3A_24 = tpu.memref_slice %arg8[%dma_start3A] : memref<14352xi32, #tpu.memory_space<vmem>> -> memref<14336xi32, #tpu.memory_space<vmem>>
      %dma_start3A_25 = arith.constant 0 : i32
      %dma_start3A_26 = tpu.memref_slice %arg4[%add3A, %dma_start3A_25] : memref<32x14336xi32, #tpu.memory_space<hbm>> -> memref<1x14336xi32, #tpu.memory_space<hbm>>
      %dma_start3A_27 = tpu.memref_squeeze %dma_start3A_26 : memref<1x14336xi32, #tpu.memory_space<hbm>> -> memref<14336xi32, #tpu.memory_space<hbm>>
      %dma_start3A_28 = arith.constant 0 : i32
      %dma_start3A_29 = tpu.memref_slice %arg4[%add3A, %dma_start3A_28] : memref<32x14336xi32, #tpu.memory_space<hbm>> -> memref<1x14336xi32, #tpu.memory_space<hbm>>
      %dma_start3A_30 = tpu.memref_squeeze %dma_start3A_29 : memref<1x14336xi32, #tpu.memory_space<hbm>> -> memref<14336xi32, #tpu.memory_space<hbm>>
      %dma_start3A_31 = arith.constant 0 : i32
      %dma_start3A_32 = tpu.memref_slice %arg8[%dma_start3A_31] : memref<14352xi32, #tpu.memory_space<vmem>> -> memref<14336xi32, #tpu.memory_space<vmem>>
      tpu.enqueue_dma source(%dma_start3A_32 : memref<14336xi32, #tpu.memory_space<vmem>>) target(%dma_start3A_30 : memref<14336xi32, #tpu.memory_space<hbm>>) target_semaphore(%run_scoped3A : memref<!tpu.dma_semaphore, #tpu.memory_space<semaphore_mem>>)
      %dma_wait3A = arith.constant 0 : i32
      %dma_wait3A_33 = tpu.memref_slice %arg8[%dma_wait3A] : memref<14352xi32, #tpu.memory_space<vmem>> -> memref<14336xi32, #tpu.memory_space<vmem>>
      %dma_wait3A_34 = arith.constant 0 : i32
      %dma_wait3A_35 = tpu.memref_slice %arg4[%add3A, %dma_wait3A_34] : memref<32x14336xi32, #tpu.memory_space<hbm>> -> memref<1x14336xi32, #tpu.memory_space<hbm>>
      %dma_wait3A_36 = tpu.memref_squeeze %dma_wait3A_35 : memref<1x14336xi32, #tpu.memory_space<hbm>> -> memref<14336xi32, #tpu.memory_space<hbm>>
      %dma_wait3A_37 = arith.constant 0 : i32
      %dma_wait3A_38 = tpu.memref_slice %arg4[%add3A, %dma_wait3A_37] : memref<32x14336xi32, #tpu.memory_space<hbm>> -> memref<1x14336xi32, #tpu.memory_space<hbm>>
      %dma_wait3A_39 = tpu.memref_squeeze %dma_wait3A_38 : memref<1x14336xi32, #tpu.memory_space<hbm>> -> memref<14336xi32, #tpu.memory_space<hbm>>
      %dma_wait3A_40 = arith.constant 0 : i32
      %dma_wait3A_41 = tpu.memref_slice %arg8[%dma_wait3A_40] : memref<14352xi32, #tpu.memory_space<vmem>> -> memref<14336xi32, #tpu.memory_space<vmem>>
      tpu.wait_dma2 semaphore(%run_scoped3A : memref<!tpu.dma_semaphore, #tpu.memory_space<semaphore_mem>>) src(%dma_wait3A_41 : memref<14336xi32, #tpu.memory_space<vmem>>) dst(%dma_wait3A_39 : memref<14336xi32, #tpu.memory_space<hbm>>)
      tpu.yield
    }) : () -> ()
    "tpu.region"() ({
      %run_scoped3A = tpu.sem_alloc : memref<!tpu.dma_semaphore, #tpu.memory_space<semaphore_mem>>
      %dma_start3A = arith.constant 0 : i32
      %dma_start3A_24 = tpu.memref_slice %arg9[%dma_start3A] : memref<14352xi32, #tpu.memory_space<vmem>> -> memref<14336xi32, #tpu.memory_space<vmem>>
      %dma_start3A_25 = arith.constant 0 : i32
      %dma_start3A_26 = tpu.memref_slice %arg5[%add3A, %dma_start3A_25] : memref<32x14336xi32, #tpu.memory_space<hbm>> -> memref<1x14336xi32, #tpu.memory_space<hbm>>
      %dma_start3A_27 = tpu.memref_squeeze %dma_start3A_26 : memref<1x14336xi32, #tpu.memory_space<hbm>> -> memref<14336xi32, #tpu.memory_space<hbm>>
      %dma_start3A_28 = arith.constant 0 : i32
      %dma_start3A_29 = tpu.memref_slice %arg5[%add3A, %dma_start3A_28] : memref<32x14336xi32, #tpu.memory_space<hbm>> -> memref<1x14336xi32, #tpu.memory_space<hbm>>
      %dma_start3A_30 = tpu.memref_squeeze %dma_start3A_29 : memref<1x14336xi32, #tpu.memory_space<hbm>> -> memref<14336xi32, #tpu.memory_space<hbm>>
      %dma_start3A_31 = arith.constant 0 : i32
      %dma_start3A_32 = tpu.memref_slice %arg9[%dma_start3A_31] : memref<14352xi32, #tpu.memory_space<vmem>> -> memref<14336xi32, #tpu.memory_space<vmem>>
      tpu.enqueue_dma source(%dma_start3A_32 : memref<14336xi32, #tpu.memory_space<vmem>>) target(%dma_start3A_30 : memref<14336xi32, #tpu.memory_space<hbm>>) target_semaphore(%run_scoped3A : memref<!tpu.dma_semaphore, #tpu.memory_space<semaphore_mem>>)
      %dma_wait3A = arith.constant 0 : i32
      %dma_wait3A_33 = tpu.memref_slice %arg9[%dma_wait3A] : memref<14352xi32, #tpu.memory_space<vmem>> -> memref<14336xi32, #tpu.memory_space<vmem>>
      %dma_wait3A_34 = arith.constant 0 : i32
      %dma_wait3A_35 = tpu.memref_slice %arg5[%add3A, %dma_wait3A_34] : memref<32x14336xi32, #tpu.memory_space<hbm>> -> memref<1x14336xi32, #tpu.memory_space<hbm>>
      %dma_wait3A_36 = tpu.memref_squeeze %dma_wait3A_35 : memref<1x14336xi32, #tpu.memory_space<hbm>> -> memref<14336xi32, #tpu.memory_space<hbm>>
      %dma_wait3A_37 = arith.constant 0 : i32
      %dma_wait3A_38 = tpu.memref_slice %arg5[%add3A, %dma_wait3A_37] : memref<32x14336xi32, #tpu.memory_space<hbm>> -> memref<1x14336xi32, #tpu.memory_space<hbm>>
      %dma_wait3A_39 = tpu.memref_squeeze %dma_wait3A_38 : memref<1x14336xi32, #tpu.memory_space<hbm>> -> memref<14336xi32, #tpu.memory_space<hbm>>
      %dma_wait3A_40 = arith.constant 0 : i32
      %dma_wait3A_41 = tpu.memref_slice %arg9[%dma_wait3A_40] : memref<14352xi32, #tpu.memory_space<vmem>> -> memref<14336xi32, #tpu.memory_space<vmem>>
      tpu.wait_dma2 semaphore(%run_scoped3A : memref<!tpu.dma_semaphore, #tpu.memory_space<semaphore_mem>>) src(%dma_wait3A_41 : memref<14336xi32, #tpu.memory_space<vmem>>) dst(%dma_wait3A_39 : memref<14336xi32, #tpu.memory_space<hbm>>)
      tpu.yield
    }) : () -> ()
    return
  }
}

#map = affine_map<(d0, d1) -> (0, 0)>
module attributes {stable_mosaic.version = 14 : i64} {
  func.func @seg(%arg0: i32, %arg1: i32, %arg2: memref<10000x128xf32, #tpu.memory_space<hbm>>, %arg3: memref<32x14336xi32, #tpu.memory_space<hbm>>, %arg4: memref<32x229376xi32, #tpu.memory_space<hbm>>, %arg5: memref<10240x128xf32, #tpu.memory_space<hbm>>, %arg6: memref<14336xi32, #tpu.memory_space<vmem>>, %arg7: memref<2048xi32, #tpu.memory_space<vmem>>, %arg8: memref<128x128xf32, #tpu.memory_space<vmem>>, %arg9: memref<128x128xf32, #tpu.memory_space<vmem>>, %arg10: memref<328x128xf32, #tpu.memory_space<vmem>>, %arg11: memref<!tpu.dma_semaphore, #tpu.memory_space<semaphore_mem>>, %arg12: memref<!tpu.dma_semaphore, #tpu.memory_space<semaphore_mem>>) attributes {dimension_semantics = [#tpu.dimension_semantics<core_parallel>, #tpu.dimension_semantics<subcore_parallel>], iteration_bounds = array<i64: 2, 16>, scalar_prefetch = 0 : i64, scratch_operands = 7 : i64, tpu.core_type = #tpu.core_type<sc_vector_subcore>, window_params = [{transform_indices = #map}, {transform_indices = #map}, {transform_indices = #map}, {transform_indices = #map}]} {
    %mul3A = arith.constant 2 : i32
    %mul3A_0 = arith.muli %arg1, %mul3A : i32
    %add3A = arith.addi %mul3A_0, %arg0 : i32
    %broadcast_in_dim3A = arith.constant 0.000000e+00 : f32
    %broadcast_in_dim3A_1 = vector.broadcast %broadcast_in_dim3A : f32 to vector<16xf32>
    %scan3A = arith.constant 0 : i32
    %scan3A_2 = arith.constant 0 : i32
    %scan3A_3 = arith.constant 328 : i32
    %scan3A_4 = arith.addi %scan3A_2, %scan3A_3 : i32
    %scan3A_5 = arith.constant 1 : i32
    scf.for %scan3A_43 = %scan3A_2 to %scan3A_4 step %scan3A_5  : i32 {
      %swap3A = arith.index_cast %scan3A_43 : i32 to index
      %swap3A_44 = arith.constant 0 : index
      %swap3A_45 = tpu.vector_load %arg10[%swap3A, %swap3A_44] {strides = array<i32>} : memref<328x128xf32, #tpu.memory_space<vmem>>, vector<16xf32>,
      tpu.vector_store %arg10[%swap3A, %swap3A_44], %broadcast_in_dim3A_1 {strides = array<i32>} : memref<328x128xf32, #tpu.memory_space<vmem>>, vector<16xf32>,
      %swap3A_46 = arith.index_cast %scan3A_43 : i32 to index
      %swap3A_47 = arith.constant 16 : index
      %swap3A_48 = tpu.vector_load %arg10[%swap3A_46, %swap3A_47] {strides = array<i32>} : memref<328x128xf32, #tpu.memory_space<vmem>>, vector<16xf32>,
      tpu.vector_store %arg10[%swap3A_46, %swap3A_47], %broadcast_in_dim3A_1 {strides = array<i32>} : memref<328x128xf32, #tpu.memory_space<vmem>>, vector<16xf32>,
      %swap3A_49 = arith.index_cast %scan3A_43 : i32 to index
      %swap3A_50 = arith.constant 32 : index
      %swap3A_51 = tpu.vector_load %arg10[%swap3A_49, %swap3A_50] {strides = array<i32>} : memref<328x128xf32, #tpu.memory_space<vmem>>, vector<16xf32>,
      tpu.vector_store %arg10[%swap3A_49, %swap3A_50], %broadcast_in_dim3A_1 {strides = array<i32>} : memref<328x128xf32, #tpu.memory_space<vmem>>, vector<16xf32>,
      %swap3A_52 = arith.index_cast %scan3A_43 : i32 to index
      %swap3A_53 = arith.constant 48 : index
      %swap3A_54 = tpu.vector_load %arg10[%swap3A_52, %swap3A_53] {strides = array<i32>} : memref<328x128xf32, #tpu.memory_space<vmem>>, vector<16xf32>,
      tpu.vector_store %arg10[%swap3A_52, %swap3A_53], %broadcast_in_dim3A_1 {strides = array<i32>} : memref<328x128xf32, #tpu.memory_space<vmem>>, vector<16xf32>,
      %swap3A_55 = arith.index_cast %scan3A_43 : i32 to index
      %swap3A_56 = arith.constant 64 : index
      %swap3A_57 = tpu.vector_load %arg10[%swap3A_55, %swap3A_56] {strides = array<i32>} : memref<328x128xf32, #tpu.memory_space<vmem>>, vector<16xf32>,
      tpu.vector_store %arg10[%swap3A_55, %swap3A_56], %broadcast_in_dim3A_1 {strides = array<i32>} : memref<328x128xf32, #tpu.memory_space<vmem>>, vector<16xf32>,
      %swap3A_58 = arith.index_cast %scan3A_43 : i32 to index
      %swap3A_59 = arith.constant 80 : index
      %swap3A_60 = tpu.vector_load %arg10[%swap3A_58, %swap3A_59] {strides = array<i32>} : memref<328x128xf32, #tpu.memory_space<vmem>>, vector<16xf32>,
      tpu.vector_store %arg10[%swap3A_58, %swap3A_59], %broadcast_in_dim3A_1 {strides = array<i32>} : memref<328x128xf32, #tpu.memory_space<vmem>>, vector<16xf32>,
      %swap3A_61 = arith.index_cast %scan3A_43 : i32 to index
      %swap3A_62 = arith.constant 96 : index
      %swap3A_63 = tpu.vector_load %arg10[%swap3A_61, %swap3A_62] {strides = array<i32>} : memref<328x128xf32, #tpu.memory_space<vmem>>, vector<16xf32>,
      tpu.vector_store %arg10[%swap3A_61, %swap3A_62], %broadcast_in_dim3A_1 {strides = array<i32>} : memref<328x128xf32, #tpu.memory_space<vmem>>, vector<16xf32>,
      %swap3A_64 = arith.index_cast %scan3A_43 : i32 to index
      %swap3A_65 = arith.constant 112 : index
      %swap3A_66 = tpu.vector_load %arg10[%swap3A_64, %swap3A_65] {strides = array<i32>} : memref<328x128xf32, #tpu.memory_space<vmem>>, vector<16xf32>,
      tpu.vector_store %arg10[%swap3A_64, %swap3A_65], %broadcast_in_dim3A_1 {strides = array<i32>} : memref<328x128xf32, #tpu.memory_space<vmem>>, vector<16xf32>,
    }
    %scan3A_6 = arith.constant 328 : i32
    "tpu.region"() ({
      %run_scoped3A = tpu.sem_alloc : memref<!tpu.dma_semaphore, #tpu.memory_space<semaphore_mem>>
      %dma_start3A_43 = arith.constant 0 : i32
      %dma_start3A_44 = tpu.memref_slice %arg3[%add3A, %dma_start3A_43] : memref<32x14336xi32, #tpu.memory_space<hbm>> -> memref<1x14336xi32, #tpu.memory_space<hbm>>
      %dma_start3A_45 = tpu.memref_squeeze %dma_start3A_44 : memref<1x14336xi32, #tpu.memory_space<hbm>> -> memref<14336xi32, #tpu.memory_space<hbm>>
      %dma_start3A_46 = arith.constant 0 : i32
      %dma_start3A_47 = tpu.memref_slice %arg3[%add3A, %dma_start3A_46] : memref<32x14336xi32, #tpu.memory_space<hbm>> -> memref<1x14336xi32, #tpu.memory_space<hbm>>
      %dma_start3A_48 = tpu.memref_squeeze %dma_start3A_47 : memref<1x14336xi32, #tpu.memory_space<hbm>> -> memref<14336xi32, #tpu.memory_space<hbm>>
      tpu.enqueue_dma source(%dma_start3A_48 : memref<14336xi32, #tpu.memory_space<hbm>>) target(%arg6 : memref<14336xi32, #tpu.memory_space<vmem>>) target_semaphore(%run_scoped3A : memref<!tpu.dma_semaphore, #tpu.memory_space<semaphore_mem>>)
      %dma_wait3A = arith.constant 0 : i32
      %dma_wait3A_49 = tpu.memref_slice %arg3[%add3A, %dma_wait3A] : memref<32x14336xi32, #tpu.memory_space<hbm>> -> memref<1x14336xi32, #tpu.memory_space<hbm>>
      %dma_wait3A_50 = tpu.memref_squeeze %dma_wait3A_49 : memref<1x14336xi32, #tpu.memory_space<hbm>> -> memref<14336xi32, #tpu.memory_space<hbm>>
      %dma_wait3A_51 = arith.constant 0 : i32
      %dma_wait3A_52 = tpu.memref_slice %arg3[%add3A, %dma_wait3A_51] : memref<32x14336xi32, #tpu.memory_space<hbm>> -> memref<1x14336xi32, #tpu.memory_space<hbm>>
      %dma_wait3A_53 = tpu.memref_squeeze %dma_wait3A_52 : memref<1x14336xi32, #tpu.memory_space<hbm>> -> memref<14336xi32, #tpu.memory_space<hbm>>
      tpu.wait_dma2 semaphore(%run_scoped3A : memref<!tpu.dma_semaphore, #tpu.memory_space<semaphore_mem>>) src(%dma_wait3A_53 : memref<14336xi32, #tpu.memory_space<hbm>>) dst(%arg6 : memref<14336xi32, #tpu.memory_space<vmem>>)
      tpu.yield
    }) : () -> ()
    %iota3A = tpu.iota {dimensions = array<i32: 0>} : vector<16xi32>
    %add3A_7 = arith.constant 0 : i32
    %add3A_8 = vector.broadcast %add3A_7 : i32 to vector<16xi32>
    %add3A_9 = arith.addi %add3A_8, %iota3A : vector<16xi32>
    %add3A_10 = arith.constant 16 : i32
    %add3A_11 = vector.broadcast %add3A_10 : i32 to vector<16xi32>
    %add3A_12 = arith.addi %add3A_11, %iota3A : vector<16xi32>
    %add3A_13 = arith.constant 32 : i32
    %add3A_14 = vector.broadcast %add3A_13 : i32 to vector<16xi32>
    %add3A_15 = arith.addi %add3A_14, %iota3A : vector<16xi32>
    %add3A_16 = arith.constant 48 : i32
    %add3A_17 = vector.broadcast %add3A_16 : i32 to vector<16xi32>
    %add3A_18 = arith.addi %add3A_17, %iota3A : vector<16xi32>
    %add3A_19 = arith.constant 64 : i32
    %add3A_20 = vector.broadcast %add3A_19 : i32 to vector<16xi32>
    %add3A_21 = arith.addi %add3A_20, %iota3A : vector<16xi32>
    %add3A_22 = arith.constant 80 : i32
    %add3A_23 = vector.broadcast %add3A_22 : i32 to vector<16xi32>
    %add3A_24 = arith.addi %add3A_23, %iota3A : vector<16xi32>
    %add3A_25 = arith.constant 96 : i32
    %add3A_26 = vector.broadcast %add3A_25 : i32 to vector<16xi32>
    %add3A_27 = arith.addi %add3A_26, %iota3A : vector<16xi32>
    %add3A_28 = arith.constant 112 : i32
    %add3A_29 = vector.broadcast %add3A_28 : i32 to vector<16xi32>
    %add3A_30 = arith.addi %add3A_29, %iota3A : vector<16xi32>
    %dma_start3A = arith.constant 0 : i32
    %dma_start3A_31 = tpu.memref_slice %arg6[%dma_start3A] : memref<14336xi32, #tpu.memory_space<vmem>> -> memref<128xi32, #tpu.memory_space<vmem>>
    %dma_start3A_32 = arith.constant 0 : i32
    %dma_start3A_33 = arith.constant 0 : i32
    %dma_start3A_34 = tpu.memref_slice %arg2[%dma_start3A_32, %dma_start3A_33] : memref<10000x128xf32, #tpu.memory_space<hbm>> -> memref<10000x128xf32, #tpu.memory_space<hbm>>
    tpu.enqueue_indirect_dma source(%dma_start3A_34 : memref<10000x128xf32, #tpu.memory_space<hbm>>) target(%arg8 : memref<128x128xf32, #tpu.memory_space<vmem>>) offsets(%dma_start3A_31 : memref<128xi32, #tpu.memory_space<vmem>>) semaphore(%arg11 : memref<!tpu.dma_semaphore, #tpu.memory_space<semaphore_mem>>)
    %scan3A_35 = arith.constant 0 : i32
    %scan3A_36 = arith.constant 0 : i32
    %scan3A_37 = arith.constant 56 : i32
    %scan3A_38 = arith.addi %scan3A_36, %scan3A_37 : i32
    %scan3A_39 = arith.constant 1 : i32
    scf.for %scan3A_43 = %scan3A_36 to %scan3A_38 step %scan3A_39  : i32 {
      %mul3A_44 = arith.constant 2 : i32
      %mul3A_45 = arith.muli %mul3A_44, %scan3A_43 : i32
      %mul3A_46 = arith.constant 2 : i32
      %mul3A_47 = arith.muli %mul3A_46, %scan3A_43 : i32
      %add3A_48 = arith.constant 1 : i32
      %add3A_49 = arith.addi %mul3A_47, %add3A_48 : i32
      %mul3A_50 = arith.constant 128 : i32
      %mul3A_51 = arith.muli %add3A_49, %mul3A_50 : i32
      %dma_start3A_52 = tpu.memref_slice %arg6[%mul3A_51] : memref<14336xi32, #tpu.memory_space<vmem>> -> memref<128xi32, #tpu.memory_space<vmem>>
      %dma_start3A_53 = arith.constant 0 : i32
      %dma_start3A_54 = arith.constant 0 : i32
      %dma_start3A_55 = tpu.memref_slice %arg2[%dma_start3A_53, %dma_start3A_54] : memref<10000x128xf32, #tpu.memory_space<hbm>> -> memref<10000x128xf32, #tpu.memory_space<hbm>>
      tpu.enqueue_indirect_dma source(%dma_start3A_55 : memref<10000x128xf32, #tpu.memory_space<hbm>>) target(%arg9 : memref<128x128xf32, #tpu.memory_space<vmem>>) offsets(%dma_start3A_52 : memref<128xi32, #tpu.memory_space<vmem>>) semaphore(%arg12 : memref<!tpu.dma_semaphore, #tpu.memory_space<semaphore_mem>>)
      %mul3A_56 = arith.constant 128 : i32
      %mul3A_57 = arith.muli %mul3A_45, %mul3A_56 : i32
      %dma_wait3A = tpu.memref_slice %arg6[%mul3A_57] : memref<14336xi32, #tpu.memory_space<vmem>> -> memref<128xi32, #tpu.memory_space<vmem>>
      %dma_wait3A_58 = arith.constant 0 : i32
      %dma_wait3A_59 = arith.constant 0 : i32
      %dma_wait3A_60 = tpu.memref_slice %arg2[%dma_wait3A_58, %dma_wait3A_59] : memref<10000x128xf32, #tpu.memory_space<hbm>> -> memref<10000x128xf32, #tpu.memory_space<hbm>>
      tpu.wait_indirect_dma semaphore(%arg11 : memref<!tpu.dma_semaphore, #tpu.memory_space<semaphore_mem>>) src(%dma_wait3A_60 : memref<10000x128xf32, #tpu.memory_space<hbm>>) dst(%arg8 : memref<128x128xf32, #tpu.memory_space<vmem>>)
      %mul3A_61 = arith.constant 2048 : i32
      %mul3A_62 = arith.muli %mul3A_45, %mul3A_61 : i32
      "tpu.region"() ({
        %run_scoped3A = tpu.sem_alloc : memref<!tpu.dma_semaphore, #tpu.memory_space<semaphore_mem>>
        %dma_start3A_87 = tpu.memref_slice %arg4[%add3A, %mul3A_62] : memref<32x229376xi32, #tpu.memory_space<hbm>> -> memref<1x2048xi32, #tpu.memory_space<hbm>>
        %dma_start3A_88 = tpu.memref_squeeze %dma_start3A_87 : memref<1x2048xi32, #tpu.memory_space<hbm>> -> memref<2048xi32, #tpu.memory_space<hbm>>
        %dma_start3A_89 = tpu.memref_slice %arg4[%add3A, %mul3A_62] : memref<32x229376xi32, #tpu.memory_space<hbm>> -> memref<1x2048xi32, #tpu.memory_space<hbm>>
        %dma_start3A_90 = tpu.memref_squeeze %dma_start3A_89 : memref<1x2048xi32, #tpu.memory_space<hbm>> -> memref<2048xi32, #tpu.memory_space<hbm>>
        tpu.enqueue_dma source(%dma_start3A_90 : memref<2048xi32, #tpu.memory_space<hbm>>) target(%arg7 : memref<2048xi32, #tpu.memory_space<vmem>>) target_semaphore(%run_scoped3A : memref<!tpu.dma_semaphore, #tpu.memory_space<semaphore_mem>>)
        %dma_wait3A_91 = tpu.memref_slice %arg4[%add3A, %mul3A_62] : memref<32x229376xi32, #tpu.memory_space<hbm>> -> memref<1x2048xi32, #tpu.memory_space<hbm>>
        %dma_wait3A_92 = tpu.memref_squeeze %dma_wait3A_91 : memref<1x2048xi32, #tpu.memory_space<hbm>> -> memref<2048xi32, #tpu.memory_space<hbm>>
        %dma_wait3A_93 = tpu.memref_slice %arg4[%add3A, %mul3A_62] : memref<32x229376xi32, #tpu.memory_space<hbm>> -> memref<1x2048xi32, #tpu.memory_space<hbm>>
        %dma_wait3A_94 = tpu.memref_squeeze %dma_wait3A_93 : memref<1x2048xi32, #tpu.memory_space<hbm>> -> memref<2048xi32, #tpu.memory_space<hbm>>
        tpu.wait_dma2 semaphore(%run_scoped3A : memref<!tpu.dma_semaphore, #tpu.memory_space<semaphore_mem>>) src(%dma_wait3A_94 : memref<2048xi32, #tpu.memory_space<hbm>>) dst(%arg7 : memref<2048xi32, #tpu.memory_space<vmem>>)
        tpu.yield
      }) : () -> ()
      %scan3A_63 = arith.constant 0 : i32
      %scan3A_64 = arith.constant 0 : i32
      %scan3A_65 = arith.constant 32 : i32
      %scan3A_66 = arith.addi %scan3A_64, %scan3A_65 : i32
      %scan3A_67 = arith.constant 1 : i32
      scf.for %scan3A_87 = %scan3A_64 to %scan3A_66 step %scan3A_67  : i32 {
        %mul3A_88 = arith.constant 4 : i32
        %mul3A_89 = arith.muli %scan3A_87, %mul3A_88 : i32
        %add3A_90 = arith.constant 0 : i32
        %add3A_91 = arith.addi %mul3A_89, %add3A_90 : i32
        %mul3A_92 = arith.constant 16 : i32
        %mul3A_93 = arith.muli %add3A_91, %mul3A_92 : i32
        %get3A = arith.index_cast %mul3A_93 : i32 to index
        %get3A_94 = tpu.vector_load %arg7[%get3A] {strides = array<i32>} : memref<2048xi32, #tpu.memory_space<vmem>>, vector<16xi32>,
        %get3A_95 = arith.index_cast %add3A_91 : i32 to index
        %get3A_96 = arith.constant 0 : index
        %get3A_97 = tpu.vector_load %arg8[%get3A_95, %get3A_96] {strides = array<i32>} : memref<128x128xf32, #tpu.memory_space<vmem>>, vector<16xf32>,
        tpu.vector_store_idx %arg10[%get3A_94, %add3A_9], %get3A_97 {add = true} : memref<328x128xf32, #tpu.memory_space<vmem>>[vector<16xi32>, vector<16xi32>], vector<16xf32>,
        %get3A_98 = arith.index_cast %add3A_91 : i32 to index
        %get3A_99 = arith.constant 16 : index
        %get3A_100 = tpu.vector_load %arg8[%get3A_98, %get3A_99] {strides = array<i32>} : memref<128x128xf32, #tpu.memory_space<vmem>>, vector<16xf32>,
        tpu.vector_store_idx %arg10[%get3A_94, %add3A_12], %get3A_100 {add = true} : memref<328x128xf32, #tpu.memory_space<vmem>>[vector<16xi32>, vector<16xi32>], vector<16xf32>,
        %get3A_101 = arith.index_cast %add3A_91 : i32 to index
        %get3A_102 = arith.constant 32 : index
        %get3A_103 = tpu.vector_load %arg8[%get3A_101, %get3A_102] {strides = array<i32>} : memref<128x128xf32, #tpu.memory_space<vmem>>, vector<16xf32>,
        tpu.vector_store_idx %arg10[%get3A_94, %add3A_15], %get3A_103 {add = true} : memref<328x128xf32, #tpu.memory_space<vmem>>[vector<16xi32>, vector<16xi32>], vector<16xf32>,
        %get3A_104 = arith.index_cast %add3A_91 : i32 to index
        %get3A_105 = arith.constant 48 : index
        %get3A_106 = tpu.vector_load %arg8[%get3A_104, %get3A_105] {strides = array<i32>} : memref<128x128xf32, #tpu.memory_space<vmem>>, vector<16xf32>,
        tpu.vector_store_idx %arg10[%get3A_94, %add3A_18], %get3A_106 {add = true} : memref<328x128xf32, #tpu.memory_space<vmem>>[vector<16xi32>, vector<16xi32>], vector<16xf32>,
        %get3A_107 = arith.index_cast %add3A_91 : i32 to index
        %get3A_108 = arith.constant 64 : index
        %get3A_109 = tpu.vector_load %arg8[%get3A_107, %get3A_108] {strides = array<i32>} : memref<128x128xf32, #tpu.memory_space<vmem>>, vector<16xf32>,
        tpu.vector_store_idx %arg10[%get3A_94, %add3A_21], %get3A_109 {add = true} : memref<328x128xf32, #tpu.memory_space<vmem>>[vector<16xi32>, vector<16xi32>], vector<16xf32>,
        %get3A_110 = arith.index_cast %add3A_91 : i32 to index
        %get3A_111 = arith.constant 80 : index
        %get3A_112 = tpu.vector_load %arg8[%get3A_110, %get3A_111] {strides = array<i32>} : memref<128x128xf32, #tpu.memory_space<vmem>>, vector<16xf32>,
        tpu.vector_store_idx %arg10[%get3A_94, %add3A_24], %get3A_112 {add = true} : memref<328x128xf32, #tpu.memory_space<vmem>>[vector<16xi32>, vector<16xi32>], vector<16xf32>,
        %get3A_113 = arith.index_cast %add3A_91 : i32 to index
        %get3A_114 = arith.constant 96 : index
        %get3A_115 = tpu.vector_load %arg8[%get3A_113, %get3A_114] {strides = array<i32>} : memref<128x128xf32, #tpu.memory_space<vmem>>, vector<16xf32>,
        tpu.vector_store_idx %arg10[%get3A_94, %add3A_27], %get3A_115 {add = true} : memref<328x128xf32, #tpu.memory_space<vmem>>[vector<16xi32>, vector<16xi32>], vector<16xf32>,
        %get3A_116 = arith.index_cast %add3A_91 : i32 to index
        %get3A_117 = arith.constant 112 : index
        %get3A_118 = tpu.vector_load %arg8[%get3A_116, %get3A_117] {strides = array<i32>} : memref<128x128xf32, #tpu.memory_space<vmem>>, vector<16xf32>,
        tpu.vector_store_idx %arg10[%get3A_94, %add3A_30], %get3A_118 {add = true} : memref<328x128xf32, #tpu.memory_space<vmem>>[vector<16xi32>, vector<16xi32>], vector<16xf32>,
        %mul3A_119 = arith.constant 4 : i32
        %mul3A_120 = arith.muli %scan3A_87, %mul3A_119 : i32
        %add3A_121 = arith.constant 1 : i32
        %add3A_122 = arith.addi %mul3A_120, %add3A_121 : i32
        %mul3A_123 = arith.constant 16 : i32
        %mul3A_124 = arith.muli %add3A_122, %mul3A_123 : i32
        %get3A_125 = arith.index_cast %mul3A_124 : i32 to index
        %get3A_126 = tpu.vector_load %arg7[%get3A_125] {strides = array<i32>} : memref<2048xi32, #tpu.memory_space<vmem>>, vector<16xi32>,
        %get3A_127 = arith.index_cast %add3A_122 : i32 to index
        %get3A_128 = arith.constant 0 : index
        %get3A_129 = tpu.vector_load %arg8[%get3A_127, %get3A_128] {strides = array<i32>} : memref<128x128xf32, #tpu.memory_space<vmem>>, vector<16xf32>,
        tpu.vector_store_idx %arg10[%get3A_126, %add3A_9], %get3A_129 {add = true} : memref<328x128xf32, #tpu.memory_space<vmem>>[vector<16xi32>, vector<16xi32>], vector<16xf32>,
        %get3A_130 = arith.index_cast %add3A_122 : i32 to index
        %get3A_131 = arith.constant 16 : index
        %get3A_132 = tpu.vector_load %arg8[%get3A_130, %get3A_131] {strides = array<i32>} : memref<128x128xf32, #tpu.memory_space<vmem>>, vector<16xf32>,
        tpu.vector_store_idx %arg10[%get3A_126, %add3A_12], %get3A_132 {add = true} : memref<328x128xf32, #tpu.memory_space<vmem>>[vector<16xi32>, vector<16xi32>], vector<16xf32>,
        %get3A_133 = arith.index_cast %add3A_122 : i32 to index
        %get3A_134 = arith.constant 32 : index
        %get3A_135 = tpu.vector_load %arg8[%get3A_133, %get3A_134] {strides = array<i32>} : memref<128x128xf32, #tpu.memory_space<vmem>>, vector<16xf32>,
        tpu.vector_store_idx %arg10[%get3A_126, %add3A_15], %get3A_135 {add = true} : memref<328x128xf32, #tpu.memory_space<vmem>>[vector<16xi32>, vector<16xi32>], vector<16xf32>,
        %get3A_136 = arith.index_cast %add3A_122 : i32 to index
        %get3A_137 = arith.constant 48 : index
        %get3A_138 = tpu.vector_load %arg8[%get3A_136, %get3A_137] {strides = array<i32>} : memref<128x128xf32, #tpu.memory_space<vmem>>, vector<16xf32>,
        tpu.vector_store_idx %arg10[%get3A_126, %add3A_18], %get3A_138 {add = true} : memref<328x128xf32, #tpu.memory_space<vmem>>[vector<16xi32>, vector<16xi32>], vector<16xf32>,
        %get3A_139 = arith.index_cast %add3A_122 : i32 to index
        %get3A_140 = arith.constant 64 : index
        %get3A_141 = tpu.vector_load %arg8[%get3A_139, %get3A_140] {strides = array<i32>} : memref<128x128xf32, #tpu.memory_space<vmem>>, vector<16xf32>,
        tpu.vector_store_idx %arg10[%get3A_126, %add3A_21], %get3A_141 {add = true} : memref<328x128xf32, #tpu.memory_space<vmem>>[vector<16xi32>, vector<16xi32>], vector<16xf32>,
        %get3A_142 = arith.index_cast %add3A_122 : i32 to index
        %get3A_143 = arith.constant 80 : index
        %get3A_144 = tpu.vector_load %arg8[%get3A_142, %get3A_143] {strides = array<i32>} : memref<128x128xf32, #tpu.memory_space<vmem>>, vector<16xf32>,
        tpu.vector_store_idx %arg10[%get3A_126, %add3A_24], %get3A_144 {add = true} : memref<328x128xf32, #tpu.memory_space<vmem>>[vector<16xi32>, vector<16xi32>], vector<16xf32>,
        %get3A_145 = arith.index_cast %add3A_122 : i32 to index
        %get3A_146 = arith.constant 96 : index
        %get3A_147 = tpu.vector_load %arg8[%get3A_145, %get3A_146] {strides = array<i32>} : memref<128x128xf32, #tpu.memory_space<vmem>>, vector<16xf32>,
        tpu.vector_store_idx %arg10[%get3A_126, %add3A_27], %get3A_147 {add = true} : memref<328x128xf32, #tpu.memory_space<vmem>>[vector<16xi32>, vector<16xi32>], vector<16xf32>,
        %get3A_148 = arith.index_cast %add3A_122 : i32 to index
        %get3A_149 = arith.constant 112 : index
        %get3A_150 = tpu.vector_load %arg8[%get3A_148, %get3A_149] {strides = array<i32>} : memref<128x128xf32, #tpu.memory_space<vmem>>, vector<16xf32>,
        tpu.vector_store_idx %arg10[%get3A_126, %add3A_30], %get3A_150 {add = true} : memref<328x128xf32, #tpu.memory_space<vmem>>[vector<16xi32>, vector<16xi32>], vector<16xf32>,
        %mul3A_151 = arith.constant 4 : i32
        %mul3A_152 = arith.muli %scan3A_87, %mul3A_151 : i32
        %add3A_153 = arith.constant 2 : i32
        %add3A_154 = arith.addi %mul3A_152, %add3A_153 : i32
        %mul3A_155 = arith.constant 16 : i32
        %mul3A_156 = arith.muli %add3A_154, %mul3A_155 : i32
        %get3A_157 = arith.index_cast %mul3A_156 : i32 to index
        %get3A_158 = tpu.vector_load %arg7[%get3A_157] {strides = array<i32>} : memref<2048xi32, #tpu.memory_space<vmem>>, vector<16xi32>,
        %get3A_159 = arith.index_cast %add3A_154 : i32 to index
        %get3A_160 = arith.constant 0 : index
        %get3A_161 = tpu.vector_load %arg8[%get3A_159, %get3A_160] {strides = array<i32>} : memref<128x128xf32, #tpu.memory_space<vmem>>, vector<16xf32>,
        tpu.vector_store_idx %arg10[%get3A_158, %add3A_9], %get3A_161 {add = true} : memref<328x128xf32, #tpu.memory_space<vmem>>[vector<16xi32>, vector<16xi32>], vector<16xf32>,
        %get3A_162 = arith.index_cast %add3A_154 : i32 to index
        %get3A_163 = arith.constant 16 : index
        %get3A_164 = tpu.vector_load %arg8[%get3A_162, %get3A_163] {strides = array<i32>} : memref<128x128xf32, #tpu.memory_space<vmem>>, vector<16xf32>,
        tpu.vector_store_idx %arg10[%get3A_158, %add3A_12], %get3A_164 {add = true} : memref<328x128xf32, #tpu.memory_space<vmem>>[vector<16xi32>, vector<16xi32>], vector<16xf32>,
        %get3A_165 = arith.index_cast %add3A_154 : i32 to index
        %get3A_166 = arith.constant 32 : index
        %get3A_167 = tpu.vector_load %arg8[%get3A_165, %get3A_166] {strides = array<i32>} : memref<128x128xf32, #tpu.memory_space<vmem>>, vector<16xf32>,
        tpu.vector_store_idx %arg10[%get3A_158, %add3A_15], %get3A_167 {add = true} : memref<328x128xf32, #tpu.memory_space<vmem>>[vector<16xi32>, vector<16xi32>], vector<16xf32>,
        %get3A_168 = arith.index_cast %add3A_154 : i32 to index
        %get3A_169 = arith.constant 48 : index
        %get3A_170 = tpu.vector_load %arg8[%get3A_168, %get3A_169] {strides = array<i32>} : memref<128x128xf32, #tpu.memory_space<vmem>>, vector<16xf32>,
        tpu.vector_store_idx %arg10[%get3A_158, %add3A_18], %get3A_170 {add = true} : memref<328x128xf32, #tpu.memory_space<vmem>>[vector<16xi32>, vector<16xi32>], vector<16xf32>,
        %get3A_171 = arith.index_cast %add3A_154 : i32 to index
        %get3A_172 = arith.constant 64 : index
        %get3A_173 = tpu.vector_load %arg8[%get3A_171, %get3A_172] {strides = array<i32>} : memref<128x128xf32, #tpu.memory_space<vmem>>, vector<16xf32>,
        tpu.vector_store_idx %arg10[%get3A_158, %add3A_21], %get3A_173 {add = true} : memref<328x128xf32, #tpu.memory_space<vmem>>[vector<16xi32>, vector<16xi32>], vector<16xf32>,
        %get3A_174 = arith.index_cast %add3A_154 : i32 to index
        %get3A_175 = arith.constant 80 : index
        %get3A_176 = tpu.vector_load %arg8[%get3A_174, %get3A_175] {strides = array<i32>} : memref<128x128xf32, #tpu.memory_space<vmem>>, vector<16xf32>,
        tpu.vector_store_idx %arg10[%get3A_158, %add3A_24], %get3A_176 {add = true} : memref<328x128xf32, #tpu.memory_space<vmem>>[vector<16xi32>, vector<16xi32>], vector<16xf32>,
        %get3A_177 = arith.index_cast %add3A_154 : i32 to index
        %get3A_178 = arith.constant 96 : index
        %get3A_179 = tpu.vector_load %arg8[%get3A_177, %get3A_178] {strides = array<i32>} : memref<128x128xf32, #tpu.memory_space<vmem>>, vector<16xf32>,
        tpu.vector_store_idx %arg10[%get3A_158, %add3A_27], %get3A_179 {add = true} : memref<328x128xf32, #tpu.memory_space<vmem>>[vector<16xi32>, vector<16xi32>], vector<16xf32>,
        %get3A_180 = arith.index_cast %add3A_154 : i32 to index
        %get3A_181 = arith.constant 112 : index
        %get3A_182 = tpu.vector_load %arg8[%get3A_180, %get3A_181] {strides = array<i32>} : memref<128x128xf32, #tpu.memory_space<vmem>>, vector<16xf32>,
        tpu.vector_store_idx %arg10[%get3A_158, %add3A_30], %get3A_182 {add = true} : memref<328x128xf32, #tpu.memory_space<vmem>>[vector<16xi32>, vector<16xi32>], vector<16xf32>,
        %mul3A_183 = arith.constant 4 : i32
        %mul3A_184 = arith.muli %scan3A_87, %mul3A_183 : i32
        %add3A_185 = arith.constant 3 : i32
        %add3A_186 = arith.addi %mul3A_184, %add3A_185 : i32
        %mul3A_187 = arith.constant 16 : i32
        %mul3A_188 = arith.muli %add3A_186, %mul3A_187 : i32
        %get3A_189 = arith.index_cast %mul3A_188 : i32 to index
        %get3A_190 = tpu.vector_load %arg7[%get3A_189] {strides = array<i32>} : memref<2048xi32, #tpu.memory_space<vmem>>, vector<16xi32>,
        %get3A_191 = arith.index_cast %add3A_186 : i32 to index
        %get3A_192 = arith.constant 0 : index
        %get3A_193 = tpu.vector_load %arg8[%get3A_191, %get3A_192] {strides = array<i32>} : memref<128x128xf32, #tpu.memory_space<vmem>>, vector<16xf32>,
        tpu.vector_store_idx %arg10[%get3A_190, %add3A_9], %get3A_193 {add = true} : memref<328x128xf32, #tpu.memory_space<vmem>>[vector<16xi32>, vector<16xi32>], vector<16xf32>,
        %get3A_194 = arith.index_cast %add3A_186 : i32 to index
        %get3A_195 = arith.constant 16 : index
        %get3A_196 = tpu.vector_load %arg8[%get3A_194, %get3A_195] {strides = array<i32>} : memref<128x128xf32, #tpu.memory_space<vmem>>, vector<16xf32>,
        tpu.vector_store_idx %arg10[%get3A_190, %add3A_12], %get3A_196 {add = true} : memref<328x128xf32, #tpu.memory_space<vmem>>[vector<16xi32>, vector<16xi32>], vector<16xf32>,
        %get3A_197 = arith.index_cast %add3A_186 : i32 to index
        %get3A_198 = arith.constant 32 : index
        %get3A_199 = tpu.vector_load %arg8[%get3A_197, %get3A_198] {strides = array<i32>} : memref<128x128xf32, #tpu.memory_space<vmem>>, vector<16xf32>,
        tpu.vector_store_idx %arg10[%get3A_190, %add3A_15], %get3A_199 {add = true} : memref<328x128xf32, #tpu.memory_space<vmem>>[vector<16xi32>, vector<16xi32>], vector<16xf32>,
        %get3A_200 = arith.index_cast %add3A_186 : i32 to index
        %get3A_201 = arith.constant 48 : index
        %get3A_202 = tpu.vector_load %arg8[%get3A_200, %get3A_201] {strides = array<i32>} : memref<128x128xf32, #tpu.memory_space<vmem>>, vector<16xf32>,
        tpu.vector_store_idx %arg10[%get3A_190, %add3A_18], %get3A_202 {add = true} : memref<328x128xf32, #tpu.memory_space<vmem>>[vector<16xi32>, vector<16xi32>], vector<16xf32>,
        %get3A_203 = arith.index_cast %add3A_186 : i32 to index
        %get3A_204 = arith.constant 64 : index
        %get3A_205 = tpu.vector_load %arg8[%get3A_203, %get3A_204] {strides = array<i32>} : memref<128x128xf32, #tpu.memory_space<vmem>>, vector<16xf32>,
        tpu.vector_store_idx %arg10[%get3A_190, %add3A_21], %get3A_205 {add = true} : memref<328x128xf32, #tpu.memory_space<vmem>>[vector<16xi32>, vector<16xi32>], vector<16xf32>,
        %get3A_206 = arith.index_cast %add3A_186 : i32 to index
        %get3A_207 = arith.constant 80 : index
        %get3A_208 = tpu.vector_load %arg8[%get3A_206, %get3A_207] {strides = array<i32>} : memref<128x128xf32, #tpu.memory_space<vmem>>, vector<16xf32>,
        tpu.vector_store_idx %arg10[%get3A_190, %add3A_24], %get3A_208 {add = true} : memref<328x128xf32, #tpu.memory_space<vmem>>[vector<16xi32>, vector<16xi32>], vector<16xf32>,
        %get3A_209 = arith.index_cast %add3A_186 : i32 to index
        %get3A_210 = arith.constant 96 : index
        %get3A_211 = tpu.vector_load %arg8[%get3A_209, %get3A_210] {strides = array<i32>} : memref<128x128xf32, #tpu.memory_space<vmem>>, vector<16xf32>,
        tpu.vector_store_idx %arg10[%get3A_190, %add3A_27], %get3A_211 {add = true} : memref<328x128xf32, #tpu.memory_space<vmem>>[vector<16xi32>, vector<16xi32>], vector<16xf32>,
        %get3A_212 = arith.index_cast %add3A_186 : i32 to index
        %get3A_213 = arith.constant 112 : index
        %get3A_214 = tpu.vector_load %arg8[%get3A_212, %get3A_213] {strides = array<i32>} : memref<128x128xf32, #tpu.memory_space<vmem>>, vector<16xf32>,
        tpu.vector_store_idx %arg10[%get3A_190, %add3A_30], %get3A_214 {add = true} : memref<328x128xf32, #tpu.memory_space<vmem>>[vector<16xi32>, vector<16xi32>], vector<16xf32>,
      }
      %scan3A_68 = arith.constant 32 : i32
      %add3A_69 = arith.constant 1 : i32
      %add3A_70 = arith.addi %add3A_49, %add3A_69 : i32
      %lt3A = arith.constant 112 : i32
      %lt3A_71 = arith.cmpi slt, %add3A_70, %lt3A : i32
      %convert_element_type3A = arith.extui %lt3A_71 : i1 to i32
      %cond3A = arith.constant 0 : i32
      %cond3A_72 = arith.cmpi ne, %convert_element_type3A, %cond3A : i32
      scf.if %cond3A_72 {
        %add3A_87 = arith.constant 1 : i32
        %add3A_88 = arith.addi %add3A_49, %add3A_87 : i32
        %mul3A_89 = arith.constant 128 : i32
        %mul3A_90 = arith.muli %add3A_88, %mul3A_89 : i32
        %dma_start3A_91 = tpu.memref_slice %arg6[%mul3A_90] : memref<14336xi32, #tpu.memory_space<vmem>> -> memref<128xi32, #tpu.memory_space<vmem>>
        %dma_start3A_92 = arith.constant 0 : i32
        %dma_start3A_93 = arith.constant 0 : i32
        %dma_start3A_94 = tpu.memref_slice %arg2[%dma_start3A_92, %dma_start3A_93] : memref<10000x128xf32, #tpu.memory_space<hbm>> -> memref<10000x128xf32, #tpu.memory_space<hbm>>
        tpu.enqueue_indirect_dma source(%dma_start3A_94 : memref<10000x128xf32, #tpu.memory_space<hbm>>) target(%arg8 : memref<128x128xf32, #tpu.memory_space<vmem>>) offsets(%dma_start3A_91 : memref<128xi32, #tpu.memory_space<vmem>>) semaphore(%arg11 : memref<!tpu.dma_semaphore, #tpu.memory_space<semaphore_mem>>)
      } else {
      }
      %mul3A_73 = arith.constant 128 : i32
      %mul3A_74 = arith.muli %add3A_49, %mul3A_73 : i32
      %dma_wait3A_75 = tpu.memref_slice %arg6[%mul3A_74] : memref<14336xi32, #tpu.memory_space<vmem>> -> memref<128xi32, #tpu.memory_space<vmem>>
      %dma_wait3A_76 = arith.constant 0 : i32
      %dma_wait3A_77 = arith.constant 0 : i32
      %dma_wait3A_78 = tpu.memref_slice %arg2[%dma_wait3A_76, %dma_wait3A_77] : memref<10000x128xf32, #tpu.memory_space<hbm>> -> memref<10000x128xf32, #tpu.memory_space<hbm>>
      tpu.wait_indirect_dma semaphore(%arg12 : memref<!tpu.dma_semaphore, #tpu.memory_space<semaphore_mem>>) src(%dma_wait3A_78 : memref<10000x128xf32, #tpu.memory_space<hbm>>) dst(%arg9 : memref<128x128xf32, #tpu.memory_space<vmem>>)
      %mul3A_79 = arith.constant 2048 : i32
      %mul3A_80 = arith.muli %add3A_49, %mul3A_79 : i32
      "tpu.region"() ({
        %run_scoped3A = tpu.sem_alloc : memref<!tpu.dma_semaphore, #tpu.memory_space<semaphore_mem>>
        %dma_start3A_87 = tpu.memref_slice %arg4[%add3A, %mul3A_80] : memref<32x229376xi32, #tpu.memory_space<hbm>> -> memref<1x2048xi32, #tpu.memory_space<hbm>>
        %dma_start3A_88 = tpu.memref_squeeze %dma_start3A_87 : memref<1x2048xi32, #tpu.memory_space<hbm>> -> memref<2048xi32, #tpu.memory_space<hbm>>
        %dma_start3A_89 = tpu.memref_slice %arg4[%add3A, %mul3A_80] : memref<32x229376xi32, #tpu.memory_space<hbm>> -> memref<1x2048xi32, #tpu.memory_space<hbm>>
        %dma_start3A_90 = tpu.memref_squeeze %dma_start3A_89 : memref<1x2048xi32, #tpu.memory_space<hbm>> -> memref<2048xi32, #tpu.memory_space<hbm>>
        tpu.enqueue_dma source(%dma_start3A_90 : memref<2048xi32, #tpu.memory_space<hbm>>) target(%arg7 : memref<2048xi32, #tpu.memory_space<vmem>>) target_semaphore(%run_scoped3A : memref<!tpu.dma_semaphore, #tpu.memory_space<semaphore_mem>>)
        %dma_wait3A_91 = tpu.memref_slice %arg4[%add3A, %mul3A_80] : memref<32x229376xi32, #tpu.memory_space<hbm>> -> memref<1x2048xi32, #tpu.memory_space<hbm>>
        %dma_wait3A_92 = tpu.memref_squeeze %dma_wait3A_91 : memref<1x2048xi32, #tpu.memory_space<hbm>> -> memref<2048xi32, #tpu.memory_space<hbm>>
        %dma_wait3A_93 = tpu.memref_slice %arg4[%add3A, %mul3A_80] : memref<32x229376xi32, #tpu.memory_space<hbm>> -> memref<1x2048xi32, #tpu.memory_space<hbm>>
        %dma_wait3A_94 = tpu.memref_squeeze %dma_wait3A_93 : memref<1x2048xi32, #tpu.memory_space<hbm>> -> memref<2048xi32, #tpu.memory_space<hbm>>
        tpu.wait_dma2 semaphore(%run_scoped3A : memref<!tpu.dma_semaphore, #tpu.memory_space<semaphore_mem>>) src(%dma_wait3A_94 : memref<2048xi32, #tpu.memory_space<hbm>>) dst(%arg7 : memref<2048xi32, #tpu.memory_space<vmem>>)
        tpu.yield
      }) : () -> ()
      %scan3A_81 = arith.constant 0 : i32
      %scan3A_82 = arith.constant 0 : i32
      %scan3A_83 = arith.constant 32 : i32
      %scan3A_84 = arith.addi %scan3A_82, %scan3A_83 : i32
      %scan3A_85 = arith.constant 1 : i32
      scf.for %scan3A_87 = %scan3A_82 to %scan3A_84 step %scan3A_85  : i32 {
        %mul3A_88 = arith.constant 4 : i32
        %mul3A_89 = arith.muli %scan3A_87, %mul3A_88 : i32
        %add3A_90 = arith.constant 0 : i32
        %add3A_91 = arith.addi %mul3A_89, %add3A_90 : i32
        %mul3A_92 = arith.constant 16 : i32
        %mul3A_93 = arith.muli %add3A_91, %mul3A_92 : i32
        %get3A = arith.index_cast %mul3A_93 : i32 to index
        %get3A_94 = tpu.vector_load %arg7[%get3A] {strides = array<i32>} : memref<2048xi32, #tpu.memory_space<vmem>>, vector<16xi32>,
        %get3A_95 = arith.index_cast %add3A_91 : i32 to index
        %get3A_96 = arith.constant 0 : index
        %get3A_97 = tpu.vector_load %arg9[%get3A_95, %get3A_96] {strides = array<i32>} : memref<128x128xf32, #tpu.memory_space<vmem>>, vector<16xf32>,
        tpu.vector_store_idx %arg10[%get3A_94, %add3A_9], %get3A_97 {add = true} : memref<328x128xf32, #tpu.memory_space<vmem>>[vector<16xi32>, vector<16xi32>], vector<16xf32>,
        %get3A_98 = arith.index_cast %add3A_91 : i32 to index
        %get3A_99 = arith.constant 16 : index
        %get3A_100 = tpu.vector_load %arg9[%get3A_98, %get3A_99] {strides = array<i32>} : memref<128x128xf32, #tpu.memory_space<vmem>>, vector<16xf32>,
        tpu.vector_store_idx %arg10[%get3A_94, %add3A_12], %get3A_100 {add = true} : memref<328x128xf32, #tpu.memory_space<vmem>>[vector<16xi32>, vector<16xi32>], vector<16xf32>,
        %get3A_101 = arith.index_cast %add3A_91 : i32 to index
        %get3A_102 = arith.constant 32 : index
        %get3A_103 = tpu.vector_load %arg9[%get3A_101, %get3A_102] {strides = array<i32>} : memref<128x128xf32, #tpu.memory_space<vmem>>, vector<16xf32>,
        tpu.vector_store_idx %arg10[%get3A_94, %add3A_15], %get3A_103 {add = true} : memref<328x128xf32, #tpu.memory_space<vmem>>[vector<16xi32>, vector<16xi32>], vector<16xf32>,
        %get3A_104 = arith.index_cast %add3A_91 : i32 to index
        %get3A_105 = arith.constant 48 : index
        %get3A_106 = tpu.vector_load %arg9[%get3A_104, %get3A_105] {strides = array<i32>} : memref<128x128xf32, #tpu.memory_space<vmem>>, vector<16xf32>,
        tpu.vector_store_idx %arg10[%get3A_94, %add3A_18], %get3A_106 {add = true} : memref<328x128xf32, #tpu.memory_space<vmem>>[vector<16xi32>, vector<16xi32>], vector<16xf32>,
        %get3A_107 = arith.index_cast %add3A_91 : i32 to index
        %get3A_108 = arith.constant 64 : index
        %get3A_109 = tpu.vector_load %arg9[%get3A_107, %get3A_108] {strides = array<i32>} : memref<128x128xf32, #tpu.memory_space<vmem>>, vector<16xf32>,
        tpu.vector_store_idx %arg10[%get3A_94, %add3A_21], %get3A_109 {add = true} : memref<328x128xf32, #tpu.memory_space<vmem>>[vector<16xi32>, vector<16xi32>], vector<16xf32>,
        %get3A_110 = arith.index_cast %add3A_91 : i32 to index
        %get3A_111 = arith.constant 80 : index
        %get3A_112 = tpu.vector_load %arg9[%get3A_110, %get3A_111] {strides = array<i32>} : memref<128x128xf32, #tpu.memory_space<vmem>>, vector<16xf32>,
        tpu.vector_store_idx %arg10[%get3A_94, %add3A_24], %get3A_112 {add = true} : memref<328x128xf32, #tpu.memory_space<vmem>>[vector<16xi32>, vector<16xi32>], vector<16xf32>,
        %get3A_113 = arith.index_cast %add3A_91 : i32 to index
        %get3A_114 = arith.constant 96 : index
        %get3A_115 = tpu.vector_load %arg9[%get3A_113, %get3A_114] {strides = array<i32>} : memref<128x128xf32, #tpu.memory_space<vmem>>, vector<16xf32>,
        tpu.vector_store_idx %arg10[%get3A_94, %add3A_27], %get3A_115 {add = true} : memref<328x128xf32, #tpu.memory_space<vmem>>[vector<16xi32>, vector<16xi32>], vector<16xf32>,
        %get3A_116 = arith.index_cast %add3A_91 : i32 to index
        %get3A_117 = arith.constant 112 : index
        %get3A_118 = tpu.vector_load %arg9[%get3A_116, %get3A_117] {strides = array<i32>} : memref<128x128xf32, #tpu.memory_space<vmem>>, vector<16xf32>,
        tpu.vector_store_idx %arg10[%get3A_94, %add3A_30], %get3A_118 {add = true} : memref<328x128xf32, #tpu.memory_space<vmem>>[vector<16xi32>, vector<16xi32>], vector<16xf32>,
        %mul3A_119 = arith.constant 4 : i32
        %mul3A_120 = arith.muli %scan3A_87, %mul3A_119 : i32
        %add3A_121 = arith.constant 1 : i32
        %add3A_122 = arith.addi %mul3A_120, %add3A_121 : i32
        %mul3A_123 = arith.constant 16 : i32
        %mul3A_124 = arith.muli %add3A_122, %mul3A_123 : i32
        %get3A_125 = arith.index_cast %mul3A_124 : i32 to index
        %get3A_126 = tpu.vector_load %arg7[%get3A_125] {strides = array<i32>} : memref<2048xi32, #tpu.memory_space<vmem>>, vector<16xi32>,
        %get3A_127 = arith.index_cast %add3A_122 : i32 to index
        %get3A_128 = arith.constant 0 : index
        %get3A_129 = tpu.vector_load %arg9[%get3A_127, %get3A_128] {strides = array<i32>} : memref<128x128xf32, #tpu.memory_space<vmem>>, vector<16xf32>,
        tpu.vector_store_idx %arg10[%get3A_126, %add3A_9], %get3A_129 {add = true} : memref<328x128xf32, #tpu.memory_space<vmem>>[vector<16xi32>, vector<16xi32>], vector<16xf32>,
        %get3A_130 = arith.index_cast %add3A_122 : i32 to index
        %get3A_131 = arith.constant 16 : index
        %get3A_132 = tpu.vector_load %arg9[%get3A_130, %get3A_131] {strides = array<i32>} : memref<128x128xf32, #tpu.memory_space<vmem>>, vector<16xf32>,
        tpu.vector_store_idx %arg10[%get3A_126, %add3A_12], %get3A_132 {add = true} : memref<328x128xf32, #tpu.memory_space<vmem>>[vector<16xi32>, vector<16xi32>], vector<16xf32>,
        %get3A_133 = arith.index_cast %add3A_122 : i32 to index
        %get3A_134 = arith.constant 32 : index
        %get3A_135 = tpu.vector_load %arg9[%get3A_133, %get3A_134] {strides = array<i32>} : memref<128x128xf32, #tpu.memory_space<vmem>>, vector<16xf32>,
        tpu.vector_store_idx %arg10[%get3A_126, %add3A_15], %get3A_135 {add = true} : memref<328x128xf32, #tpu.memory_space<vmem>>[vector<16xi32>, vector<16xi32>], vector<16xf32>,
        %get3A_136 = arith.index_cast %add3A_122 : i32 to index
        %get3A_137 = arith.constant 48 : index
        %get3A_138 = tpu.vector_load %arg9[%get3A_136, %get3A_137] {strides = array<i32>} : memref<128x128xf32, #tpu.memory_space<vmem>>, vector<16xf32>,
        tpu.vector_store_idx %arg10[%get3A_126, %add3A_18], %get3A_138 {add = true} : memref<328x128xf32, #tpu.memory_space<vmem>>[vector<16xi32>, vector<16xi32>], vector<16xf32>,
        %get3A_139 = arith.index_cast %add3A_122 : i32 to index
        %get3A_140 = arith.constant 64 : index
        %get3A_141 = tpu.vector_load %arg9[%get3A_139, %get3A_140] {strides = array<i32>} : memref<128x128xf32, #tpu.memory_space<vmem>>, vector<16xf32>,
        tpu.vector_store_idx %arg10[%get3A_126, %add3A_21], %get3A_141 {add = true} : memref<328x128xf32, #tpu.memory_space<vmem>>[vector<16xi32>, vector<16xi32>], vector<16xf32>,
        %get3A_142 = arith.index_cast %add3A_122 : i32 to index
        %get3A_143 = arith.constant 80 : index
        %get3A_144 = tpu.vector_load %arg9[%get3A_142, %get3A_143] {strides = array<i32>} : memref<128x128xf32, #tpu.memory_space<vmem>>, vector<16xf32>,
        tpu.vector_store_idx %arg10[%get3A_126, %add3A_24], %get3A_144 {add = true} : memref<328x128xf32, #tpu.memory_space<vmem>>[vector<16xi32>, vector<16xi32>], vector<16xf32>,
        %get3A_145 = arith.index_cast %add3A_122 : i32 to index
        %get3A_146 = arith.constant 96 : index
        %get3A_147 = tpu.vector_load %arg9[%get3A_145, %get3A_146] {strides = array<i32>} : memref<128x128xf32, #tpu.memory_space<vmem>>, vector<16xf32>,
        tpu.vector_store_idx %arg10[%get3A_126, %add3A_27], %get3A_147 {add = true} : memref<328x128xf32, #tpu.memory_space<vmem>>[vector<16xi32>, vector<16xi32>], vector<16xf32>,
        %get3A_148 = arith.index_cast %add3A_122 : i32 to index
        %get3A_149 = arith.constant 112 : index
        %get3A_150 = tpu.vector_load %arg9[%get3A_148, %get3A_149] {strides = array<i32>} : memref<128x128xf32, #tpu.memory_space<vmem>>, vector<16xf32>,
        tpu.vector_store_idx %arg10[%get3A_126, %add3A_30], %get3A_150 {add = true} : memref<328x128xf32, #tpu.memory_space<vmem>>[vector<16xi32>, vector<16xi32>], vector<16xf32>,
        %mul3A_151 = arith.constant 4 : i32
        %mul3A_152 = arith.muli %scan3A_87, %mul3A_151 : i32
        %add3A_153 = arith.constant 2 : i32
        %add3A_154 = arith.addi %mul3A_152, %add3A_153 : i32
        %mul3A_155 = arith.constant 16 : i32
        %mul3A_156 = arith.muli %add3A_154, %mul3A_155 : i32
        %get3A_157 = arith.index_cast %mul3A_156 : i32 to index
        %get3A_158 = tpu.vector_load %arg7[%get3A_157] {strides = array<i32>} : memref<2048xi32, #tpu.memory_space<vmem>>, vector<16xi32>,
        %get3A_159 = arith.index_cast %add3A_154 : i32 to index
        %get3A_160 = arith.constant 0 : index
        %get3A_161 = tpu.vector_load %arg9[%get3A_159, %get3A_160] {strides = array<i32>} : memref<128x128xf32, #tpu.memory_space<vmem>>, vector<16xf32>,
        tpu.vector_store_idx %arg10[%get3A_158, %add3A_9], %get3A_161 {add = true} : memref<328x128xf32, #tpu.memory_space<vmem>>[vector<16xi32>, vector<16xi32>], vector<16xf32>,
        %get3A_162 = arith.index_cast %add3A_154 : i32 to index
        %get3A_163 = arith.constant 16 : index
        %get3A_164 = tpu.vector_load %arg9[%get3A_162, %get3A_163] {strides = array<i32>} : memref<128x128xf32, #tpu.memory_space<vmem>>, vector<16xf32>,
        tpu.vector_store_idx %arg10[%get3A_158, %add3A_12], %get3A_164 {add = true} : memref<328x128xf32, #tpu.memory_space<vmem>>[vector<16xi32>, vector<16xi32>], vector<16xf32>,
        %get3A_165 = arith.index_cast %add3A_154 : i32 to index
        %get3A_166 = arith.constant 32 : index
        %get3A_167 = tpu.vector_load %arg9[%get3A_165, %get3A_166] {strides = array<i32>} : memref<128x128xf32, #tpu.memory_space<vmem>>, vector<16xf32>,
        tpu.vector_store_idx %arg10[%get3A_158, %add3A_15], %get3A_167 {add = true} : memref<328x128xf32, #tpu.memory_space<vmem>>[vector<16xi32>, vector<16xi32>], vector<16xf32>,
        %get3A_168 = arith.index_cast %add3A_154 : i32 to index
        %get3A_169 = arith.constant 48 : index
        %get3A_170 = tpu.vector_load %arg9[%get3A_168, %get3A_169] {strides = array<i32>} : memref<128x128xf32, #tpu.memory_space<vmem>>, vector<16xf32>,
        tpu.vector_store_idx %arg10[%get3A_158, %add3A_18], %get3A_170 {add = true} : memref<328x128xf32, #tpu.memory_space<vmem>>[vector<16xi32>, vector<16xi32>], vector<16xf32>,
        %get3A_171 = arith.index_cast %add3A_154 : i32 to index
        %get3A_172 = arith.constant 64 : index
        %get3A_173 = tpu.vector_load %arg9[%get3A_171, %get3A_172] {strides = array<i32>} : memref<128x128xf32, #tpu.memory_space<vmem>>, vector<16xf32>,
        tpu.vector_store_idx %arg10[%get3A_158, %add3A_21], %get3A_173 {add = true} : memref<328x128xf32, #tpu.memory_space<vmem>>[vector<16xi32>, vector<16xi32>], vector<16xf32>,
        %get3A_174 = arith.index_cast %add3A_154 : i32 to index
        %get3A_175 = arith.constant 80 : index
        %get3A_176 = tpu.vector_load %arg9[%get3A_174, %get3A_175] {strides = array<i32>} : memref<128x128xf32, #tpu.memory_space<vmem>>, vector<16xf32>,
        tpu.vector_store_idx %arg10[%get3A_158, %add3A_24], %get3A_176 {add = true} : memref<328x128xf32, #tpu.memory_space<vmem>>[vector<16xi32>, vector<16xi32>], vector<16xf32>,
        %get3A_177 = arith.index_cast %add3A_154 : i32 to index
        %get3A_178 = arith.constant 96 : index
        %get3A_179 = tpu.vector_load %arg9[%get3A_177, %get3A_178] {strides = array<i32>} : memref<128x128xf32, #tpu.memory_space<vmem>>, vector<16xf32>,
        tpu.vector_store_idx %arg10[%get3A_158, %add3A_27], %get3A_179 {add = true} : memref<328x128xf32, #tpu.memory_space<vmem>>[vector<16xi32>, vector<16xi32>], vector<16xf32>,
        %get3A_180 = arith.index_cast %add3A_154 : i32 to index
        %get3A_181 = arith.constant 112 : index
        %get3A_182 = tpu.vector_load %arg9[%get3A_180, %get3A_181] {strides = array<i32>} : memref<128x128xf32, #tpu.memory_space<vmem>>, vector<16xf32>,
        tpu.vector_store_idx %arg10[%get3A_158, %add3A_30], %get3A_182 {add = true} : memref<328x128xf32, #tpu.memory_space<vmem>>[vector<16xi32>, vector<16xi32>], vector<16xf32>,
        %mul3A_183 = arith.constant 4 : i32
        %mul3A_184 = arith.muli %scan3A_87, %mul3A_183 : i32
        %add3A_185 = arith.constant 3 : i32
        %add3A_186 = arith.addi %mul3A_184, %add3A_185 : i32
        %mul3A_187 = arith.constant 16 : i32
        %mul3A_188 = arith.muli %add3A_186, %mul3A_187 : i32
        %get3A_189 = arith.index_cast %mul3A_188 : i32 to index
        %get3A_190 = tpu.vector_load %arg7[%get3A_189] {strides = array<i32>} : memref<2048xi32, #tpu.memory_space<vmem>>, vector<16xi32>,
        %get3A_191 = arith.index_cast %add3A_186 : i32 to index
        %get3A_192 = arith.constant 0 : index
        %get3A_193 = tpu.vector_load %arg9[%get3A_191, %get3A_192] {strides = array<i32>} : memref<128x128xf32, #tpu.memory_space<vmem>>, vector<16xf32>,
        tpu.vector_store_idx %arg10[%get3A_190, %add3A_9], %get3A_193 {add = true} : memref<328x128xf32, #tpu.memory_space<vmem>>[vector<16xi32>, vector<16xi32>], vector<16xf32>,
        %get3A_194 = arith.index_cast %add3A_186 : i32 to index
        %get3A_195 = arith.constant 16 : index
        %get3A_196 = tpu.vector_load %arg9[%get3A_194, %get3A_195] {strides = array<i32>} : memref<128x128xf32, #tpu.memory_space<vmem>>, vector<16xf32>,
        tpu.vector_store_idx %arg10[%get3A_190, %add3A_12], %get3A_196 {add = true} : memref<328x128xf32, #tpu.memory_space<vmem>>[vector<16xi32>, vector<16xi32>], vector<16xf32>,
        %get3A_197 = arith.index_cast %add3A_186 : i32 to index
        %get3A_198 = arith.constant 32 : index
        %get3A_199 = tpu.vector_load %arg9[%get3A_197, %get3A_198] {strides = array<i32>} : memref<128x128xf32, #tpu.memory_space<vmem>>, vector<16xf32>,
        tpu.vector_store_idx %arg10[%get3A_190, %add3A_15], %get3A_199 {add = true} : memref<328x128xf32, #tpu.memory_space<vmem>>[vector<16xi32>, vector<16xi32>], vector<16xf32>,
        %get3A_200 = arith.index_cast %add3A_186 : i32 to index
        %get3A_201 = arith.constant 48 : index
        %get3A_202 = tpu.vector_load %arg9[%get3A_200, %get3A_201] {strides = array<i32>} : memref<128x128xf32, #tpu.memory_space<vmem>>, vector<16xf32>,
        tpu.vector_store_idx %arg10[%get3A_190, %add3A_18], %get3A_202 {add = true} : memref<328x128xf32, #tpu.memory_space<vmem>>[vector<16xi32>, vector<16xi32>], vector<16xf32>,
        %get3A_203 = arith.index_cast %add3A_186 : i32 to index
        %get3A_204 = arith.constant 64 : index
        %get3A_205 = tpu.vector_load %arg9[%get3A_203, %get3A_204] {strides = array<i32>} : memref<128x128xf32, #tpu.memory_space<vmem>>, vector<16xf32>,
        tpu.vector_store_idx %arg10[%get3A_190, %add3A_21], %get3A_205 {add = true} : memref<328x128xf32, #tpu.memory_space<vmem>>[vector<16xi32>, vector<16xi32>], vector<16xf32>,
        %get3A_206 = arith.index_cast %add3A_186 : i32 to index
        %get3A_207 = arith.constant 80 : index
        %get3A_208 = tpu.vector_load %arg9[%get3A_206, %get3A_207] {strides = array<i32>} : memref<128x128xf32, #tpu.memory_space<vmem>>, vector<16xf32>,
        tpu.vector_store_idx %arg10[%get3A_190, %add3A_24], %get3A_208 {add = true} : memref<328x128xf32, #tpu.memory_space<vmem>>[vector<16xi32>, vector<16xi32>], vector<16xf32>,
        %get3A_209 = arith.index_cast %add3A_186 : i32 to index
        %get3A_210 = arith.constant 96 : index
        %get3A_211 = tpu.vector_load %arg9[%get3A_209, %get3A_210] {strides = array<i32>} : memref<128x128xf32, #tpu.memory_space<vmem>>, vector<16xf32>,
        tpu.vector_store_idx %arg10[%get3A_190, %add3A_27], %get3A_211 {add = true} : memref<328x128xf32, #tpu.memory_space<vmem>>[vector<16xi32>, vector<16xi32>], vector<16xf32>,
        %get3A_212 = arith.index_cast %add3A_186 : i32 to index
        %get3A_213 = arith.constant 112 : index
        %get3A_214 = tpu.vector_load %arg9[%get3A_212, %get3A_213] {strides = array<i32>} : memref<128x128xf32, #tpu.memory_space<vmem>>, vector<16xf32>,
        tpu.vector_store_idx %arg10[%get3A_190, %add3A_30], %get3A_214 {add = true} : memref<328x128xf32, #tpu.memory_space<vmem>>[vector<16xi32>, vector<16xi32>], vector<16xf32>,
      }
      %scan3A_86 = arith.constant 32 : i32
    }
    %scan3A_40 = arith.constant 56 : i32
    %mul3A_41 = arith.constant 320 : i32
    %mul3A_42 = arith.muli %add3A, %mul3A_41 : i32
    "tpu.region"() ({
      %run_scoped3A = tpu.sem_alloc : memref<!tpu.dma_semaphore, #tpu.memory_space<semaphore_mem>>
      %dma_start3A_43 = arith.constant 0 : i32
      %dma_start3A_44 = arith.constant 0 : i32
      %dma_start3A_45 = tpu.memref_slice %arg10[%dma_start3A_43, %dma_start3A_44] : memref<328x128xf32, #tpu.memory_space<vmem>> -> memref<320x128xf32, #tpu.memory_space<vmem>>
      %dma_start3A_46 = arith.constant 0 : i32
      %dma_start3A_47 = tpu.memref_slice %arg5[%mul3A_42, %dma_start3A_46] : memref<10240x128xf32, #tpu.memory_space<hbm>> -> memref<320x128xf32, #tpu.memory_space<hbm>>
      %dma_start3A_48 = arith.constant 0 : i32
      %dma_start3A_49 = tpu.memref_slice %arg5[%mul3A_42, %dma_start3A_48] : memref<10240x128xf32, #tpu.memory_space<hbm>> -> memref<320x128xf32, #tpu.memory_space<hbm>>
      %dma_start3A_50 = arith.constant 0 : i32
      %dma_start3A_51 = arith.constant 0 : i32
      %dma_start3A_52 = tpu.memref_slice %arg10[%dma_start3A_50, %dma_start3A_51] : memref<328x128xf32, #tpu.memory_space<vmem>> -> memref<320x128xf32, #tpu.memory_space<vmem>>
      tpu.enqueue_dma source(%dma_start3A_52 : memref<320x128xf32, #tpu.memory_space<vmem>>) target(%dma_start3A_49 : memref<320x128xf32, #tpu.memory_space<hbm>>) target_semaphore(%run_scoped3A : memref<!tpu.dma_semaphore, #tpu.memory_space<semaphore_mem>>)
      %dma_wait3A = arith.constant 0 : i32
      %dma_wait3A_53 = arith.constant 0 : i32
      %dma_wait3A_54 = tpu.memref_slice %arg10[%dma_wait3A, %dma_wait3A_53] : memref<328x128xf32, #tpu.memory_space<vmem>> -> memref<320x128xf32, #tpu.memory_space<vmem>>
      %dma_wait3A_55 = arith.constant 0 : i32
      %dma_wait3A_56 = tpu.memref_slice %arg5[%mul3A_42, %dma_wait3A_55] : memref<10240x128xf32, #tpu.memory_space<hbm>> -> memref<320x128xf32, #tpu.memory_space<hbm>>
      %dma_wait3A_57 = arith.constant 0 : i32
      %dma_wait3A_58 = tpu.memref_slice %arg5[%mul3A_42, %dma_wait3A_57] : memref<10240x128xf32, #tpu.memory_space<hbm>> -> memref<320x128xf32, #tpu.memory_space<hbm>>
      %dma_wait3A_59 = arith.constant 0 : i32
      %dma_wait3A_60 = arith.constant 0 : i32
      %dma_wait3A_61 = tpu.memref_slice %arg10[%dma_wait3A_59, %dma_wait3A_60] : memref<328x128xf32, #tpu.memory_space<vmem>> -> memref<320x128xf32, #tpu.memory_space<vmem>>
      tpu.wait_dma2 semaphore(%run_scoped3A : memref<!tpu.dma_semaphore, #tpu.memory_space<semaphore_mem>>) src(%dma_wait3A_61 : memref<320x128xf32, #tpu.memory_space<vmem>>) dst(%dma_wait3A_58 : memref<320x128xf32, #tpu.memory_space<hbm>>)
      tpu.yield
    }) : () -> ()
    return
  }
}

#map = affine_map<(d0, d1) -> (0, 0)>
module attributes {stable_mosaic.version = 14 : i64} {
  func.func @seg(%arg0: i32, %arg1: i32, %arg2: memref<10000x128xf32, #tpu.memory_space<hbm>>, %arg3: memref<32x14336xi32, #tpu.memory_space<hbm>>, %arg4: memref<32x229376xi32, #tpu.memory_space<hbm>>, %arg5: memref<10240x128xf32, #tpu.memory_space<hbm>>, %arg6: memref<14336xi32, #tpu.memory_space<vmem>>, %arg7: memref<2048xi32, #tpu.memory_space<vmem>>, %arg8: memref<128x128xf32, #tpu.memory_space<vmem>>, %arg9: memref<128x128xf32, #tpu.memory_space<vmem>>, %arg10: memref<328x128xf32, #tpu.memory_space<vmem>>, %arg11: memref<!tpu.dma_semaphore, #tpu.memory_space<semaphore_mem>>, %arg12: memref<!tpu.dma_semaphore, #tpu.memory_space<semaphore_mem>>) attributes {dimension_semantics = [#tpu.dimension_semantics<core_parallel>, #tpu.dimension_semantics<subcore_parallel>], iteration_bounds = array<i64: 2, 16>, scalar_prefetch = 0 : i64, scratch_operands = 7 : i64, tpu.core_type = #tpu.core_type<sc_vector_subcore>, window_params = [{transform_indices = #map}, {transform_indices = #map}, {transform_indices = #map}, {transform_indices = #map}]} {
    %mul3A = arith.constant 2 : i32
    %mul3A_0 = arith.muli %arg1, %mul3A : i32
    %add3A = arith.addi %mul3A_0, %arg0 : i32
    %broadcast_in_dim3A = arith.constant 0.000000e+00 : f32
    %broadcast_in_dim3A_1 = vector.broadcast %broadcast_in_dim3A : f32 to vector<16xf32>
    %scan3A = arith.constant 0 : i32
    %scan3A_2 = arith.constant 0 : i32
    %scan3A_3 = arith.constant 328 : i32
    %scan3A_4 = arith.addi %scan3A_2, %scan3A_3 : i32
    %scan3A_5 = arith.constant 1 : i32
    scf.for %scan3A_43 = %scan3A_2 to %scan3A_4 step %scan3A_5  : i32 {
      %swap3A = arith.index_cast %scan3A_43 : i32 to index
      %swap3A_44 = arith.constant 0 : index
      %swap3A_45 = tpu.vector_load %arg10[%swap3A, %swap3A_44] {strides = array<i32>} : memref<328x128xf32, #tpu.memory_space<vmem>>, vector<16xf32>,
      tpu.vector_store %arg10[%swap3A, %swap3A_44], %broadcast_in_dim3A_1 {strides = array<i32>} : memref<328x128xf32, #tpu.memory_space<vmem>>, vector<16xf32>,
      %swap3A_46 = arith.index_cast %scan3A_43 : i32 to index
      %swap3A_47 = arith.constant 16 : index
      %swap3A_48 = tpu.vector_load %arg10[%swap3A_46, %swap3A_47] {strides = array<i32>} : memref<328x128xf32, #tpu.memory_space<vmem>>, vector<16xf32>,
      tpu.vector_store %arg10[%swap3A_46, %swap3A_47], %broadcast_in_dim3A_1 {strides = array<i32>} : memref<328x128xf32, #tpu.memory_space<vmem>>, vector<16xf32>,
      %swap3A_49 = arith.index_cast %scan3A_43 : i32 to index
      %swap3A_50 = arith.constant 32 : index
      %swap3A_51 = tpu.vector_load %arg10[%swap3A_49, %swap3A_50] {strides = array<i32>} : memref<328x128xf32, #tpu.memory_space<vmem>>, vector<16xf32>,
      tpu.vector_store %arg10[%swap3A_49, %swap3A_50], %broadcast_in_dim3A_1 {strides = array<i32>} : memref<328x128xf32, #tpu.memory_space<vmem>>, vector<16xf32>,
      %swap3A_52 = arith.index_cast %scan3A_43 : i32 to index
      %swap3A_53 = arith.constant 48 : index
      %swap3A_54 = tpu.vector_load %arg10[%swap3A_52, %swap3A_53] {strides = array<i32>} : memref<328x128xf32, #tpu.memory_space<vmem>>, vector<16xf32>,
      tpu.vector_store %arg10[%swap3A_52, %swap3A_53], %broadcast_in_dim3A_1 {strides = array<i32>} : memref<328x128xf32, #tpu.memory_space<vmem>>, vector<16xf32>,
      %swap3A_55 = arith.index_cast %scan3A_43 : i32 to index
      %swap3A_56 = arith.constant 64 : index
      %swap3A_57 = tpu.vector_load %arg10[%swap3A_55, %swap3A_56] {strides = array<i32>} : memref<328x128xf32, #tpu.memory_space<vmem>>, vector<16xf32>,
      tpu.vector_store %arg10[%swap3A_55, %swap3A_56], %broadcast_in_dim3A_1 {strides = array<i32>} : memref<328x128xf32, #tpu.memory_space<vmem>>, vector<16xf32>,
      %swap3A_58 = arith.index_cast %scan3A_43 : i32 to index
      %swap3A_59 = arith.constant 80 : index
      %swap3A_60 = tpu.vector_load %arg10[%swap3A_58, %swap3A_59] {strides = array<i32>} : memref<328x128xf32, #tpu.memory_space<vmem>>, vector<16xf32>,
      tpu.vector_store %arg10[%swap3A_58, %swap3A_59], %broadcast_in_dim3A_1 {strides = array<i32>} : memref<328x128xf32, #tpu.memory_space<vmem>>, vector<16xf32>,
      %swap3A_61 = arith.index_cast %scan3A_43 : i32 to index
      %swap3A_62 = arith.constant 96 : index
      %swap3A_63 = tpu.vector_load %arg10[%swap3A_61, %swap3A_62] {strides = array<i32>} : memref<328x128xf32, #tpu.memory_space<vmem>>, vector<16xf32>,
      tpu.vector_store %arg10[%swap3A_61, %swap3A_62], %broadcast_in_dim3A_1 {strides = array<i32>} : memref<328x128xf32, #tpu.memory_space<vmem>>, vector<16xf32>,
      %swap3A_64 = arith.index_cast %scan3A_43 : i32 to index
      %swap3A_65 = arith.constant 112 : index
      %swap3A_66 = tpu.vector_load %arg10[%swap3A_64, %swap3A_65] {strides = array<i32>} : memref<328x128xf32, #tpu.memory_space<vmem>>, vector<16xf32>,
      tpu.vector_store %arg10[%swap3A_64, %swap3A_65], %broadcast_in_dim3A_1 {strides = array<i32>} : memref<328x128xf32, #tpu.memory_space<vmem>>, vector<16xf32>,
    }
    %scan3A_6 = arith.constant 328 : i32
    "tpu.region"() ({
      %run_scoped3A = tpu.sem_alloc : memref<!tpu.dma_semaphore, #tpu.memory_space<semaphore_mem>>
      %dma_start3A_43 = arith.constant 0 : i32
      %dma_start3A_44 = tpu.memref_slice %arg3[%add3A, %dma_start3A_43] : memref<32x14336xi32, #tpu.memory_space<hbm>> -> memref<1x14336xi32, #tpu.memory_space<hbm>>
      %dma_start3A_45 = tpu.memref_squeeze %dma_start3A_44 : memref<1x14336xi32, #tpu.memory_space<hbm>> -> memref<14336xi32, #tpu.memory_space<hbm>>
      %dma_start3A_46 = arith.constant 0 : i32
      %dma_start3A_47 = tpu.memref_slice %arg3[%add3A, %dma_start3A_46] : memref<32x14336xi32, #tpu.memory_space<hbm>> -> memref<1x14336xi32, #tpu.memory_space<hbm>>
      %dma_start3A_48 = tpu.memref_squeeze %dma_start3A_47 : memref<1x14336xi32, #tpu.memory_space<hbm>> -> memref<14336xi32, #tpu.memory_space<hbm>>
      tpu.enqueue_dma source(%dma_start3A_48 : memref<14336xi32, #tpu.memory_space<hbm>>) target(%arg6 : memref<14336xi32, #tpu.memory_space<vmem>>) target_semaphore(%run_scoped3A : memref<!tpu.dma_semaphore, #tpu.memory_space<semaphore_mem>>)
      %dma_wait3A = arith.constant 0 : i32
      %dma_wait3A_49 = tpu.memref_slice %arg3[%add3A, %dma_wait3A] : memref<32x14336xi32, #tpu.memory_space<hbm>> -> memref<1x14336xi32, #tpu.memory_space<hbm>>
      %dma_wait3A_50 = tpu.memref_squeeze %dma_wait3A_49 : memref<1x14336xi32, #tpu.memory_space<hbm>> -> memref<14336xi32, #tpu.memory_space<hbm>>
      %dma_wait3A_51 = arith.constant 0 : i32
      %dma_wait3A_52 = tpu.memref_slice %arg3[%add3A, %dma_wait3A_51] : memref<32x14336xi32, #tpu.memory_space<hbm>> -> memref<1x14336xi32, #tpu.memory_space<hbm>>
      %dma_wait3A_53 = tpu.memref_squeeze %dma_wait3A_52 : memref<1x14336xi32, #tpu.memory_space<hbm>> -> memref<14336xi32, #tpu.memory_space<hbm>>
      tpu.wait_dma2 semaphore(%run_scoped3A : memref<!tpu.dma_semaphore, #tpu.memory_space<semaphore_mem>>) src(%dma_wait3A_53 : memref<14336xi32, #tpu.memory_space<hbm>>) dst(%arg6 : memref<14336xi32, #tpu.memory_space<vmem>>)
      tpu.yield
    }) : () -> ()
    %iota3A = tpu.iota {dimensions = array<i32: 0>} : vector<16xi32>
    %add3A_7 = arith.constant 0 : i32
    %add3A_8 = vector.broadcast %add3A_7 : i32 to vector<16xi32>
    %add3A_9 = arith.addi %add3A_8, %iota3A : vector<16xi32>
    %add3A_10 = arith.constant 16 : i32
    %add3A_11 = vector.broadcast %add3A_10 : i32 to vector<16xi32>
    %add3A_12 = arith.addi %add3A_11, %iota3A : vector<16xi32>
    %add3A_13 = arith.constant 32 : i32
    %add3A_14 = vector.broadcast %add3A_13 : i32 to vector<16xi32>
    %add3A_15 = arith.addi %add3A_14, %iota3A : vector<16xi32>
    %add3A_16 = arith.constant 48 : i32
    %add3A_17 = vector.broadcast %add3A_16 : i32 to vector<16xi32>
    %add3A_18 = arith.addi %add3A_17, %iota3A : vector<16xi32>
    %add3A_19 = arith.constant 64 : i32
    %add3A_20 = vector.broadcast %add3A_19 : i32 to vector<16xi32>
    %add3A_21 = arith.addi %add3A_20, %iota3A : vector<16xi32>
    %add3A_22 = arith.constant 80 : i32
    %add3A_23 = vector.broadcast %add3A_22 : i32 to vector<16xi32>
    %add3A_24 = arith.addi %add3A_23, %iota3A : vector<16xi32>
    %add3A_25 = arith.constant 96 : i32
    %add3A_26 = vector.broadcast %add3A_25 : i32 to vector<16xi32>
    %add3A_27 = arith.addi %add3A_26, %iota3A : vector<16xi32>
    %add3A_28 = arith.constant 112 : i32
    %add3A_29 = vector.broadcast %add3A_28 : i32 to vector<16xi32>
    %add3A_30 = arith.addi %add3A_29, %iota3A : vector<16xi32>
    %dma_start3A = arith.constant 0 : i32
    %dma_start3A_31 = tpu.memref_slice %arg6[%dma_start3A] : memref<14336xi32, #tpu.memory_space<vmem>> -> memref<128xi32, #tpu.memory_space<vmem>>
    %dma_start3A_32 = arith.constant 0 : i32
    %dma_start3A_33 = arith.constant 0 : i32
    %dma_start3A_34 = tpu.memref_slice %arg2[%dma_start3A_32, %dma_start3A_33] : memref<10000x128xf32, #tpu.memory_space<hbm>> -> memref<10000x128xf32, #tpu.memory_space<hbm>>
    tpu.enqueue_indirect_dma source(%dma_start3A_34 : memref<10000x128xf32, #tpu.memory_space<hbm>>) target(%arg8 : memref<128x128xf32, #tpu.memory_space<vmem>>) offsets(%dma_start3A_31 : memref<128xi32, #tpu.memory_space<vmem>>) semaphore(%arg11 : memref<!tpu.dma_semaphore, #tpu.memory_space<semaphore_mem>>)
    %scan3A_35 = arith.constant 0 : i32
    %scan3A_36 = arith.constant 0 : i32
    %scan3A_37 = arith.constant 56 : i32
    %scan3A_38 = arith.addi %scan3A_36, %scan3A_37 : i32
    %scan3A_39 = arith.constant 1 : i32
    scf.for %scan3A_43 = %scan3A_36 to %scan3A_38 step %scan3A_39  : i32 {
      %mul3A_44 = arith.constant 2 : i32
      %mul3A_45 = arith.muli %mul3A_44, %scan3A_43 : i32
      %mul3A_46 = arith.constant 2 : i32
      %mul3A_47 = arith.muli %mul3A_46, %scan3A_43 : i32
      %add3A_48 = arith.constant 1 : i32
      %add3A_49 = arith.addi %mul3A_47, %add3A_48 : i32
      %mul3A_50 = arith.constant 128 : i32
      %mul3A_51 = arith.muli %add3A_49, %mul3A_50 : i32
      %dma_start3A_52 = tpu.memref_slice %arg6[%mul3A_51] : memref<14336xi32, #tpu.memory_space<vmem>> -> memref<128xi32, #tpu.memory_space<vmem>>
      %dma_start3A_53 = arith.constant 0 : i32
      %dma_start3A_54 = arith.constant 0 : i32
      %dma_start3A_55 = tpu.memref_slice %arg2[%dma_start3A_53, %dma_start3A_54] : memref<10000x128xf32, #tpu.memory_space<hbm>> -> memref<10000x128xf32, #tpu.memory_space<hbm>>
      tpu.enqueue_indirect_dma source(%dma_start3A_55 : memref<10000x128xf32, #tpu.memory_space<hbm>>) target(%arg9 : memref<128x128xf32, #tpu.memory_space<vmem>>) offsets(%dma_start3A_52 : memref<128xi32, #tpu.memory_space<vmem>>) semaphore(%arg12 : memref<!tpu.dma_semaphore, #tpu.memory_space<semaphore_mem>>)
      %mul3A_56 = arith.constant 128 : i32
      %mul3A_57 = arith.muli %mul3A_45, %mul3A_56 : i32
      %dma_wait3A = tpu.memref_slice %arg6[%mul3A_57] : memref<14336xi32, #tpu.memory_space<vmem>> -> memref<128xi32, #tpu.memory_space<vmem>>
      %dma_wait3A_58 = arith.constant 0 : i32
      %dma_wait3A_59 = arith.constant 0 : i32
      %dma_wait3A_60 = tpu.memref_slice %arg2[%dma_wait3A_58, %dma_wait3A_59] : memref<10000x128xf32, #tpu.memory_space<hbm>> -> memref<10000x128xf32, #tpu.memory_space<hbm>>
      tpu.wait_indirect_dma semaphore(%arg11 : memref<!tpu.dma_semaphore, #tpu.memory_space<semaphore_mem>>) src(%dma_wait3A_60 : memref<10000x128xf32, #tpu.memory_space<hbm>>) dst(%arg8 : memref<128x128xf32, #tpu.memory_space<vmem>>)
      %mul3A_61 = arith.constant 2048 : i32
      %mul3A_62 = arith.muli %mul3A_45, %mul3A_61 : i32
      "tpu.region"() ({
        %run_scoped3A = tpu.sem_alloc : memref<!tpu.dma_semaphore, #tpu.memory_space<semaphore_mem>>
        %dma_start3A_87 = tpu.memref_slice %arg4[%add3A, %mul3A_62] : memref<32x229376xi32, #tpu.memory_space<hbm>> -> memref<1x2048xi32, #tpu.memory_space<hbm>>
        %dma_start3A_88 = tpu.memref_squeeze %dma_start3A_87 : memref<1x2048xi32, #tpu.memory_space<hbm>> -> memref<2048xi32, #tpu.memory_space<hbm>>
        %dma_start3A_89 = tpu.memref_slice %arg4[%add3A, %mul3A_62] : memref<32x229376xi32, #tpu.memory_space<hbm>> -> memref<1x2048xi32, #tpu.memory_space<hbm>>
        %dma_start3A_90 = tpu.memref_squeeze %dma_start3A_89 : memref<1x2048xi32, #tpu.memory_space<hbm>> -> memref<2048xi32, #tpu.memory_space<hbm>>
        tpu.enqueue_dma source(%dma_start3A_90 : memref<2048xi32, #tpu.memory_space<hbm>>) target(%arg7 : memref<2048xi32, #tpu.memory_space<vmem>>) target_semaphore(%run_scoped3A : memref<!tpu.dma_semaphore, #tpu.memory_space<semaphore_mem>>)
        %dma_wait3A_91 = tpu.memref_slice %arg4[%add3A, %mul3A_62] : memref<32x229376xi32, #tpu.memory_space<hbm>> -> memref<1x2048xi32, #tpu.memory_space<hbm>>
        %dma_wait3A_92 = tpu.memref_squeeze %dma_wait3A_91 : memref<1x2048xi32, #tpu.memory_space<hbm>> -> memref<2048xi32, #tpu.memory_space<hbm>>
        %dma_wait3A_93 = tpu.memref_slice %arg4[%add3A, %mul3A_62] : memref<32x229376xi32, #tpu.memory_space<hbm>> -> memref<1x2048xi32, #tpu.memory_space<hbm>>
        %dma_wait3A_94 = tpu.memref_squeeze %dma_wait3A_93 : memref<1x2048xi32, #tpu.memory_space<hbm>> -> memref<2048xi32, #tpu.memory_space<hbm>>
        tpu.wait_dma2 semaphore(%run_scoped3A : memref<!tpu.dma_semaphore, #tpu.memory_space<semaphore_mem>>) src(%dma_wait3A_94 : memref<2048xi32, #tpu.memory_space<hbm>>) dst(%arg7 : memref<2048xi32, #tpu.memory_space<vmem>>)
        tpu.yield
      }) : () -> ()
      %scan3A_63 = arith.constant 0 : i32
      %scan3A_64 = arith.constant 0 : i32
      %scan3A_65 = arith.constant 32 : i32
      %scan3A_66 = arith.addi %scan3A_64, %scan3A_65 : i32
      %scan3A_67 = arith.constant 1 : i32
      scf.for %scan3A_87 = %scan3A_64 to %scan3A_66 step %scan3A_67  : i32 {
        %mul3A_88 = arith.constant 4 : i32
        %mul3A_89 = arith.muli %scan3A_87, %mul3A_88 : i32
        %add3A_90 = arith.constant 0 : i32
        %add3A_91 = arith.addi %mul3A_89, %add3A_90 : i32
        %mul3A_92 = arith.constant 16 : i32
        %mul3A_93 = arith.muli %add3A_91, %mul3A_92 : i32
        %get3A = arith.index_cast %mul3A_93 : i32 to index
        %get3A_94 = tpu.vector_load %arg7[%get3A] {strides = array<i32>} : memref<2048xi32, #tpu.memory_space<vmem>>, vector<16xi32>,
        %get3A_95 = arith.index_cast %add3A_91 : i32 to index
        %get3A_96 = arith.constant 0 : index
        %get3A_97 = tpu.vector_load %arg8[%get3A_95, %get3A_96] {strides = array<i32>} : memref<128x128xf32, #tpu.memory_space<vmem>>, vector<16xf32>,
        tpu.vector_store_idx %arg10[%get3A_94, %add3A_9], %get3A_97 {add = true} : memref<328x128xf32, #tpu.memory_space<vmem>>[vector<16xi32>, vector<16xi32>], vector<16xf32>,
        %get3A_98 = arith.index_cast %add3A_91 : i32 to index
        %get3A_99 = arith.constant 16 : index
        %get3A_100 = tpu.vector_load %arg8[%get3A_98, %get3A_99] {strides = array<i32>} : memref<128x128xf32, #tpu.memory_space<vmem>>, vector<16xf32>,
        tpu.vector_store_idx %arg10[%get3A_94, %add3A_12], %get3A_100 {add = true} : memref<328x128xf32, #tpu.memory_space<vmem>>[vector<16xi32>, vector<16xi32>], vector<16xf32>,
        %get3A_101 = arith.index_cast %add3A_91 : i32 to index
        %get3A_102 = arith.constant 32 : index
        %get3A_103 = tpu.vector_load %arg8[%get3A_101, %get3A_102] {strides = array<i32>} : memref<128x128xf32, #tpu.memory_space<vmem>>, vector<16xf32>,
        tpu.vector_store_idx %arg10[%get3A_94, %add3A_15], %get3A_103 {add = true} : memref<328x128xf32, #tpu.memory_space<vmem>>[vector<16xi32>, vector<16xi32>], vector<16xf32>,
        %get3A_104 = arith.index_cast %add3A_91 : i32 to index
        %get3A_105 = arith.constant 48 : index
        %get3A_106 = tpu.vector_load %arg8[%get3A_104, %get3A_105] {strides = array<i32>} : memref<128x128xf32, #tpu.memory_space<vmem>>, vector<16xf32>,
        tpu.vector_store_idx %arg10[%get3A_94, %add3A_18], %get3A_106 {add = true} : memref<328x128xf32, #tpu.memory_space<vmem>>[vector<16xi32>, vector<16xi32>], vector<16xf32>,
        %get3A_107 = arith.index_cast %add3A_91 : i32 to index
        %get3A_108 = arith.constant 64 : index
        %get3A_109 = tpu.vector_load %arg8[%get3A_107, %get3A_108] {strides = array<i32>} : memref<128x128xf32, #tpu.memory_space<vmem>>, vector<16xf32>,
        tpu.vector_store_idx %arg10[%get3A_94, %add3A_21], %get3A_109 {add = true} : memref<328x128xf32, #tpu.memory_space<vmem>>[vector<16xi32>, vector<16xi32>], vector<16xf32>,
        %get3A_110 = arith.index_cast %add3A_91 : i32 to index
        %get3A_111 = arith.constant 80 : index
        %get3A_112 = tpu.vector_load %arg8[%get3A_110, %get3A_111] {strides = array<i32>} : memref<128x128xf32, #tpu.memory_space<vmem>>, vector<16xf32>,
        tpu.vector_store_idx %arg10[%get3A_94, %add3A_24], %get3A_112 {add = true} : memref<328x128xf32, #tpu.memory_space<vmem>>[vector<16xi32>, vector<16xi32>], vector<16xf32>,
        %get3A_113 = arith.index_cast %add3A_91 : i32 to index
        %get3A_114 = arith.constant 96 : index
        %get3A_115 = tpu.vector_load %arg8[%get3A_113, %get3A_114] {strides = array<i32>} : memref<128x128xf32, #tpu.memory_space<vmem>>, vector<16xf32>,
        tpu.vector_store_idx %arg10[%get3A_94, %add3A_27], %get3A_115 {add = true} : memref<328x128xf32, #tpu.memory_space<vmem>>[vector<16xi32>, vector<16xi32>], vector<16xf32>,
        %get3A_116 = arith.index_cast %add3A_91 : i32 to index
        %get3A_117 = arith.constant 112 : index
        %get3A_118 = tpu.vector_load %arg8[%get3A_116, %get3A_117] {strides = array<i32>} : memref<128x128xf32, #tpu.memory_space<vmem>>, vector<16xf32>,
        tpu.vector_store_idx %arg10[%get3A_94, %add3A_30], %get3A_118 {add = true} : memref<328x128xf32, #tpu.memory_space<vmem>>[vector<16xi32>, vector<16xi32>], vector<16xf32>,
        %mul3A_119 = arith.constant 4 : i32
        %mul3A_120 = arith.muli %scan3A_87, %mul3A_119 : i32
        %add3A_121 = arith.constant 1 : i32
        %add3A_122 = arith.addi %mul3A_120, %add3A_121 : i32
        %mul3A_123 = arith.constant 16 : i32
        %mul3A_124 = arith.muli %add3A_122, %mul3A_123 : i32
        %get3A_125 = arith.index_cast %mul3A_124 : i32 to index
        %get3A_126 = tpu.vector_load %arg7[%get3A_125] {strides = array<i32>} : memref<2048xi32, #tpu.memory_space<vmem>>, vector<16xi32>,
        %get3A_127 = arith.index_cast %add3A_122 : i32 to index
        %get3A_128 = arith.constant 0 : index
        %get3A_129 = tpu.vector_load %arg8[%get3A_127, %get3A_128] {strides = array<i32>} : memref<128x128xf32, #tpu.memory_space<vmem>>, vector<16xf32>,
        tpu.vector_store_idx %arg10[%get3A_126, %add3A_9], %get3A_129 {add = true} : memref<328x128xf32, #tpu.memory_space<vmem>>[vector<16xi32>, vector<16xi32>], vector<16xf32>,
        %get3A_130 = arith.index_cast %add3A_122 : i32 to index
        %get3A_131 = arith.constant 16 : index
        %get3A_132 = tpu.vector_load %arg8[%get3A_130, %get3A_131] {strides = array<i32>} : memref<128x128xf32, #tpu.memory_space<vmem>>, vector<16xf32>,
        tpu.vector_store_idx %arg10[%get3A_126, %add3A_12], %get3A_132 {add = true} : memref<328x128xf32, #tpu.memory_space<vmem>>[vector<16xi32>, vector<16xi32>], vector<16xf32>,
        %get3A_133 = arith.index_cast %add3A_122 : i32 to index
        %get3A_134 = arith.constant 32 : index
        %get3A_135 = tpu.vector_load %arg8[%get3A_133, %get3A_134] {strides = array<i32>} : memref<128x128xf32, #tpu.memory_space<vmem>>, vector<16xf32>,
        tpu.vector_store_idx %arg10[%get3A_126, %add3A_15], %get3A_135 {add = true} : memref<328x128xf32, #tpu.memory_space<vmem>>[vector<16xi32>, vector<16xi32>], vector<16xf32>,
        %get3A_136 = arith.index_cast %add3A_122 : i32 to index
        %get3A_137 = arith.constant 48 : index
        %get3A_138 = tpu.vector_load %arg8[%get3A_136, %get3A_137] {strides = array<i32>} : memref<128x128xf32, #tpu.memory_space<vmem>>, vector<16xf32>,
        tpu.vector_store_idx %arg10[%get3A_126, %add3A_18], %get3A_138 {add = true} : memref<328x128xf32, #tpu.memory_space<vmem>>[vector<16xi32>, vector<16xi32>], vector<16xf32>,
        %get3A_139 = arith.index_cast %add3A_122 : i32 to index
        %get3A_140 = arith.constant 64 : index
        %get3A_141 = tpu.vector_load %arg8[%get3A_139, %get3A_140] {strides = array<i32>} : memref<128x128xf32, #tpu.memory_space<vmem>>, vector<16xf32>,
        tpu.vector_store_idx %arg10[%get3A_126, %add3A_21], %get3A_141 {add = true} : memref<328x128xf32, #tpu.memory_space<vmem>>[vector<16xi32>, vector<16xi32>], vector<16xf32>,
        %get3A_142 = arith.index_cast %add3A_122 : i32 to index
        %get3A_143 = arith.constant 80 : index
        %get3A_144 = tpu.vector_load %arg8[%get3A_142, %get3A_143] {strides = array<i32>} : memref<128x128xf32, #tpu.memory_space<vmem>>, vector<16xf32>,
        tpu.vector_store_idx %arg10[%get3A_126, %add3A_24], %get3A_144 {add = true} : memref<328x128xf32, #tpu.memory_space<vmem>>[vector<16xi32>, vector<16xi32>], vector<16xf32>,
        %get3A_145 = arith.index_cast %add3A_122 : i32 to index
        %get3A_146 = arith.constant 96 : index
        %get3A_147 = tpu.vector_load %arg8[%get3A_145, %get3A_146] {strides = array<i32>} : memref<128x128xf32, #tpu.memory_space<vmem>>, vector<16xf32>,
        tpu.vector_store_idx %arg10[%get3A_126, %add3A_27], %get3A_147 {add = true} : memref<328x128xf32, #tpu.memory_space<vmem>>[vector<16xi32>, vector<16xi32>], vector<16xf32>,
        %get3A_148 = arith.index_cast %add3A_122 : i32 to index
        %get3A_149 = arith.constant 112 : index
        %get3A_150 = tpu.vector_load %arg8[%get3A_148, %get3A_149] {strides = array<i32>} : memref<128x128xf32, #tpu.memory_space<vmem>>, vector<16xf32>,
        tpu.vector_store_idx %arg10[%get3A_126, %add3A_30], %get3A_150 {add = true} : memref<328x128xf32, #tpu.memory_space<vmem>>[vector<16xi32>, vector<16xi32>], vector<16xf32>,
        %mul3A_151 = arith.constant 4 : i32
        %mul3A_152 = arith.muli %scan3A_87, %mul3A_151 : i32
        %add3A_153 = arith.constant 2 : i32
        %add3A_154 = arith.addi %mul3A_152, %add3A_153 : i32
        %mul3A_155 = arith.constant 16 : i32
        %mul3A_156 = arith.muli %add3A_154, %mul3A_155 : i32
        %get3A_157 = arith.index_cast %mul3A_156 : i32 to index
        %get3A_158 = tpu.vector_load %arg7[%get3A_157] {strides = array<i32>} : memref<2048xi32, #tpu.memory_space<vmem>>, vector<16xi32>,
        %get3A_159 = arith.index_cast %add3A_154 : i32 to index
        %get3A_160 = arith.constant 0 : index
        %get3A_161 = tpu.vector_load %arg8[%get3A_159, %get3A_160] {strides = array<i32>} : memref<128x128xf32, #tpu.memory_space<vmem>>, vector<16xf32>,
        tpu.vector_store_idx %arg10[%get3A_158, %add3A_9], %get3A_161 {add = true} : memref<328x128xf32, #tpu.memory_space<vmem>>[vector<16xi32>, vector<16xi32>], vector<16xf32>,
        %get3A_162 = arith.index_cast %add3A_154 : i32 to index
        %get3A_163 = arith.constant 16 : index
        %get3A_164 = tpu.vector_load %arg8[%get3A_162, %get3A_163] {strides = array<i32>} : memref<128x128xf32, #tpu.memory_space<vmem>>, vector<16xf32>,
        tpu.vector_store_idx %arg10[%get3A_158, %add3A_12], %get3A_164 {add = true} : memref<328x128xf32, #tpu.memory_space<vmem>>[vector<16xi32>, vector<16xi32>], vector<16xf32>,
        %get3A_165 = arith.index_cast %add3A_154 : i32 to index
        %get3A_166 = arith.constant 32 : index
        %get3A_167 = tpu.vector_load %arg8[%get3A_165, %get3A_166] {strides = array<i32>} : memref<128x128xf32, #tpu.memory_space<vmem>>, vector<16xf32>,
        tpu.vector_store_idx %arg10[%get3A_158, %add3A_15], %get3A_167 {add = true} : memref<328x128xf32, #tpu.memory_space<vmem>>[vector<16xi32>, vector<16xi32>], vector<16xf32>,
        %get3A_168 = arith.index_cast %add3A_154 : i32 to index
        %get3A_169 = arith.constant 48 : index
        %get3A_170 = tpu.vector_load %arg8[%get3A_168, %get3A_169] {strides = array<i32>} : memref<128x128xf32, #tpu.memory_space<vmem>>, vector<16xf32>,
        tpu.vector_store_idx %arg10[%get3A_158, %add3A_18], %get3A_170 {add = true} : memref<328x128xf32, #tpu.memory_space<vmem>>[vector<16xi32>, vector<16xi32>], vector<16xf32>,
        %get3A_171 = arith.index_cast %add3A_154 : i32 to index
        %get3A_172 = arith.constant 64 : index
        %get3A_173 = tpu.vector_load %arg8[%get3A_171, %get3A_172] {strides = array<i32>} : memref<128x128xf32, #tpu.memory_space<vmem>>, vector<16xf32>,
        tpu.vector_store_idx %arg10[%get3A_158, %add3A_21], %get3A_173 {add = true} : memref<328x128xf32, #tpu.memory_space<vmem>>[vector<16xi32>, vector<16xi32>], vector<16xf32>,
        %get3A_174 = arith.index_cast %add3A_154 : i32 to index
        %get3A_175 = arith.constant 80 : index
        %get3A_176 = tpu.vector_load %arg8[%get3A_174, %get3A_175] {strides = array<i32>} : memref<128x128xf32, #tpu.memory_space<vmem>>, vector<16xf32>,
        tpu.vector_store_idx %arg10[%get3A_158, %add3A_24], %get3A_176 {add = true} : memref<328x128xf32, #tpu.memory_space<vmem>>[vector<16xi32>, vector<16xi32>], vector<16xf32>,
        %get3A_177 = arith.index_cast %add3A_154 : i32 to index
        %get3A_178 = arith.constant 96 : index
        %get3A_179 = tpu.vector_load %arg8[%get3A_177, %get3A_178] {strides = array<i32>} : memref<128x128xf32, #tpu.memory_space<vmem>>, vector<16xf32>,
        tpu.vector_store_idx %arg10[%get3A_158, %add3A_27], %get3A_179 {add = true} : memref<328x128xf32, #tpu.memory_space<vmem>>[vector<16xi32>, vector<16xi32>], vector<16xf32>,
        %get3A_180 = arith.index_cast %add3A_154 : i32 to index
        %get3A_181 = arith.constant 112 : index
        %get3A_182 = tpu.vector_load %arg8[%get3A_180, %get3A_181] {strides = array<i32>} : memref<128x128xf32, #tpu.memory_space<vmem>>, vector<16xf32>,
        tpu.vector_store_idx %arg10[%get3A_158, %add3A_30], %get3A_182 {add = true} : memref<328x128xf32, #tpu.memory_space<vmem>>[vector<16xi32>, vector<16xi32>], vector<16xf32>,
        %mul3A_183 = arith.constant 4 : i32
        %mul3A_184 = arith.muli %scan3A_87, %mul3A_183 : i32
        %add3A_185 = arith.constant 3 : i32
        %add3A_186 = arith.addi %mul3A_184, %add3A_185 : i32
        %mul3A_187 = arith.constant 16 : i32
        %mul3A_188 = arith.muli %add3A_186, %mul3A_187 : i32
        %get3A_189 = arith.index_cast %mul3A_188 : i32 to index
        %get3A_190 = tpu.vector_load %arg7[%get3A_189] {strides = array<i32>} : memref<2048xi32, #tpu.memory_space<vmem>>, vector<16xi32>,
        %get3A_191 = arith.index_cast %add3A_186 : i32 to index
        %get3A_192 = arith.constant 0 : index
        %get3A_193 = tpu.vector_load %arg8[%get3A_191, %get3A_192] {strides = array<i32>} : memref<128x128xf32, #tpu.memory_space<vmem>>, vector<16xf32>,
        tpu.vector_store_idx %arg10[%get3A_190, %add3A_9], %get3A_193 {add = true} : memref<328x128xf32, #tpu.memory_space<vmem>>[vector<16xi32>, vector<16xi32>], vector<16xf32>,
        %get3A_194 = arith.index_cast %add3A_186 : i32 to index
        %get3A_195 = arith.constant 16 : index
        %get3A_196 = tpu.vector_load %arg8[%get3A_194, %get3A_195] {strides = array<i32>} : memref<128x128xf32, #tpu.memory_space<vmem>>, vector<16xf32>,
        tpu.vector_store_idx %arg10[%get3A_190, %add3A_12], %get3A_196 {add = true} : memref<328x128xf32, #tpu.memory_space<vmem>>[vector<16xi32>, vector<16xi32>], vector<16xf32>,
        %get3A_197 = arith.index_cast %add3A_186 : i32 to index
        %get3A_198 = arith.constant 32 : index
        %get3A_199 = tpu.vector_load %arg8[%get3A_197, %get3A_198] {strides = array<i32>} : memref<128x128xf32, #tpu.memory_space<vmem>>, vector<16xf32>,
        tpu.vector_store_idx %arg10[%get3A_190, %add3A_15], %get3A_199 {add = true} : memref<328x128xf32, #tpu.memory_space<vmem>>[vector<16xi32>, vector<16xi32>], vector<16xf32>,
        %get3A_200 = arith.index_cast %add3A_186 : i32 to index
        %get3A_201 = arith.constant 48 : index
        %get3A_202 = tpu.vector_load %arg8[%get3A_200, %get3A_201] {strides = array<i32>} : memref<128x128xf32, #tpu.memory_space<vmem>>, vector<16xf32>,
        tpu.vector_store_idx %arg10[%get3A_190, %add3A_18], %get3A_202 {add = true} : memref<328x128xf32, #tpu.memory_space<vmem>>[vector<16xi32>, vector<16xi32>], vector<16xf32>,
        %get3A_203 = arith.index_cast %add3A_186 : i32 to index
        %get3A_204 = arith.constant 64 : index
        %get3A_205 = tpu.vector_load %arg8[%get3A_203, %get3A_204] {strides = array<i32>} : memref<128x128xf32, #tpu.memory_space<vmem>>, vector<16xf32>,
        tpu.vector_store_idx %arg10[%get3A_190, %add3A_21], %get3A_205 {add = true} : memref<328x128xf32, #tpu.memory_space<vmem>>[vector<16xi32>, vector<16xi32>], vector<16xf32>,
        %get3A_206 = arith.index_cast %add3A_186 : i32 to index
        %get3A_207 = arith.constant 80 : index
        %get3A_208 = tpu.vector_load %arg8[%get3A_206, %get3A_207] {strides = array<i32>} : memref<128x128xf32, #tpu.memory_space<vmem>>, vector<16xf32>,
        tpu.vector_store_idx %arg10[%get3A_190, %add3A_24], %get3A_208 {add = true} : memref<328x128xf32, #tpu.memory_space<vmem>>[vector<16xi32>, vector<16xi32>], vector<16xf32>,
        %get3A_209 = arith.index_cast %add3A_186 : i32 to index
        %get3A_210 = arith.constant 96 : index
        %get3A_211 = tpu.vector_load %arg8[%get3A_209, %get3A_210] {strides = array<i32>} : memref<128x128xf32, #tpu.memory_space<vmem>>, vector<16xf32>,
        tpu.vector_store_idx %arg10[%get3A_190, %add3A_27], %get3A_211 {add = true} : memref<328x128xf32, #tpu.memory_space<vmem>>[vector<16xi32>, vector<16xi32>], vector<16xf32>,
        %get3A_212 = arith.index_cast %add3A_186 : i32 to index
        %get3A_213 = arith.constant 112 : index
        %get3A_214 = tpu.vector_load %arg8[%get3A_212, %get3A_213] {strides = array<i32>} : memref<128x128xf32, #tpu.memory_space<vmem>>, vector<16xf32>,
        tpu.vector_store_idx %arg10[%get3A_190, %add3A_30], %get3A_214 {add = true} : memref<328x128xf32, #tpu.memory_space<vmem>>[vector<16xi32>, vector<16xi32>], vector<16xf32>,
      }
      %scan3A_68 = arith.constant 32 : i32
      %add3A_69 = arith.constant 1 : i32
      %add3A_70 = arith.addi %add3A_49, %add3A_69 : i32
      %lt3A = arith.constant 112 : i32
      %lt3A_71 = arith.cmpi slt, %add3A_70, %lt3A : i32
      %convert_element_type3A = arith.extui %lt3A_71 : i1 to i32
      %cond3A = arith.constant 0 : i32
      %cond3A_72 = arith.cmpi ne, %convert_element_type3A, %cond3A : i32
      scf.if %cond3A_72 {
        %add3A_87 = arith.constant 1 : i32
        %add3A_88 = arith.addi %add3A_49, %add3A_87 : i32
        %mul3A_89 = arith.constant 128 : i32
        %mul3A_90 = arith.muli %add3A_88, %mul3A_89 : i32
        %dma_start3A_91 = tpu.memref_slice %arg6[%mul3A_90] : memref<14336xi32, #tpu.memory_space<vmem>> -> memref<128xi32, #tpu.memory_space<vmem>>
        %dma_start3A_92 = arith.constant 0 : i32
        %dma_start3A_93 = arith.constant 0 : i32
        %dma_start3A_94 = tpu.memref_slice %arg2[%dma_start3A_92, %dma_start3A_93] : memref<10000x128xf32, #tpu.memory_space<hbm>> -> memref<10000x128xf32, #tpu.memory_space<hbm>>
        tpu.enqueue_indirect_dma source(%dma_start3A_94 : memref<10000x128xf32, #tpu.memory_space<hbm>>) target(%arg8 : memref<128x128xf32, #tpu.memory_space<vmem>>) offsets(%dma_start3A_91 : memref<128xi32, #tpu.memory_space<vmem>>) semaphore(%arg11 : memref<!tpu.dma_semaphore, #tpu.memory_space<semaphore_mem>>)
      } else {
      }
      %mul3A_73 = arith.constant 128 : i32
      %mul3A_74 = arith.muli %add3A_49, %mul3A_73 : i32
      %dma_wait3A_75 = tpu.memref_slice %arg6[%mul3A_74] : memref<14336xi32, #tpu.memory_space<vmem>> -> memref<128xi32, #tpu.memory_space<vmem>>
      %dma_wait3A_76 = arith.constant 0 : i32
      %dma_wait3A_77 = arith.constant 0 : i32
      %dma_wait3A_78 = tpu.memref_slice %arg2[%dma_wait3A_76, %dma_wait3A_77] : memref<10000x128xf32, #tpu.memory_space<hbm>> -> memref<10000x128xf32, #tpu.memory_space<hbm>>
      tpu.wait_indirect_dma semaphore(%arg12 : memref<!tpu.dma_semaphore, #tpu.memory_space<semaphore_mem>>) src(%dma_wait3A_78 : memref<10000x128xf32, #tpu.memory_space<hbm>>) dst(%arg9 : memref<128x128xf32, #tpu.memory_space<vmem>>)
      %mul3A_79 = arith.constant 2048 : i32
      %mul3A_80 = arith.muli %add3A_49, %mul3A_79 : i32
      "tpu.region"() ({
        %run_scoped3A = tpu.sem_alloc : memref<!tpu.dma_semaphore, #tpu.memory_space<semaphore_mem>>
        %dma_start3A_87 = tpu.memref_slice %arg4[%add3A, %mul3A_80] : memref<32x229376xi32, #tpu.memory_space<hbm>> -> memref<1x2048xi32, #tpu.memory_space<hbm>>
        %dma_start3A_88 = tpu.memref_squeeze %dma_start3A_87 : memref<1x2048xi32, #tpu.memory_space<hbm>> -> memref<2048xi32, #tpu.memory_space<hbm>>
        %dma_start3A_89 = tpu.memref_slice %arg4[%add3A, %mul3A_80] : memref<32x229376xi32, #tpu.memory_space<hbm>> -> memref<1x2048xi32, #tpu.memory_space<hbm>>
        %dma_start3A_90 = tpu.memref_squeeze %dma_start3A_89 : memref<1x2048xi32, #tpu.memory_space<hbm>> -> memref<2048xi32, #tpu.memory_space<hbm>>
        tpu.enqueue_dma source(%dma_start3A_90 : memref<2048xi32, #tpu.memory_space<hbm>>) target(%arg7 : memref<2048xi32, #tpu.memory_space<vmem>>) target_semaphore(%run_scoped3A : memref<!tpu.dma_semaphore, #tpu.memory_space<semaphore_mem>>)
        %dma_wait3A_91 = tpu.memref_slice %arg4[%add3A, %mul3A_80] : memref<32x229376xi32, #tpu.memory_space<hbm>> -> memref<1x2048xi32, #tpu.memory_space<hbm>>
        %dma_wait3A_92 = tpu.memref_squeeze %dma_wait3A_91 : memref<1x2048xi32, #tpu.memory_space<hbm>> -> memref<2048xi32, #tpu.memory_space<hbm>>
        %dma_wait3A_93 = tpu.memref_slice %arg4[%add3A, %mul3A_80] : memref<32x229376xi32, #tpu.memory_space<hbm>> -> memref<1x2048xi32, #tpu.memory_space<hbm>>
        %dma_wait3A_94 = tpu.memref_squeeze %dma_wait3A_93 : memref<1x2048xi32, #tpu.memory_space<hbm>> -> memref<2048xi32, #tpu.memory_space<hbm>>
        tpu.wait_dma2 semaphore(%run_scoped3A : memref<!tpu.dma_semaphore, #tpu.memory_space<semaphore_mem>>) src(%dma_wait3A_94 : memref<2048xi32, #tpu.memory_space<hbm>>) dst(%arg7 : memref<2048xi32, #tpu.memory_space<vmem>>)
        tpu.yield
      }) : () -> ()
      %scan3A_81 = arith.constant 0 : i32
      %scan3A_82 = arith.constant 0 : i32
      %scan3A_83 = arith.constant 32 : i32
      %scan3A_84 = arith.addi %scan3A_82, %scan3A_83 : i32
      %scan3A_85 = arith.constant 1 : i32
      scf.for %scan3A_87 = %scan3A_82 to %scan3A_84 step %scan3A_85  : i32 {
        %mul3A_88 = arith.constant 4 : i32
        %mul3A_89 = arith.muli %scan3A_87, %mul3A_88 : i32
        %add3A_90 = arith.constant 0 : i32
        %add3A_91 = arith.addi %mul3A_89, %add3A_90 : i32
        %mul3A_92 = arith.constant 16 : i32
        %mul3A_93 = arith.muli %add3A_91, %mul3A_92 : i32
        %get3A = arith.index_cast %mul3A_93 : i32 to index
        %get3A_94 = tpu.vector_load %arg7[%get3A] {strides = array<i32>} : memref<2048xi32, #tpu.memory_space<vmem>>, vector<16xi32>,
        %get3A_95 = arith.index_cast %add3A_91 : i32 to index
        %get3A_96 = arith.constant 0 : index
        %get3A_97 = tpu.vector_load %arg9[%get3A_95, %get3A_96] {strides = array<i32>} : memref<128x128xf32, #tpu.memory_space<vmem>>, vector<16xf32>,
        tpu.vector_store_idx %arg10[%get3A_94, %add3A_9], %get3A_97 {add = true} : memref<328x128xf32, #tpu.memory_space<vmem>>[vector<16xi32>, vector<16xi32>], vector<16xf32>,
        %get3A_98 = arith.index_cast %add3A_91 : i32 to index
        %get3A_99 = arith.constant 16 : index
        %get3A_100 = tpu.vector_load %arg9[%get3A_98, %get3A_99] {strides = array<i32>} : memref<128x128xf32, #tpu.memory_space<vmem>>, vector<16xf32>,
        tpu.vector_store_idx %arg10[%get3A_94, %add3A_12], %get3A_100 {add = true} : memref<328x128xf32, #tpu.memory_space<vmem>>[vector<16xi32>, vector<16xi32>], vector<16xf32>,
        %get3A_101 = arith.index_cast %add3A_91 : i32 to index
        %get3A_102 = arith.constant 32 : index
        %get3A_103 = tpu.vector_load %arg9[%get3A_101, %get3A_102] {strides = array<i32>} : memref<128x128xf32, #tpu.memory_space<vmem>>, vector<16xf32>,
        tpu.vector_store_idx %arg10[%get3A_94, %add3A_15], %get3A_103 {add = true} : memref<328x128xf32, #tpu.memory_space<vmem>>[vector<16xi32>, vector<16xi32>], vector<16xf32>,
        %get3A_104 = arith.index_cast %add3A_91 : i32 to index
        %get3A_105 = arith.constant 48 : index
        %get3A_106 = tpu.vector_load %arg9[%get3A_104, %get3A_105] {strides = array<i32>} : memref<128x128xf32, #tpu.memory_space<vmem>>, vector<16xf32>,
        tpu.vector_store_idx %arg10[%get3A_94, %add3A_18], %get3A_106 {add = true} : memref<328x128xf32, #tpu.memory_space<vmem>>[vector<16xi32>, vector<16xi32>], vector<16xf32>,
        %get3A_107 = arith.index_cast %add3A_91 : i32 to index
        %get3A_108 = arith.constant 64 : index
        %get3A_109 = tpu.vector_load %arg9[%get3A_107, %get3A_108] {strides = array<i32>} : memref<128x128xf32, #tpu.memory_space<vmem>>, vector<16xf32>,
        tpu.vector_store_idx %arg10[%get3A_94, %add3A_21], %get3A_109 {add = true} : memref<328x128xf32, #tpu.memory_space<vmem>>[vector<16xi32>, vector<16xi32>], vector<16xf32>,
        %get3A_110 = arith.index_cast %add3A_91 : i32 to index
        %get3A_111 = arith.constant 80 : index
        %get3A_112 = tpu.vector_load %arg9[%get3A_110, %get3A_111] {strides = array<i32>} : memref<128x128xf32, #tpu.memory_space<vmem>>, vector<16xf32>,
        tpu.vector_store_idx %arg10[%get3A_94, %add3A_24], %get3A_112 {add = true} : memref<328x128xf32, #tpu.memory_space<vmem>>[vector<16xi32>, vector<16xi32>], vector<16xf32>,
        %get3A_113 = arith.index_cast %add3A_91 : i32 to index
        %get3A_114 = arith.constant 96 : index
        %get3A_115 = tpu.vector_load %arg9[%get3A_113, %get3A_114] {strides = array<i32>} : memref<128x128xf32, #tpu.memory_space<vmem>>, vector<16xf32>,
        tpu.vector_store_idx %arg10[%get3A_94, %add3A_27], %get3A_115 {add = true} : memref<328x128xf32, #tpu.memory_space<vmem>>[vector<16xi32>, vector<16xi32>], vector<16xf32>,
        %get3A_116 = arith.index_cast %add3A_91 : i32 to index
        %get3A_117 = arith.constant 112 : index
        %get3A_118 = tpu.vector_load %arg9[%get3A_116, %get3A_117] {strides = array<i32>} : memref<128x128xf32, #tpu.memory_space<vmem>>, vector<16xf32>,
        tpu.vector_store_idx %arg10[%get3A_94, %add3A_30], %get3A_118 {add = true} : memref<328x128xf32, #tpu.memory_space<vmem>>[vector<16xi32>, vector<16xi32>], vector<16xf32>,
        %mul3A_119 = arith.constant 4 : i32
        %mul3A_120 = arith.muli %scan3A_87, %mul3A_119 : i32
        %add3A_121 = arith.constant 1 : i32
        %add3A_122 = arith.addi %mul3A_120, %add3A_121 : i32
        %mul3A_123 = arith.constant 16 : i32
        %mul3A_124 = arith.muli %add3A_122, %mul3A_123 : i32
        %get3A_125 = arith.index_cast %mul3A_124 : i32 to index
        %get3A_126 = tpu.vector_load %arg7[%get3A_125] {strides = array<i32>} : memref<2048xi32, #tpu.memory_space<vmem>>, vector<16xi32>,
        %get3A_127 = arith.index_cast %add3A_122 : i32 to index
        %get3A_128 = arith.constant 0 : index
        %get3A_129 = tpu.vector_load %arg9[%get3A_127, %get3A_128] {strides = array<i32>} : memref<128x128xf32, #tpu.memory_space<vmem>>, vector<16xf32>,
        tpu.vector_store_idx %arg10[%get3A_126, %add3A_9], %get3A_129 {add = true} : memref<328x128xf32, #tpu.memory_space<vmem>>[vector<16xi32>, vector<16xi32>], vector<16xf32>,
        %get3A_130 = arith.index_cast %add3A_122 : i32 to index
        %get3A_131 = arith.constant 16 : index
        %get3A_132 = tpu.vector_load %arg9[%get3A_130, %get3A_131] {strides = array<i32>} : memref<128x128xf32, #tpu.memory_space<vmem>>, vector<16xf32>,
        tpu.vector_store_idx %arg10[%get3A_126, %add3A_12], %get3A_132 {add = true} : memref<328x128xf32, #tpu.memory_space<vmem>>[vector<16xi32>, vector<16xi32>], vector<16xf32>,
        %get3A_133 = arith.index_cast %add3A_122 : i32 to index
        %get3A_134 = arith.constant 32 : index
        %get3A_135 = tpu.vector_load %arg9[%get3A_133, %get3A_134] {strides = array<i32>} : memref<128x128xf32, #tpu.memory_space<vmem>>, vector<16xf32>,
        tpu.vector_store_idx %arg10[%get3A_126, %add3A_15], %get3A_135 {add = true} : memref<328x128xf32, #tpu.memory_space<vmem>>[vector<16xi32>, vector<16xi32>], vector<16xf32>,
        %get3A_136 = arith.index_cast %add3A_122 : i32 to index
        %get3A_137 = arith.constant 48 : index
        %get3A_138 = tpu.vector_load %arg9[%get3A_136, %get3A_137] {strides = array<i32>} : memref<128x128xf32, #tpu.memory_space<vmem>>, vector<16xf32>,
        tpu.vector_store_idx %arg10[%get3A_126, %add3A_18], %get3A_138 {add = true} : memref<328x128xf32, #tpu.memory_space<vmem>>[vector<16xi32>, vector<16xi32>], vector<16xf32>,
        %get3A_139 = arith.index_cast %add3A_122 : i32 to index
        %get3A_140 = arith.constant 64 : index
        %get3A_141 = tpu.vector_load %arg9[%get3A_139, %get3A_140] {strides = array<i32>} : memref<128x128xf32, #tpu.memory_space<vmem>>, vector<16xf32>,
        tpu.vector_store_idx %arg10[%get3A_126, %add3A_21], %get3A_141 {add = true} : memref<328x128xf32, #tpu.memory_space<vmem>>[vector<16xi32>, vector<16xi32>], vector<16xf32>,
        %get3A_142 = arith.index_cast %add3A_122 : i32 to index
        %get3A_143 = arith.constant 80 : index
        %get3A_144 = tpu.vector_load %arg9[%get3A_142, %get3A_143] {strides = array<i32>} : memref<128x128xf32, #tpu.memory_space<vmem>>, vector<16xf32>,
        tpu.vector_store_idx %arg10[%get3A_126, %add3A_24], %get3A_144 {add = true} : memref<328x128xf32, #tpu.memory_space<vmem>>[vector<16xi32>, vector<16xi32>], vector<16xf32>,
        %get3A_145 = arith.index_cast %add3A_122 : i32 to index
        %get3A_146 = arith.constant 96 : index
        %get3A_147 = tpu.vector_load %arg9[%get3A_145, %get3A_146] {strides = array<i32>} : memref<128x128xf32, #tpu.memory_space<vmem>>, vector<16xf32>,
        tpu.vector_store_idx %arg10[%get3A_126, %add3A_27], %get3A_147 {add = true} : memref<328x128xf32, #tpu.memory_space<vmem>>[vector<16xi32>, vector<16xi32>], vector<16xf32>,
        %get3A_148 = arith.index_cast %add3A_122 : i32 to index
        %get3A_149 = arith.constant 112 : index
        %get3A_150 = tpu.vector_load %arg9[%get3A_148, %get3A_149] {strides = array<i32>} : memref<128x128xf32, #tpu.memory_space<vmem>>, vector<16xf32>,
        tpu.vector_store_idx %arg10[%get3A_126, %add3A_30], %get3A_150 {add = true} : memref<328x128xf32, #tpu.memory_space<vmem>>[vector<16xi32>, vector<16xi32>], vector<16xf32>,
        %mul3A_151 = arith.constant 4 : i32
        %mul3A_152 = arith.muli %scan3A_87, %mul3A_151 : i32
        %add3A_153 = arith.constant 2 : i32
        %add3A_154 = arith.addi %mul3A_152, %add3A_153 : i32
        %mul3A_155 = arith.constant 16 : i32
        %mul3A_156 = arith.muli %add3A_154, %mul3A_155 : i32
        %get3A_157 = arith.index_cast %mul3A_156 : i32 to index
        %get3A_158 = tpu.vector_load %arg7[%get3A_157] {strides = array<i32>} : memref<2048xi32, #tpu.memory_space<vmem>>, vector<16xi32>,
        %get3A_159 = arith.index_cast %add3A_154 : i32 to index
        %get3A_160 = arith.constant 0 : index
        %get3A_161 = tpu.vector_load %arg9[%get3A_159, %get3A_160] {strides = array<i32>} : memref<128x128xf32, #tpu.memory_space<vmem>>, vector<16xf32>,
        tpu.vector_store_idx %arg10[%get3A_158, %add3A_9], %get3A_161 {add = true} : memref<328x128xf32, #tpu.memory_space<vmem>>[vector<16xi32>, vector<16xi32>], vector<16xf32>,
        %get3A_162 = arith.index_cast %add3A_154 : i32 to index
        %get3A_163 = arith.constant 16 : index
        %get3A_164 = tpu.vector_load %arg9[%get3A_162, %get3A_163] {strides = array<i32>} : memref<128x128xf32, #tpu.memory_space<vmem>>, vector<16xf32>,
        tpu.vector_store_idx %arg10[%get3A_158, %add3A_12], %get3A_164 {add = true} : memref<328x128xf32, #tpu.memory_space<vmem>>[vector<16xi32>, vector<16xi32>], vector<16xf32>,
        %get3A_165 = arith.index_cast %add3A_154 : i32 to index
        %get3A_166 = arith.constant 32 : index
        %get3A_167 = tpu.vector_load %arg9[%get3A_165, %get3A_166] {strides = array<i32>} : memref<128x128xf32, #tpu.memory_space<vmem>>, vector<16xf32>,
        tpu.vector_store_idx %arg10[%get3A_158, %add3A_15], %get3A_167 {add = true} : memref<328x128xf32, #tpu.memory_space<vmem>>[vector<16xi32>, vector<16xi32>], vector<16xf32>,
        %get3A_168 = arith.index_cast %add3A_154 : i32 to index
        %get3A_169 = arith.constant 48 : index
        %get3A_170 = tpu.vector_load %arg9[%get3A_168, %get3A_169] {strides = array<i32>} : memref<128x128xf32, #tpu.memory_space<vmem>>, vector<16xf32>,
        tpu.vector_store_idx %arg10[%get3A_158, %add3A_18], %get3A_170 {add = true} : memref<328x128xf32, #tpu.memory_space<vmem>>[vector<16xi32>, vector<16xi32>], vector<16xf32>,
        %get3A_171 = arith.index_cast %add3A_154 : i32 to index
        %get3A_172 = arith.constant 64 : index
        %get3A_173 = tpu.vector_load %arg9[%get3A_171, %get3A_172] {strides = array<i32>} : memref<128x128xf32, #tpu.memory_space<vmem>>, vector<16xf32>,
        tpu.vector_store_idx %arg10[%get3A_158, %add3A_21], %get3A_173 {add = true} : memref<328x128xf32, #tpu.memory_space<vmem>>[vector<16xi32>, vector<16xi32>], vector<16xf32>,
        %get3A_174 = arith.index_cast %add3A_154 : i32 to index
        %get3A_175 = arith.constant 80 : index
        %get3A_176 = tpu.vector_load %arg9[%get3A_174, %get3A_175] {strides = array<i32>} : memref<128x128xf32, #tpu.memory_space<vmem>>, vector<16xf32>,
        tpu.vector_store_idx %arg10[%get3A_158, %add3A_24], %get3A_176 {add = true} : memref<328x128xf32, #tpu.memory_space<vmem>>[vector<16xi32>, vector<16xi32>], vector<16xf32>,
        %get3A_177 = arith.index_cast %add3A_154 : i32 to index
        %get3A_178 = arith.constant 96 : index
        %get3A_179 = tpu.vector_load %arg9[%get3A_177, %get3A_178] {strides = array<i32>} : memref<128x128xf32, #tpu.memory_space<vmem>>, vector<16xf32>,
        tpu.vector_store_idx %arg10[%get3A_158, %add3A_27], %get3A_179 {add = true} : memref<328x128xf32, #tpu.memory_space<vmem>>[vector<16xi32>, vector<16xi32>], vector<16xf32>,
        %get3A_180 = arith.index_cast %add3A_154 : i32 to index
        %get3A_181 = arith.constant 112 : index
        %get3A_182 = tpu.vector_load %arg9[%get3A_180, %get3A_181] {strides = array<i32>} : memref<128x128xf32, #tpu.memory_space<vmem>>, vector<16xf32>,
        tpu.vector_store_idx %arg10[%get3A_158, %add3A_30], %get3A_182 {add = true} : memref<328x128xf32, #tpu.memory_space<vmem>>[vector<16xi32>, vector<16xi32>], vector<16xf32>,
        %mul3A_183 = arith.constant 4 : i32
        %mul3A_184 = arith.muli %scan3A_87, %mul3A_183 : i32
        %add3A_185 = arith.constant 3 : i32
        %add3A_186 = arith.addi %mul3A_184, %add3A_185 : i32
        %mul3A_187 = arith.constant 16 : i32
        %mul3A_188 = arith.muli %add3A_186, %mul3A_187 : i32
        %get3A_189 = arith.index_cast %mul3A_188 : i32 to index
        %get3A_190 = tpu.vector_load %arg7[%get3A_189] {strides = array<i32>} : memref<2048xi32, #tpu.memory_space<vmem>>, vector<16xi32>,
        %get3A_191 = arith.index_cast %add3A_186 : i32 to index
        %get3A_192 = arith.constant 0 : index
        %get3A_193 = tpu.vector_load %arg9[%get3A_191, %get3A_192] {strides = array<i32>} : memref<128x128xf32, #tpu.memory_space<vmem>>, vector<16xf32>,
        tpu.vector_store_idx %arg10[%get3A_190, %add3A_9], %get3A_193 {add = true} : memref<328x128xf32, #tpu.memory_space<vmem>>[vector<16xi32>, vector<16xi32>], vector<16xf32>,
        %get3A_194 = arith.index_cast %add3A_186 : i32 to index
        %get3A_195 = arith.constant 16 : index
        %get3A_196 = tpu.vector_load %arg9[%get3A_194, %get3A_195] {strides = array<i32>} : memref<128x128xf32, #tpu.memory_space<vmem>>, vector<16xf32>,
        tpu.vector_store_idx %arg10[%get3A_190, %add3A_12], %get3A_196 {add = true} : memref<328x128xf32, #tpu.memory_space<vmem>>[vector<16xi32>, vector<16xi32>], vector<16xf32>,
        %get3A_197 = arith.index_cast %add3A_186 : i32 to index
        %get3A_198 = arith.constant 32 : index
        %get3A_199 = tpu.vector_load %arg9[%get3A_197, %get3A_198] {strides = array<i32>} : memref<128x128xf32, #tpu.memory_space<vmem>>, vector<16xf32>,
        tpu.vector_store_idx %arg10[%get3A_190, %add3A_15], %get3A_199 {add = true} : memref<328x128xf32, #tpu.memory_space<vmem>>[vector<16xi32>, vector<16xi32>], vector<16xf32>,
        %get3A_200 = arith.index_cast %add3A_186 : i32 to index
        %get3A_201 = arith.constant 48 : index
        %get3A_202 = tpu.vector_load %arg9[%get3A_200, %get3A_201] {strides = array<i32>} : memref<128x128xf32, #tpu.memory_space<vmem>>, vector<16xf32>,
        tpu.vector_store_idx %arg10[%get3A_190, %add3A_18], %get3A_202 {add = true} : memref<328x128xf32, #tpu.memory_space<vmem>>[vector<16xi32>, vector<16xi32>], vector<16xf32>,
        %get3A_203 = arith.index_cast %add3A_186 : i32 to index
        %get3A_204 = arith.constant 64 : index
        %get3A_205 = tpu.vector_load %arg9[%get3A_203, %get3A_204] {strides = array<i32>} : memref<128x128xf32, #tpu.memory_space<vmem>>, vector<16xf32>,
        tpu.vector_store_idx %arg10[%get3A_190, %add3A_21], %get3A_205 {add = true} : memref<328x128xf32, #tpu.memory_space<vmem>>[vector<16xi32>, vector<16xi32>], vector<16xf32>,
        %get3A_206 = arith.index_cast %add3A_186 : i32 to index
        %get3A_207 = arith.constant 80 : index
        %get3A_208 = tpu.vector_load %arg9[%get3A_206, %get3A_207] {strides = array<i32>} : memref<128x128xf32, #tpu.memory_space<vmem>>, vector<16xf32>,
        tpu.vector_store_idx %arg10[%get3A_190, %add3A_24], %get3A_208 {add = true} : memref<328x128xf32, #tpu.memory_space<vmem>>[vector<16xi32>, vector<16xi32>], vector<16xf32>,
        %get3A_209 = arith.index_cast %add3A_186 : i32 to index
        %get3A_210 = arith.constant 96 : index
        %get3A_211 = tpu.vector_load %arg9[%get3A_209, %get3A_210] {strides = array<i32>} : memref<128x128xf32, #tpu.memory_space<vmem>>, vector<16xf32>,
        tpu.vector_store_idx %arg10[%get3A_190, %add3A_27], %get3A_211 {add = true} : memref<328x128xf32, #tpu.memory_space<vmem>>[vector<16xi32>, vector<16xi32>], vector<16xf32>,
        %get3A_212 = arith.index_cast %add3A_186 : i32 to index
        %get3A_213 = arith.constant 112 : index
        %get3A_214 = tpu.vector_load %arg9[%get3A_212, %get3A_213] {strides = array<i32>} : memref<128x128xf32, #tpu.memory_space<vmem>>, vector<16xf32>,
        tpu.vector_store_idx %arg10[%get3A_190, %add3A_30], %get3A_214 {add = true} : memref<328x128xf32, #tpu.memory_space<vmem>>[vector<16xi32>, vector<16xi32>], vector<16xf32>,
      }
      %scan3A_86 = arith.constant 32 : i32
    }
    %scan3A_40 = arith.constant 56 : i32
    %mul3A_41 = arith.constant 320 : i32
    %mul3A_42 = arith.muli %add3A, %mul3A_41 : i32
    "tpu.region"() ({
      %run_scoped3A = tpu.sem_alloc : memref<!tpu.dma_semaphore, #tpu.memory_space<semaphore_mem>>
      %dma_start3A_43 = arith.constant 0 : i32
      %dma_start3A_44 = arith.constant 0 : i32
      %dma_start3A_45 = tpu.memref_slice %arg10[%dma_start3A_43, %dma_start3A_44] : memref<328x128xf32, #tpu.memory_space<vmem>> -> memref<320x128xf32, #tpu.memory_space<vmem>>
      %dma_start3A_46 = arith.constant 0 : i32
      %dma_start3A_47 = tpu.memref_slice %arg5[%mul3A_42, %dma_start3A_46] : memref<10240x128xf32, #tpu.memory_space<hbm>> -> memref<320x128xf32, #tpu.memory_space<hbm>>
      %dma_start3A_48 = arith.constant 0 : i32
      %dma_start3A_49 = tpu.memref_slice %arg5[%mul3A_42, %dma_start3A_48] : memref<10240x128xf32, #tpu.memory_space<hbm>> -> memref<320x128xf32, #tpu.memory_space<hbm>>
      %dma_start3A_50 = arith.constant 0 : i32
      %dma_start3A_51 = arith.constant 0 : i32
      %dma_start3A_52 = tpu.memref_slice %arg10[%dma_start3A_50, %dma_start3A_51] : memref<328x128xf32, #tpu.memory_space<vmem>> -> memref<320x128xf32, #tpu.memory_space<vmem>>
      tpu.enqueue_dma source(%dma_start3A_52 : memref<320x128xf32, #tpu.memory_space<vmem>>) target(%dma_start3A_49 : memref<320x128xf32, #tpu.memory_space<hbm>>) target_semaphore(%run_scoped3A : memref<!tpu.dma_semaphore, #tpu.memory_space<semaphore_mem>>)
      %dma_wait3A = arith.constant 0 : i32
      %dma_wait3A_53 = arith.constant 0 : i32
      %dma_wait3A_54 = tpu.memref_slice %arg10[%dma_wait3A, %dma_wait3A_53] : memref<328x128xf32, #tpu.memory_space<vmem>> -> memref<320x128xf32, #tpu.memory_space<vmem>>
      %dma_wait3A_55 = arith.constant 0 : i32
      %dma_wait3A_56 = tpu.memref_slice %arg5[%mul3A_42, %dma_wait3A_55] : memref<10240x128xf32, #tpu.memory_space<hbm>> -> memref<320x128xf32, #tpu.memory_space<hbm>>
      %dma_wait3A_57 = arith.constant 0 : i32
      %dma_wait3A_58 = tpu.memref_slice %arg5[%mul3A_42, %dma_wait3A_57] : memref<10240x128xf32, #tpu.memory_space<hbm>> -> memref<320x128xf32, #tpu.memory_space<hbm>>
      %dma_wait3A_59 = arith.constant 0 : i32
      %dma_wait3A_60 = arith.constant 0 : i32
      %dma_wait3A_61 = tpu.memref_slice %arg10[%dma_wait3A_59, %dma_wait3A_60] : memref<328x128xf32, #tpu.memory_space<vmem>> -> memref<320x128xf32, #tpu.memory_space<vmem>>
      tpu.wait_dma2 semaphore(%run_scoped3A : memref<!tpu.dma_semaphore, #tpu.memory_space<semaphore_mem>>) src(%dma_wait3A_61 : memref<320x128xf32, #tpu.memory_space<vmem>>) dst(%dma_wait3A_58 : memref<320x128xf32, #tpu.memory_space<hbm>>)
      tpu.yield
    }) : () -> ()
    return
  }
}

#map = affine_map<(d0, d1) -> (0, 0)>
module attributes {stable_mosaic.version = 14 : i64} {
  func.func @seg(%arg0: i32, %arg1: i32, %arg2: memref<10000x128xf32, #tpu.memory_space<hbm>>, %arg3: memref<32x14336xi32, #tpu.memory_space<hbm>>, %arg4: memref<32x229376xi32, #tpu.memory_space<hbm>>, %arg5: memref<10240x128xf32, #tpu.memory_space<hbm>>, %arg6: memref<14336xi32, #tpu.memory_space<vmem>>, %arg7: memref<2048xi32, #tpu.memory_space<vmem>>, %arg8: memref<128x128xf32, #tpu.memory_space<vmem>>, %arg9: memref<128x128xf32, #tpu.memory_space<vmem>>, %arg10: memref<328x128xf32, #tpu.memory_space<vmem>>, %arg11: memref<!tpu.dma_semaphore, #tpu.memory_space<semaphore_mem>>, %arg12: memref<!tpu.dma_semaphore, #tpu.memory_space<semaphore_mem>>) attributes {dimension_semantics = [#tpu.dimension_semantics<core_parallel>, #tpu.dimension_semantics<subcore_parallel>], iteration_bounds = array<i64: 2, 16>, scalar_prefetch = 0 : i64, scratch_operands = 7 : i64, tpu.core_type = #tpu.core_type<sc_vector_subcore>, window_params = [{transform_indices = #map}, {transform_indices = #map}, {transform_indices = #map}, {transform_indices = #map}]} {
    %mul3A = arith.constant 2 : i32
    %mul3A_0 = arith.muli %arg1, %mul3A : i32
    %add3A = arith.addi %mul3A_0, %arg0 : i32
    %broadcast_in_dim3A = arith.constant 0.000000e+00 : f32
    %broadcast_in_dim3A_1 = vector.broadcast %broadcast_in_dim3A : f32 to vector<16xf32>
    %scan3A = arith.constant 0 : i32
    %scan3A_2 = arith.constant 0 : i32
    %scan3A_3 = arith.constant 328 : i32
    %scan3A_4 = arith.addi %scan3A_2, %scan3A_3 : i32
    %scan3A_5 = arith.constant 1 : i32
    scf.for %scan3A_43 = %scan3A_2 to %scan3A_4 step %scan3A_5  : i32 {
      %swap3A = arith.index_cast %scan3A_43 : i32 to index
      %swap3A_44 = arith.constant 0 : index
      %swap3A_45 = tpu.vector_load %arg10[%swap3A, %swap3A_44] {strides = array<i32>} : memref<328x128xf32, #tpu.memory_space<vmem>>, vector<16xf32>,
      tpu.vector_store %arg10[%swap3A, %swap3A_44], %broadcast_in_dim3A_1 {strides = array<i32>} : memref<328x128xf32, #tpu.memory_space<vmem>>, vector<16xf32>,
      %swap3A_46 = arith.index_cast %scan3A_43 : i32 to index
      %swap3A_47 = arith.constant 16 : index
      %swap3A_48 = tpu.vector_load %arg10[%swap3A_46, %swap3A_47] {strides = array<i32>} : memref<328x128xf32, #tpu.memory_space<vmem>>, vector<16xf32>,
      tpu.vector_store %arg10[%swap3A_46, %swap3A_47], %broadcast_in_dim3A_1 {strides = array<i32>} : memref<328x128xf32, #tpu.memory_space<vmem>>, vector<16xf32>,
      %swap3A_49 = arith.index_cast %scan3A_43 : i32 to index
      %swap3A_50 = arith.constant 32 : index
      %swap3A_51 = tpu.vector_load %arg10[%swap3A_49, %swap3A_50] {strides = array<i32>} : memref<328x128xf32, #tpu.memory_space<vmem>>, vector<16xf32>,
      tpu.vector_store %arg10[%swap3A_49, %swap3A_50], %broadcast_in_dim3A_1 {strides = array<i32>} : memref<328x128xf32, #tpu.memory_space<vmem>>, vector<16xf32>,
      %swap3A_52 = arith.index_cast %scan3A_43 : i32 to index
      %swap3A_53 = arith.constant 48 : index
      %swap3A_54 = tpu.vector_load %arg10[%swap3A_52, %swap3A_53] {strides = array<i32>} : memref<328x128xf32, #tpu.memory_space<vmem>>, vector<16xf32>,
      tpu.vector_store %arg10[%swap3A_52, %swap3A_53], %broadcast_in_dim3A_1 {strides = array<i32>} : memref<328x128xf32, #tpu.memory_space<vmem>>, vector<16xf32>,
      %swap3A_55 = arith.index_cast %scan3A_43 : i32 to index
      %swap3A_56 = arith.constant 64 : index
      %swap3A_57 = tpu.vector_load %arg10[%swap3A_55, %swap3A_56] {strides = array<i32>} : memref<328x128xf32, #tpu.memory_space<vmem>>, vector<16xf32>,
      tpu.vector_store %arg10[%swap3A_55, %swap3A_56], %broadcast_in_dim3A_1 {strides = array<i32>} : memref<328x128xf32, #tpu.memory_space<vmem>>, vector<16xf32>,
      %swap3A_58 = arith.index_cast %scan3A_43 : i32 to index
      %swap3A_59 = arith.constant 80 : index
      %swap3A_60 = tpu.vector_load %arg10[%swap3A_58, %swap3A_59] {strides = array<i32>} : memref<328x128xf32, #tpu.memory_space<vmem>>, vector<16xf32>,
      tpu.vector_store %arg10[%swap3A_58, %swap3A_59], %broadcast_in_dim3A_1 {strides = array<i32>} : memref<328x128xf32, #tpu.memory_space<vmem>>, vector<16xf32>,
      %swap3A_61 = arith.index_cast %scan3A_43 : i32 to index
      %swap3A_62 = arith.constant 96 : index
      %swap3A_63 = tpu.vector_load %arg10[%swap3A_61, %swap3A_62] {strides = array<i32>} : memref<328x128xf32, #tpu.memory_space<vmem>>, vector<16xf32>,
      tpu.vector_store %arg10[%swap3A_61, %swap3A_62], %broadcast_in_dim3A_1 {strides = array<i32>} : memref<328x128xf32, #tpu.memory_space<vmem>>, vector<16xf32>,
      %swap3A_64 = arith.index_cast %scan3A_43 : i32 to index
      %swap3A_65 = arith.constant 112 : index
      %swap3A_66 = tpu.vector_load %arg10[%swap3A_64, %swap3A_65] {strides = array<i32>} : memref<328x128xf32, #tpu.memory_space<vmem>>, vector<16xf32>,
      tpu.vector_store %arg10[%swap3A_64, %swap3A_65], %broadcast_in_dim3A_1 {strides = array<i32>} : memref<328x128xf32, #tpu.memory_space<vmem>>, vector<16xf32>,
    }
    %scan3A_6 = arith.constant 328 : i32
    "tpu.region"() ({
      %run_scoped3A = tpu.sem_alloc : memref<!tpu.dma_semaphore, #tpu.memory_space<semaphore_mem>>
      %dma_start3A_43 = arith.constant 0 : i32
      %dma_start3A_44 = tpu.memref_slice %arg3[%add3A, %dma_start3A_43] : memref<32x14336xi32, #tpu.memory_space<hbm>> -> memref<1x14336xi32, #tpu.memory_space<hbm>>
      %dma_start3A_45 = tpu.memref_squeeze %dma_start3A_44 : memref<1x14336xi32, #tpu.memory_space<hbm>> -> memref<14336xi32, #tpu.memory_space<hbm>>
      %dma_start3A_46 = arith.constant 0 : i32
      %dma_start3A_47 = tpu.memref_slice %arg3[%add3A, %dma_start3A_46] : memref<32x14336xi32, #tpu.memory_space<hbm>> -> memref<1x14336xi32, #tpu.memory_space<hbm>>
      %dma_start3A_48 = tpu.memref_squeeze %dma_start3A_47 : memref<1x14336xi32, #tpu.memory_space<hbm>> -> memref<14336xi32, #tpu.memory_space<hbm>>
      tpu.enqueue_dma source(%dma_start3A_48 : memref<14336xi32, #tpu.memory_space<hbm>>) target(%arg6 : memref<14336xi32, #tpu.memory_space<vmem>>) target_semaphore(%run_scoped3A : memref<!tpu.dma_semaphore, #tpu.memory_space<semaphore_mem>>)
      %dma_wait3A = arith.constant 0 : i32
      %dma_wait3A_49 = tpu.memref_slice %arg3[%add3A, %dma_wait3A] : memref<32x14336xi32, #tpu.memory_space<hbm>> -> memref<1x14336xi32, #tpu.memory_space<hbm>>
      %dma_wait3A_50 = tpu.memref_squeeze %dma_wait3A_49 : memref<1x14336xi32, #tpu.memory_space<hbm>> -> memref<14336xi32, #tpu.memory_space<hbm>>
      %dma_wait3A_51 = arith.constant 0 : i32
      %dma_wait3A_52 = tpu.memref_slice %arg3[%add3A, %dma_wait3A_51] : memref<32x14336xi32, #tpu.memory_space<hbm>> -> memref<1x14336xi32, #tpu.memory_space<hbm>>
      %dma_wait3A_53 = tpu.memref_squeeze %dma_wait3A_52 : memref<1x14336xi32, #tpu.memory_space<hbm>> -> memref<14336xi32, #tpu.memory_space<hbm>>
      tpu.wait_dma2 semaphore(%run_scoped3A : memref<!tpu.dma_semaphore, #tpu.memory_space<semaphore_mem>>) src(%dma_wait3A_53 : memref<14336xi32, #tpu.memory_space<hbm>>) dst(%arg6 : memref<14336xi32, #tpu.memory_space<vmem>>)
      tpu.yield
    }) : () -> ()
    %iota3A = tpu.iota {dimensions = array<i32: 0>} : vector<16xi32>
    %add3A_7 = arith.constant 0 : i32
    %add3A_8 = vector.broadcast %add3A_7 : i32 to vector<16xi32>
    %add3A_9 = arith.addi %add3A_8, %iota3A : vector<16xi32>
    %add3A_10 = arith.constant 16 : i32
    %add3A_11 = vector.broadcast %add3A_10 : i32 to vector<16xi32>
    %add3A_12 = arith.addi %add3A_11, %iota3A : vector<16xi32>
    %add3A_13 = arith.constant 32 : i32
    %add3A_14 = vector.broadcast %add3A_13 : i32 to vector<16xi32>
    %add3A_15 = arith.addi %add3A_14, %iota3A : vector<16xi32>
    %add3A_16 = arith.constant 48 : i32
    %add3A_17 = vector.broadcast %add3A_16 : i32 to vector<16xi32>
    %add3A_18 = arith.addi %add3A_17, %iota3A : vector<16xi32>
    %add3A_19 = arith.constant 64 : i32
    %add3A_20 = vector.broadcast %add3A_19 : i32 to vector<16xi32>
    %add3A_21 = arith.addi %add3A_20, %iota3A : vector<16xi32>
    %add3A_22 = arith.constant 80 : i32
    %add3A_23 = vector.broadcast %add3A_22 : i32 to vector<16xi32>
    %add3A_24 = arith.addi %add3A_23, %iota3A : vector<16xi32>
    %add3A_25 = arith.constant 96 : i32
    %add3A_26 = vector.broadcast %add3A_25 : i32 to vector<16xi32>
    %add3A_27 = arith.addi %add3A_26, %iota3A : vector<16xi32>
    %add3A_28 = arith.constant 112 : i32
    %add3A_29 = vector.broadcast %add3A_28 : i32 to vector<16xi32>
    %add3A_30 = arith.addi %add3A_29, %iota3A : vector<16xi32>
    %dma_start3A = arith.constant 0 : i32
    %dma_start3A_31 = tpu.memref_slice %arg6[%dma_start3A] : memref<14336xi32, #tpu.memory_space<vmem>> -> memref<128xi32, #tpu.memory_space<vmem>>
    %dma_start3A_32 = arith.constant 0 : i32
    %dma_start3A_33 = arith.constant 0 : i32
    %dma_start3A_34 = tpu.memref_slice %arg2[%dma_start3A_32, %dma_start3A_33] : memref<10000x128xf32, #tpu.memory_space<hbm>> -> memref<10000x128xf32, #tpu.memory_space<hbm>>
    tpu.enqueue_indirect_dma source(%dma_start3A_34 : memref<10000x128xf32, #tpu.memory_space<hbm>>) target(%arg8 : memref<128x128xf32, #tpu.memory_space<vmem>>) offsets(%dma_start3A_31 : memref<128xi32, #tpu.memory_space<vmem>>) semaphore(%arg11 : memref<!tpu.dma_semaphore, #tpu.memory_space<semaphore_mem>>)
    %scan3A_35 = arith.constant 0 : i32
    %scan3A_36 = arith.constant 0 : i32
    %scan3A_37 = arith.constant 56 : i32
    %scan3A_38 = arith.addi %scan3A_36, %scan3A_37 : i32
    %scan3A_39 = arith.constant 1 : i32
    scf.for %scan3A_43 = %scan3A_36 to %scan3A_38 step %scan3A_39  : i32 {
      %mul3A_44 = arith.constant 2 : i32
      %mul3A_45 = arith.muli %mul3A_44, %scan3A_43 : i32
      %mul3A_46 = arith.constant 2 : i32
      %mul3A_47 = arith.muli %mul3A_46, %scan3A_43 : i32
      %add3A_48 = arith.constant 1 : i32
      %add3A_49 = arith.addi %mul3A_47, %add3A_48 : i32
      %mul3A_50 = arith.constant 128 : i32
      %mul3A_51 = arith.muli %add3A_49, %mul3A_50 : i32
      %dma_start3A_52 = tpu.memref_slice %arg6[%mul3A_51] : memref<14336xi32, #tpu.memory_space<vmem>> -> memref<128xi32, #tpu.memory_space<vmem>>
      %dma_start3A_53 = arith.constant 0 : i32
      %dma_start3A_54 = arith.constant 0 : i32
      %dma_start3A_55 = tpu.memref_slice %arg2[%dma_start3A_53, %dma_start3A_54] : memref<10000x128xf32, #tpu.memory_space<hbm>> -> memref<10000x128xf32, #tpu.memory_space<hbm>>
      tpu.enqueue_indirect_dma source(%dma_start3A_55 : memref<10000x128xf32, #tpu.memory_space<hbm>>) target(%arg9 : memref<128x128xf32, #tpu.memory_space<vmem>>) offsets(%dma_start3A_52 : memref<128xi32, #tpu.memory_space<vmem>>) semaphore(%arg12 : memref<!tpu.dma_semaphore, #tpu.memory_space<semaphore_mem>>)
      %mul3A_56 = arith.constant 128 : i32
      %mul3A_57 = arith.muli %mul3A_45, %mul3A_56 : i32
      %dma_wait3A = tpu.memref_slice %arg6[%mul3A_57] : memref<14336xi32, #tpu.memory_space<vmem>> -> memref<128xi32, #tpu.memory_space<vmem>>
      %dma_wait3A_58 = arith.constant 0 : i32
      %dma_wait3A_59 = arith.constant 0 : i32
      %dma_wait3A_60 = tpu.memref_slice %arg2[%dma_wait3A_58, %dma_wait3A_59] : memref<10000x128xf32, #tpu.memory_space<hbm>> -> memref<10000x128xf32, #tpu.memory_space<hbm>>
      tpu.wait_indirect_dma semaphore(%arg11 : memref<!tpu.dma_semaphore, #tpu.memory_space<semaphore_mem>>) src(%dma_wait3A_60 : memref<10000x128xf32, #tpu.memory_space<hbm>>) dst(%arg8 : memref<128x128xf32, #tpu.memory_space<vmem>>)
      %mul3A_61 = arith.constant 2048 : i32
      %mul3A_62 = arith.muli %mul3A_45, %mul3A_61 : i32
      "tpu.region"() ({
        %run_scoped3A = tpu.sem_alloc : memref<!tpu.dma_semaphore, #tpu.memory_space<semaphore_mem>>
        %dma_start3A_87 = tpu.memref_slice %arg4[%add3A, %mul3A_62] : memref<32x229376xi32, #tpu.memory_space<hbm>> -> memref<1x2048xi32, #tpu.memory_space<hbm>>
        %dma_start3A_88 = tpu.memref_squeeze %dma_start3A_87 : memref<1x2048xi32, #tpu.memory_space<hbm>> -> memref<2048xi32, #tpu.memory_space<hbm>>
        %dma_start3A_89 = tpu.memref_slice %arg4[%add3A, %mul3A_62] : memref<32x229376xi32, #tpu.memory_space<hbm>> -> memref<1x2048xi32, #tpu.memory_space<hbm>>
        %dma_start3A_90 = tpu.memref_squeeze %dma_start3A_89 : memref<1x2048xi32, #tpu.memory_space<hbm>> -> memref<2048xi32, #tpu.memory_space<hbm>>
        tpu.enqueue_dma source(%dma_start3A_90 : memref<2048xi32, #tpu.memory_space<hbm>>) target(%arg7 : memref<2048xi32, #tpu.memory_space<vmem>>) target_semaphore(%run_scoped3A : memref<!tpu.dma_semaphore, #tpu.memory_space<semaphore_mem>>)
        %dma_wait3A_91 = tpu.memref_slice %arg4[%add3A, %mul3A_62] : memref<32x229376xi32, #tpu.memory_space<hbm>> -> memref<1x2048xi32, #tpu.memory_space<hbm>>
        %dma_wait3A_92 = tpu.memref_squeeze %dma_wait3A_91 : memref<1x2048xi32, #tpu.memory_space<hbm>> -> memref<2048xi32, #tpu.memory_space<hbm>>
        %dma_wait3A_93 = tpu.memref_slice %arg4[%add3A, %mul3A_62] : memref<32x229376xi32, #tpu.memory_space<hbm>> -> memref<1x2048xi32, #tpu.memory_space<hbm>>
        %dma_wait3A_94 = tpu.memref_squeeze %dma_wait3A_93 : memref<1x2048xi32, #tpu.memory_space<hbm>> -> memref<2048xi32, #tpu.memory_space<hbm>>
        tpu.wait_dma2 semaphore(%run_scoped3A : memref<!tpu.dma_semaphore, #tpu.memory_space<semaphore_mem>>) src(%dma_wait3A_94 : memref<2048xi32, #tpu.memory_space<hbm>>) dst(%arg7 : memref<2048xi32, #tpu.memory_space<vmem>>)
        tpu.yield
      }) : () -> ()
      %scan3A_63 = arith.constant 0 : i32
      %scan3A_64 = arith.constant 0 : i32
      %scan3A_65 = arith.constant 32 : i32
      %scan3A_66 = arith.addi %scan3A_64, %scan3A_65 : i32
      %scan3A_67 = arith.constant 1 : i32
      scf.for %scan3A_87 = %scan3A_64 to %scan3A_66 step %scan3A_67  : i32 {
        %mul3A_88 = arith.constant 4 : i32
        %mul3A_89 = arith.muli %scan3A_87, %mul3A_88 : i32
        %add3A_90 = arith.constant 0 : i32
        %add3A_91 = arith.addi %mul3A_89, %add3A_90 : i32
        %mul3A_92 = arith.constant 16 : i32
        %mul3A_93 = arith.muli %add3A_91, %mul3A_92 : i32
        %get3A = arith.index_cast %mul3A_93 : i32 to index
        %get3A_94 = tpu.vector_load %arg7[%get3A] {strides = array<i32>} : memref<2048xi32, #tpu.memory_space<vmem>>, vector<16xi32>,
        %get3A_95 = arith.index_cast %add3A_91 : i32 to index
        %get3A_96 = arith.constant 0 : index
        %get3A_97 = tpu.vector_load %arg8[%get3A_95, %get3A_96] {strides = array<i32>} : memref<128x128xf32, #tpu.memory_space<vmem>>, vector<16xf32>,
        tpu.vector_store_idx %arg10[%get3A_94, %add3A_9], %get3A_97 {add = true} : memref<328x128xf32, #tpu.memory_space<vmem>>[vector<16xi32>, vector<16xi32>], vector<16xf32>,
        %get3A_98 = arith.index_cast %add3A_91 : i32 to index
        %get3A_99 = arith.constant 16 : index
        %get3A_100 = tpu.vector_load %arg8[%get3A_98, %get3A_99] {strides = array<i32>} : memref<128x128xf32, #tpu.memory_space<vmem>>, vector<16xf32>,
        tpu.vector_store_idx %arg10[%get3A_94, %add3A_12], %get3A_100 {add = true} : memref<328x128xf32, #tpu.memory_space<vmem>>[vector<16xi32>, vector<16xi32>], vector<16xf32>,
        %get3A_101 = arith.index_cast %add3A_91 : i32 to index
        %get3A_102 = arith.constant 32 : index
        %get3A_103 = tpu.vector_load %arg8[%get3A_101, %get3A_102] {strides = array<i32>} : memref<128x128xf32, #tpu.memory_space<vmem>>, vector<16xf32>,
        tpu.vector_store_idx %arg10[%get3A_94, %add3A_15], %get3A_103 {add = true} : memref<328x128xf32, #tpu.memory_space<vmem>>[vector<16xi32>, vector<16xi32>], vector<16xf32>,
        %get3A_104 = arith.index_cast %add3A_91 : i32 to index
        %get3A_105 = arith.constant 48 : index
        %get3A_106 = tpu.vector_load %arg8[%get3A_104, %get3A_105] {strides = array<i32>} : memref<128x128xf32, #tpu.memory_space<vmem>>, vector<16xf32>,
        tpu.vector_store_idx %arg10[%get3A_94, %add3A_18], %get3A_106 {add = true} : memref<328x128xf32, #tpu.memory_space<vmem>>[vector<16xi32>, vector<16xi32>], vector<16xf32>,
        %get3A_107 = arith.index_cast %add3A_91 : i32 to index
        %get3A_108 = arith.constant 64 : index
        %get3A_109 = tpu.vector_load %arg8[%get3A_107, %get3A_108] {strides = array<i32>} : memref<128x128xf32, #tpu.memory_space<vmem>>, vector<16xf32>,
        tpu.vector_store_idx %arg10[%get3A_94, %add3A_21], %get3A_109 {add = true} : memref<328x128xf32, #tpu.memory_space<vmem>>[vector<16xi32>, vector<16xi32>], vector<16xf32>,
        %get3A_110 = arith.index_cast %add3A_91 : i32 to index
        %get3A_111 = arith.constant 80 : index
        %get3A_112 = tpu.vector_load %arg8[%get3A_110, %get3A_111] {strides = array<i32>} : memref<128x128xf32, #tpu.memory_space<vmem>>, vector<16xf32>,
        tpu.vector_store_idx %arg10[%get3A_94, %add3A_24], %get3A_112 {add = true} : memref<328x128xf32, #tpu.memory_space<vmem>>[vector<16xi32>, vector<16xi32>], vector<16xf32>,
        %get3A_113 = arith.index_cast %add3A_91 : i32 to index
        %get3A_114 = arith.constant 96 : index
        %get3A_115 = tpu.vector_load %arg8[%get3A_113, %get3A_114] {strides = array<i32>} : memref<128x128xf32, #tpu.memory_space<vmem>>, vector<16xf32>,
        tpu.vector_store_idx %arg10[%get3A_94, %add3A_27], %get3A_115 {add = true} : memref<328x128xf32, #tpu.memory_space<vmem>>[vector<16xi32>, vector<16xi32>], vector<16xf32>,
        %get3A_116 = arith.index_cast %add3A_91 : i32 to index
        %get3A_117 = arith.constant 112 : index
        %get3A_118 = tpu.vector_load %arg8[%get3A_116, %get3A_117] {strides = array<i32>} : memref<128x128xf32, #tpu.memory_space<vmem>>, vector<16xf32>,
        tpu.vector_store_idx %arg10[%get3A_94, %add3A_30], %get3A_118 {add = true} : memref<328x128xf32, #tpu.memory_space<vmem>>[vector<16xi32>, vector<16xi32>], vector<16xf32>,
        %mul3A_119 = arith.constant 4 : i32
        %mul3A_120 = arith.muli %scan3A_87, %mul3A_119 : i32
        %add3A_121 = arith.constant 1 : i32
        %add3A_122 = arith.addi %mul3A_120, %add3A_121 : i32
        %mul3A_123 = arith.constant 16 : i32
        %mul3A_124 = arith.muli %add3A_122, %mul3A_123 : i32
        %get3A_125 = arith.index_cast %mul3A_124 : i32 to index
        %get3A_126 = tpu.vector_load %arg7[%get3A_125] {strides = array<i32>} : memref<2048xi32, #tpu.memory_space<vmem>>, vector<16xi32>,
        %get3A_127 = arith.index_cast %add3A_122 : i32 to index
        %get3A_128 = arith.constant 0 : index
        %get3A_129 = tpu.vector_load %arg8[%get3A_127, %get3A_128] {strides = array<i32>} : memref<128x128xf32, #tpu.memory_space<vmem>>, vector<16xf32>,
        tpu.vector_store_idx %arg10[%get3A_126, %add3A_9], %get3A_129 {add = true} : memref<328x128xf32, #tpu.memory_space<vmem>>[vector<16xi32>, vector<16xi32>], vector<16xf32>,
        %get3A_130 = arith.index_cast %add3A_122 : i32 to index
        %get3A_131 = arith.constant 16 : index
        %get3A_132 = tpu.vector_load %arg8[%get3A_130, %get3A_131] {strides = array<i32>} : memref<128x128xf32, #tpu.memory_space<vmem>>, vector<16xf32>,
        tpu.vector_store_idx %arg10[%get3A_126, %add3A_12], %get3A_132 {add = true} : memref<328x128xf32, #tpu.memory_space<vmem>>[vector<16xi32>, vector<16xi32>], vector<16xf32>,
        %get3A_133 = arith.index_cast %add3A_122 : i32 to index
        %get3A_134 = arith.constant 32 : index
        %get3A_135 = tpu.vector_load %arg8[%get3A_133, %get3A_134] {strides = array<i32>} : memref<128x128xf32, #tpu.memory_space<vmem>>, vector<16xf32>,
        tpu.vector_store_idx %arg10[%get3A_126, %add3A_15], %get3A_135 {add = true} : memref<328x128xf32, #tpu.memory_space<vmem>>[vector<16xi32>, vector<16xi32>], vector<16xf32>,
        %get3A_136 = arith.index_cast %add3A_122 : i32 to index
        %get3A_137 = arith.constant 48 : index
        %get3A_138 = tpu.vector_load %arg8[%get3A_136, %get3A_137] {strides = array<i32>} : memref<128x128xf32, #tpu.memory_space<vmem>>, vector<16xf32>,
        tpu.vector_store_idx %arg10[%get3A_126, %add3A_18], %get3A_138 {add = true} : memref<328x128xf32, #tpu.memory_space<vmem>>[vector<16xi32>, vector<16xi32>], vector<16xf32>,
        %get3A_139 = arith.index_cast %add3A_122 : i32 to index
        %get3A_140 = arith.constant 64 : index
        %get3A_141 = tpu.vector_load %arg8[%get3A_139, %get3A_140] {strides = array<i32>} : memref<128x128xf32, #tpu.memory_space<vmem>>, vector<16xf32>,
        tpu.vector_store_idx %arg10[%get3A_126, %add3A_21], %get3A_141 {add = true} : memref<328x128xf32, #tpu.memory_space<vmem>>[vector<16xi32>, vector<16xi32>], vector<16xf32>,
        %get3A_142 = arith.index_cast %add3A_122 : i32 to index
        %get3A_143 = arith.constant 80 : index
        %get3A_144 = tpu.vector_load %arg8[%get3A_142, %get3A_143] {strides = array<i32>} : memref<128x128xf32, #tpu.memory_space<vmem>>, vector<16xf32>,
        tpu.vector_store_idx %arg10[%get3A_126, %add3A_24], %get3A_144 {add = true} : memref<328x128xf32, #tpu.memory_space<vmem>>[vector<16xi32>, vector<16xi32>], vector<16xf32>,
        %get3A_145 = arith.index_cast %add3A_122 : i32 to index
        %get3A_146 = arith.constant 96 : index
        %get3A_147 = tpu.vector_load %arg8[%get3A_145, %get3A_146] {strides = array<i32>} : memref<128x128xf32, #tpu.memory_space<vmem>>, vector<16xf32>,
        tpu.vector_store_idx %arg10[%get3A_126, %add3A_27], %get3A_147 {add = true} : memref<328x128xf32, #tpu.memory_space<vmem>>[vector<16xi32>, vector<16xi32>], vector<16xf32>,
        %get3A_148 = arith.index_cast %add3A_122 : i32 to index
        %get3A_149 = arith.constant 112 : index
        %get3A_150 = tpu.vector_load %arg8[%get3A_148, %get3A_149] {strides = array<i32>} : memref<128x128xf32, #tpu.memory_space<vmem>>, vector<16xf32>,
        tpu.vector_store_idx %arg10[%get3A_126, %add3A_30], %get3A_150 {add = true} : memref<328x128xf32, #tpu.memory_space<vmem>>[vector<16xi32>, vector<16xi32>], vector<16xf32>,
        %mul3A_151 = arith.constant 4 : i32
        %mul3A_152 = arith.muli %scan3A_87, %mul3A_151 : i32
        %add3A_153 = arith.constant 2 : i32
        %add3A_154 = arith.addi %mul3A_152, %add3A_153 : i32
        %mul3A_155 = arith.constant 16 : i32
        %mul3A_156 = arith.muli %add3A_154, %mul3A_155 : i32
        %get3A_157 = arith.index_cast %mul3A_156 : i32 to index
        %get3A_158 = tpu.vector_load %arg7[%get3A_157] {strides = array<i32>} : memref<2048xi32, #tpu.memory_space<vmem>>, vector<16xi32>,
        %get3A_159 = arith.index_cast %add3A_154 : i32 to index
        %get3A_160 = arith.constant 0 : index
        %get3A_161 = tpu.vector_load %arg8[%get3A_159, %get3A_160] {strides = array<i32>} : memref<128x128xf32, #tpu.memory_space<vmem>>, vector<16xf32>,
        tpu.vector_store_idx %arg10[%get3A_158, %add3A_9], %get3A_161 {add = true} : memref<328x128xf32, #tpu.memory_space<vmem>>[vector<16xi32>, vector<16xi32>], vector<16xf32>,
        %get3A_162 = arith.index_cast %add3A_154 : i32 to index
        %get3A_163 = arith.constant 16 : index
        %get3A_164 = tpu.vector_load %arg8[%get3A_162, %get3A_163] {strides = array<i32>} : memref<128x128xf32, #tpu.memory_space<vmem>>, vector<16xf32>,
        tpu.vector_store_idx %arg10[%get3A_158, %add3A_12], %get3A_164 {add = true} : memref<328x128xf32, #tpu.memory_space<vmem>>[vector<16xi32>, vector<16xi32>], vector<16xf32>,
        %get3A_165 = arith.index_cast %add3A_154 : i32 to index
        %get3A_166 = arith.constant 32 : index
        %get3A_167 = tpu.vector_load %arg8[%get3A_165, %get3A_166] {strides = array<i32>} : memref<128x128xf32, #tpu.memory_space<vmem>>, vector<16xf32>,
        tpu.vector_store_idx %arg10[%get3A_158, %add3A_15], %get3A_167 {add = true} : memref<328x128xf32, #tpu.memory_space<vmem>>[vector<16xi32>, vector<16xi32>], vector<16xf32>,
        %get3A_168 = arith.index_cast %add3A_154 : i32 to index
        %get3A_169 = arith.constant 48 : index
        %get3A_170 = tpu.vector_load %arg8[%get3A_168, %get3A_169] {strides = array<i32>} : memref<128x128xf32, #tpu.memory_space<vmem>>, vector<16xf32>,
        tpu.vector_store_idx %arg10[%get3A_158, %add3A_18], %get3A_170 {add = true} : memref<328x128xf32, #tpu.memory_space<vmem>>[vector<16xi32>, vector<16xi32>], vector<16xf32>,
        %get3A_171 = arith.index_cast %add3A_154 : i32 to index
        %get3A_172 = arith.constant 64 : index
        %get3A_173 = tpu.vector_load %arg8[%get3A_171, %get3A_172] {strides = array<i32>} : memref<128x128xf32, #tpu.memory_space<vmem>>, vector<16xf32>,
        tpu.vector_store_idx %arg10[%get3A_158, %add3A_21], %get3A_173 {add = true} : memref<328x128xf32, #tpu.memory_space<vmem>>[vector<16xi32>, vector<16xi32>], vector<16xf32>,
        %get3A_174 = arith.index_cast %add3A_154 : i32 to index
        %get3A_175 = arith.constant 80 : index
        %get3A_176 = tpu.vector_load %arg8[%get3A_174, %get3A_175] {strides = array<i32>} : memref<128x128xf32, #tpu.memory_space<vmem>>, vector<16xf32>,
        tpu.vector_store_idx %arg10[%get3A_158, %add3A_24], %get3A_176 {add = true} : memref<328x128xf32, #tpu.memory_space<vmem>>[vector<16xi32>, vector<16xi32>], vector<16xf32>,
        %get3A_177 = arith.index_cast %add3A_154 : i32 to index
        %get3A_178 = arith.constant 96 : index
        %get3A_179 = tpu.vector_load %arg8[%get3A_177, %get3A_178] {strides = array<i32>} : memref<128x128xf32, #tpu.memory_space<vmem>>, vector<16xf32>,
        tpu.vector_store_idx %arg10[%get3A_158, %add3A_27], %get3A_179 {add = true} : memref<328x128xf32, #tpu.memory_space<vmem>>[vector<16xi32>, vector<16xi32>], vector<16xf32>,
        %get3A_180 = arith.index_cast %add3A_154 : i32 to index
        %get3A_181 = arith.constant 112 : index
        %get3A_182 = tpu.vector_load %arg8[%get3A_180, %get3A_181] {strides = array<i32>} : memref<128x128xf32, #tpu.memory_space<vmem>>, vector<16xf32>,
        tpu.vector_store_idx %arg10[%get3A_158, %add3A_30], %get3A_182 {add = true} : memref<328x128xf32, #tpu.memory_space<vmem>>[vector<16xi32>, vector<16xi32>], vector<16xf32>,
        %mul3A_183 = arith.constant 4 : i32
        %mul3A_184 = arith.muli %scan3A_87, %mul3A_183 : i32
        %add3A_185 = arith.constant 3 : i32
        %add3A_186 = arith.addi %mul3A_184, %add3A_185 : i32
        %mul3A_187 = arith.constant 16 : i32
        %mul3A_188 = arith.muli %add3A_186, %mul3A_187 : i32
        %get3A_189 = arith.index_cast %mul3A_188 : i32 to index
        %get3A_190 = tpu.vector_load %arg7[%get3A_189] {strides = array<i32>} : memref<2048xi32, #tpu.memory_space<vmem>>, vector<16xi32>,
        %get3A_191 = arith.index_cast %add3A_186 : i32 to index
        %get3A_192 = arith.constant 0 : index
        %get3A_193 = tpu.vector_load %arg8[%get3A_191, %get3A_192] {strides = array<i32>} : memref<128x128xf32, #tpu.memory_space<vmem>>, vector<16xf32>,
        tpu.vector_store_idx %arg10[%get3A_190, %add3A_9], %get3A_193 {add = true} : memref<328x128xf32, #tpu.memory_space<vmem>>[vector<16xi32>, vector<16xi32>], vector<16xf32>,
        %get3A_194 = arith.index_cast %add3A_186 : i32 to index
        %get3A_195 = arith.constant 16 : index
        %get3A_196 = tpu.vector_load %arg8[%get3A_194, %get3A_195] {strides = array<i32>} : memref<128x128xf32, #tpu.memory_space<vmem>>, vector<16xf32>,
        tpu.vector_store_idx %arg10[%get3A_190, %add3A_12], %get3A_196 {add = true} : memref<328x128xf32, #tpu.memory_space<vmem>>[vector<16xi32>, vector<16xi32>], vector<16xf32>,
        %get3A_197 = arith.index_cast %add3A_186 : i32 to index
        %get3A_198 = arith.constant 32 : index
        %get3A_199 = tpu.vector_load %arg8[%get3A_197, %get3A_198] {strides = array<i32>} : memref<128x128xf32, #tpu.memory_space<vmem>>, vector<16xf32>,
        tpu.vector_store_idx %arg10[%get3A_190, %add3A_15], %get3A_199 {add = true} : memref<328x128xf32, #tpu.memory_space<vmem>>[vector<16xi32>, vector<16xi32>], vector<16xf32>,
        %get3A_200 = arith.index_cast %add3A_186 : i32 to index
        %get3A_201 = arith.constant 48 : index
        %get3A_202 = tpu.vector_load %arg8[%get3A_200, %get3A_201] {strides = array<i32>} : memref<128x128xf32, #tpu.memory_space<vmem>>, vector<16xf32>,
        tpu.vector_store_idx %arg10[%get3A_190, %add3A_18], %get3A_202 {add = true} : memref<328x128xf32, #tpu.memory_space<vmem>>[vector<16xi32>, vector<16xi32>], vector<16xf32>,
        %get3A_203 = arith.index_cast %add3A_186 : i32 to index
        %get3A_204 = arith.constant 64 : index
        %get3A_205 = tpu.vector_load %arg8[%get3A_203, %get3A_204] {strides = array<i32>} : memref<128x128xf32, #tpu.memory_space<vmem>>, vector<16xf32>,
        tpu.vector_store_idx %arg10[%get3A_190, %add3A_21], %get3A_205 {add = true} : memref<328x128xf32, #tpu.memory_space<vmem>>[vector<16xi32>, vector<16xi32>], vector<16xf32>,
        %get3A_206 = arith.index_cast %add3A_186 : i32 to index
        %get3A_207 = arith.constant 80 : index
        %get3A_208 = tpu.vector_load %arg8[%get3A_206, %get3A_207] {strides = array<i32>} : memref<128x128xf32, #tpu.memory_space<vmem>>, vector<16xf32>,
        tpu.vector_store_idx %arg10[%get3A_190, %add3A_24], %get3A_208 {add = true} : memref<328x128xf32, #tpu.memory_space<vmem>>[vector<16xi32>, vector<16xi32>], vector<16xf32>,
        %get3A_209 = arith.index_cast %add3A_186 : i32 to index
        %get3A_210 = arith.constant 96 : index
        %get3A_211 = tpu.vector_load %arg8[%get3A_209, %get3A_210] {strides = array<i32>} : memref<128x128xf32, #tpu.memory_space<vmem>>, vector<16xf32>,
        tpu.vector_store_idx %arg10[%get3A_190, %add3A_27], %get3A_211 {add = true} : memref<328x128xf32, #tpu.memory_space<vmem>>[vector<16xi32>, vector<16xi32>], vector<16xf32>,
        %get3A_212 = arith.index_cast %add3A_186 : i32 to index
        %get3A_213 = arith.constant 112 : index
        %get3A_214 = tpu.vector_load %arg8[%get3A_212, %get3A_213] {strides = array<i32>} : memref<128x128xf32, #tpu.memory_space<vmem>>, vector<16xf32>,
        tpu.vector_store_idx %arg10[%get3A_190, %add3A_30], %get3A_214 {add = true} : memref<328x128xf32, #tpu.memory_space<vmem>>[vector<16xi32>, vector<16xi32>], vector<16xf32>,
      }
      %scan3A_68 = arith.constant 32 : i32
      %add3A_69 = arith.constant 1 : i32
      %add3A_70 = arith.addi %add3A_49, %add3A_69 : i32
      %lt3A = arith.constant 112 : i32
      %lt3A_71 = arith.cmpi slt, %add3A_70, %lt3A : i32
      %convert_element_type3A = arith.extui %lt3A_71 : i1 to i32
      %cond3A = arith.constant 0 : i32
      %cond3A_72 = arith.cmpi ne, %convert_element_type3A, %cond3A : i32
      scf.if %cond3A_72 {
        %add3A_87 = arith.constant 1 : i32
        %add3A_88 = arith.addi %add3A_49, %add3A_87 : i32
        %mul3A_89 = arith.constant 128 : i32
        %mul3A_90 = arith.muli %add3A_88, %mul3A_89 : i32
        %dma_start3A_91 = tpu.memref_slice %arg6[%mul3A_90] : memref<14336xi32, #tpu.memory_space<vmem>> -> memref<128xi32, #tpu.memory_space<vmem>>
        %dma_start3A_92 = arith.constant 0 : i32
        %dma_start3A_93 = arith.constant 0 : i32
        %dma_start3A_94 = tpu.memref_slice %arg2[%dma_start3A_92, %dma_start3A_93] : memref<10000x128xf32, #tpu.memory_space<hbm>> -> memref<10000x128xf32, #tpu.memory_space<hbm>>
        tpu.enqueue_indirect_dma source(%dma_start3A_94 : memref<10000x128xf32, #tpu.memory_space<hbm>>) target(%arg8 : memref<128x128xf32, #tpu.memory_space<vmem>>) offsets(%dma_start3A_91 : memref<128xi32, #tpu.memory_space<vmem>>) semaphore(%arg11 : memref<!tpu.dma_semaphore, #tpu.memory_space<semaphore_mem>>)
      } else {
      }
      %mul3A_73 = arith.constant 128 : i32
      %mul3A_74 = arith.muli %add3A_49, %mul3A_73 : i32
      %dma_wait3A_75 = tpu.memref_slice %arg6[%mul3A_74] : memref<14336xi32, #tpu.memory_space<vmem>> -> memref<128xi32, #tpu.memory_space<vmem>>
      %dma_wait3A_76 = arith.constant 0 : i32
      %dma_wait3A_77 = arith.constant 0 : i32
      %dma_wait3A_78 = tpu.memref_slice %arg2[%dma_wait3A_76, %dma_wait3A_77] : memref<10000x128xf32, #tpu.memory_space<hbm>> -> memref<10000x128xf32, #tpu.memory_space<hbm>>
      tpu.wait_indirect_dma semaphore(%arg12 : memref<!tpu.dma_semaphore, #tpu.memory_space<semaphore_mem>>) src(%dma_wait3A_78 : memref<10000x128xf32, #tpu.memory_space<hbm>>) dst(%arg9 : memref<128x128xf32, #tpu.memory_space<vmem>>)
      %mul3A_79 = arith.constant 2048 : i32
      %mul3A_80 = arith.muli %add3A_49, %mul3A_79 : i32
      "tpu.region"() ({
        %run_scoped3A = tpu.sem_alloc : memref<!tpu.dma_semaphore, #tpu.memory_space<semaphore_mem>>
        %dma_start3A_87 = tpu.memref_slice %arg4[%add3A, %mul3A_80] : memref<32x229376xi32, #tpu.memory_space<hbm>> -> memref<1x2048xi32, #tpu.memory_space<hbm>>
        %dma_start3A_88 = tpu.memref_squeeze %dma_start3A_87 : memref<1x2048xi32, #tpu.memory_space<hbm>> -> memref<2048xi32, #tpu.memory_space<hbm>>
        %dma_start3A_89 = tpu.memref_slice %arg4[%add3A, %mul3A_80] : memref<32x229376xi32, #tpu.memory_space<hbm>> -> memref<1x2048xi32, #tpu.memory_space<hbm>>
        %dma_start3A_90 = tpu.memref_squeeze %dma_start3A_89 : memref<1x2048xi32, #tpu.memory_space<hbm>> -> memref<2048xi32, #tpu.memory_space<hbm>>
        tpu.enqueue_dma source(%dma_start3A_90 : memref<2048xi32, #tpu.memory_space<hbm>>) target(%arg7 : memref<2048xi32, #tpu.memory_space<vmem>>) target_semaphore(%run_scoped3A : memref<!tpu.dma_semaphore, #tpu.memory_space<semaphore_mem>>)
        %dma_wait3A_91 = tpu.memref_slice %arg4[%add3A, %mul3A_80] : memref<32x229376xi32, #tpu.memory_space<hbm>> -> memref<1x2048xi32, #tpu.memory_space<hbm>>
        %dma_wait3A_92 = tpu.memref_squeeze %dma_wait3A_91 : memref<1x2048xi32, #tpu.memory_space<hbm>> -> memref<2048xi32, #tpu.memory_space<hbm>>
        %dma_wait3A_93 = tpu.memref_slice %arg4[%add3A, %mul3A_80] : memref<32x229376xi32, #tpu.memory_space<hbm>> -> memref<1x2048xi32, #tpu.memory_space<hbm>>
        %dma_wait3A_94 = tpu.memref_squeeze %dma_wait3A_93 : memref<1x2048xi32, #tpu.memory_space<hbm>> -> memref<2048xi32, #tpu.memory_space<hbm>>
        tpu.wait_dma2 semaphore(%run_scoped3A : memref<!tpu.dma_semaphore, #tpu.memory_space<semaphore_mem>>) src(%dma_wait3A_94 : memref<2048xi32, #tpu.memory_space<hbm>>) dst(%arg7 : memref<2048xi32, #tpu.memory_space<vmem>>)
        tpu.yield
      }) : () -> ()
      %scan3A_81 = arith.constant 0 : i32
      %scan3A_82 = arith.constant 0 : i32
      %scan3A_83 = arith.constant 32 : i32
      %scan3A_84 = arith.addi %scan3A_82, %scan3A_83 : i32
      %scan3A_85 = arith.constant 1 : i32
      scf.for %scan3A_87 = %scan3A_82 to %scan3A_84 step %scan3A_85  : i32 {
        %mul3A_88 = arith.constant 4 : i32
        %mul3A_89 = arith.muli %scan3A_87, %mul3A_88 : i32
        %add3A_90 = arith.constant 0 : i32
        %add3A_91 = arith.addi %mul3A_89, %add3A_90 : i32
        %mul3A_92 = arith.constant 16 : i32
        %mul3A_93 = arith.muli %add3A_91, %mul3A_92 : i32
        %get3A = arith.index_cast %mul3A_93 : i32 to index
        %get3A_94 = tpu.vector_load %arg7[%get3A] {strides = array<i32>} : memref<2048xi32, #tpu.memory_space<vmem>>, vector<16xi32>,
        %get3A_95 = arith.index_cast %add3A_91 : i32 to index
        %get3A_96 = arith.constant 0 : index
        %get3A_97 = tpu.vector_load %arg9[%get3A_95, %get3A_96] {strides = array<i32>} : memref<128x128xf32, #tpu.memory_space<vmem>>, vector<16xf32>,
        tpu.vector_store_idx %arg10[%get3A_94, %add3A_9], %get3A_97 {add = true} : memref<328x128xf32, #tpu.memory_space<vmem>>[vector<16xi32>, vector<16xi32>], vector<16xf32>,
        %get3A_98 = arith.index_cast %add3A_91 : i32 to index
        %get3A_99 = arith.constant 16 : index
        %get3A_100 = tpu.vector_load %arg9[%get3A_98, %get3A_99] {strides = array<i32>} : memref<128x128xf32, #tpu.memory_space<vmem>>, vector<16xf32>,
        tpu.vector_store_idx %arg10[%get3A_94, %add3A_12], %get3A_100 {add = true} : memref<328x128xf32, #tpu.memory_space<vmem>>[vector<16xi32>, vector<16xi32>], vector<16xf32>,
        %get3A_101 = arith.index_cast %add3A_91 : i32 to index
        %get3A_102 = arith.constant 32 : index
        %get3A_103 = tpu.vector_load %arg9[%get3A_101, %get3A_102] {strides = array<i32>} : memref<128x128xf32, #tpu.memory_space<vmem>>, vector<16xf32>,
        tpu.vector_store_idx %arg10[%get3A_94, %add3A_15], %get3A_103 {add = true} : memref<328x128xf32, #tpu.memory_space<vmem>>[vector<16xi32>, vector<16xi32>], vector<16xf32>,
        %get3A_104 = arith.index_cast %add3A_91 : i32 to index
        %get3A_105 = arith.constant 48 : index
        %get3A_106 = tpu.vector_load %arg9[%get3A_104, %get3A_105] {strides = array<i32>} : memref<128x128xf32, #tpu.memory_space<vmem>>, vector<16xf32>,
        tpu.vector_store_idx %arg10[%get3A_94, %add3A_18], %get3A_106 {add = true} : memref<328x128xf32, #tpu.memory_space<vmem>>[vector<16xi32>, vector<16xi32>], vector<16xf32>,
        %get3A_107 = arith.index_cast %add3A_91 : i32 to index
        %get3A_108 = arith.constant 64 : index
        %get3A_109 = tpu.vector_load %arg9[%get3A_107, %get3A_108] {strides = array<i32>} : memref<128x128xf32, #tpu.memory_space<vmem>>, vector<16xf32>,
        tpu.vector_store_idx %arg10[%get3A_94, %add3A_21], %get3A_109 {add = true} : memref<328x128xf32, #tpu.memory_space<vmem>>[vector<16xi32>, vector<16xi32>], vector<16xf32>,
        %get3A_110 = arith.index_cast %add3A_91 : i32 to index
        %get3A_111 = arith.constant 80 : index
        %get3A_112 = tpu.vector_load %arg9[%get3A_110, %get3A_111] {strides = array<i32>} : memref<128x128xf32, #tpu.memory_space<vmem>>, vector<16xf32>,
        tpu.vector_store_idx %arg10[%get3A_94, %add3A_24], %get3A_112 {add = true} : memref<328x128xf32, #tpu.memory_space<vmem>>[vector<16xi32>, vector<16xi32>], vector<16xf32>,
        %get3A_113 = arith.index_cast %add3A_91 : i32 to index
        %get3A_114 = arith.constant 96 : index
        %get3A_115 = tpu.vector_load %arg9[%get3A_113, %get3A_114] {strides = array<i32>} : memref<128x128xf32, #tpu.memory_space<vmem>>, vector<16xf32>,
        tpu.vector_store_idx %arg10[%get3A_94, %add3A_27], %get3A_115 {add = true} : memref<328x128xf32, #tpu.memory_space<vmem>>[vector<16xi32>, vector<16xi32>], vector<16xf32>,
        %get3A_116 = arith.index_cast %add3A_91 : i32 to index
        %get3A_117 = arith.constant 112 : index
        %get3A_118 = tpu.vector_load %arg9[%get3A_116, %get3A_117] {strides = array<i32>} : memref<128x128xf32, #tpu.memory_space<vmem>>, vector<16xf32>,
        tpu.vector_store_idx %arg10[%get3A_94, %add3A_30], %get3A_118 {add = true} : memref<328x128xf32, #tpu.memory_space<vmem>>[vector<16xi32>, vector<16xi32>], vector<16xf32>,
        %mul3A_119 = arith.constant 4 : i32
        %mul3A_120 = arith.muli %scan3A_87, %mul3A_119 : i32
        %add3A_121 = arith.constant 1 : i32
        %add3A_122 = arith.addi %mul3A_120, %add3A_121 : i32
        %mul3A_123 = arith.constant 16 : i32
        %mul3A_124 = arith.muli %add3A_122, %mul3A_123 : i32
        %get3A_125 = arith.index_cast %mul3A_124 : i32 to index
        %get3A_126 = tpu.vector_load %arg7[%get3A_125] {strides = array<i32>} : memref<2048xi32, #tpu.memory_space<vmem>>, vector<16xi32>,
        %get3A_127 = arith.index_cast %add3A_122 : i32 to index
        %get3A_128 = arith.constant 0 : index
        %get3A_129 = tpu.vector_load %arg9[%get3A_127, %get3A_128] {strides = array<i32>} : memref<128x128xf32, #tpu.memory_space<vmem>>, vector<16xf32>,
        tpu.vector_store_idx %arg10[%get3A_126, %add3A_9], %get3A_129 {add = true} : memref<328x128xf32, #tpu.memory_space<vmem>>[vector<16xi32>, vector<16xi32>], vector<16xf32>,
        %get3A_130 = arith.index_cast %add3A_122 : i32 to index
        %get3A_131 = arith.constant 16 : index
        %get3A_132 = tpu.vector_load %arg9[%get3A_130, %get3A_131] {strides = array<i32>} : memref<128x128xf32, #tpu.memory_space<vmem>>, vector<16xf32>,
        tpu.vector_store_idx %arg10[%get3A_126, %add3A_12], %get3A_132 {add = true} : memref<328x128xf32, #tpu.memory_space<vmem>>[vector<16xi32>, vector<16xi32>], vector<16xf32>,
        %get3A_133 = arith.index_cast %add3A_122 : i32 to index
        %get3A_134 = arith.constant 32 : index
        %get3A_135 = tpu.vector_load %arg9[%get3A_133, %get3A_134] {strides = array<i32>} : memref<128x128xf32, #tpu.memory_space<vmem>>, vector<16xf32>,
        tpu.vector_store_idx %arg10[%get3A_126, %add3A_15], %get3A_135 {add = true} : memref<328x128xf32, #tpu.memory_space<vmem>>[vector<16xi32>, vector<16xi32>], vector<16xf32>,
        %get3A_136 = arith.index_cast %add3A_122 : i32 to index
        %get3A_137 = arith.constant 48 : index
        %get3A_138 = tpu.vector_load %arg9[%get3A_136, %get3A_137] {strides = array<i32>} : memref<128x128xf32, #tpu.memory_space<vmem>>, vector<16xf32>,
        tpu.vector_store_idx %arg10[%get3A_126, %add3A_18], %get3A_138 {add = true} : memref<328x128xf32, #tpu.memory_space<vmem>>[vector<16xi32>, vector<16xi32>], vector<16xf32>,
        %get3A_139 = arith.index_cast %add3A_122 : i32 to index
        %get3A_140 = arith.constant 64 : index
        %get3A_141 = tpu.vector_load %arg9[%get3A_139, %get3A_140] {strides = array<i32>} : memref<128x128xf32, #tpu.memory_space<vmem>>, vector<16xf32>,
        tpu.vector_store_idx %arg10[%get3A_126, %add3A_21], %get3A_141 {add = true} : memref<328x128xf32, #tpu.memory_space<vmem>>[vector<16xi32>, vector<16xi32>], vector<16xf32>,
        %get3A_142 = arith.index_cast %add3A_122 : i32 to index
        %get3A_143 = arith.constant 80 : index
        %get3A_144 = tpu.vector_load %arg9[%get3A_142, %get3A_143] {strides = array<i32>} : memref<128x128xf32, #tpu.memory_space<vmem>>, vector<16xf32>,
        tpu.vector_store_idx %arg10[%get3A_126, %add3A_24], %get3A_144 {add = true} : memref<328x128xf32, #tpu.memory_space<vmem>>[vector<16xi32>, vector<16xi32>], vector<16xf32>,
        %get3A_145 = arith.index_cast %add3A_122 : i32 to index
        %get3A_146 = arith.constant 96 : index
        %get3A_147 = tpu.vector_load %arg9[%get3A_145, %get3A_146] {strides = array<i32>} : memref<128x128xf32, #tpu.memory_space<vmem>>, vector<16xf32>,
        tpu.vector_store_idx %arg10[%get3A_126, %add3A_27], %get3A_147 {add = true} : memref<328x128xf32, #tpu.memory_space<vmem>>[vector<16xi32>, vector<16xi32>], vector<16xf32>,
        %get3A_148 = arith.index_cast %add3A_122 : i32 to index
        %get3A_149 = arith.constant 112 : index
        %get3A_150 = tpu.vector_load %arg9[%get3A_148, %get3A_149] {strides = array<i32>} : memref<128x128xf32, #tpu.memory_space<vmem>>, vector<16xf32>,
        tpu.vector_store_idx %arg10[%get3A_126, %add3A_30], %get3A_150 {add = true} : memref<328x128xf32, #tpu.memory_space<vmem>>[vector<16xi32>, vector<16xi32>], vector<16xf32>,
        %mul3A_151 = arith.constant 4 : i32
        %mul3A_152 = arith.muli %scan3A_87, %mul3A_151 : i32
        %add3A_153 = arith.constant 2 : i32
        %add3A_154 = arith.addi %mul3A_152, %add3A_153 : i32
        %mul3A_155 = arith.constant 16 : i32
        %mul3A_156 = arith.muli %add3A_154, %mul3A_155 : i32
        %get3A_157 = arith.index_cast %mul3A_156 : i32 to index
        %get3A_158 = tpu.vector_load %arg7[%get3A_157] {strides = array<i32>} : memref<2048xi32, #tpu.memory_space<vmem>>, vector<16xi32>,
        %get3A_159 = arith.index_cast %add3A_154 : i32 to index
        %get3A_160 = arith.constant 0 : index
        %get3A_161 = tpu.vector_load %arg9[%get3A_159, %get3A_160] {strides = array<i32>} : memref<128x128xf32, #tpu.memory_space<vmem>>, vector<16xf32>,
        tpu.vector_store_idx %arg10[%get3A_158, %add3A_9], %get3A_161 {add = true} : memref<328x128xf32, #tpu.memory_space<vmem>>[vector<16xi32>, vector<16xi32>], vector<16xf32>,
        %get3A_162 = arith.index_cast %add3A_154 : i32 to index
        %get3A_163 = arith.constant 16 : index
        %get3A_164 = tpu.vector_load %arg9[%get3A_162, %get3A_163] {strides = array<i32>} : memref<128x128xf32, #tpu.memory_space<vmem>>, vector<16xf32>,
        tpu.vector_store_idx %arg10[%get3A_158, %add3A_12], %get3A_164 {add = true} : memref<328x128xf32, #tpu.memory_space<vmem>>[vector<16xi32>, vector<16xi32>], vector<16xf32>,
        %get3A_165 = arith.index_cast %add3A_154 : i32 to index
        %get3A_166 = arith.constant 32 : index
        %get3A_167 = tpu.vector_load %arg9[%get3A_165, %get3A_166] {strides = array<i32>} : memref<128x128xf32, #tpu.memory_space<vmem>>, vector<16xf32>,
        tpu.vector_store_idx %arg10[%get3A_158, %add3A_15], %get3A_167 {add = true} : memref<328x128xf32, #tpu.memory_space<vmem>>[vector<16xi32>, vector<16xi32>], vector<16xf32>,
        %get3A_168 = arith.index_cast %add3A_154 : i32 to index
        %get3A_169 = arith.constant 48 : index
        %get3A_170 = tpu.vector_load %arg9[%get3A_168, %get3A_169] {strides = array<i32>} : memref<128x128xf32, #tpu.memory_space<vmem>>, vector<16xf32>,
        tpu.vector_store_idx %arg10[%get3A_158, %add3A_18], %get3A_170 {add = true} : memref<328x128xf32, #tpu.memory_space<vmem>>[vector<16xi32>, vector<16xi32>], vector<16xf32>,
        %get3A_171 = arith.index_cast %add3A_154 : i32 to index
        %get3A_172 = arith.constant 64 : index
        %get3A_173 = tpu.vector_load %arg9[%get3A_171, %get3A_172] {strides = array<i32>} : memref<128x128xf32, #tpu.memory_space<vmem>>, vector<16xf32>,
        tpu.vector_store_idx %arg10[%get3A_158, %add3A_21], %get3A_173 {add = true} : memref<328x128xf32, #tpu.memory_space<vmem>>[vector<16xi32>, vector<16xi32>], vector<16xf32>,
        %get3A_174 = arith.index_cast %add3A_154 : i32 to index
        %get3A_175 = arith.constant 80 : index
        %get3A_176 = tpu.vector_load %arg9[%get3A_174, %get3A_175] {strides = array<i32>} : memref<128x128xf32, #tpu.memory_space<vmem>>, vector<16xf32>,
        tpu.vector_store_idx %arg10[%get3A_158, %add3A_24], %get3A_176 {add = true} : memref<328x128xf32, #tpu.memory_space<vmem>>[vector<16xi32>, vector<16xi32>], vector<16xf32>,
        %get3A_177 = arith.index_cast %add3A_154 : i32 to index
        %get3A_178 = arith.constant 96 : index
        %get3A_179 = tpu.vector_load %arg9[%get3A_177, %get3A_178] {strides = array<i32>} : memref<128x128xf32, #tpu.memory_space<vmem>>, vector<16xf32>,
        tpu.vector_store_idx %arg10[%get3A_158, %add3A_27], %get3A_179 {add = true} : memref<328x128xf32, #tpu.memory_space<vmem>>[vector<16xi32>, vector<16xi32>], vector<16xf32>,
        %get3A_180 = arith.index_cast %add3A_154 : i32 to index
        %get3A_181 = arith.constant 112 : index
        %get3A_182 = tpu.vector_load %arg9[%get3A_180, %get3A_181] {strides = array<i32>} : memref<128x128xf32, #tpu.memory_space<vmem>>, vector<16xf32>,
        tpu.vector_store_idx %arg10[%get3A_158, %add3A_30], %get3A_182 {add = true} : memref<328x128xf32, #tpu.memory_space<vmem>>[vector<16xi32>, vector<16xi32>], vector<16xf32>,
        %mul3A_183 = arith.constant 4 : i32
        %mul3A_184 = arith.muli %scan3A_87, %mul3A_183 : i32
        %add3A_185 = arith.constant 3 : i32
        %add3A_186 = arith.addi %mul3A_184, %add3A_185 : i32
        %mul3A_187 = arith.constant 16 : i32
        %mul3A_188 = arith.muli %add3A_186, %mul3A_187 : i32
        %get3A_189 = arith.index_cast %mul3A_188 : i32 to index
        %get3A_190 = tpu.vector_load %arg7[%get3A_189] {strides = array<i32>} : memref<2048xi32, #tpu.memory_space<vmem>>, vector<16xi32>,
        %get3A_191 = arith.index_cast %add3A_186 : i32 to index
        %get3A_192 = arith.constant 0 : index
        %get3A_193 = tpu.vector_load %arg9[%get3A_191, %get3A_192] {strides = array<i32>} : memref<128x128xf32, #tpu.memory_space<vmem>>, vector<16xf32>,
        tpu.vector_store_idx %arg10[%get3A_190, %add3A_9], %get3A_193 {add = true} : memref<328x128xf32, #tpu.memory_space<vmem>>[vector<16xi32>, vector<16xi32>], vector<16xf32>,
        %get3A_194 = arith.index_cast %add3A_186 : i32 to index
        %get3A_195 = arith.constant 16 : index
        %get3A_196 = tpu.vector_load %arg9[%get3A_194, %get3A_195] {strides = array<i32>} : memref<128x128xf32, #tpu.memory_space<vmem>>, vector<16xf32>,
        tpu.vector_store_idx %arg10[%get3A_190, %add3A_12], %get3A_196 {add = true} : memref<328x128xf32, #tpu.memory_space<vmem>>[vector<16xi32>, vector<16xi32>], vector<16xf32>,
        %get3A_197 = arith.index_cast %add3A_186 : i32 to index
        %get3A_198 = arith.constant 32 : index
        %get3A_199 = tpu.vector_load %arg9[%get3A_197, %get3A_198] {strides = array<i32>} : memref<128x128xf32, #tpu.memory_space<vmem>>, vector<16xf32>,
        tpu.vector_store_idx %arg10[%get3A_190, %add3A_15], %get3A_199 {add = true} : memref<328x128xf32, #tpu.memory_space<vmem>>[vector<16xi32>, vector<16xi32>], vector<16xf32>,
        %get3A_200 = arith.index_cast %add3A_186 : i32 to index
        %get3A_201 = arith.constant 48 : index
        %get3A_202 = tpu.vector_load %arg9[%get3A_200, %get3A_201] {strides = array<i32>} : memref<128x128xf32, #tpu.memory_space<vmem>>, vector<16xf32>,
        tpu.vector_store_idx %arg10[%get3A_190, %add3A_18], %get3A_202 {add = true} : memref<328x128xf32, #tpu.memory_space<vmem>>[vector<16xi32>, vector<16xi32>], vector<16xf32>,
        %get3A_203 = arith.index_cast %add3A_186 : i32 to index
        %get3A_204 = arith.constant 64 : index
        %get3A_205 = tpu.vector_load %arg9[%get3A_203, %get3A_204] {strides = array<i32>} : memref<128x128xf32, #tpu.memory_space<vmem>>, vector<16xf32>,
        tpu.vector_store_idx %arg10[%get3A_190, %add3A_21], %get3A_205 {add = true} : memref<328x128xf32, #tpu.memory_space<vmem>>[vector<16xi32>, vector<16xi32>], vector<16xf32>,
        %get3A_206 = arith.index_cast %add3A_186 : i32 to index
        %get3A_207 = arith.constant 80 : index
        %get3A_208 = tpu.vector_load %arg9[%get3A_206, %get3A_207] {strides = array<i32>} : memref<128x128xf32, #tpu.memory_space<vmem>>, vector<16xf32>,
        tpu.vector_store_idx %arg10[%get3A_190, %add3A_24], %get3A_208 {add = true} : memref<328x128xf32, #tpu.memory_space<vmem>>[vector<16xi32>, vector<16xi32>], vector<16xf32>,
        %get3A_209 = arith.index_cast %add3A_186 : i32 to index
        %get3A_210 = arith.constant 96 : index
        %get3A_211 = tpu.vector_load %arg9[%get3A_209, %get3A_210] {strides = array<i32>} : memref<128x128xf32, #tpu.memory_space<vmem>>, vector<16xf32>,
        tpu.vector_store_idx %arg10[%get3A_190, %add3A_27], %get3A_211 {add = true} : memref<328x128xf32, #tpu.memory_space<vmem>>[vector<16xi32>, vector<16xi32>], vector<16xf32>,
        %get3A_212 = arith.index_cast %add3A_186 : i32 to index
        %get3A_213 = arith.constant 112 : index
        %get3A_214 = tpu.vector_load %arg9[%get3A_212, %get3A_213] {strides = array<i32>} : memref<128x128xf32, #tpu.memory_space<vmem>>, vector<16xf32>,
        tpu.vector_store_idx %arg10[%get3A_190, %add3A_30], %get3A_214 {add = true} : memref<328x128xf32, #tpu.memory_space<vmem>>[vector<16xi32>, vector<16xi32>], vector<16xf32>,
      }
      %scan3A_86 = arith.constant 32 : i32
    }
    %scan3A_40 = arith.constant 56 : i32
    %mul3A_41 = arith.constant 320 : i32
    %mul3A_42 = arith.muli %add3A, %mul3A_41 : i32
    "tpu.region"() ({
      %run_scoped3A = tpu.sem_alloc : memref<!tpu.dma_semaphore, #tpu.memory_space<semaphore_mem>>
      %dma_start3A_43 = arith.constant 0 : i32
      %dma_start3A_44 = arith.constant 0 : i32
      %dma_start3A_45 = tpu.memref_slice %arg10[%dma_start3A_43, %dma_start3A_44] : memref<328x128xf32, #tpu.memory_space<vmem>> -> memref<320x128xf32, #tpu.memory_space<vmem>>
      %dma_start3A_46 = arith.constant 0 : i32
      %dma_start3A_47 = tpu.memref_slice %arg5[%mul3A_42, %dma_start3A_46] : memref<10240x128xf32, #tpu.memory_space<hbm>> -> memref<320x128xf32, #tpu.memory_space<hbm>>
      %dma_start3A_48 = arith.constant 0 : i32
      %dma_start3A_49 = tpu.memref_slice %arg5[%mul3A_42, %dma_start3A_48] : memref<10240x128xf32, #tpu.memory_space<hbm>> -> memref<320x128xf32, #tpu.memory_space<hbm>>
      %dma_start3A_50 = arith.constant 0 : i32
      %dma_start3A_51 = arith.constant 0 : i32
      %dma_start3A_52 = tpu.memref_slice %arg10[%dma_start3A_50, %dma_start3A_51] : memref<328x128xf32, #tpu.memory_space<vmem>> -> memref<320x128xf32, #tpu.memory_space<vmem>>
      tpu.enqueue_dma source(%dma_start3A_52 : memref<320x128xf32, #tpu.memory_space<vmem>>) target(%dma_start3A_49 : memref<320x128xf32, #tpu.memory_space<hbm>>) target_semaphore(%run_scoped3A : memref<!tpu.dma_semaphore, #tpu.memory_space<semaphore_mem>>)
      %dma_wait3A = arith.constant 0 : i32
      %dma_wait3A_53 = arith.constant 0 : i32
      %dma_wait3A_54 = tpu.memref_slice %arg10[%dma_wait3A, %dma_wait3A_53] : memref<328x128xf32, #tpu.memory_space<vmem>> -> memref<320x128xf32, #tpu.memory_space<vmem>>
      %dma_wait3A_55 = arith.constant 0 : i32
      %dma_wait3A_56 = tpu.memref_slice %arg5[%mul3A_42, %dma_wait3A_55] : memref<10240x128xf32, #tpu.memory_space<hbm>> -> memref<320x128xf32, #tpu.memory_space<hbm>>
      %dma_wait3A_57 = arith.constant 0 : i32
      %dma_wait3A_58 = tpu.memref_slice %arg5[%mul3A_42, %dma_wait3A_57] : memref<10240x128xf32, #tpu.memory_space<hbm>> -> memref<320x128xf32, #tpu.memory_space<hbm>>
      %dma_wait3A_59 = arith.constant 0 : i32
      %dma_wait3A_60 = arith.constant 0 : i32
      %dma_wait3A_61 = tpu.memref_slice %arg10[%dma_wait3A_59, %dma_wait3A_60] : memref<328x128xf32, #tpu.memory_space<vmem>> -> memref<320x128xf32, #tpu.memory_space<vmem>>
      tpu.wait_dma2 semaphore(%run_scoped3A : memref<!tpu.dma_semaphore, #tpu.memory_space<semaphore_mem>>) src(%dma_wait3A_61 : memref<320x128xf32, #tpu.memory_space<vmem>>) dst(%dma_wait3A_58 : memref<320x128xf32, #tpu.memory_space<hbm>>)
      tpu.yield
    }) : () -> ()
    return
  }
}

#map = affine_map<(d0, d1) -> (0, 0)>
#map1 = affine_map<(d0, d1) -> (0, 0, 0)>
module attributes {stable_mosaic.version = 14 : i64} {
  func.func @gat(%arg0: i32, %arg1: i32, %arg2: memref<10000x128xf32, #tpu.memory_space<hbm>>, %arg3: memref<32x3x128xi32, #tpu.memory_space<hbm>>, %arg4: memref<12288x128xf32, #tpu.memory_space<hbm>>, %arg5: memref<3x128xi32, #tpu.memory_space<vmem>>, %arg6: memref<128x128xf32, #tpu.memory_space<vmem>>, %arg7: memref<!tpu.dma_semaphore, #tpu.memory_space<semaphore_mem>>) attributes {dimension_semantics = [#tpu.dimension_semantics<core_parallel>, #tpu.dimension_semantics<subcore_parallel>], iteration_bounds = array<i64: 2, 16>, scalar_prefetch = 0 : i64, scratch_operands = 3 : i64, tpu.core_type = #tpu.core_type<sc_vector_subcore>, window_params = [{transform_indices = #map}, {transform_indices = #map1}, {transform_indices = #map}]} {
    %mul3A = arith.constant 2 : i32
    %mul3A_0 = arith.muli %arg1, %mul3A : i32
    %add3A = arith.addi %mul3A_0, %arg0 : i32
    "tpu.region"() ({
      %run_scoped3A = tpu.sem_alloc : memref<!tpu.dma_semaphore, #tpu.memory_space<semaphore_mem>>
      %dma_start3A_53 = arith.constant 0 : i32
      %dma_start3A_54 = arith.constant 0 : i32
      %dma_start3A_55 = tpu.memref_slice %arg3[%add3A, %dma_start3A_53, %dma_start3A_54] : memref<32x3x128xi32, #tpu.memory_space<hbm>> -> memref<1x3x128xi32, #tpu.memory_space<hbm>>
      %dma_start3A_56 = tpu.memref_squeeze %dma_start3A_55 : memref<1x3x128xi32, #tpu.memory_space<hbm>> -> memref<3x128xi32, #tpu.memory_space<hbm>>
      %dma_start3A_57 = arith.constant 0 : i32
      %dma_start3A_58 = arith.constant 0 : i32
      %dma_start3A_59 = tpu.memref_slice %arg3[%add3A, %dma_start3A_57, %dma_start3A_58] : memref<32x3x128xi32, #tpu.memory_space<hbm>> -> memref<1x3x128xi32, #tpu.memory_space<hbm>>
      %dma_start3A_60 = tpu.memref_squeeze %dma_start3A_59 : memref<1x3x128xi32, #tpu.memory_space<hbm>> -> memref<3x128xi32, #tpu.memory_space<hbm>>
      tpu.enqueue_dma source(%dma_start3A_60 : memref<3x128xi32, #tpu.memory_space<hbm>>) target(%arg5 : memref<3x128xi32, #tpu.memory_space<vmem>>) target_semaphore(%run_scoped3A : memref<!tpu.dma_semaphore, #tpu.memory_space<semaphore_mem>>)
      %dma_wait3A_61 = arith.constant 0 : i32
      %dma_wait3A_62 = arith.constant 0 : i32
      %dma_wait3A_63 = tpu.memref_slice %arg3[%add3A, %dma_wait3A_61, %dma_wait3A_62] : memref<32x3x128xi32, #tpu.memory_space<hbm>> -> memref<1x3x128xi32, #tpu.memory_space<hbm>>
      %dma_wait3A_64 = tpu.memref_squeeze %dma_wait3A_63 : memref<1x3x128xi32, #tpu.memory_space<hbm>> -> memref<3x128xi32, #tpu.memory_space<hbm>>
      %dma_wait3A_65 = arith.constant 0 : i32
      %dma_wait3A_66 = arith.constant 0 : i32
      %dma_wait3A_67 = tpu.memref_slice %arg3[%add3A, %dma_wait3A_65, %dma_wait3A_66] : memref<32x3x128xi32, #tpu.memory_space<hbm>> -> memref<1x3x128xi32, #tpu.memory_space<hbm>>
      %dma_wait3A_68 = tpu.memref_squeeze %dma_wait3A_67 : memref<1x3x128xi32, #tpu.memory_space<hbm>> -> memref<3x128xi32, #tpu.memory_space<hbm>>
      tpu.wait_dma2 semaphore(%run_scoped3A : memref<!tpu.dma_semaphore, #tpu.memory_space<semaphore_mem>>) src(%dma_wait3A_68 : memref<3x128xi32, #tpu.memory_space<hbm>>) dst(%arg5 : memref<3x128xi32, #tpu.memory_space<vmem>>)
      tpu.yield
    }) : () -> ()
    %dma_start3A = arith.constant 0 : i32
    %dma_start3A_1 = arith.constant 0 : i32
    %dma_start3A_2 = tpu.memref_slice %arg5[%dma_start3A, %dma_start3A_1] : memref<3x128xi32, #tpu.memory_space<vmem>> -> memref<1x128xi32, #tpu.memory_space<vmem>>
    %dma_start3A_3 = tpu.memref_squeeze %dma_start3A_2 : memref<1x128xi32, #tpu.memory_space<vmem>> -> memref<128xi32, #tpu.memory_space<vmem>>
    %dma_start3A_4 = arith.constant 0 : i32
    %dma_start3A_5 = arith.constant 0 : i32
    %dma_start3A_6 = tpu.memref_slice %arg2[%dma_start3A_4, %dma_start3A_5] : memref<10000x128xf32, #tpu.memory_space<hbm>> -> memref<10000x128xf32, #tpu.memory_space<hbm>>
    tpu.enqueue_indirect_dma source(%dma_start3A_6 : memref<10000x128xf32, #tpu.memory_space<hbm>>) target(%arg6 : memref<128x128xf32, #tpu.memory_space<vmem>>) offsets(%dma_start3A_3 : memref<128xi32, #tpu.memory_space<vmem>>) semaphore(%arg7 : memref<!tpu.dma_semaphore, #tpu.memory_space<semaphore_mem>>)
    %dma_wait3A = arith.constant 0 : i32
    %dma_wait3A_7 = arith.constant 0 : i32
    %dma_wait3A_8 = tpu.memref_slice %arg5[%dma_wait3A, %dma_wait3A_7] : memref<3x128xi32, #tpu.memory_space<vmem>> -> memref<1x128xi32, #tpu.memory_space<vmem>>
    %dma_wait3A_9 = tpu.memref_squeeze %dma_wait3A_8 : memref<1x128xi32, #tpu.memory_space<vmem>> -> memref<128xi32, #tpu.memory_space<vmem>>
    %dma_wait3A_10 = arith.constant 0 : i32
    %dma_wait3A_11 = arith.constant 0 : i32
    %dma_wait3A_12 = tpu.memref_slice %arg2[%dma_wait3A_10, %dma_wait3A_11] : memref<10000x128xf32, #tpu.memory_space<hbm>> -> memref<10000x128xf32, #tpu.memory_space<hbm>>
    tpu.wait_indirect_dma semaphore(%arg7 : memref<!tpu.dma_semaphore, #tpu.memory_space<semaphore_mem>>) src(%dma_wait3A_12 : memref<10000x128xf32, #tpu.memory_space<hbm>>) dst(%arg6 : memref<128x128xf32, #tpu.memory_space<vmem>>)
    %mul3A_13 = arith.constant 384 : i32
    %mul3A_14 = arith.muli %add3A, %mul3A_13 : i32
    %add3A_15 = arith.constant 0 : i32
    %add3A_16 = arith.addi %mul3A_14, %add3A_15 : i32
    "tpu.region"() ({
      %run_scoped3A = tpu.sem_alloc : memref<!tpu.dma_semaphore, #tpu.memory_space<semaphore_mem>>
      %dma_start3A_53 = arith.constant 0 : i32
      %dma_start3A_54 = tpu.memref_slice %arg4[%add3A_16, %dma_start3A_53] : memref<12288x128xf32, #tpu.memory_space<hbm>> -> memref<128x128xf32, #tpu.memory_space<hbm>>
      %dma_start3A_55 = arith.constant 0 : i32
      %dma_start3A_56 = tpu.memref_slice %arg4[%add3A_16, %dma_start3A_55] : memref<12288x128xf32, #tpu.memory_space<hbm>> -> memref<128x128xf32, #tpu.memory_space<hbm>>
      tpu.enqueue_dma source(%arg6 : memref<128x128xf32, #tpu.memory_space<vmem>>) target(%dma_start3A_56 : memref<128x128xf32, #tpu.memory_space<hbm>>) target_semaphore(%run_scoped3A : memref<!tpu.dma_semaphore, #tpu.memory_space<semaphore_mem>>)
      %dma_wait3A_57 = arith.constant 0 : i32
      %dma_wait3A_58 = tpu.memref_slice %arg4[%add3A_16, %dma_wait3A_57] : memref<12288x128xf32, #tpu.memory_space<hbm>> -> memref<128x128xf32, #tpu.memory_space<hbm>>
      %dma_wait3A_59 = arith.constant 0 : i32
      %dma_wait3A_60 = tpu.memref_slice %arg4[%add3A_16, %dma_wait3A_59] : memref<12288x128xf32, #tpu.memory_space<hbm>> -> memref<128x128xf32, #tpu.memory_space<hbm>>
      tpu.wait_dma2 semaphore(%run_scoped3A : memref<!tpu.dma_semaphore, #tpu.memory_space<semaphore_mem>>) src(%arg6 : memref<128x128xf32, #tpu.memory_space<vmem>>) dst(%dma_wait3A_60 : memref<128x128xf32, #tpu.memory_space<hbm>>)
      tpu.yield
    }) : () -> ()
    %dma_start3A_17 = arith.constant 1 : i32
    %dma_start3A_18 = arith.constant 0 : i32
    %dma_start3A_19 = tpu.memref_slice %arg5[%dma_start3A_17, %dma_start3A_18] : memref<3x128xi32, #tpu.memory_space<vmem>> -> memref<1x128xi32, #tpu.memory_space<vmem>>
    %dma_start3A_20 = tpu.memref_squeeze %dma_start3A_19 : memref<1x128xi32, #tpu.memory_space<vmem>> -> memref<128xi32, #tpu.memory_space<vmem>>
    %dma_start3A_21 = arith.constant 0 : i32
    %dma_start3A_22 = arith.constant 0 : i32
    %dma_start3A_23 = tpu.memref_slice %arg2[%dma_start3A_21, %dma_start3A_22] : memref<10000x128xf32, #tpu.memory_space<hbm>> -> memref<10000x128xf32, #tpu.memory_space<hbm>>
    tpu.enqueue_indirect_dma source(%dma_start3A_23 : memref<10000x128xf32, #tpu.memory_space<hbm>>) target(%arg6 : memref<128x128xf32, #tpu.memory_space<vmem>>) offsets(%dma_start3A_20 : memref<128xi32, #tpu.memory_space<vmem>>) semaphore(%arg7 : memref<!tpu.dma_semaphore, #tpu.memory_space<semaphore_mem>>)
    %dma_wait3A_24 = arith.constant 1 : i32
    %dma_wait3A_25 = arith.constant 0 : i32
    %dma_wait3A_26 = tpu.memref_slice %arg5[%dma_wait3A_24, %dma_wait3A_25] : memref<3x128xi32, #tpu.memory_space<vmem>> -> memref<1x128xi32, #tpu.memory_space<vmem>>
    %dma_wait3A_27 = tpu.memref_squeeze %dma_wait3A_26 : memref<1x128xi32, #tpu.memory_space<vmem>> -> memref<128xi32, #tpu.memory_space<vmem>>
    %dma_wait3A_28 = arith.constant 0 : i32
    %dma_wait3A_29 = arith.constant 0 : i32
    %dma_wait3A_30 = tpu.memref_slice %arg2[%dma_wait3A_28, %dma_wait3A_29] : memref<10000x128xf32, #tpu.memory_space<hbm>> -> memref<10000x128xf32, #tpu.memory_space<hbm>>
    tpu.wait_indirect_dma semaphore(%arg7 : memref<!tpu.dma_semaphore, #tpu.memory_space<semaphore_mem>>) src(%dma_wait3A_30 : memref<10000x128xf32, #tpu.memory_space<hbm>>) dst(%arg6 : memref<128x128xf32, #tpu.memory_space<vmem>>)
    %mul3A_31 = arith.constant 384 : i32
    %mul3A_32 = arith.muli %add3A, %mul3A_31 : i32
    %add3A_33 = arith.constant 128 : i32
    %add3A_34 = arith.addi %mul3A_32, %add3A_33 : i32
    "tpu.region"() ({
      %run_scoped3A = tpu.sem_alloc : memref<!tpu.dma_semaphore, #tpu.memory_space<semaphore_mem>>
      %dma_start3A_53 = arith.constant 0 : i32
      %dma_start3A_54 = tpu.memref_slice %arg4[%add3A_34, %dma_start3A_53] : memref<12288x128xf32, #tpu.memory_space<hbm>> -> memref<128x128xf32, #tpu.memory_space<hbm>>
      %dma_start3A_55 = arith.constant 0 : i32
      %dma_start3A_56 = tpu.memref_slice %arg4[%add3A_34, %dma_start3A_55] : memref<12288x128xf32, #tpu.memory_space<hbm>> -> memref<128x128xf32, #tpu.memory_space<hbm>>
      tpu.enqueue_dma source(%arg6 : memref<128x128xf32, #tpu.memory_space<vmem>>) target(%dma_start3A_56 : memref<128x128xf32, #tpu.memory_space<hbm>>) target_semaphore(%run_scoped3A : memref<!tpu.dma_semaphore, #tpu.memory_space<semaphore_mem>>)
      %dma_wait3A_57 = arith.constant 0 : i32
      %dma_wait3A_58 = tpu.memref_slice %arg4[%add3A_34, %dma_wait3A_57] : memref<12288x128xf32, #tpu.memory_space<hbm>> -> memref<128x128xf32, #tpu.memory_space<hbm>>
      %dma_wait3A_59 = arith.constant 0 : i32
      %dma_wait3A_60 = tpu.memref_slice %arg4[%add3A_34, %dma_wait3A_59] : memref<12288x128xf32, #tpu.memory_space<hbm>> -> memref<128x128xf32, #tpu.memory_space<hbm>>
      tpu.wait_dma2 semaphore(%run_scoped3A : memref<!tpu.dma_semaphore, #tpu.memory_space<semaphore_mem>>) src(%arg6 : memref<128x128xf32, #tpu.memory_space<vmem>>) dst(%dma_wait3A_60 : memref<128x128xf32, #tpu.memory_space<hbm>>)
      tpu.yield
    }) : () -> ()
    %dma_start3A_35 = arith.constant 2 : i32
    %dma_start3A_36 = arith.constant 0 : i32
    %dma_start3A_37 = tpu.memref_slice %arg5[%dma_start3A_35, %dma_start3A_36] : memref<3x128xi32, #tpu.memory_space<vmem>> -> memref<1x128xi32, #tpu.memory_space<vmem>>
    %dma_start3A_38 = tpu.memref_squeeze %dma_start3A_37 : memref<1x128xi32, #tpu.memory_space<vmem>> -> memref<128xi32, #tpu.memory_space<vmem>>
    %dma_start3A_39 = arith.constant 0 : i32
    %dma_start3A_40 = arith.constant 0 : i32
    %dma_start3A_41 = tpu.memref_slice %arg2[%dma_start3A_39, %dma_start3A_40] : memref<10000x128xf32, #tpu.memory_space<hbm>> -> memref<10000x128xf32, #tpu.memory_space<hbm>>
    tpu.enqueue_indirect_dma source(%dma_start3A_41 : memref<10000x128xf32, #tpu.memory_space<hbm>>) target(%arg6 : memref<128x128xf32, #tpu.memory_space<vmem>>) offsets(%dma_start3A_38 : memref<128xi32, #tpu.memory_space<vmem>>) semaphore(%arg7 : memref<!tpu.dma_semaphore, #tpu.memory_space<semaphore_mem>>)
    %dma_wait3A_42 = arith.constant 2 : i32
    %dma_wait3A_43 = arith.constant 0 : i32
    %dma_wait3A_44 = tpu.memref_slice %arg5[%dma_wait3A_42, %dma_wait3A_43] : memref<3x128xi32, #tpu.memory_space<vmem>> -> memref<1x128xi32, #tpu.memory_space<vmem>>
    %dma_wait3A_45 = tpu.memref_squeeze %dma_wait3A_44 : memref<1x128xi32, #tpu.memory_space<vmem>> -> memref<128xi32, #tpu.memory_space<vmem>>
    %dma_wait3A_46 = arith.constant 0 : i32
    %dma_wait3A_47 = arith.constant 0 : i32
    %dma_wait3A_48 = tpu.memref_slice %arg2[%dma_wait3A_46, %dma_wait3A_47] : memref<10000x128xf32, #tpu.memory_space<hbm>> -> memref<10000x128xf32, #tpu.memory_space<hbm>>
    tpu.wait_indirect_dma semaphore(%arg7 : memref<!tpu.dma_semaphore, #tpu.memory_space<semaphore_mem>>) src(%dma_wait3A_48 : memref<10000x128xf32, #tpu.memory_space<hbm>>) dst(%arg6 : memref<128x128xf32, #tpu.memory_space<vmem>>)
    %mul3A_49 = arith.constant 384 : i32
    %mul3A_50 = arith.muli %add3A, %mul3A_49 : i32
    %add3A_51 = arith.constant 256 : i32
    %add3A_52 = arith.addi %mul3A_50, %add3A_51 : i32
    "tpu.region"() ({
      %run_scoped3A = tpu.sem_alloc : memref<!tpu.dma_semaphore, #tpu.memory_space<semaphore_mem>>
      %dma_start3A_53 = arith.constant 0 : i32
      %dma_start3A_54 = tpu.memref_slice %arg4[%add3A_52, %dma_start3A_53] : memref<12288x128xf32, #tpu.memory_space<hbm>> -> memref<128x128xf32, #tpu.memory_space<hbm>>
      %dma_start3A_55 = arith.constant 0 : i32
      %dma_start3A_56 = tpu.memref_slice %arg4[%add3A_52, %dma_start3A_55] : memref<12288x128xf32, #tpu.memory_space<hbm>> -> memref<128x128xf32, #tpu.memory_space<hbm>>
      tpu.enqueue_dma source(%arg6 : memref<128x128xf32, #tpu.memory_space<vmem>>) target(%dma_start3A_56 : memref<128x128xf32, #tpu.memory_space<hbm>>) target_semaphore(%run_scoped3A : memref<!tpu.dma_semaphore, #tpu.memory_space<semaphore_mem>>)
      %dma_wait3A_57 = arith.constant 0 : i32
      %dma_wait3A_58 = tpu.memref_slice %arg4[%add3A_52, %dma_wait3A_57] : memref<12288x128xf32, #tpu.memory_space<hbm>> -> memref<128x128xf32, #tpu.memory_space<hbm>>
      %dma_wait3A_59 = arith.constant 0 : i32
      %dma_wait3A_60 = tpu.memref_slice %arg4[%add3A_52, %dma_wait3A_59] : memref<12288x128xf32, #tpu.memory_space<hbm>> -> memref<128x128xf32, #tpu.memory_space<hbm>>
      tpu.wait_dma2 semaphore(%run_scoped3A : memref<!tpu.dma_semaphore, #tpu.memory_space<semaphore_mem>>) src(%arg6 : memref<128x128xf32, #tpu.memory_space<vmem>>) dst(%dma_wait3A_60 : memref<128x128xf32, #tpu.memory_space<hbm>>)
      tpu.yield
    }) : () -> ()
    return
  }
}

module attributes {stable_mosaic.version = 14 : i64} {
  func.func @_gin_mlp_body(%arg0: i32, %arg1: memref<1000x128xf32, #tpu.memory_space<vmem>>, %arg2: memref<1000x128xf32, #tpu.memory_space<vmem>>, %arg3: memref<128x128xf32, #tpu.memory_space<vmem>>, %arg4: memref<1x128xf32, #tpu.memory_space<vmem>>, %arg5: memref<128x128xf32, #tpu.memory_space<vmem>>, %arg6: memref<1x128xf32, #tpu.memory_space<vmem>>, %arg7: memref<1000x128xf32, #tpu.memory_space<vmem>>) attributes {dimension_semantics = [#tpu.dimension_semantics<arbitrary>], iteration_bounds = array<i64: 10>, scalar_prefetch = 0 : i64, scratch_operands = 0 : i64, tpu.core_type = #tpu.core_type<tc>, window_params = [{transform_indices = @transform_0, window_bounds = array<i64: 1000, 128>}, {transform_indices = @transform_1, window_bounds = array<i64: 1000, 128>}, {pipeline_mode = #tpu.pipeline_mode<synchronous>, transform_indices = @transform_2, window_bounds = array<i64: 128, 128>}, {pipeline_mode = #tpu.pipeline_mode<synchronous>, transform_indices = @transform_3, window_bounds = array<i64: 1, 128>}, {pipeline_mode = #tpu.pipeline_mode<synchronous>, transform_indices = @transform_4, window_bounds = array<i64: 128, 128>}, {pipeline_mode = #tpu.pipeline_mode<synchronous>, transform_indices = @transform_5, window_bounds = array<i64: 1, 128>}, {transform_indices = @transform_6, window_bounds = array<i64: 1000, 128>}]} {
    %get3A = arith.constant 0 : index
    %get3A_0 = arith.constant 0 : index
    %get3A_1 = vector.load %arg1[%get3A, %get3A_0] : memref<1000x128xf32, #tpu.memory_space<vmem>>, vector<1000x128xf32>
    %get3A_2 = arith.constant 0 : index
    %get3A_3 = arith.constant 0 : index
    %get3A_4 = vector.load %arg2[%get3A_2, %get3A_3] : memref<1000x128xf32, #tpu.memory_space<vmem>>, vector<1000x128xf32>
    %add3A = arith.addf %get3A_1, %get3A_4 : vector<1000x128xf32>
    %get3A_5 = arith.constant 0 : index
    %get3A_6 = arith.constant 0 : index
    %get3A_7 = vector.load %arg3[%get3A_5, %get3A_6] : memref<128x128xf32, #tpu.memory_space<vmem>>, vector<128x128xf32>
    %dot_general3A = arith.constant dense<0.000000e+00> : vector<1000x128xf32>
    %dot_general3A_8 = tpu.matmul %add3A, %get3A_7, %dot_general3A {dimension_numbers = #tpu.dot_dimension_numbers<[1], [0], [0], [1], [0, 0, 1, 1], [], []>, transpose_lhs_hint = false} : vector<1000x128xf32>, vector<128x128xf32>, vector<1000x128xf32> -> vector<1000x128xf32>
    %get3A_9 = arith.constant 0 : index
    %get3A_10 = arith.constant 0 : index
    %get3A_11 = vector.load %arg4[%get3A_9, %get3A_10] : memref<1x128xf32, #tpu.memory_space<vmem>>, vector<1x128xf32>
    %add3A_12 = vector.broadcast %get3A_11 : vector<1x128xf32> to vector<1000x128xf32>
    %add3A_13 = arith.addf %dot_general3A_8, %add3A_12 : vector<1000x128xf32>
    %max3A = arith.constant 0.000000e+00 : f32
    %max3A_14 = vector.broadcast %max3A : f32 to vector<1000x128xf32>
    %max3A_15 = arith.maximumf %add3A_13, %max3A_14 : vector<1000x128xf32>
    %get3A_16 = arith.constant 0 : index
    %get3A_17 = arith.constant 0 : index
    %get3A_18 = vector.load %arg5[%get3A_16, %get3A_17] : memref<128x128xf32, #tpu.memory_space<vmem>>, vector<128x128xf32>
    %dot_general3A_19 = arith.constant dense<0.000000e+00> : vector<1000x128xf32>
    %dot_general3A_20 = tpu.matmul %max3A_15, %get3A_18, %dot_general3A_19 {dimension_numbers = #tpu.dot_dimension_numbers<[1], [0], [0], [1], [0, 0, 1, 1], [], []>, transpose_lhs_hint = false} : vector<1000x128xf32>, vector<128x128xf32>, vector<1000x128xf32> -> vector<1000x128xf32>
    %get3A_21 = arith.constant 0 : index
    %get3A_22 = arith.constant 0 : index
    %get3A_23 = vector.load %arg6[%get3A_21, %get3A_22] : memref<1x128xf32, #tpu.memory_space<vmem>>, vector<1x128xf32>
    %add3A_24 = vector.broadcast %get3A_23 : vector<1x128xf32> to vector<1000x128xf32>
    %add3A_25 = arith.addf %dot_general3A_20, %add3A_24 : vector<1000x128xf32>
    %swap3A = arith.constant 0 : index
    %swap3A_26 = arith.constant 0 : index
    %swap3A_27 = vector.load %arg7[%swap3A, %swap3A_26] : memref<1000x128xf32, #tpu.memory_space<vmem>>, vector<1000x128xf32>
    tpu.vector_store %arg7[%swap3A, %swap3A_26], %add3A_25 {strides = array<i32>} : memref<1000x128xf32, #tpu.memory_space<vmem>>, vector<1000x128xf32>,
    return
  }
  func.func @transform_0(%arg0: i32) -> (i32, i32) {
    %c0_i32 = arith.constant 0 : i32
    %c0_i32_0 = arith.constant 0 : i32
    return %arg0, %c0_i32 : i32, i32
  }
  func.func @transform_1(%arg0: i32) -> (i32, i32) {
    %c0_i32 = arith.constant 0 : i32
    %c0_i32_0 = arith.constant 0 : i32
    return %arg0, %c0_i32 : i32, i32
  }
  func.func @transform_2(%arg0: i32) -> (i32, i32) {
    %c0_i32 = arith.constant 0 : i32
    %c0_i32_0 = arith.constant 0 : i32
    %c0_i32_1 = arith.constant 0 : i32
    return %c0_i32, %c0_i32_0 : i32, i32
  }
  func.func @transform_3(%arg0: i32) -> (i32, i32) {
    %c0_i32 = arith.constant 0 : i32
    %c0_i32_0 = arith.constant 0 : i32
    %c0_i32_1 = arith.constant 0 : i32
    return %c0_i32, %c0_i32_0 : i32, i32
  }
  func.func @transform_4(%arg0: i32) -> (i32, i32) {
    %c0_i32 = arith.constant 0 : i32
    %c0_i32_0 = arith.constant 0 : i32
    %c0_i32_1 = arith.constant 0 : i32
    return %c0_i32, %c0_i32_0 : i32, i32
  }
  func.func @transform_5(%arg0: i32) -> (i32, i32) {
    %c0_i32 = arith.constant 0 : i32
    %c0_i32_0 = arith.constant 0 : i32
    %c0_i32_1 = arith.constant 0 : i32
    return %c0_i32, %c0_i32_0 : i32, i32
  }
  func.func @transform_6(%arg0: i32) -> (i32, i32) {
    %c0_i32 = arith.constant 0 : i32
    %c0_i32_0 = arith.constant 0 : i32
    return %arg0, %c0_i32 : i32, i32
  }
}

module attributes {stable_mosaic.version = 14 : i64} {
  func.func @_score_body(%arg0: memref<1xi32, #tpu.memory_space<smem>>, %arg1: memref<4096x128xf32, #tpu.memory_space<vmem>>, %arg2: memref<4096x128xf32, #tpu.memory_space<vmem>>, %arg3: memref<1x128xf32, #tpu.memory_space<vmem>>, %arg4: memref<1x128xf32, #tpu.memory_space<vmem>>, %arg5: memref<1001x128xf32, #tpu.memory_space<vmem>>, %arg6: memref<128x128xf32, #tpu.memory_space<vmem>>, %arg7: memref<128x128xf32, #tpu.memory_space<vmem>>, %arg8: memref<128x128xf32, #tpu.memory_space<vmem>>, %arg9: memref<128x128xf32, #tpu.memory_space<vmem>>, %arg10: memref<128x128xf32, #tpu.memory_space<vmem>>, %arg11: memref<1x128xf32, #tpu.memory_space<vmem>>, %arg12: memref<128x1xf32, #tpu.memory_space<vmem>>, %arg13: memref<1x1xf32, #tpu.memory_space<vmem>>, %arg14: memref<4096x1xf32, #tpu.memory_space<vmem>>) attributes {dimension_semantics = [], scalar_prefetch = 0 : i64, scratch_operands = 0 : i64, tpu.core_type = #tpu.core_type<tc>} {
    %get3A = arith.constant 0 : index
    %get3A_0 = memref.load %arg0[%get3A] : memref<1xi32, #tpu.memory_space<smem>>
    %get3A_1 = arith.index_cast %get3A_0 : i32 to index
    %get3A_2 = arith.constant 0 : index
    %get3A_3 = vector.load %arg5[%get3A_1, %get3A_2] : memref<1001x128xf32, #tpu.memory_space<vmem>>, vector<1x128xf32>
    %get3A_4 = arith.constant 0 : index
    %get3A_5 = arith.constant 0 : index
    %get3A_6 = vector.load %arg3[%get3A_4, %get3A_5] : memref<1x128xf32, #tpu.memory_space<vmem>>, vector<1x128xf32>
    %get3A_7 = arith.constant 0 : index
    %get3A_8 = arith.constant 0 : index
    %get3A_9 = vector.load %arg4[%get3A_7, %get3A_8] : memref<1x128xf32, #tpu.memory_space<vmem>>, vector<1x128xf32>
    %add3A = arith.addf %get3A_6, %get3A_9 : vector<1x128xf32>
    %get3A_10 = arith.constant 0 : index
    %get3A_11 = arith.constant 0 : index
    %get3A_12 = vector.load %arg6[%get3A_10, %get3A_11] : memref<128x128xf32, #tpu.memory_space<vmem>>, vector<128x128xf32>
    %dot_general3A = arith.constant dense<0.000000e+00> : vector<1x128xf32>
    %dot_general3A_13 = tpu.matmul %add3A, %get3A_12, %dot_general3A {dimension_numbers = #tpu.dot_dimension_numbers<[1], [0], [0], [1], [0, 0, 1, 1], [], []>, transpose_lhs_hint = false} : vector<1x128xf32>, vector<128x128xf32>, vector<1x128xf32> -> vector<1x128xf32>
    %sub3A = arith.subf %get3A_6, %get3A_9 : vector<1x128xf32>
    %abs3A = math.absf %sub3A : vector<1x128xf32>
    %get3A_14 = arith.constant 0 : index
    %get3A_15 = arith.constant 0 : index
    %get3A_16 = vector.load %arg7[%get3A_14, %get3A_15] : memref<128x128xf32, #tpu.memory_space<vmem>>, vector<128x128xf32>
    %dot_general3A_17 = arith.constant dense<0.000000e+00> : vector<1x128xf32>
    %dot_general3A_18 = tpu.matmul %abs3A, %get3A_16, %dot_general3A_17 {dimension_numbers = #tpu.dot_dimension_numbers<[1], [0], [0], [1], [0, 0, 1, 1], [], []>, transpose_lhs_hint = false} : vector<1x128xf32>, vector<128x128xf32>, vector<1x128xf32> -> vector<1x128xf32>
    %add3A_19 = arith.addf %dot_general3A_13, %dot_general3A_18 : vector<1x128xf32>
    %get3A_20 = arith.constant 0 : index
    %get3A_21 = arith.constant 0 : index
    %get3A_22 = vector.load %arg10[%get3A_20, %get3A_21] : memref<128x128xf32, #tpu.memory_space<vmem>>, vector<128x128xf32>
    %dot_general3A_23 = arith.constant dense<0.000000e+00> : vector<1x128xf32>
    %dot_general3A_24 = tpu.matmul %get3A_3, %get3A_22, %dot_general3A_23 {dimension_numbers = #tpu.dot_dimension_numbers<[1], [0], [0], [1], [0, 0, 1, 1], [], []>, transpose_lhs_hint = false} : vector<1x128xf32>, vector<128x128xf32>, vector<1x128xf32> -> vector<1x128xf32>
    %add3A_25 = arith.addf %add3A_19, %dot_general3A_24 : vector<1x128xf32>
    %get3A_26 = arith.constant 0 : index
    %get3A_27 = arith.constant 0 : index
    %get3A_28 = vector.load %arg11[%get3A_26, %get3A_27] : memref<1x128xf32, #tpu.memory_space<vmem>>, vector<1x128xf32>
    %add3A_29 = arith.addf %add3A_25, %get3A_28 : vector<1x128xf32>
    %get3A_30 = arith.constant 0 : index
    %get3A_31 = arith.constant 0 : index
    %get3A_32 = vector.load %arg1[%get3A_30, %get3A_31] : memref<4096x128xf32, #tpu.memory_space<vmem>>, vector<4096x128xf32>
    %get3A_33 = arith.constant 0 : index
    %get3A_34 = arith.constant 0 : index
    %get3A_35 = vector.load %arg2[%get3A_33, %get3A_34] : memref<4096x128xf32, #tpu.memory_space<vmem>>, vector<4096x128xf32>
    %add3A_36 = arith.addf %get3A_32, %get3A_35 : vector<4096x128xf32>
    %get3A_37 = arith.constant 0 : index
    %get3A_38 = arith.constant 0 : index
    %get3A_39 = vector.load %arg8[%get3A_37, %get3A_38] : memref<128x128xf32, #tpu.memory_space<vmem>>, vector<128x128xf32>
    %dot_general3A_40 = arith.constant dense<0.000000e+00> : vector<4096x128xf32>
    %dot_general3A_41 = tpu.matmul %add3A_36, %get3A_39, %dot_general3A_40 {dimension_numbers = #tpu.dot_dimension_numbers<[1], [0], [0], [1], [0, 0, 1, 1], [], []>, transpose_lhs_hint = false} : vector<4096x128xf32>, vector<128x128xf32>, vector<4096x128xf32> -> vector<4096x128xf32>
    %sub3A_42 = arith.subf %get3A_32, %get3A_35 : vector<4096x128xf32>
    %abs3A_43 = math.absf %sub3A_42 : vector<4096x128xf32>
    %get3A_44 = arith.constant 0 : index
    %get3A_45 = arith.constant 0 : index
    %get3A_46 = vector.load %arg9[%get3A_44, %get3A_45] : memref<128x128xf32, #tpu.memory_space<vmem>>, vector<128x128xf32>
    %dot_general3A_47 = arith.constant dense<0.000000e+00> : vector<4096x128xf32>
    %dot_general3A_48 = tpu.matmul %abs3A_43, %get3A_46, %dot_general3A_47 {dimension_numbers = #tpu.dot_dimension_numbers<[1], [0], [0], [1], [0, 0, 1, 1], [], []>, transpose_lhs_hint = false} : vector<4096x128xf32>, vector<128x128xf32>, vector<4096x128xf32> -> vector<4096x128xf32>
    %add3A_49 = arith.addf %dot_general3A_41, %dot_general3A_48 : vector<4096x128xf32>
    %add3A_50 = vector.broadcast %add3A_29 : vector<1x128xf32> to vector<4096x128xf32>
    %add3A_51 = arith.addf %add3A_49, %add3A_50 : vector<4096x128xf32>
    %max3A = arith.constant 0.000000e+00 : f32
    %max3A_52 = vector.broadcast %max3A : f32 to vector<4096x128xf32>
    %max3A_53 = arith.maximumf %add3A_51, %max3A_52 : vector<4096x128xf32>
    %get3A_54 = arith.constant 0 : index
    %get3A_55 = arith.constant 0 : index
    %get3A_56 = vector.load %arg12[%get3A_54, %get3A_55] : memref<128x1xf32, #tpu.memory_space<vmem>>, vector<128x1xf32>
    %dot_general3A_57 = arith.constant dense<0.000000e+00> : vector<4096x1xf32>
    %dot_general3A_58 = tpu.matmul %max3A_53, %get3A_56, %dot_general3A_57 {dimension_numbers = #tpu.dot_dimension_numbers<[1], [0], [0], [1], [0, 0, 1, 1], [], []>, transpose_lhs_hint = false} : vector<4096x128xf32>, vector<128x1xf32>, vector<4096x1xf32> -> vector<4096x1xf32>
    %get3A_59 = arith.constant 0 : index
    %get3A_60 = arith.constant 0 : index
    %get3A_61 = vector.load %arg13[%get3A_59, %get3A_60] : memref<1x1xf32, #tpu.memory_space<vmem>>, vector<1x1xf32>
    %add3A_62 = vector.broadcast %get3A_61 : vector<1x1xf32> to vector<4096x1xf32>
    %add3A_63 = arith.addf %dot_general3A_58, %add3A_62 : vector<4096x1xf32>
    %swap3A = arith.constant 0 : index
    %swap3A_64 = arith.constant 0 : index
    %swap3A_65 = vector.load %arg14[%swap3A, %swap3A_64] : memref<4096x1xf32, #tpu.memory_space<vmem>>, vector<4096x1xf32>
    tpu.vector_store %arg14[%swap3A, %swap3A_64], %add3A_63 {strides = array<i32>} : memref<4096x1xf32, #tpu.memory_space<vmem>>, vector<4096x1xf32>,
    return
  }
}

</mosaic_0001>

<sc_bundles>
// kernel: kernel.11.cloned.1.call-start
scs
__scs_entry_jumppad:
0x0: {  	(pc) =	sbr.rel $0x88, $3  }
0x1: {  	(tag) =	ssettag $0x0;
	lr =	simm.s32 $0x1  }
0x2: {  	[smem:$0x3F8B] =	sst lr;
	_ =	strace $0xD0000000  }
0x3: {  	_ = 	snop  }
0x4: {  	_ = 	snop  }
0x5: {  	_ = 	snop  }
0x6: {  	_ = 	snop  }
0x7: {  	_ = 	snop  }
__scs_overlays_trampoline_lowered:
0x8: {  	[smem:$0x3F9A] =	sst s0  }
0x9: {  	[smem:$0x3F9B] =	sst s1  }
0xa: {  	[smem:$0x3F9C] =	sst s2  }
0xb: {  	[smem:$0x3F9D] =	sst s3  }
0xc: {  	[smem:$0x3F9E] =	sst s4  }
0xd: {  	[smem:$0x3F9F] =	sst s5  }
0xe: {  	[smem:$0x3FA0] =	sst s6  }
0xf: {  	[smem:$0x3FA1] =	sst s7  }
0x10: {  	[smem:$0x3FA2] =	sst s8  }
0x11: {  	[smem:$0x3FA3] =	sst s9;
	s0 =	simm.s32 @!p0 $0x0  }
0x12: {  	s1 =	sld [smem:$0x3F89];
	s0 =	simm.s32 @p0 $0x1  }
0x13: {  	[smem:$0x3FA4] =	sst s0;
	s0 =	simm.s32 @!p1 $0x0  }
0x14: {  	s2 =	sld [smem:$0x3F88];
	s0 =	simm.s32 @p1 $0x1  }
0x15: {  	[smem:$0x3FA5] =	sst s0;
	s0 =	simm.s32 @!p2 $0x0  }
0x16: {  	s3 =	sld [smem:$0x3FDB];
	s0 =	simm.s32 @p2 $0x1  }
0x17: {  	s4 =	simm.s32 $0x1BF5;
	[smem:$0x3FA7] =	sst s0  }
0x18: {  	s0 =	sld [smem:$0x3F8A];
	_ =	swait.ge [sflag:s4], $0x0  }
0x19: {  	s7 =	sld [smem:$0x3F8B]  }
0x1a: {  	s8 =	sadd.s32 $0xFFFFE003, lr  }
0x1b: {  	s9 =	sadd.s32 $0xFFFFFEF7, lr;
	s5 =	simm.s32 $0xFFFFFFFF;
	p2 =	slt.u32 s8, $0xFFFFF086  }
0x1c: {  	p1 =	slt.u32 s9, $0xF7A;
	s5 =	simm.s32 @!p2 $0x0  }
0x1d: {  	s5 =	simm.s32 @p1 $0x1;
	p0 =	seq.s32 s7, s2  }
0x1e: {  	s7 =	smul.u32 @!p0 $0xF7A, s2;
	p2 =	seq.s32 @!p0 s5, $0x0  }
0x1f: {  	s9 =	smul.u32 $0xF7A, s1;
	s8 =	simm.s32 @!p0 $0x1BF5;
	p2 =	por !p2, p0  }
0x20: {  	[sflag:s8] =	ssyncset.s32 @!p0 $0xFFFFF086;
	s6 =	sadd.s32 @!p0 s3, s7;
	s7 =	simm.s32 @!p0 $0x108  }
0x21: {  	s3 =	sadd.s32 s3, s9;
	s6 =	sadd.s32 @!p0 $0x88, s6;
	s7 =	simm.s32 @p2 $0x1082  }
0x22: {  	[simem:s7], [sflag:s8] =	dma.local @!p0 [hbm:s6], $0xF7A  }
0x23: {  	s9 =	sor.u32 $0xD0000000, s2;
	s6 =	simm.s32 $0x108;
	_ =	swait.ge @!p0 [sflag:s8], $0x0  }
0x24: {  	s3 =	sadd.s32 $0x88, s3;
	s6 =	simm.s32 @!p1 $0x1082;
	[sflag:s4] =	ssyncset.s32 $0xFFFFF086  }
0x25: {  	[simem:s6], [sflag:s4] =	dma.local [hbm:s3], $0xF7A  }
0x26: {  	[smem:$0x3F8B] =	sst s1;
	(tag) =	ssettag s2;
	_ =	strace s9  }
0x27: {  	s1 =	sld [smem:$0x3F9B]  }
0x28: {  	s2 =	sld [smem:$0x3F9C]  }
0x29: {  	s4 =	sld [smem:$0x3F9E]  }
0x2a: {  	p0 =	seq.s32 s5, $0x0;
	s5 =	sld [smem:$0x3F9F]  }
0x2b: {  	s6 =	sld [smem:$0x3FA0]  }
0x2c: {  	s7 =	sld [smem:$0x3FA1]  }
0x2d: {  	s3 =	simm.s32 $0x108;
	s8 =	sld [smem:$0x3FA2]  }
0x2e: {  	s3 =	simm.s32 @!p0 $0x1082;
	s9 =	sld [smem:$0x3FA3]  }
0x2f: {  	lr =	sadd.s32 s0, s3;
	s0 =	sld [smem:$0x3F9A]  }
0x30: {  	s3 =	sld [smem:$0x3F9D]  }
0x31: {  	[smem:$0x3FA6] =	sst s10  }
0x32: {  	s10 =	sld [smem:$0x3FA4];
	_ =	sdelay $0x3  }
0x33: {  	p0 =	seq.s32 s10, $0x1;
	s10 =	sld [smem:$0x3FA6];
	_ =	sdelay $0x3  }
0x34: {  	[smem:$0x3FA6] =	sst s10  }
0x35: {  	s10 =	sld [smem:$0x3FA5];
	_ =	sdelay $0x3  }
0x36: {  	p1 =	seq.s32 s10, $0x1;
	s10 =	sld [smem:$0x3FA6];
	_ =	sdelay $0x3  }
0x37: {  	[smem:$0x3FA6] =	sst s10  }
0x38: {  	s10 =	sld [smem:$0x3FA7]  }
0x39: {  	_ = 	snop;
	(pc) =	sbr.ind lr, $3  }
0x3a: {  	_ = 	snop  }
0x3b: {  	_ = 	snop  }
0x3c: {  	p2 =	seq.s32 s10, $0x1;
	s10 =	sld [smem:$0x3FA6]  }
0x3d: {  	_ =	shalt  }
0x3e: {  	_ =	shalt  }
0x3f: {  	_ =	shalt  }
0x40: {  	_ =	shalt  }
0x41: {  	_ =	shalt  }
0x42: {  	_ =	shalt  }
0x43: {  	_ =	shalt  }
0x44: {  	_ =	shalt  }
0x45: {  	_ =	shalt  }
0x46: {  	_ =	shalt  }
0x47: {  	_ =	shalt  }
0x48: {  	_ =	shalt  }
0x49: {  	_ =	shalt  }
0x4a: {  	_ =	shalt  }
0x4b: {  	_ =	shalt  }
0x4c: {  	_ =	shalt  }
0x4d: {  	_ =	shalt  }
0x4e: {  	_ =	shalt  }
0x4f: {  	_ =	shalt  }
0x50: {  	_ =	shalt  }
0x51: {  	_ =	shalt  }
0x52: {  	_ =	shalt  }
0x53: {  	_ =	shalt  }
0x54: {  	_ =	shalt  }
0x55: {  	_ =	shalt  }
0x56: {  	_ =	shalt  }
0x57: {  	_ =	shalt  }
0x58: {  	_ =	shalt  }
0x59: {  	_ =	shalt  }
0x5a: {  	_ =	shalt  }
0x5b: {  	_ =	shalt  }
0x5c: {  	_ =	shalt  }
0x5d: {  	_ =	shalt  }
0x5e: {  	_ =	shalt  }
0x5f: {  	_ =	shalt  }
0x60: {  	_ =	shalt  }
0x61: {  	_ =	shalt  }
0x62: {  	_ =	shalt  }
0x63: {  	_ =	shalt  }
0x64: {  	_ =	shalt  }
0x65: {  	_ =	shalt  }
0x66: {  	_ =	shalt  }
0x67: {  	_ =	shalt  }
0x68: {  	_ =	shalt  }
0x69: {  	_ =	shalt  }
0x6a: {  	_ =	shalt  }
0x6b: {  	_ =	shalt  }
0x6c: {  	_ =	shalt  }
0x6d: {  	_ =	shalt  }
0x6e: {  	_ =	shalt  }
0x6f: {  	_ =	shalt  }
0x70: {  	_ =	shalt  }
0x71: {  	_ =	shalt  }
0x72: {  	_ =	shalt  }
0x73: {  	_ =	shalt  }
0x74: {  	_ =	shalt  }
0x75: {  	_ =	shalt  }
0x76: {  	_ =	shalt  }
0x77: {  	_ =	shalt  }
0x78: {  	_ =	shalt  }
0x79: {  	_ =	shalt  }
0x7a: {  	_ =	shalt  }
0x7b: {  	_ =	shalt  }
0x7c: {  	_ =	shalt  }
0x7d: {  	_ =	shalt  }
0x7e: {  	_ =	shalt  }
0x7f: {  	_ =	shalt  }
0x80: {  	_ =	shalt  }
0x81: {  	_ =	shalt  }
0x82: {  	_ =	shalt  }
0x83: {  	_ =	shalt  }
0x84: {  	_ =	shalt  }
0x85: {  	_ =	shalt  }
0x86: {  	_ =	shalt  }
0x87: {  	_ =	shalt  }
.Lfunc_end0:
.L_simem_size_0:
called_computation_lowered:
.L_overlay_start_0:
0x88: {  	s2 =	sld [smem:$0x3FD9]  }
0x89: {  	s3 =	sld [smem:$0x3FFE];
	_ =	sdelay $0x1  }
0x8a: {  	s1 =	srdreg.scid  }
0x8b: {  	s0 =	sand.u32 $0x1, s1  }
0x8c: {  	s16 =	sshll.u32 s0, $0xA;
	s2 =	sadd.s32 s3, s2  }
0x8d: {  	s2 =	sadd.s32 s2, s16  }
0x8e: {  	[smem:$0x3FB2] =	sst s2  }
0x8f: {  	_ = 	snop  }
0x90: {  	(tm) =	ssettm $0x1  }
0x91: {  	s17 =	sld [smem:$0x3FFB];
	_ =	sdelay $0x3  }
0x92: {  	_ =	strace s17  }
0x93: {  	s2 =	sld [smem:$0x3FFC];
	_ =	sdelay $0x3  }
0x94: {  	_ =	strace s2  }
0x95: {  	s2 =	sld [smem:$0x3FFD];
	_ =	sdelay $0x3  }
0x96: {  	_ =	strace s2  }
0x97: {  	_ =	strace $0x8FFFFFFF  }
0x98: {  	s18 =	sld [smem:$0x3FDB];
	_ =	sdelay $0x1  }
0x99: {  	s19 =	simm.s32 $_scs_section_size  }
0x9a: {  	s4 =	simm.s32 $_size__tile_overlayer_lowered;
	s5 =	simm.s32 $_tile_overlayer_lowered  }
0x9b: {  	s22 =	simm.s32 $0x1BFF;
	s21 =	sshll.u32 s5, $0x1;
	s2 =	sadd.s32 s19, s18  }
0x9c: {  	s6 =	simm.s32 $0x0;
	s20 =	sshll.u32 s4, $0x1;
	s4 =	sadd.s32 s21, s2  }
0x9d: {  	[timem:s6], [sflag:s22] =	dma.local [hbm:s4], s20  }
0x9e: {  	_ =	swait.ge [sflag:s22], s20  }
0x9f: {  	s3 =	ssub.s32 $0x0, s20;
	[sflag:s22] =	ssyncset.done $0x0  }
0xa0: {  	[sflag:s22] =	ssyncadd.s32 s3;
	_ =	sdelay $0x1  }
0xa1: {  	s23 =	simm.s32 $0x1B8B  }
0xa2: {  	_ =	swait.ge [sflag:s23], $0x1  }
0xa3: {  	[sflag:s23] =	ssyncset.done $0x0  }
0xa4: {  	s25 =	simm.s32 $0x1B8E;
	s24 =	sld [smem:$0x3FFE];
	[sflag:s23] =	ssyncadd.s32 $0xFFFFFFFF  }
0xa5: {  	s26 =	simm.s32 $execute0_lowered;
	[smem:$0x3FD2] =	sst s25  }
0xa6: {  	s4 =	sshll.u32 s26, $0x1;
	_ =	strace $0x80000046;
	[dreg:$0x1] =	wrdreg $0xFFFFFFFF  }
0xa7: {  	s28 =	simm.s32 $_size_execute0_lowered;
	s2 =	sadd.s32 s2, s4;
	[dreg:$0x0] =	wrdreg $0x0  }
0xa8: {  	s4 =	sshll.u32 s28, $0x1;
	[dreg:$0x2] =	wrdreg s2  }
0xa9: {  	[dreg:$0x3] =	wrdreg s4  }
0xaa: {  	[dreg:$0x4] =	wrdreg $0xC0  }
0xab: {  	_ =	task [dreg:s6], $0x5FFFF  }
0xac: {  	[dreg:$0x1] =	wrdreg $0xFFFFFFFF  }
0xad: {  	[dreg:$0x0] =	wrdreg $0x60  }
0xae: {  	[dreg:$0x2] =	wrdreg s24  }
0xaf: {  	[dreg:$0x3] =	wrdreg $0x9  }
0xb0: {  	_ =	task.clear_ibuf [dreg:s6], $0x4FFFF;
	_ =	strace $0x90000046  }
0xb1: {  	s29 =	simm.s32 $0x9;
	_ =	strace $0x80000048  }
0xb2: {  	_ =	swait.ge [sflag:s29], $0x1  }
0xb3: {  	[sflag:s29] =	ssyncadd.s32 $0xFFFFFFFF  }
0xb4: {  	_ =	strace $0x90000048  }
0xb5: {  	_ =	sfence  }
0xb6: {  	s30 =	sld [smem:$0x0];
	_ =	sdelay $0x2  }
0xb7: {  	s31 =	sshll.u32 s1, $0xD;
	s1 =	sshrl.u32 s1, $0x2  }
0xb8: {  	s3 =	sand.u32 $0x4000, s31;
	s1 =	sadd.s32 s1, s30  }
0xb9: {  	s0 =	sor.u32 s3, s0;
	s1 =	sshll.u32 s1, $0x11  }
0xba: {  	s0 =	sor.u32 s1, s0  }
0xbb: {  	s0 =	sadd.s32 $0x8F2B, s0  }
0xbc: {  	[sflag:s0] =	ssyncadd.remote.s32 $0x1  }
0xbd: {  	_ =	sfence.sel $0xFFFF  }
0xbe: {  	[dreg:$0x0] =	wrdreg $0xFFFFFFFF;
	(pc) =	sbr.abs _section_cstart, $3  }
0xbf: {  	[dreg:$0x1] =	wrdreg $0xFFFFFFFF  }
0xc0: {  	_ =	task.clear_ibuf [dreg:s6], $0x2FFFF;
	_ =	strace $0x9FFFFFFF  }
0xc1: {  	(tm) =	ssettm $0x7FFFFFFF  }
tec
execute0_lowered:
.L_overlay_start_1:
0x0: {  	(tag) =	ssettag $0x1  }
0x1: {  	v0 =	vimm.s32 $0x380F;
	vm0 =	vcmask $0x704  }
0x2: {  	v0 =	vsel vm0, $0x3801, v0;
	vm0 =	vcmask $0xB08  }
0x3: {  	v0 =	vsel vm0, $0x3802, v0;
	vm0 =	vcmask $0xF0C  }
0x4: {  	v0 =	vsel vm0, $0x3803, v0;
	vm0 =	vcmask $0x1310  }
0x5: {  	v0 =	vsel vm0, $0x3804, v0;
	vm0 =	vcmask $0x1714  }
0x6: {  	s1 =	srdreg.scid;
	v2 =	vimm.s32 $0x23222124;
	v0 =	vsel vm0, $0x3805, v0;
	vm0 =	vcmask $0x1B18  }
0x7: {  	s0 =	stileid.u32;
	s5 =	rddreg [dreg:$0x0];
	v3 =	vimm.s32 $0x27262528;
	s10 =	simm.s32 $0x800;
	v0 =	vsel vm0, $0x3806, v0;
	vm0 =	vcmask $0x1F1C  }
0x8: {  	vm1 =	vcmask $0x2F2C;
	s11 =	simm.s32 $0x8100;
	s12 =	simm.s32 $0x1000;
	s13 =	simm.s32 $0x4880;
	v1 =	vsel vm0, $0x3807, v0;
	vm0 =	vcmask $0x2320  }
0x9: {  	s14 =	simm.s32 $0x80;
	s3 =	sand.u32 $0x1, s1;
	s2 =	sshll.u32 s0, $0x1;
	v2 =	vunpack.c.0.s8.s32 v2;
	v1 =	vsel vm0, $0x3808, v1;
	vm0 =	vcmask $0x2724  }
0xa: {  	s15 =	simm.s32 $0x400;
	s4 =	sshrl.u32 s0, $0x2;
	v3 =	vunpack.c.0.s8.s32 v3;
	s6 =	sor.u32 s3, s2;
	v1 =	vsel vm0, $0x3809, v1;
	vm0 =	vcmask $0x2B28  }
0xb: {  	s16 =	simm.s32 $0x0;
	s4 =	smul.u32 $0x1C000, s4;
	s7 =	sshll.u32 s6, $0x7;
	v4 =	vsel vm0, $0x380A, v1;
	vm0 =	vcmask $0x2314;
	v1 =	vimm.s32 $0x2B2A292C  }
0xc: {  	s1 =	rddreg [dreg:$0x1];
	s2 =	simm.s32 $0x0;
	s7 =	sand.u32 $0x380, s7;
	v0 =	vimm.s32 $0x0;
	v2 =	vsel vm0, v3, v2;
	v3 =	vunpack.c.0.s8.s32 v1  }
0xd: {  	s31 =	ssub.s32 $0x2, s3;
	s3 =	sadd.s32 $0xE800, s5;
	s4 =	sor.u32 s4, s7;
	v1 =	vimm.s32 $0x140;
	v4 =	vsel vm1, $0x380B, v4;
	vm0 =	vcmask $0x3324  }
0xe: {  	[smem:$0x7FF] =	sst s2;
	s9 =	sshrl.u32 s31, $0x1;
	s8 =	sshrl.u32 s4, $0x3;
	vm1 =	vcmask $0x3330;
	v3 =	vsel vm0, v3, v2;
	v2 =	vimm.s32 $0x2F2E2D00  }
0xf: {  	_ =	strace $0x80000047;
	s9 =	ssub.s32 s31, s9;
	s8 =	sadd.s32 s8, s5;
	v4 =	vsel vm1, $0x380C, v4;
	vm0 =	vcmask $0x3734;
	v5 =	vunpack.c.0.s8.s32 v2  }
0x10: {  	s4 =	sadd.s32 $0x4A00, s5;
	s5 =	smul.u32 $0x2710, s6;
	s6 =	sadd.s32 $0x26600, s8;
	vm1 =	vcmask $0x3F34;
	v2 =	vsel vm0, $0x380D, v4;
	vm0 =	vcmask $0x3B38  }
0x11: {  	s7 =	sadd.s32 $0x18600, s8;
	s8 =	smax.u32 s9, $0x1;
	s9 =	simm.s32 $0x1;
	v2 =	vsel vm0, $0x380E, v2;
	vm0 =	vmmov $0x1;
	v3 =	vsel vm1, v5, v3  }
.LBB2_1:
0x12: {  	s17 =	simm.s32 $0x40;
	s18 =	simm.s32 $0x0  }
.LBB2_2:
0x13: {  	p0 =	sne.s32 s17, $0xE000;
	[tilespmem:s18+$0x1000] =	vst v0;
	s19 =	smov.u32 s17;
	s17 =	sadd.s32 $0x40, s17  }
.Ltmp0:
0x14: {  	[tilespmem:s18+$0x4880] =	vst v1;
	(pc) =	sbr.rel @p0 .LBB2_2-.Ltmp0, $2  }
0x15: {  	_ =	sdelay $0x2  }
0x16: {  	s18 =	sshra.s32 s19, $0x2  }
0x17: {  	[tilespmem:s18+$0x1000] =	vst v0  }
0x18: {  	[tilespmem:s18+$0x4880] =	vst v1  }
0x19: {  	[tilespmem:$0x8100] =	vst v0  }
0x1a: {  	[tilespmem:$0x8110] =	vst v0  }
0x1b: {  	s17 =	simm.s32 $0x0;
	s18 =	simm.s32 $0x0;
	[tilespmem:$0x8120] =	vst v0  }
.LBB2_4:
0x1c: {  	s19 =	smul.u32 $0x7D0, s18;
	_ =	sdelay $0x1  }
0x1d: {  	s19 =	sadd.s32 s5, s19  }
0x1e: {  	s19 =	sshrl.u32 s19, $0x3  }
0x1f: {  	s20 =	sadd.s32 s4, s19  }
0x20: {  	[tilespmem:s17], [sflag:$0x1] =	stream.linear.gather [hbm4b:s20+s17], $0x7D0, $0x38;
	[tilespmem:$0x8180] =	vst v63  }
0x21: {  	_ =	swait.ge [sflag:s9], $0x7D0  }
0x22: {  	[sflag:s9] =	ssyncset.done $0x0  }
0x23: {  	s19 =	sadd.s32 s3, s19;
	[sflag:s9] =	ssyncadd.s32 $0xFFFFF830  }
0x24: {  	[tilespmem:s10], [sflag:$0x1] =	stream.linear.gather [hbm4b:s19+s17], $0x7D0, $0x38;
	[tilespmem:$0x8180] =	vst v63  }
0x25: {  	_ =	swait.ge [sflag:s9], $0x7D0  }
0x26: {  	[sflag:s9] =	ssyncset.done $0x0  }
0x27: {  	s19 =	simm.s32 $0x0;
	[sflag:s9] =	ssyncadd.s32 $0xFFFFF830  }
.LBB2_5:
0x28: {  	v4 =	vmov s19;
	_ =	sdelay $0x4  }
0x29: {  	v5 =	vld.idx.msk [tilespmem:v4+s2+$0x0], $0xffff;
	_ =	sdelay $0x4  }
0x2a: {  	v6 =	vmul.u32 $0xCCCD, v5;
	_ =	sdelay $0x1  }
0x2b: {  	v6 =	vshrl.u32 v6, $0x18;
	_ =	sdelay $0x4  }
0x2c: {  	v7 =	vld.idx.msk [tilespmem:v6+s11+$0x0], $0xffff;
	_ =	sdelay $0x4  }
0x2d: {  	v8 =	vmul.u32 $0x1C0, v6;
	vm1 =	vlt.s32 v7, $0x1BF  }
0x2e: {  	v7 =	vnsel vm1, $0x1BF, v7  }
0x2f: {  	v8 =	vadd.s32 v7, v8  }
0x30: {  	v4 =	vld.idx.msk [tilespmem:v4+s10+$0x0], $0xffff;
	v8 =	vsel vm0, v8, v2;
	_ =	sdelay $0x1  }
0x31: {  	p0 =	sne.s32 s19, $0x7CF;
	v9 =	vsel vm0, v6, v3  }
.Ltmp1:
0x32: {  	v6 =	vmul.u32 $0xFFFFFEC0, v6;
	(pc) =	sbr.rel @p0 .LBB2_5-.Ltmp1, $4  }
0x33: {  	_ = 	snop  }
0x34: {  	v5 =	vadd.s32 v5, v6;
	[tilespmem:v8+s12+$0x0] =	vst.idx.msk $0xffff, v4  }
0x35: {  	v4 =	vadd.s32 $0x1, v7;
	[tilespmem:v8+s13+$0x0] =	vst.idx.msk $0xffff, v5  }
0x36: {  	s19 =	sadd.s32 $0x1, s19;
	[tilespmem:v9+s11+$0x0] =	vst.idx.msk $0xffff, v4  }
0x37: {  	s18 =	sadd.s32 $0x1, s18  }
0x38: {  	p0 =	sne.s32 s18, $0x5  }
.Ltmp2:
0x39: {  	_ = 	snop;
	(pc) =	sbr.rel @p0 .LBB2_4-.Ltmp2, $1  }
0x3a: {  	_ =	sdelay $0x3  }
0x3b: {  	[hbm4b:s6+s14] =	stream.strided.scatter [tilespmem:s12], [sflag:$0x1], $0x3800, s15, s14, $0x38;
	[tilespmem:$0x8180] =	vst v63  }
0x3c: {  	s16 =	sadd.s32 $0x1, s16;
	_ =	swait.ge [sflag:s9], $0x3800  }
0x3d: {  	p0 =	sne.s32 s16, s8;
	[sflag:s9] =	ssyncset.done $0x0  }
.Ltmp3:
0x3e: {  	[sflag:s9] =	ssyncadd.s32 $0xFFFFC800;
	(pc) =	sbr.rel @p0 .LBB2_1-.Ltmp3, $4  }
0x3f: {  	[hbm4b:s7+s14] =	stream.strided.scatter [tilespmem:s13], [sflag:$0x1], $0x3800, s15, s14, $0x38;
	[tilespmem:$0x8180] =	vst v63  }
0x40: {  	_ =	swait.ge [sflag:s9], $0x3800  }
0x41: {  	[sflag:s9] =	ssyncset.done $0x0  }
0x42: {  	[sflag:s9] =	ssyncadd.s32 $0xFFFFC800  }
0x43: {  	_ =	sfence.sel $0x180000  }
0x44: {  	[bflag:$0x0] =	sbarrier.arrive $0xFFFF  }
0x45: {  	p0 =	sne.s32 s0, $0x0;
	_ =	strace $0x90000047  }
0x46: {  	s0 =	sadd.s32 @!p0 $0x100000, s1;
	[bflag:$0x2] =	sbarrier.arrive $0xFFFF  }
0x47: {  	[sflag:s0] =	ssyncadd.tile.s32 @!p0 $0x1;
	_ =	shalt  }
.Lfunc_end2:
_tile_overlayer_lowered:
.L_overlay_start_2:
0x48: {  	(tag) =	ssettag $0x2  }
0x49: {  	s0 =	rddreg [dreg:$0x0];
	s2 =	stileid.u32  }
0x4a: {  	s1 =	rddreg [dreg:$0x1];
	p0 =	sne.s32 s2, $0x0  }
0x4b: {  	s3 =	rddreg [dreg:$0x2];
	[bflag:$0x3] =	sbarrier.arrive $0xFFFF;
	s2 =	simm.s32 @!p0 $0x1C01  }
0x4c: {  	[timem:s3], [sflag:s2] =	dma.local @!p0 [hbm:s0], s1  }
0x4d: {  	s0 =	simm.s32 @!p0 $0x1  }
0x4e: {  	_ =	swait.ge @!p0 [sflag:s0], s1  }
0x4f: {  	s1 =	ssub.s32 @!p0 $0x0, s1;
	[sflag:s0] =	ssyncset.done @!p0 $0x0  }
0x50: {  	[sflag:s0] =	ssyncadd.s32 @!p0 s1  }
0x51: {  	[bflag:$0x3] =	sbarrier.arrive $0xFFFF  }
0x52: {  	_ =	shalt  }

// kernel: kernel.14.cloned.1.call-start
scs
__scs_entry_jumppad:
0x0: {  	(pc) =	sbr.rel $0x88, $3  }
0x1: {  	(tag) =	ssettag $0x0;
	lr =	simm.s32 $0x1  }
0x2: {  	[smem:$0x3F8B] =	sst lr;
	_ =	strace $0xD0000000  }
0x3: {  	_ = 	snop  }
0x4: {  	_ = 	snop  }
0x5: {  	_ = 	snop  }
0x6: {  	_ = 	snop  }
0x7: {  	_ = 	snop  }
__scs_overlays_trampoline_lowered:
0x8: {  	[smem:$0x3F9A] =	sst s0  }
0x9: {  	[smem:$0x3F9B] =	sst s1  }
0xa: {  	[smem:$0x3F9C] =	sst s2  }
0xb: {  	[smem:$0x3F9D] =	sst s3  }
0xc: {  	[smem:$0x3F9E] =	sst s4  }
0xd: {  	[smem:$0x3F9F] =	sst s5  }
0xe: {  	[smem:$0x3FA0] =	sst s6  }
0xf: {  	[smem:$0x3FA1] =	sst s7  }
0x10: {  	[smem:$0x3FA2] =	sst s8  }
0x11: {  	[smem:$0x3FA3] =	sst s9;
	s0 =	simm.s32 @!p0 $0x0  }
0x12: {  	s1 =	sld [smem:$0x3F89];
	s0 =	simm.s32 @p0 $0x1  }
0x13: {  	[smem:$0x3FA4] =	sst s0;
	s0 =	simm.s32 @!p1 $0x0  }
0x14: {  	s2 =	sld [smem:$0x3F88];
	s0 =	simm.s32 @p1 $0x1  }
0x15: {  	[smem:$0x3FA5] =	sst s0;
	s0 =	simm.s32 @!p2 $0x0  }
0x16: {  	s3 =	sld [smem:$0x3FDB];
	s0 =	simm.s32 @p2 $0x1  }
0x17: {  	s4 =	simm.s32 $0x1BF5;
	[smem:$0x3FA7] =	sst s0  }
0x18: {  	s0 =	sld [smem:$0x3F8A];
	_ =	swait.ge [sflag:s4], $0x0  }
0x19: {  	s7 =	sld [smem:$0x3F8B]  }
0x1a: {  	s8 =	sadd.s32 $0xFFFFE003, lr  }
0x1b: {  	s9 =	sadd.s32 $0xFFFFFEF7, lr;
	s5 =	simm.s32 $0xFFFFFFFF;
	p2 =	slt.u32 s8, $0xFFFFF086  }
0x1c: {  	p1 =	slt.u32 s9, $0xF7A;
	s5 =	simm.s32 @!p2 $0x0  }
0x1d: {  	s5 =	simm.s32 @p1 $0x1;
	p0 =	seq.s32 s7, s2  }
0x1e: {  	s7 =	smul.u32 @!p0 $0xF7A, s2;
	p2 =	seq.s32 @!p0 s5, $0x0  }
0x1f: {  	s9 =	smul.u32 $0xF7A, s1;
	s8 =	simm.s32 @!p0 $0x1BF5;
	p2 =	por !p2, p0  }
0x20: {  	[sflag:s8] =	ssyncset.s32 @!p0 $0xFFFFF086;
	s6 =	sadd.s32 @!p0 s3, s7;
	s7 =	simm.s32 @!p0 $0x108  }
0x21: {  	s3 =	sadd.s32 s3, s9;
	s6 =	sadd.s32 @!p0 $0x88, s6;
	s7 =	simm.s32 @p2 $0x1082  }
0x22: {  	[simem:s7], [sflag:s8] =	dma.local @!p0 [hbm:s6], $0xF7A  }
0x23: {  	s9 =	sor.u32 $0xD0000000, s2;
	s6 =	simm.s32 $0x108;
	_ =	swait.ge @!p0 [sflag:s8], $0x0  }
0x24: {  	s3 =	sadd.s32 $0x88, s3;
	s6 =	simm.s32 @!p1 $0x1082;
	[sflag:s4] =	ssyncset.s32 $0xFFFFF086  }
0x25: {  	[simem:s6], [sflag:s4] =	dma.local [hbm:s3], $0xF7A  }
0x26: {  	[smem:$0x3F8B] =	sst s1;
	(tag) =	ssettag s2;
	_ =	strace s9  }
0x27: {  	s1 =	sld [smem:$0x3F9B]  }
0x28: {  	s2 =	sld [smem:$0x3F9C]  }
0x29: {  	s4 =	sld [smem:$0x3F9E]  }
0x2a: {  	p0 =	seq.s32 s5, $0x0;
	s5 =	sld [smem:$0x3F9F]  }
0x2b: {  	s6 =	sld [smem:$0x3FA0]  }
0x2c: {  	s7 =	sld [smem:$0x3FA1]  }
0x2d: {  	s3 =	simm.s32 $0x108;
	s8 =	sld [smem:$0x3FA2]  }
0x2e: {  	s3 =	simm.s32 @!p0 $0x1082;
	s9 =	sld [smem:$0x3FA3]  }
0x2f: {  	lr =	sadd.s32 s0, s3;
	s0 =	sld [smem:$0x3F9A]  }
0x30: {  	s3 =	sld [smem:$0x3F9D]  }
0x31: {  	[smem:$0x3FA6] =	sst s10  }
0x32: {  	s10 =	sld [smem:$0x3FA4];
	_ =	sdelay $0x3  }
0x33: {  	p0 =	seq.s32 s10, $0x1;
	s10 =	sld [smem:$0x3FA6];
	_ =	sdelay $0x3  }
0x34: {  	[smem:$0x3FA6] =	sst s10  }
0x35: {  	s10 =	sld [smem:$0x3FA5];
	_ =	sdelay $0x3  }
0x36: {  	p1 =	seq.s32 s10, $0x1;
	s10 =	sld [smem:$0x3FA6];
	_ =	sdelay $0x3  }
0x37: {  	[smem:$0x3FA6] =	sst s10  }
0x38: {  	s10 =	sld [smem:$0x3FA7]  }
0x39: {  	_ = 	snop;
	(pc) =	sbr.ind lr, $3  }
0x3a: {  	_ = 	snop  }
0x3b: {  	_ = 	snop  }
0x3c: {  	p2 =	seq.s32 s10, $0x1;
	s10 =	sld [smem:$0x3FA6]  }
0x3d: {  	_ =	shalt  }
0x3e: {  	_ =	shalt  }
0x3f: {  	_ =	shalt  }
0x40: {  	_ =	shalt  }
0x41: {  	_ =	shalt  }
0x42: {  	_ =	shalt  }
0x43: {  	_ =	shalt  }
0x44: {  	_ =	shalt  }
0x45: {  	_ =	shalt  }
0x46: {  	_ =	shalt  }
0x47: {  	_ =	shalt  }
0x48: {  	_ =	shalt  }
0x49: {  	_ =	shalt  }
0x4a: {  	_ =	shalt  }
0x4b: {  	_ =	shalt  }
0x4c: {  	_ =	shalt  }
0x4d: {  	_ =	shalt  }
0x4e: {  	_ =	shalt  }
0x4f: {  	_ =	shalt  }
0x50: {  	_ =	shalt  }
0x51: {  	_ =	shalt  }
0x52: {  	_ =	shalt  }
0x53: {  	_ =	shalt  }
0x54: {  	_ =	shalt  }
0x55: {  	_ =	shalt  }
0x56: {  	_ =	shalt  }
0x57: {  	_ =	shalt  }
0x58: {  	_ =	shalt  }
0x59: {  	_ =	shalt  }
0x5a: {  	_ =	shalt  }
0x5b: {  	_ =	shalt  }
0x5c: {  	_ =	shalt  }
0x5d: {  	_ =	shalt  }
0x5e: {  	_ =	shalt  }
0x5f: {  	_ =	shalt  }
0x60: {  	_ =	shalt  }
0x61: {  	_ =	shalt  }
0x62: {  	_ =	shalt  }
0x63: {  	_ =	shalt  }
0x64: {  	_ =	shalt  }
0x65: {  	_ =	shalt  }
0x66: {  	_ =	shalt  }
0x67: {  	_ =	shalt  }
0x68: {  	_ =	shalt  }
0x69: {  	_ =	shalt  }
0x6a: {  	_ =	shalt  }
0x6b: {  	_ =	shalt  }
0x6c: {  	_ =	shalt  }
0x6d: {  	_ =	shalt  }
0x6e: {  	_ =	shalt  }
0x6f: {  	_ =	shalt  }
0x70: {  	_ =	shalt  }
0x71: {  	_ =	shalt  }
0x72: {  	_ =	shalt  }
0x73: {  	_ =	shalt  }
0x74: {  	_ =	shalt  }
0x75: {  	_ =	shalt  }
0x76: {  	_ =	shalt  }
0x77: {  	_ =	shalt  }
0x78: {  	_ =	shalt  }
0x79: {  	_ =	shalt  }
0x7a: {  	_ =	shalt  }
0x7b: {  	_ =	shalt  }
0x7c: {  	_ =	shalt  }
0x7d: {  	_ =	shalt  }
0x7e: {  	_ =	shalt  }
0x7f: {  	_ =	shalt  }
0x80: {  	_ =	shalt  }
0x81: {  	_ =	shalt  }
0x82: {  	_ =	shalt  }
0x83: {  	_ =	shalt  }
0x84: {  	_ =	shalt  }
0x85: {  	_ =	shalt  }
0x86: {  	_ =	shalt  }
0x87: {  	_ =	shalt  }
.Lfunc_end0:
.L_simem_size_0:
called_computation.1_lowered:
.L_overlay_start_0:
0x88: {  	s2 =	sld [smem:$0x3FD9]  }
0x89: {  	s3 =	sld [smem:$0x3FFE];
	_ =	sdelay $0x1  }
0x8a: {  	s1 =	srdreg.scid  }
0x8b: {  	s0 =	sand.u32 $0x1, s1  }
0x8c: {  	s17 =	sshll.u32 s0, $0xA;
	s2 =	sadd.s32 s3, s2  }
0x8d: {  	s2 =	sadd.s32 s2, s17  }
0x8e: {  	[smem:$0x3FB2] =	sst s2  }
0x8f: {  	_ = 	snop  }
0x90: {  	s2 =	sld [smem:$0x3FC9];
	(tm) =	ssettm $0x1  }
0x91: {  	s18 =	sld [smem:$0x3FFB];
	_ =	sdelay $0x3  }
0x92: {  	_ =	strace s18  }
0x93: {  	s3 =	sld [smem:$0x3FFC];
	_ =	sdelay $0x3  }
0x94: {  	_ =	strace s3  }
0x95: {  	s3 =	sld [smem:$0x3FFD];
	_ =	sdelay $0x3  }
0x96: {  	_ =	strace s3  }
0x97: {  	_ =	strace $0x8FFFFFFF  }
0x98: {  	s19 =	sld [smem:$0x3FDB];
	_ =	sdelay $0x1  }
0x99: {  	s4 =	simm.s32 $_scs_section_size  }
0x9a: {  	s5 =	simm.s32 $_size__tile_overlayer_lowered;
	s6 =	simm.s32 $_tile_overlayer_lowered  }
0x9b: {  	s22 =	simm.s32 $0x1BFF;
	s21 =	sshll.u32 s6, $0x1;
	s3 =	sadd.s32 s4, s19  }
0x9c: {  	s7 =	simm.s32 $0x0;
	s20 =	sshll.u32 s5, $0x1;
	s5 =	sadd.s32 s21, s3  }
0x9d: {  	[timem:s7], [sflag:s22] =	dma.local [hbm:s5], s20  }
0x9e: {  	_ =	swait.ge [sflag:s22], s20  }
0x9f: {  	s4 =	ssub.s32 $0x0, s20;
	[sflag:s22] =	ssyncset.done $0x0  }
0xa0: {  	[sflag:s22] =	ssyncadd.s32 s4;
	_ =	sdelay $0x1  }
0xa1: {  	s23 =	simm.s32 $0x1B8B  }
0xa2: {  	_ =	swait.ge [sflag:s23], $0x1  }
0xa3: {  	[sflag:s23] =	ssyncset.done $0x0  }
0xa4: {  	s25 =	simm.s32 $0x1B8E;
	s24 =	sld [smem:$0x3FFE];
	[sflag:s23] =	ssyncadd.s32 $0xFFFFFFFF  }
0xa5: {  	s26 =	simm.s32 $execute0_lowered;
	[smem:$0x3FD2] =	sst s25  }
0xa6: {  	s5 =	sshll.u32 s26, $0x1;
	_ =	strace $0x80000049;
	[dreg:$0x1] =	wrdreg $0xFFFFFFFF  }
0xa7: {  	s28 =	simm.s32 $_size_execute0_lowered;
	s3 =	sadd.s32 s3, s5;
	[dreg:$0x0] =	wrdreg $0x0  }
0xa8: {  	s5 =	sshll.u32 s28, $0x1;
	[dreg:$0x2] =	wrdreg s3  }
0xa9: {  	[dreg:$0x3] =	wrdreg s5  }
0xaa: {  	[dreg:$0x4] =	wrdreg $0xC0  }
0xab: {  	_ =	task [dreg:s7], $0x5FFFF  }
0xac: {  	[dreg:$0x1] =	wrdreg $0xFFFFFFFF  }
0xad: {  	[dreg:$0x0] =	wrdreg $0x60  }
0xae: {  	[dreg:$0x2] =	wrdreg s2  }
0xaf: {  	[dreg:$0x3] =	wrdreg s24  }
0xb0: {  	[dreg:$0x4] =	wrdreg $0x9  }
0xb1: {  	_ =	task.clear_ibuf [dreg:s7], $0x5FFFF;
	_ =	strace $0x90000049  }
0xb2: {  	s29 =	simm.s32 $0x9;
	_ =	strace $0x8000004B  }
0xb3: {  	_ =	swait.ge [sflag:s29], $0x1  }
0xb4: {  	[sflag:s29] =	ssyncadd.s32 $0xFFFFFFFF  }
0xb5: {  	_ =	strace $0x9000004B  }
0xb6: {  	_ =	sfence  }
0xb7: {  	s30 =	sld [smem:$0x0];
	_ =	sdelay $0x2  }
0xb8: {  	s31 =	sshll.u32 s1, $0xD;
	s1 =	sshrl.u32 s1, $0x2  }
0xb9: {  	s3 =	sand.u32 $0x4000, s31;
	s1 =	sadd.s32 s1, s30  }
0xba: {  	s0 =	sor.u32 s3, s0;
	s1 =	sshll.u32 s1, $0x11  }
0xbb: {  	s0 =	sor.u32 s1, s0  }
0xbc: {  	s0 =	sadd.s32 $0x8F2B, s0  }
0xbd: {  	[sflag:s0] =	ssyncadd.remote.s32 $0x1  }
0xbe: {  	_ =	sfence.sel $0xFFFF  }
0xbf: {  	[dreg:$0x0] =	wrdreg $0xFFFFFFFF;
	(pc) =	sbr.abs _section_cstart, $3  }
0xc0: {  	[dreg:$0x1] =	wrdreg $0xFFFFFFFF  }
0xc1: {  	_ =	task.clear_ibuf [dreg:s7], $0x2FFFF;
	_ =	strace $0x9FFFFFFF  }
0xc2: {  	(tm) =	ssettm $0x7FFFFFFF  }
0xc3: {  	_ =	shalt  }
tec
execute0_lowered:
.L_overlay_start_1:
0x0: {  	(tag) =	ssettag $0x1  }
0x1: {  	s1 =	srdreg.scid  }
0x2: {  	s0 =	stileid.u32;
	s2 =	rddreg [dreg:$0x0]  }
0x3: {  	s7 =	rddreg [dreg:$0x1];
	s3 =	simm.s32 $0x0;
	s11 =	simm.s32 $0x3  }
0x4: {  	s12 =	simm.s32 $0x4000;
	s13 =	simm.s32 $0x8000;
	s14 =	simm.s32 $0x1  }
0x5: {  	s15 =	simm.s32 $0x3800;
	s16 =	simm.s32 $0xC000;
	s17 =	simm.s32 $0x2  }
0x6: {  	s18 =	simm.s32 $0x0;
	s4 =	sand.u32 $0x1, s1;
	s1 =	rddreg [dreg:$0x2]  }
0x7: {  	s30 =	sshll.u32 s0, $0x1;
	s6 =	sshrl.u32 s0, $0x2;
	[smem:$0x7FF] =	sst s3  }
0x8: {  	s5 =	sor.u32 s4, s30;
	s9 =	smul.u32 $0x1C000, s6;
	_ =	strace $0x8000004A  }
0x9: {  	s10 =	ssub.s32 $0x2, s4;
	s6 =	smul.u32 $0x1C0000, s6;
	s8 =	sshll.u32 s5, $0x7  }
0xa: {  	s4 =	sadd.s32 $0x3B4600, s7;
	s31 =	sshrl.u32 s10, $0x1;
	s8 =	sand.u32 $0x380, s8  }
0xb: {  	v0 =	vlaneseq.u32;
	s5 =	smul.u32 $0x1400, s5;
	s10 =	ssub.s32 s10, s31;
	s9 =	sor.u32 s9, s8  }
0xc: {  	v1 =	vimm.f32 $0.0e+00;
	v2 =	vor.u32 $0x10, v0;
	s6 =	sor.u32 s8, s6;
	s8 =	smax.u32 s10, $0x1;
	s9 =	sshrl.u32 s9, $0x3  }
0xd: {  	v3 =	vor.u32 $0x20, v0;
	v4 =	vor.u32 $0x30, v0;
	v5 =	vor.u32 $0x40, v0;
	s10 =	simm.s32 $0x400;
	s9 =	sadd.s32 s9, s7;
	s7 =	sadd.s32 s5, s7  }
0xe: {  	v6 =	vor.u32 $0x50, v0;
	v7 =	vor.u32 $0x60, v0;
	v8 =	vor.u32 $0x70, v0;
	s5 =	sadd.s32 $0x4A00, s9;
	s7 =	sadd.s32 $0x12A00, s7;
	s9 =	simm.s32 $0x80  }
.LBB2_1:
0xf: {  	s19 =	simm.s32 $0x0;
	s20 =	simm.s32 $0x200  }
.LBB2_2:
0x10: {  	p0 =	sne.s32 s20, $0x28E00;
	[tilespmem:s19+$0xC070] =	vst v1  }
0x11: {  	[tilespmem:s19+$0xC000] =	vst v1  }
0x12: {  	[tilespmem:s19+$0xC010] =	vst v1  }
.Ltmp0:
0x13: {  	[tilespmem:s19+$0xC020] =	vst v1;
	(pc) =	sbr.rel @p0 .LBB2_2-.Ltmp0, $4  }
0x14: {  	[tilespmem:s19+$0xC030] =	vst v1  }
0x15: {  	[tilespmem:s19+$0xC040] =	vst v1  }
0x16: {  	[tilespmem:s19+$0xC050] =	vst v1  }
0x17: {  	[tilespmem:s19+$0xC060] =	vst v1;
	s19 =	sshra.s32 s20, $0x2;
	s20 =	sadd.s32 $0x200, s20  }
0x18: {  	[tilespmem:s19+$0xC070] =	vst v1  }
0x19: {  	[tilespmem:s19+$0xC000] =	vst v1  }
0x1a: {  	[tilespmem:s19+$0xC010] =	vst v1  }
0x1b: {  	[tilespmem:s19+$0xC020] =	vst v1  }
0x1c: {  	[tilespmem:s19+$0xC030] =	vst v1  }
0x1d: {  	[tilespmem:s19+$0xC040] =	vst v1  }
0x1e: {  	[tilespmem:s19+$0xC050] =	vst v1  }
0x1f: {  	[tilespmem:s19+$0xC060] =	vst v1;
	s19 =	simm.s32 $0x0  }
0x20: {  	[tilespmem:s19], [sflag:$0x3] =	stream.strided.gather [hbm4b:s5+s9], $0x3800, s10, s9, $0x38;
	[tilespmem:$0x16400] =	vst v63  }
0x21: {  	_ =	swait.ge [sflag:s11], $0x3800  }
0x22: {  	[sflag:s11] =	ssyncset.done $0x0  }
0x23: {  	[sflag:s11] =	ssyncadd.s32 $0xFFFFC800  }
0x24: {  	[tilespmem:s12], [sflag:$0x1] =	stream.indirect.gather [hbm4b:s2+s9], $0x80, s19, s9, $0xb8;
	[tilespmem:$0x16400] =	vst v63  }
.LBB2_4:
0x25: {  	s20 =	sshllo.u32 s19, $0x1  }
0x26: {  	s21 =	sshll.u32 s20, $0x7  }
0x27: {  	s31 =	sshll.u32 s19, $0xF;
	s21 =	sand.u32 $0x3FFFFF80, s21  }
0x28: {  	[tilespmem:s13], [sflag:$0x2] =	stream.indirect.gather [hbm4b:s2+s9], $0x80, s21, s9, $0xb8;
	[tilespmem:$0x16400] =	vst v63  }
0x29: {  	s21 =	sadd.s32 s6, s31;
	_ =	swait.ge [sflag:s14], $0x4000  }
0x2a: {  	s21 =	sshrl.u32 s21, $0x3;
	[sflag:s14] =	ssyncset.done $0x0  }
0x2b: {  	s21 =	sadd.s32 s4, s21;
	[sflag:s14] =	ssyncadd.s32 $0xFFFFC000  }
0x2c: {  	[tilespmem:s15], [sflag:$0x3] =	stream.strided.gather [hbm4b:s21+s9], $0x800, s10, s9, $0x38;
	[tilespmem:$0x16400] =	vst v63  }
0x2d: {  	_ =	swait.ge [sflag:s11], $0x800  }
0x2e: {  	[sflag:s11] =	ssyncset.done $0x0  }
0x2f: {  	s22 =	simm.s32 $0x0;
	s21 =	simm.s32 $0x4100;
	[sflag:s11] =	ssyncadd.s32 $0xFFFFF800  }
.LBB2_5:
0x30: {  	s23 =	sshra.s32 s22, $0x2  }
0x31: {  	v9 =	vld [tilespmem:s23+$0x3800];
	_ =	sdelay $0x4  }
0x32: {  	v9 =	vshll.u32 v9, $0x7  }
0x33: {  	v10 =	vld [tilespmem:s21+$0xFFFFFF00];
	v11 =	vor.u32 v0, v9;
	_ =	sdelay $0x4  }
0x34: {  	[tilespmem:v11+s16+$0x0] =	vst.idx.add.f32.msk $0xffff, v10  }
0x35: {  	v11 =	vor.u32 v2, v9;
	v10 =	vld [tilespmem:s21+$0xFFFFFF10];
	_ =	sdelay $0x4  }
0x36: {  	[tilespmem:v11+s16+$0x0] =	vst.idx.add.f32.msk $0xffff, v10  }
0x37: {  	v11 =	vor.u32 v3, v9;
	v10 =	vld [tilespmem:s21+$0xFFFFFF20];
	_ =	sdelay $0x4  }
0x38: {  	[tilespmem:v11+s16+$0x0] =	vst.idx.add.f32.msk $0xffff, v10  }
0x39: {  	v11 =	vor.u32 v4, v9;
	v10 =	vld [tilespmem:s21+$0xFFFFFF30];
	_ =	sdelay $0x4  }
0x3a: {  	[tilespmem:v11+s16+$0x0] =	vst.idx.add.f32.msk $0xffff, v10  }
0x3b: {  	v11 =	vor.u32 v5, v9;
	v10 =	vld [tilespmem:s21+$0xFFFFFF40];
	_ =	sdelay $0x4  }
0x3c: {  	[tilespmem:v11+s16+$0x0] =	vst.idx.add.f32.msk $0xffff, v10  }
0x3d: {  	v11 =	vor.u32 v6, v9;
	v10 =	vld [tilespmem:s21+$0xFFFFFF50];
	_ =	sdelay $0x4  }
0x3e: {  	[tilespmem:v11+s16+$0x0] =	vst.idx.add.f32.msk $0xffff, v10  }
0x3f: {  	v11 =	vor.u32 v7, v9;
	v10 =	vld [tilespmem:s21+$0xFFFFFF60];
	_ =	sdelay $0x4  }
0x40: {  	[tilespmem:v11+s16+$0x0] =	vst.idx.add.f32.msk $0xffff, v10  }
0x41: {  	v9 =	vor.u32 v8, v9;
	v10 =	vld [tilespmem:s21+$0xFFFFFF70];
	_ =	sdelay $0x4  }
0x42: {  	[tilespmem:v9+s16+$0x0] =	vst.idx.add.f32.msk $0xffff, v10  }
0x43: {  	v9 =	vld [tilespmem:s23+$0x3810];
	_ =	sdelay $0x4  }
0x44: {  	v9 =	vshll.u32 v9, $0x7  }
0x45: {  	v10 =	vld [tilespmem:s21+$0xFFFFFF80];
	v11 =	vor.u32 v0, v9;
	_ =	sdelay $0x4  }
0x46: {  	[tilespmem:v11+s16+$0x0] =	vst.idx.add.f32.msk $0xffff, v10  }
0x47: {  	v11 =	vor.u32 v2, v9;
	v10 =	vld [tilespmem:s21+$0xFFFFFF90];
	_ =	sdelay $0x4  }
0x48: {  	[tilespmem:v11+s16+$0x0] =	vst.idx.add.f32.msk $0xffff, v10  }
0x49: {  	v11 =	vor.u32 v3, v9;
	v10 =	vld [tilespmem:s21+$0xFFFFFFA0];
	_ =	sdelay $0x4  }
0x4a: {  	[tilespmem:v11+s16+$0x0] =	vst.idx.add.f32.msk $0xffff, v10  }
0x4b: {  	v11 =	vor.u32 v4, v9;
	v10 =	vld [tilespmem:s21+$0xFFFFFFB0];
	_ =	sdelay $0x4  }
0x4c: {  	[tilespmem:v11+s16+$0x0] =	vst.idx.add.f32.msk $0xffff, v10  }
0x4d: {  	v11 =	vor.u32 v5, v9;
	v10 =	vld [tilespmem:s21+$0xFFFFFFC0];
	_ =	sdelay $0x4  }
0x4e: {  	[tilespmem:v11+s16+$0x0] =	vst.idx.add.f32.msk $0xffff, v10  }
0x4f: {  	v11 =	vor.u32 v6, v9;
	v10 =	vld [tilespmem:s21+$0xFFFFFFD0];
	_ =	sdelay $0x4  }
0x50: {  	[tilespmem:v11+s16+$0x0] =	vst.idx.add.f32.msk $0xffff, v10  }
0x51: {  	v11 =	vor.u32 v7, v9;
	v10 =	vld [tilespmem:s21+$0xFFFFFFE0];
	_ =	sdelay $0x4  }
0x52: {  	[tilespmem:v11+s16+$0x0] =	vst.idx.add.f32.msk $0xffff, v10  }
0x53: {  	v9 =	vor.u32 v8, v9;
	v10 =	vld [tilespmem:s21+$0xFFFFFFF0];
	_ =	sdelay $0x4  }
0x54: {  	[tilespmem:v9+s16+$0x0] =	vst.idx.add.f32.msk $0xffff, v10  }
0x55: {  	v9 =	vld [tilespmem:s23+$0x3820];
	_ =	sdelay $0x4  }
0x56: {  	v9 =	vshll.u32 v9, $0x7  }
0x57: {  	v10 =	vld [tilespmem:s21+$0x0];
	v11 =	vor.u32 v0, v9;
	_ =	sdelay $0x4  }
0x58: {  	[tilespmem:v11+s16+$0x0] =	vst.idx.add.f32.msk $0xffff, v10  }
0x59: {  	v11 =	vor.u32 v2, v9;
	v10 =	vld [tilespmem:s21+$0x10];
	_ =	sdelay $0x4  }
0x5a: {  	[tilespmem:v11+s16+$0x0] =	vst.idx.add.f32.msk $0xffff, v10  }
0x5b: {  	v11 =	vor.u32 v3, v9;
	v10 =	vld [tilespmem:s21+$0x20];
	_ =	sdelay $0x4  }
0x5c: {  	[tilespmem:v11+s16+$0x0] =	vst.idx.add.f32.msk $0xffff, v10  }
0x5d: {  	v11 =	vor.u32 v4, v9;
	v10 =	vld [tilespmem:s21+$0x30];
	_ =	sdelay $0x4  }
0x5e: {  	[tilespmem:v11+s16+$0x0] =	vst.idx.add.f32.msk $0xffff, v10  }
0x5f: {  	v11 =	vor.u32 v5, v9;
	v10 =	vld [tilespmem:s21+$0x40];
	_ =	sdelay $0x4  }
0x60: {  	[tilespmem:v11+s16+$0x0] =	vst.idx.add.f32.msk $0xffff, v10  }
0x61: {  	v11 =	vor.u32 v6, v9;
	v10 =	vld [tilespmem:s21+$0x50];
	_ =	sdelay $0x4  }
0x62: {  	[tilespmem:v11+s16+$0x0] =	vst.idx.add.f32.msk $0xffff, v10  }
0x63: {  	v11 =	vor.u32 v7, v9;
	v10 =	vld [tilespmem:s21+$0x60];
	_ =	sdelay $0x4  }
0x64: {  	[tilespmem:v11+s16+$0x0] =	vst.idx.add.f32.msk $0xffff, v10  }
0x65: {  	v9 =	vor.u32 v8, v9;
	v10 =	vld [tilespmem:s21+$0x70];
	_ =	sdelay $0x4  }
0x66: {  	[tilespmem:v9+s16+$0x0] =	vst.idx.add.f32.msk $0xffff, v10  }
0x67: {  	v9 =	vld [tilespmem:s23+$0x3830];
	_ =	sdelay $0x4  }
0x68: {  	v9 =	vshll.u32 v9, $0x7  }
0x69: {  	v10 =	vld [tilespmem:s21+$0x80];
	v11 =	vor.u32 v0, v9;
	_ =	sdelay $0x4  }
0x6a: {  	[tilespmem:v11+s16+$0x0] =	vst.idx.add.f32.msk $0xffff, v10  }
0x6b: {  	v11 =	vor.u32 v2, v9;
	v10 =	vld [tilespmem:s21+$0x90];
	_ =	sdelay $0x4  }
0x6c: {  	[tilespmem:v11+s16+$0x0] =	vst.idx.add.f32.msk $0xffff, v10  }
0x6d: {  	v11 =	vor.u32 v3, v9;
	v10 =	vld [tilespmem:s21+$0xA0];
	_ =	sdelay $0x4  }
0x6e: {  	[tilespmem:v11+s16+$0x0] =	vst.idx.add.f32.msk $0xffff, v10  }
0x6f: {  	v11 =	vor.u32 v4, v9;
	v10 =	vld [tilespmem:s21+$0xB0];
	_ =	sdelay $0x4  }
0x70: {  	[tilespmem:v11+s16+$0x0] =	vst.idx.add.f32.msk $0xffff, v10  }
0x71: {  	v11 =	vor.u32 v5, v9;
	v10 =	vld [tilespmem:s21+$0xC0];
	_ =	sdelay $0x4  }
0x72: {  	[tilespmem:v11+s16+$0x0] =	vst.idx.add.f32.msk $0xffff, v10  }
0x73: {  	v11 =	vor.u32 v6, v9;
	v10 =	vld [tilespmem:s21+$0xD0];
	_ =	sdelay $0x4  }
0x74: {  	[tilespmem:v11+s16+$0x0] =	vst.idx.add.f32.msk $0xffff, v10  }
0x75: {  	v11 =	vor.u32 v7, v9;
	v10 =	vld [tilespmem:s21+$0xE0];
	_ =	sdelay $0x4  }
0x76: {  	[tilespmem:v11+s16+$0x0] =	vst.idx.add.f32.msk $0xffff, v10  }
0x77: {  	p0 =	sne.s32 s22, $0x1F00;
	v9 =	vor.u32 v8, v9;
	v10 =	vld [tilespmem:s21+$0xF0]  }
.Ltmp1:
0x78: {  	_ = 	snop;
	(pc) =	sbr.rel @p0 .LBB2_5-.Ltmp1, $2  }
0x79: {  	_ =	sdelay $0x2  }
0x7a: {  	s22 =	sadd.s32 $0x100, s22;
	s21 =	sadd.s32 $0x200, s21;
	[tilespmem:v9+s16+$0x0] =	vst.idx.add.f32.msk $0xffff, v10  }
0x7b: {  	p0 =	seq.s32 s19, $0x37  }
0x7c: {  	s21 =	sshll.u32 @!p0 s19, $0x8  }
0x7d: {  	s20 =	sshll.u32 s20, $0xE;
	s21 =	sand.u32 @!p0 $0x3FFFFF00, s21  }
0x7e: {  	s22 =	simm.s32 @!p0 $0x80;
	s23 =	simm.s32 @!p0 $0x4000;
	s21 =	sadd.s32 @!p0 $0x100, s21  }
0x7f: {  	[tilespmem:s23], [sflag:$0x1] =	stream.indirect.gather @!p0 [hbm4b:s2+s22], $0x80, s21, s22, $0xb8;
	[tilespmem:$0x16400] =	vst v63  }
0x80: {  	s20 =	sadd.s32 s6, s20;
	_ =	swait.ge [sflag:s17], $0x4000  }
0x81: {  	s20 =	sshrl.u32 s20, $0x3;
	[sflag:s17] =	ssyncset.done $0x0  }
0x82: {  	s20 =	sadd.s32 s4, s20;
	[sflag:s17] =	ssyncadd.s32 $0xFFFFC000  }
0x83: {  	[tilespmem:s15], [sflag:$0x3] =	stream.strided.gather [hbm4b:s20+s9], $0x800, s10, s9, $0x38;
	[tilespmem:$0x16400] =	vst v63  }
0x84: {  	_ =	swait.ge [sflag:s11], $0x800  }
0x85: {  	[sflag:s11] =	ssyncset.done $0x0  }
0x86: {  	s21 =	simm.s32 $0x8100;
	s20 =	simm.s32 $0x0;
	[sflag:s11] =	ssyncadd.s32 $0xFFFFF800  }
.LBB2_7:
0x87: {  	s22 =	sshra.s32 s20, $0x2  }
0x88: {  	v9 =	vld [tilespmem:s22+$0x3800];
	_ =	sdelay $0x4  }
0x89: {  	v9 =	vshll.u32 v9, $0x7  }
0x8a: {  	v10 =	vld [tilespmem:s21+$0xFFFFFF00];
	v11 =	vor.u32 v0, v9;
	_ =	sdelay $0x4  }
0x8b: {  	[tilespmem:v11+s16+$0x0] =	vst.idx.add.f32.msk $0xffff, v10  }
0x8c: {  	v11 =	vor.u32 v2, v9;
	v10 =	vld [tilespmem:s21+$0xFFFFFF10];
	_ =	sdelay $0x4  }
0x8d: {  	[tilespmem:v11+s16+$0x0] =	vst.idx.add.f32.msk $0xffff, v10  }
0x8e: {  	v11 =	vor.u32 v3, v9;
	v10 =	vld [tilespmem:s21+$0xFFFFFF20];
	_ =	sdelay $0x4  }
0x8f: {  	[tilespmem:v11+s16+$0x0] =	vst.idx.add.f32.msk $0xffff, v10  }
0x90: {  	v11 =	vor.u32 v4, v9;
	v10 =	vld [tilespmem:s21+$0xFFFFFF30];
	_ =	sdelay $0x4  }
0x91: {  	[tilespmem:v11+s16+$0x0] =	vst.idx.add.f32.msk $0xffff, v10  }
0x92: {  	v11 =	vor.u32 v5, v9;
	v10 =	vld [tilespmem:s21+$0xFFFFFF40];
	_ =	sdelay $0x4  }
0x93: {  	[tilespmem:v11+s16+$0x0] =	vst.idx.add.f32.msk $0xffff, v10  }
0x94: {  	v11 =	vor.u32 v6, v9;
	v10 =	vld [tilespmem:s21+$0xFFFFFF50];
	_ =	sdelay $0x4  }
0x95: {  	[tilespmem:v11+s16+$0x0] =	vst.idx.add.f32.msk $0xffff, v10  }
0x96: {  	v11 =	vor.u32 v7, v9;
	v10 =	vld [tilespmem:s21+$0xFFFFFF60];
	_ =	sdelay $0x4  }
0x97: {  	[tilespmem:v11+s16+$0x0] =	vst.idx.add.f32.msk $0xffff, v10  }
0x98: {  	v9 =	vor.u32 v8, v9;
	v10 =	vld [tilespmem:s21+$0xFFFFFF70];
	_ =	sdelay $0x4  }
0x99: {  	[tilespmem:v9+s16+$0x0] =	vst.idx.add.f32.msk $0xffff, v10  }
0x9a: {  	v9 =	vld [tilespmem:s22+$0x3810];
	_ =	sdelay $0x4  }
0x9b: {  	v9 =	vshll.u32 v9, $0x7  }
0x9c: {  	v10 =	vld [tilespmem:s21+$0xFFFFFF80];
	v11 =	vor.u32 v0, v9;
	_ =	sdelay $0x4  }
0x9d: {  	[tilespmem:v11+s16+$0x0] =	vst.idx.add.f32.msk $0xffff, v10  }
0x9e: {  	v11 =	vor.u32 v2, v9;
	v10 =	vld [tilespmem:s21+$0xFFFFFF90];
	_ =	sdelay $0x4  }
0x9f: {  	[tilespmem:v11+s16+$0x0] =	vst.idx.add.f32.msk $0xffff, v10  }
0xa0: {  	v11 =	vor.u32 v3, v9;
	v10 =	vld [tilespmem:s21+$0xFFFFFFA0];
	_ =	sdelay $0x4  }
0xa1: {  	[tilespmem:v11+s16+$0x0] =	vst.idx.add.f32.msk $0xffff, v10  }
0xa2: {  	v11 =	vor.u32 v4, v9;
	v10 =	vld [tilespmem:s21+$0xFFFFFFB0];
	_ =	sdelay $0x4  }
0xa3: {  	[tilespmem:v11+s16+$0x0] =	vst.idx.add.f32.msk $0xffff, v10  }
0xa4: {  	v11 =	vor.u32 v5, v9;
	v10 =	vld [tilespmem:s21+$0xFFFFFFC0];
	_ =	sdelay $0x4  }
0xa5: {  	[tilespmem:v11+s16+$0x0] =	vst.idx.add.f32.msk $0xffff, v10  }
0xa6: {  	v11 =	vor.u32 v6, v9;
	v10 =	vld [tilespmem:s21+$0xFFFFFFD0];
	_ =	sdelay $0x4  }
0xa7: {  	[tilespmem:v11+s16+$0x0] =	vst.idx.add.f32.msk $0xffff, v10  }
0xa8: {  	v11 =	vor.u32 v7, v9;
	v10 =	vld [tilespmem:s21+$0xFFFFFFE0];
	_ =	sdelay $0x4  }
0xa9: {  	[tilespmem:v11+s16+$0x0] =	vst.idx.add.f32.msk $0xffff, v10  }
0xaa: {  	v9 =	vor.u32 v8, v9;
	v10 =	vld [tilespmem:s21+$0xFFFFFFF0];
	_ =	sdelay $0x4  }
0xab: {  	[tilespmem:v9+s16+$0x0] =	vst.idx.add.f32.msk $0xffff, v10  }
0xac: {  	v9 =	vld [tilespmem:s22+$0x3820];
	_ =	sdelay $0x4  }
0xad: {  	v9 =	vshll.u32 v9, $0x7  }
0xae: {  	v10 =	vld [tilespmem:s21+$0x0];
	v11 =	vor.u32 v0, v9;
	_ =	sdelay $0x4  }
0xaf: {  	[tilespmem:v11+s16+$0x0] =	vst.idx.add.f32.msk $0xffff, v10  }
0xb0: {  	v11 =	vor.u32 v2, v9;
	v10 =	vld [tilespmem:s21+$0x10];
	_ =	sdelay $0x4  }
0xb1: {  	[tilespmem:v11+s16+$0x0] =	vst.idx.add.f32.msk $0xffff, v10  }
0xb2: {  	v11 =	vor.u32 v3, v9;
	v10 =	vld [tilespmem:s21+$0x20];
	_ =	sdelay $0x4  }
0xb3: {  	[tilespmem:v11+s16+$0x0] =	vst.idx.add.f32.msk $0xffff, v10  }
0xb4: {  	v11 =	vor.u32 v4, v9;
	v10 =	vld [tilespmem:s21+$0x30];
	_ =	sdelay $0x4  }
0xb5: {  	[tilespmem:v11+s16+$0x0] =	vst.idx.add.f32.msk $0xffff, v10  }
0xb6: {  	v11 =	vor.u32 v5, v9;
	v10 =	vld [tilespmem:s21+$0x40];
	_ =	sdelay $0x4  }
0xb7: {  	[tilespmem:v11+s16+$0x0] =	vst.idx.add.f32.msk $0xffff, v10  }
0xb8: {  	v11 =	vor.u32 v6, v9;
	v10 =	vld [tilespmem:s21+$0x50];
	_ =	sdelay $0x4  }
0xb9: {  	[tilespmem:v11+s16+$0x0] =	vst.idx.add.f32.msk $0xffff, v10  }
0xba: {  	v11 =	vor.u32 v7, v9;
	v10 =	vld [tilespmem:s21+$0x60];
	_ =	sdelay $0x4  }
0xbb: {  	[tilespmem:v11+s16+$0x0] =	vst.idx.add.f32.msk $0xffff, v10  }
0xbc: {  	v9 =	vor.u32 v8, v9;
	v10 =	vld [tilespmem:s21+$0x70];
	_ =	sdelay $0x4  }
0xbd: {  	[tilespmem:v9+s16+$0x0] =	vst.idx.add.f32.msk $0xffff, v10  }
0xbe: {  	v9 =	vld [tilespmem:s22+$0x3830];
	_ =	sdelay $0x4  }
0xbf: {  	v9 =	vshll.u32 v9, $0x7  }
0xc0: {  	v10 =	vld [tilespmem:s21+$0x80];
	v11 =	vor.u32 v0, v9;
	_ =	sdelay $0x4  }
0xc1: {  	[tilespmem:v11+s16+$0x0] =	vst.idx.add.f32.msk $0xffff, v10  }
0xc2: {  	v11 =	vor.u32 v2, v9;
	v10 =	vld [tilespmem:s21+$0x90];
	_ =	sdelay $0x4  }
0xc3: {  	[tilespmem:v11+s16+$0x0] =	vst.idx.add.f32.msk $0xffff, v10  }
0xc4: {  	v11 =	vor.u32 v3, v9;
	v10 =	vld [tilespmem:s21+$0xA0];
	_ =	sdelay $0x4  }
0xc5: {  	[tilespmem:v11+s16+$0x0] =	vst.idx.add.f32.msk $0xffff, v10  }
0xc6: {  	v11 =	vor.u32 v4, v9;
	v10 =	vld [tilespmem:s21+$0xB0];
	_ =	sdelay $0x4  }
0xc7: {  	[tilespmem:v11+s16+$0x0] =	vst.idx.add.f32.msk $0xffff, v10  }
0xc8: {  	v11 =	vor.u32 v5, v9;
	v10 =	vld [tilespmem:s21+$0xC0];
	_ =	sdelay $0x4  }
0xc9: {  	[tilespmem:v11+s16+$0x0] =	vst.idx.add.f32.msk $0xffff, v10  }
0xca: {  	v11 =	vor.u32 v6, v9;
	v10 =	vld [tilespmem:s21+$0xD0];
	_ =	sdelay $0x4  }
0xcb: {  	[tilespmem:v11+s16+$0x0] =	vst.idx.add.f32.msk $0xffff, v10  }
0xcc: {  	v11 =	vor.u32 v7, v9;
	v10 =	vld [tilespmem:s21+$0xE0];
	_ =	sdelay $0x4  }
0xcd: {  	[tilespmem:v11+s16+$0x0] =	vst.idx.add.f32.msk $0xffff, v10  }
0xce: {  	p0 =	sne.s32 s20, $0x1F00;
	v9 =	vor.u32 v8, v9;
	v10 =	vld [tilespmem:s21+$0xF0]  }
.Ltmp2:
0xcf: {  	_ = 	snop;
	(pc) =	sbr.rel @p0 .LBB2_7-.Ltmp2, $2  }
0xd0: {  	_ =	sdelay $0x2  }
0xd1: {  	s20 =	sadd.s32 $0x100, s20;
	s21 =	sadd.s32 $0x200, s21;
	[tilespmem:v9+s16+$0x0] =	vst.idx.add.f32.msk $0xffff, v10  }
0xd2: {  	s19 =	sadd.s32 $0x1, s19  }
0xd3: {  	p0 =	sne.s32 s19, $0x38  }
.Ltmp3:
0xd4: {  	_ = 	snop;
	(pc) =	sbr.rel @p0 .LBB2_4-.Ltmp3, $1  }
0xd5: {  	_ =	sdelay $0x3  }
0xd6: {  	s18 =	sadd.s32 $0x1, s18  }
0xd7: {  	p0 =	sne.s32 s18, s8  }
.Ltmp4:
0xd8: {  	_ = 	snop;
	(pc) =	sbr.rel @p0 .LBB2_1-.Ltmp4, $4  }
0xd9: {  	[hbm4b:s7+s3] =	stream.linear.scatter [tilespmem:s16], [sflag:$0x3], $0xA000, $0x38;
	[tilespmem:$0x16400] =	vst v63  }
0xda: {  	_ =	swait.ge [sflag:s11], $0xA000  }
0xdb: {  	[sflag:s11] =	ssyncset.done $0x0  }
0xdc: {  	[sflag:s11] =	ssyncadd.s32 $0xFFFF6000  }
0xdd: {  	_ =	sfence.sel $0x180000  }
0xde: {  	[bflag:$0x0] =	sbarrier.arrive $0xFFFF  }
0xdf: {  	p0 =	sne.s32 s0, $0x0;
	_ =	strace $0x9000004A  }
0xe0: {  	s0 =	sadd.s32 @!p0 $0x100000, s1;
	[bflag:$0x2] =	sbarrier.arrive $0xFFFF  }
0xe1: {  	[sflag:s0] =	ssyncadd.tile.s32 @!p0 $0x1;
	_ =	shalt  }
.Lfunc_end2:
_tile_overlayer_lowered:
.L_overlay_start_2:
0xe2: {  	(tag) =	ssettag $0x2  }
0xe3: {  	s0 =	rddreg [dreg:$0x0];
	s2 =	stileid.u32  }
0xe4: {  	s1 =	rddreg [dreg:$0x1];
	p0 =	sne.s32 s2, $0x0  }
0xe5: {  	s3 =	rddreg [dreg:$0x2];
	[bflag:$0x3] =	sbarrier.arrive $0xFFFF;
	s2 =	simm.s32 @!p0 $0x1C03  }
0xe6: {  	[timem:s3], [sflag:s2] =	dma.local @!p0 [hbm:s0], s1  }
0xe7: {  	s0 =	simm.s32 @!p0 $0x3  }
0xe8: {  	_ =	swait.ge @!p0 [sflag:s0], s1  }
0xe9: {  	s1 =	ssub.s32 @!p0 $0x0, s1;
	[sflag:s0] =	ssyncset.done @!p0 $0x0  }
0xea: {  	[sflag:s0] =	ssyncadd.s32 @!p0 s1  }
0xeb: {  	[bflag:$0x3] =	sbarrier.arrive $0xFFFF  }
0xec: {  	_ =	shalt  }

// kernel: kernel.17.cloned.1.call-start
scs
__scs_entry_jumppad:
0x0: {  	(pc) =	sbr.rel $0x88, $3  }
0x1: {  	(tag) =	ssettag $0x0;
	lr =	simm.s32 $0x1  }
0x2: {  	[smem:$0x3F8B] =	sst lr;
	_ =	strace $0xD0000000  }
0x3: {  	_ = 	snop  }
0x4: {  	_ = 	snop  }
0x5: {  	_ = 	snop  }
0x6: {  	_ = 	snop  }
0x7: {  	_ = 	snop  }
__scs_overlays_trampoline_lowered:
0x8: {  	[smem:$0x3F9A] =	sst s0  }
0x9: {  	[smem:$0x3F9B] =	sst s1  }
0xa: {  	[smem:$0x3F9C] =	sst s2  }
0xb: {  	[smem:$0x3F9D] =	sst s3  }
0xc: {  	[smem:$0x3F9E] =	sst s4  }
0xd: {  	[smem:$0x3F9F] =	sst s5  }
0xe: {  	[smem:$0x3FA0] =	sst s6  }
0xf: {  	[smem:$0x3FA1] =	sst s7  }
0x10: {  	[smem:$0x3FA2] =	sst s8  }
0x11: {  	[smem:$0x3FA3] =	sst s9;
	s0 =	simm.s32 @!p0 $0x0  }
0x12: {  	s1 =	sld [smem:$0x3F89];
	s0 =	simm.s32 @p0 $0x1  }
0x13: {  	[smem:$0x3FA4] =	sst s0;
	s0 =	simm.s32 @!p1 $0x0  }
0x14: {  	s2 =	sld [smem:$0x3F88];
	s0 =	simm.s32 @p1 $0x1  }
0x15: {  	[smem:$0x3FA5] =	sst s0;
	s0 =	simm.s32 @!p2 $0x0  }
0x16: {  	s3 =	sld [smem:$0x3FDB];
	s0 =	simm.s32 @p2 $0x1  }
0x17: {  	s4 =	simm.s32 $0x1BF5;
	[smem:$0x3FA7] =	sst s0  }
0x18: {  	s0 =	sld [smem:$0x3F8A];
	_ =	swait.ge [sflag:s4], $0x0  }
0x19: {  	s7 =	sld [smem:$0x3F8B]  }
0x1a: {  	s8 =	sadd.s32 $0xFFFFE003, lr  }
0x1b: {  	s9 =	sadd.s32 $0xFFFFFEF7, lr;
	s5 =	simm.s32 $0xFFFFFFFF;
	p2 =	slt.u32 s8, $0xFFFFF086  }
0x1c: {  	p1 =	slt.u32 s9, $0xF7A;
	s5 =	simm.s32 @!p2 $0x0  }
0x1d: {  	s5 =	simm.s32 @p1 $0x1;
	p0 =	seq.s32 s7, s2  }
0x1e: {  	s7 =	smul.u32 @!p0 $0xF7A, s2;
	p2 =	seq.s32 @!p0 s5, $0x0  }
0x1f: {  	s9 =	smul.u32 $0xF7A, s1;
	s8 =	simm.s32 @!p0 $0x1BF5;
	p2 =	por !p2, p0  }
0x20: {  	[sflag:s8] =	ssyncset.s32 @!p0 $0xFFFFF086;
	s6 =	sadd.s32 @!p0 s3, s7;
	s7 =	simm.s32 @!p0 $0x108  }
0x21: {  	s3 =	sadd.s32 s3, s9;
	s6 =	sadd.s32 @!p0 $0x88, s6;
	s7 =	simm.s32 @p2 $0x1082  }
0x22: {  	[simem:s7], [sflag:s8] =	dma.local @!p0 [hbm:s6], $0xF7A  }
0x23: {  	s9 =	sor.u32 $0xD0000000, s2;
	s6 =	simm.s32 $0x108;
	_ =	swait.ge @!p0 [sflag:s8], $0x0  }
0x24: {  	s3 =	sadd.s32 $0x88, s3;
	s6 =	simm.s32 @!p1 $0x1082;
	[sflag:s4] =	ssyncset.s32 $0xFFFFF086  }
0x25: {  	[simem:s6], [sflag:s4] =	dma.local [hbm:s3], $0xF7A  }
0x26: {  	[smem:$0x3F8B] =	sst s1;
	(tag) =	ssettag s2;
	_ =	strace s9  }
0x27: {  	s1 =	sld [smem:$0x3F9B]  }
0x28: {  	s2 =	sld [smem:$0x3F9C]  }
0x29: {  	s4 =	sld [smem:$0x3F9E]  }
0x2a: {  	p0 =	seq.s32 s5, $0x0;
	s5 =	sld [smem:$0x3F9F]  }
0x2b: {  	s6 =	sld [smem:$0x3FA0]  }
0x2c: {  	s7 =	sld [smem:$0x3FA1]  }
0x2d: {  	s3 =	simm.s32 $0x108;
	s8 =	sld [smem:$0x3FA2]  }
0x2e: {  	s3 =	simm.s32 @!p0 $0x1082;
	s9 =	sld [smem:$0x3FA3]  }
0x2f: {  	lr =	sadd.s32 s0, s3;
	s0 =	sld [smem:$0x3F9A]  }
0x30: {  	s3 =	sld [smem:$0x3F9D]  }
0x31: {  	[smem:$0x3FA6] =	sst s10  }
0x32: {  	s10 =	sld [smem:$0x3FA4];
	_ =	sdelay $0x3  }
0x33: {  	p0 =	seq.s32 s10, $0x1;
	s10 =	sld [smem:$0x3FA6];
	_ =	sdelay $0x3  }
0x34: {  	[smem:$0x3FA6] =	sst s10  }
0x35: {  	s10 =	sld [smem:$0x3FA5];
	_ =	sdelay $0x3  }
0x36: {  	p1 =	seq.s32 s10, $0x1;
	s10 =	sld [smem:$0x3FA6];
	_ =	sdelay $0x3  }
0x37: {  	[smem:$0x3FA6] =	sst s10  }
0x38: {  	s10 =	sld [smem:$0x3FA7]  }
0x39: {  	_ = 	snop;
	(pc) =	sbr.ind lr, $3  }
0x3a: {  	_ = 	snop  }
0x3b: {  	_ = 	snop  }
0x3c: {  	p2 =	seq.s32 s10, $0x1;
	s10 =	sld [smem:$0x3FA6]  }
0x3d: {  	_ =	shalt  }
0x3e: {  	_ =	shalt  }
0x3f: {  	_ =	shalt  }
0x40: {  	_ =	shalt  }
0x41: {  	_ =	shalt  }
0x42: {  	_ =	shalt  }
0x43: {  	_ =	shalt  }
0x44: {  	_ =	shalt  }
0x45: {  	_ =	shalt  }
0x46: {  	_ =	shalt  }
0x47: {  	_ =	shalt  }
0x48: {  	_ =	shalt  }
0x49: {  	_ =	shalt  }
0x4a: {  	_ =	shalt  }
0x4b: {  	_ =	shalt  }
0x4c: {  	_ =	shalt  }
0x4d: {  	_ =	shalt  }
0x4e: {  	_ =	shalt  }
0x4f: {  	_ =	shalt  }
0x50: {  	_ =	shalt  }
0x51: {  	_ =	shalt  }
0x52: {  	_ =	shalt  }
0x53: {  	_ =	shalt  }
0x54: {  	_ =	shalt  }
0x55: {  	_ =	shalt  }
0x56: {  	_ =	shalt  }
0x57: {  	_ =	shalt  }
0x58: {  	_ =	shalt  }
0x59: {  	_ =	shalt  }
0x5a: {  	_ =	shalt  }
0x5b: {  	_ =	shalt  }
0x5c: {  	_ =	shalt  }
0x5d: {  	_ =	shalt  }
0x5e: {  	_ =	shalt  }
0x5f: {  	_ =	shalt  }
0x60: {  	_ =	shalt  }
0x61: {  	_ =	shalt  }
0x62: {  	_ =	shalt  }
0x63: {  	_ =	shalt  }
0x64: {  	_ =	shalt  }
0x65: {  	_ =	shalt  }
0x66: {  	_ =	shalt  }
0x67: {  	_ =	shalt  }
0x68: {  	_ =	shalt  }
0x69: {  	_ =	shalt  }
0x6a: {  	_ =	shalt  }
0x6b: {  	_ =	shalt  }
0x6c: {  	_ =	shalt  }
0x6d: {  	_ =	shalt  }
0x6e: {  	_ =	shalt  }
0x6f: {  	_ =	shalt  }
0x70: {  	_ =	shalt  }
0x71: {  	_ =	shalt  }
0x72: {  	_ =	shalt  }
0x73: {  	_ =	shalt  }
0x74: {  	_ =	shalt  }
0x75: {  	_ =	shalt  }
0x76: {  	_ =	shalt  }
0x77: {  	_ =	shalt  }
0x78: {  	_ =	shalt  }
0x79: {  	_ =	shalt  }
0x7a: {  	_ =	shalt  }
0x7b: {  	_ =	shalt  }
0x7c: {  	_ =	shalt  }
0x7d: {  	_ =	shalt  }
0x7e: {  	_ =	shalt  }
0x7f: {  	_ =	shalt  }
0x80: {  	_ =	shalt  }
0x81: {  	_ =	shalt  }
0x82: {  	_ =	shalt  }
0x83: {  	_ =	shalt  }
0x84: {  	_ =	shalt  }
0x85: {  	_ =	shalt  }
0x86: {  	_ =	shalt  }
0x87: {  	_ =	shalt  }
.Lfunc_end0:
.L_simem_size_0:
called_computation.2_lowered:
.L_overlay_start_0:
0x88: {  	s2 =	sld [smem:$0x3FD9]  }
0x89: {  	s3 =	sld [smem:$0x3FFE];
	_ =	sdelay $0x1  }
0x8a: {  	s1 =	srdreg.scid  }
0x8b: {  	s0 =	sand.u32 $0x1, s1  }
0x8c: {  	s16 =	sshll.u32 s0, $0xA;
	s2 =	sadd.s32 s3, s2  }
0x8d: {  	s2 =	sadd.s32 s2, s16  }
0x8e: {  	[smem:$0x3FB2] =	sst s2  }
0x8f: {  	_ = 	snop  }
0x90: {  	(tm) =	ssettm $0x1  }
0x91: {  	s17 =	sld [smem:$0x3FFB];
	_ =	sdelay $0x3  }
0x92: {  	_ =	strace s17  }
0x93: {  	s2 =	sld [smem:$0x3FFC];
	_ =	sdelay $0x3  }
0x94: {  	_ =	strace s2  }
0x95: {  	s2 =	sld [smem:$0x3FFD];
	_ =	sdelay $0x3  }
0x96: {  	_ =	strace s2  }
0x97: {  	_ =	strace $0x8FFFFFFF  }
0x98: {  	s18 =	sld [smem:$0x3FDB];
	_ =	sdelay $0x1  }
0x99: {  	s19 =	simm.s32 $_scs_section_size  }
0x9a: {  	s4 =	simm.s32 $_size__tile_overlayer_lowered;
	s5 =	simm.s32 $_tile_overlayer_lowered  }
0x9b: {  	s22 =	simm.s32 $0x1BFF;
	s21 =	sshll.u32 s5, $0x1;
	s2 =	sadd.s32 s19, s18  }
0x9c: {  	s6 =	simm.s32 $0x0;
	s20 =	sshll.u32 s4, $0x1;
	s4 =	sadd.s32 s21, s2  }
0x9d: {  	[timem:s6], [sflag:s22] =	dma.local [hbm:s4], s20  }
0x9e: {  	_ =	swait.ge [sflag:s22], s20  }
0x9f: {  	s3 =	ssub.s32 $0x0, s20;
	[sflag:s22] =	ssyncset.done $0x0  }
0xa0: {  	[sflag:s22] =	ssyncadd.s32 s3;
	_ =	sdelay $0x1  }
0xa1: {  	s23 =	simm.s32 $0x1B8B  }
0xa2: {  	_ =	swait.ge [sflag:s23], $0x1  }
0xa3: {  	[sflag:s23] =	ssyncset.done $0x0  }
0xa4: {  	s25 =	simm.s32 $0x1B8E;
	s24 =	sld [smem:$0x3FFE];
	[sflag:s23] =	ssyncadd.s32 $0xFFFFFFFF  }
0xa5: {  	s26 =	simm.s32 $execute0_lowered;
	[smem:$0x3FD2] =	sst s25  }
0xa6: {  	s4 =	sshll.u32 s26, $0x1;
	_ =	strace $0x8000004C;
	[dreg:$0x1] =	wrdreg $0xFFFFFFFF  }
0xa7: {  	s28 =	simm.s32 $_size_execute0_lowered;
	s2 =	sadd.s32 s2, s4;
	[dreg:$0x0] =	wrdreg $0x0  }
0xa8: {  	s4 =	sshll.u32 s28, $0x1;
	[dreg:$0x2] =	wrdreg s2  }
0xa9: {  	[dreg:$0x3] =	wrdreg s4  }
0xaa: {  	[dreg:$0x4] =	wrdreg $0xC0  }
0xab: {  	_ =	task [dreg:s6], $0x5FFFF  }
0xac: {  	[dreg:$0x1] =	wrdreg $0xFFFFFFFF  }
0xad: {  	[dreg:$0x0] =	wrdreg $0x60  }
0xae: {  	[dreg:$0x2] =	wrdreg s24  }
0xaf: {  	[dreg:$0x3] =	wrdreg $0x9  }
0xb0: {  	_ =	task.clear_ibuf [dreg:s6], $0x4FFFF;
	_ =	strace $0x9000004C  }
0xb1: {  	s29 =	simm.s32 $0x9;
	_ =	strace $0x8000004E  }
0xb2: {  	_ =	swait.ge [sflag:s29], $0x1  }
0xb3: {  	[sflag:s29] =	ssyncadd.s32 $0xFFFFFFFF  }
0xb4: {  	_ =	strace $0x9000004E  }
0xb5: {  	_ =	sfence  }
0xb6: {  	s30 =	sld [smem:$0x0];
	_ =	sdelay $0x2  }
0xb7: {  	s31 =	sshll.u32 s1, $0xD;
	s1 =	sshrl.u32 s1, $0x2  }
0xb8: {  	s3 =	sand.u32 $0x4000, s31;
	s1 =	sadd.s32 s1, s30  }
0xb9: {  	s0 =	sor.u32 s3, s0;
	s1 =	sshll.u32 s1, $0x11  }
0xba: {  	s0 =	sor.u32 s1, s0  }
0xbb: {  	s0 =	sadd.s32 $0x8F2B, s0  }
0xbc: {  	[sflag:s0] =	ssyncadd.remote.s32 $0x1  }
0xbd: {  	_ =	sfence.sel $0xFFFF  }
0xbe: {  	[dreg:$0x0] =	wrdreg $0xFFFFFFFF;
	(pc) =	sbr.abs _section_cstart, $3  }
0xbf: {  	[dreg:$0x1] =	wrdreg $0xFFFFFFFF  }
0xc0: {  	_ =	task.clear_ibuf [dreg:s6], $0x2FFFF;
	_ =	strace $0x9FFFFFFF  }
0xc1: {  	(tm) =	ssettm $0x7FFFFFFF  }
tec
execute0_lowered:
.L_overlay_start_1:
0x0: {  	(tag) =	ssettag $0x1  }
0x1: {  	s1 =	srdreg.scid  }
0x2: {  	s0 =	stileid.u32;
	s5 =	rddreg [dreg:$0x0]  }
0x3: {  	s12 =	simm.s32 $0x4000;
	s13 =	simm.s32 $0x8000;
	s14 =	simm.s32 $0x1  }
0x4: {  	s15 =	simm.s32 $0x3800;
	s16 =	simm.s32 $0xC000;
	s17 =	simm.s32 $0x2  }
0x5: {  	s18 =	simm.s32 $0x0;
	s4 =	sand.u32 $0x1, s1;
	s2 =	sshll.u32 s0, $0x1  }
0x6: {  	s1 =	rddreg [dreg:$0x1];
	s7 =	sshrl.u32 s0, $0x2;
	s6 =	sor.u32 s4, s2  }
0x7: {  	s2 =	simm.s32 $0x0;
	s8 =	smul.u32 $0x1C000, s7;
	s10 =	ssub.s32 $0x2, s4  }
0x8: {  	s7 =	smul.u32 $0x1C0000, s7;
	s4 =	sadd.s32 $0x3B4600, s5;
	s3 =	sshll.u32 s6, $0x7  }
0x9: {  	[smem:$0x7FF] =	sst s2;
	s6 =	smul.u32 $0x1400, s6;
	s31 =	sshrl.u32 s10, $0x1  }
0xa: {  	s9 =	sand.u32 $0x380, s3;
	_ =	strace $0x8000004D;
	s3 =	sadd.s32 $0x12A00, s5  }
0xb: {  	v0 =	vlaneseq.u32;
	s10 =	ssub.s32 s10, s31;
	s8 =	sor.u32 s8, s9;
	s11 =	sadd.s32 s6, s5  }
0xc: {  	v1 =	vimm.f32 $0.0e+00;
	v2 =	vor.u32 $0x10, v0;
	s6 =	sor.u32 s9, s7;
	s9 =	simm.s32 $0x80;
	s8 =	sshrl.u32 s8, $0x3  }
0xd: {  	v3 =	vor.u32 $0x20, v0;
	v4 =	vor.u32 $0x30, v0;
	v5 =	vor.u32 $0x40, v0;
	s7 =	sadd.s32 $0x39C00, s11;
	s11 =	simm.s32 $0x3;
	s8 =	sadd.s32 s8, s5  }
0xe: {  	v6 =	vor.u32 $0x50, v0;
	v7 =	vor.u32 $0x60, v0;
	v8 =	vor.u32 $0x70, v0;
	s5 =	sadd.s32 $0x4A00, s8;
	s8 =	smax.u32 s10, $0x1;
	s10 =	simm.s32 $0x400  }
.LBB2_1:
0xf: {  	s19 =	simm.s32 $0x0;
	s20 =	simm.s32 $0x200  }
.LBB2_2:
0x10: {  	p0 =	sne.s32 s20, $0x28E00;
	[tilespmem:s19+$0xC070] =	vst v1  }
0x11: {  	[tilespmem:s19+$0xC000] =	vst v1  }
0x12: {  	[tilespmem:s19+$0xC010] =	vst v1  }
.Ltmp0:
0x13: {  	[tilespmem:s19+$0xC020] =	vst v1;
	(pc) =	sbr.rel @p0 .LBB2_2-.Ltmp0, $4  }
0x14: {  	[tilespmem:s19+$0xC030] =	vst v1  }
0x15: {  	[tilespmem:s19+$0xC040] =	vst v1  }
0x16: {  	[tilespmem:s19+$0xC050] =	vst v1  }
0x17: {  	[tilespmem:s19+$0xC060] =	vst v1;
	s19 =	sshra.s32 s20, $0x2;
	s20 =	sadd.s32 $0x200, s20  }
0x18: {  	[tilespmem:s19+$0xC070] =	vst v1  }
0x19: {  	[tilespmem:s19+$0xC000] =	vst v1  }
0x1a: {  	[tilespmem:s19+$0xC010] =	vst v1  }
0x1b: {  	[tilespmem:s19+$0xC020] =	vst v1  }
0x1c: {  	[tilespmem:s19+$0xC030] =	vst v1  }
0x1d: {  	[tilespmem:s19+$0xC040] =	vst v1  }
0x1e: {  	[tilespmem:s19+$0xC050] =	vst v1  }
0x1f: {  	[tilespmem:s19+$0xC060] =	vst v1;
	s19 =	simm.s32 $0x0  }
0x20: {  	[tilespmem:s19], [sflag:$0x3] =	stream.strided.gather [hbm4b:s5+s9], $0x3800, s10, s9, $0x38;
	[tilespmem:$0x16400] =	vst v63  }
0x21: {  	_ =	swait.ge [sflag:s11], $0x3800  }
0x22: {  	[sflag:s11] =	ssyncset.done $0x0  }
0x23: {  	[sflag:s11] =	ssyncadd.s32 $0xFFFFC800  }
0x24: {  	[tilespmem:s12], [sflag:$0x1] =	stream.indirect.gather [hbm4b:s3+s9], $0x80, s19, s9, $0xb8;
	[tilespmem:$0x16400] =	vst v63  }
.LBB2_4:
0x25: {  	s20 =	sshllo.u32 s19, $0x1  }
0x26: {  	s21 =	sshll.u32 s20, $0x7  }
0x27: {  	s31 =	sshll.u32 s19, $0xF;
	s21 =	sand.u32 $0x3FFFFF80, s21  }
0x28: {  	[tilespmem:s13], [sflag:$0x2] =	stream.indirect.gather [hbm4b:s3+s9], $0x80, s21, s9, $0xb8;
	[tilespmem:$0x16400] =	vst v63  }
0x29: {  	s21 =	sadd.s32 s6, s31;
	_ =	swait.ge [sflag:s14], $0x4000  }
0x2a: {  	s21 =	sshrl.u32 s21, $0x3;
	[sflag:s14] =	ssyncset.done $0x0  }
0x2b: {  	s21 =	sadd.s32 s4, s21;
	[sflag:s14] =	ssyncadd.s32 $0xFFFFC000  }
0x2c: {  	[tilespmem:s15], [sflag:$0x3] =	stream.strided.gather [hbm4b:s21+s9], $0x800, s10, s9, $0x38;
	[tilespmem:$0x16400] =	vst v63  }
0x2d: {  	_ =	swait.ge [sflag:s11], $0x800  }
0x2e: {  	[sflag:s11] =	ssyncset.done $0x0  }
0x2f: {  	s22 =	simm.s32 $0x0;
	s21 =	simm.s32 $0x4100;
	[sflag:s11] =	ssyncadd.s32 $0xFFFFF800  }
.LBB2_5:
0x30: {  	s23 =	sshra.s32 s22, $0x2  }
0x31: {  	v9 =	vld [tilespmem:s23+$0x3800];
	_ =	sdelay $0x4  }
0x32: {  	v9 =	vshll.u32 v9, $0x7  }
0x33: {  	v10 =	vld [tilespmem:s21+$0xFFFFFF00];
	v11 =	vor.u32 v0, v9;
	_ =	sdelay $0x4  }
0x34: {  	[tilespmem:v11+s16+$0x0] =	vst.idx.add.f32.msk $0xffff, v10  }
0x35: {  	v11 =	vor.u32 v2, v9;
	v10 =	vld [tilespmem:s21+$0xFFFFFF10];
	_ =	sdelay $0x4  }
0x36: {  	[tilespmem:v11+s16+$0x0] =	vst.idx.add.f32.msk $0xffff, v10  }
0x37: {  	v11 =	vor.u32 v3, v9;
	v10 =	vld [tilespmem:s21+$0xFFFFFF20];
	_ =	sdelay $0x4  }
0x38: {  	[tilespmem:v11+s16+$0x0] =	vst.idx.add.f32.msk $0xffff, v10  }
0x39: {  	v11 =	vor.u32 v4, v9;
	v10 =	vld [tilespmem:s21+$0xFFFFFF30];
	_ =	sdelay $0x4  }
0x3a: {  	[tilespmem:v11+s16+$0x0] =	vst.idx.add.f32.msk $0xffff, v10  }
0x3b: {  	v11 =	vor.u32 v5, v9;
	v10 =	vld [tilespmem:s21+$0xFFFFFF40];
	_ =	sdelay $0x4  }
0x3c: {  	[tilespmem:v11+s16+$0x0] =	vst.idx.add.f32.msk $0xffff, v10  }
0x3d: {  	v11 =	vor.u32 v6, v9;
	v10 =	vld [tilespmem:s21+$0xFFFFFF50];
	_ =	sdelay $0x4  }
0x3e: {  	[tilespmem:v11+s16+$0x0] =	vst.idx.add.f32.msk $0xffff, v10  }
0x3f: {  	v11 =	vor.u32 v7, v9;
	v10 =	vld [tilespmem:s21+$0xFFFFFF60];
	_ =	sdelay $0x4  }
0x40: {  	[tilespmem:v11+s16+$0x0] =	vst.idx.add.f32.msk $0xffff, v10  }
0x41: {  	v9 =	vor.u32 v8, v9;
	v10 =	vld [tilespmem:s21+$0xFFFFFF70];
	_ =	sdelay $0x4  }
0x42: {  	[tilespmem:v9+s16+$0x0] =	vst.idx.add.f32.msk $0xffff, v10  }
0x43: {  	v9 =	vld [tilespmem:s23+$0x3810];
	_ =	sdelay $0x4  }
0x44: {  	v9 =	vshll.u32 v9, $0x7  }
0x45: {  	v10 =	vld [tilespmem:s21+$0xFFFFFF80];
	v11 =	vor.u32 v0, v9;
	_ =	sdelay $0x4  }
0x46: {  	[tilespmem:v11+s16+$0x0] =	vst.idx.add.f32.msk $0xffff, v10  }
0x47: {  	v11 =	vor.u32 v2, v9;
	v10 =	vld [tilespmem:s21+$0xFFFFFF90];
	_ =	sdelay $0x4  }
0x48: {  	[tilespmem:v11+s16+$0x0] =	vst.idx.add.f32.msk $0xffff, v10  }
0x49: {  	v11 =	vor.u32 v3, v9;
	v10 =	vld [tilespmem:s21+$0xFFFFFFA0];
	_ =	sdelay $0x4  }
0x4a: {  	[tilespmem:v11+s16+$0x0] =	vst.idx.add.f32.msk $0xffff, v10  }
0x4b: {  	v11 =	vor.u32 v4, v9;
	v10 =	vld [tilespmem:s21+$0xFFFFFFB0];
	_ =	sdelay $0x4  }
0x4c: {  	[tilespmem:v11+s16+$0x0] =	vst.idx.add.f32.msk $0xffff, v10  }
0x4d: {  	v11 =	vor.u32 v5, v9;
	v10 =	vld [tilespmem:s21+$0xFFFFFFC0];
	_ =	sdelay $0x4  }
0x4e: {  	[tilespmem:v11+s16+$0x0] =	vst.idx.add.f32.msk $0xffff, v10  }
0x4f: {  	v11 =	vor.u32 v6, v9;
	v10 =	vld [tilespmem:s21+$0xFFFFFFD0];
	_ =	sdelay $0x4  }
0x50: {  	[tilespmem:v11+s16+$0x0] =	vst.idx.add.f32.msk $0xffff, v10  }
0x51: {  	v11 =	vor.u32 v7, v9;
	v10 =	vld [tilespmem:s21+$0xFFFFFFE0];
	_ =	sdelay $0x4  }
0x52: {  	[tilespmem:v11+s16+$0x0] =	vst.idx.add.f32.msk $0xffff, v10  }
0x53: {  	v9 =	vor.u32 v8, v9;
	v10 =	vld [tilespmem:s21+$0xFFFFFFF0];
	_ =	sdelay $0x4  }
0x54: {  	[tilespmem:v9+s16+$0x0] =	vst.idx.add.f32.msk $0xffff, v10  }
0x55: {  	v9 =	vld [tilespmem:s23+$0x3820];
	_ =	sdelay $0x4  }
0x56: {  	v9 =	vshll.u32 v9, $0x7  }
0x57: {  	v10 =	vld [tilespmem:s21+$0x0];
	v11 =	vor.u32 v0, v9;
	_ =	sdelay $0x4  }
0x58: {  	[tilespmem:v11+s16+$0x0] =	vst.idx.add.f32.msk $0xffff, v10  }
0x59: {  	v11 =	vor.u32 v2, v9;
	v10 =	vld [tilespmem:s21+$0x10];
	_ =	sdelay $0x4  }
0x5a: {  	[tilespmem:v11+s16+$0x0] =	vst.idx.add.f32.msk $0xffff, v10  }
0x5b: {  	v11 =	vor.u32 v3, v9;
	v10 =	vld [tilespmem:s21+$0x20];
	_ =	sdelay $0x4  }
0x5c: {  	[tilespmem:v11+s16+$0x0] =	vst.idx.add.f32.msk $0xffff, v10  }
0x5d: {  	v11 =	vor.u32 v4, v9;
	v10 =	vld [tilespmem:s21+$0x30];
	_ =	sdelay $0x4  }
0x5e: {  	[tilespmem:v11+s16+$0x0] =	vst.idx.add.f32.msk $0xffff, v10  }
0x5f: {  	v11 =	vor.u32 v5, v9;
	v10 =	vld [tilespmem:s21+$0x40];
	_ =	sdelay $0x4  }
0x60: {  	[tilespmem:v11+s16+$0x0] =	vst.idx.add.f32.msk $0xffff, v10  }
0x61: {  	v11 =	vor.u32 v6, v9;
	v10 =	vld [tilespmem:s21+$0x50];
	_ =	sdelay $0x4  }
0x62: {  	[tilespmem:v11+s16+$0x0] =	vst.idx.add.f32.msk $0xffff, v10  }
0x63: {  	v11 =	vor.u32 v7, v9;
	v10 =	vld [tilespmem:s21+$0x60];
	_ =	sdelay $0x4  }
0x64: {  	[tilespmem:v11+s16+$0x0] =	vst.idx.add.f32.msk $0xffff, v10  }
0x65: {  	v9 =	vor.u32 v8, v9;
	v10 =	vld [tilespmem:s21+$0x70];
	_ =	sdelay $0x4  }
0x66: {  	[tilespmem:v9+s16+$0x0] =	vst.idx.add.f32.msk $0xffff, v10  }
0x67: {  	v9 =	vld [tilespmem:s23+$0x3830];
	_ =	sdelay $0x4  }
0x68: {  	v9 =	vshll.u32 v9, $0x7  }
0x69: {  	v10 =	vld [tilespmem:s21+$0x80];
	v11 =	vor.u32 v0, v9;
	_ =	sdelay $0x4  }
0x6a: {  	[tilespmem:v11+s16+$0x0] =	vst.idx.add.f32.msk $0xffff, v10  }
0x6b: {  	v11 =	vor.u32 v2, v9;
	v10 =	vld [tilespmem:s21+$0x90];
	_ =	sdelay $0x4  }
0x6c: {  	[tilespmem:v11+s16+$0x0] =	vst.idx.add.f32.msk $0xffff, v10  }
0x6d: {  	v11 =	vor.u32 v3, v9;
	v10 =	vld [tilespmem:s21+$0xA0];
	_ =	sdelay $0x4  }
0x6e: {  	[tilespmem:v11+s16+$0x0] =	vst.idx.add.f32.msk $0xffff, v10  }
0x6f: {  	v11 =	vor.u32 v4, v9;
	v10 =	vld [tilespmem:s21+$0xB0];
	_ =	sdelay $0x4  }
0x70: {  	[tilespmem:v11+s16+$0x0] =	vst.idx.add.f32.msk $0xffff, v10  }
0x71: {  	v11 =	vor.u32 v5, v9;
	v10 =	vld [tilespmem:s21+$0xC0];
	_ =	sdelay $0x4  }
0x72: {  	[tilespmem:v11+s16+$0x0] =	vst.idx.add.f32.msk $0xffff, v10  }
0x73: {  	v11 =	vor.u32 v6, v9;
	v10 =	vld [tilespmem:s21+$0xD0];
	_ =	sdelay $0x4  }
0x74: {  	[tilespmem:v11+s16+$0x0] =	vst.idx.add.f32.msk $0xffff, v10  }
0x75: {  	v11 =	vor.u32 v7, v9;
	v10 =	vld [tilespmem:s21+$0xE0];
	_ =	sdelay $0x4  }
0x76: {  	[tilespmem:v11+s16+$0x0] =	vst.idx.add.f32.msk $0xffff, v10  }
0x77: {  	p0 =	sne.s32 s22, $0x1F00;
	v9 =	vor.u32 v8, v9;
	v10 =	vld [tilespmem:s21+$0xF0]  }
.Ltmp1:
0x78: {  	_ = 	snop;
	(pc) =	sbr.rel @p0 .LBB2_5-.Ltmp1, $2  }
0x79: {  	_ =	sdelay $0x2  }
0x7a: {  	s22 =	sadd.s32 $0x100, s22;
	s21 =	sadd.s32 $0x200, s21;
	[tilespmem:v9+s16+$0x0] =	vst.idx.add.f32.msk $0xffff, v10  }
0x7b: {  	p0 =	seq.s32 s19, $0x37  }
0x7c: {  	s21 =	sshll.u32 @!p0 s19, $0x8  }
0x7d: {  	s20 =	sshll.u32 s20, $0xE;
	s21 =	sand.u32 @!p0 $0x3FFFFF00, s21  }
0x7e: {  	s22 =	simm.s32 @!p0 $0x80;
	s23 =	simm.s32 @!p0 $0x4000;
	s21 =	sadd.s32 @!p0 $0x100, s21  }
0x7f: {  	[tilespmem:s23], [sflag:$0x1] =	stream.indirect.gather @!p0 [hbm4b:s3+s22], $0x80, s21, s22, $0xb8;
	[tilespmem:$0x16400] =	vst v63  }
0x80: {  	s20 =	sadd.s32 s6, s20;
	_ =	swait.ge [sflag:s17], $0x4000  }
0x81: {  	s20 =	sshrl.u32 s20, $0x3;
	[sflag:s17] =	ssyncset.done $0x0  }
0x82: {  	s20 =	sadd.s32 s4, s20;
	[sflag:s17] =	ssyncadd.s32 $0xFFFFC000  }
0x83: {  	[tilespmem:s15], [sflag:$0x3] =	stream.strided.gather [hbm4b:s20+s9], $0x800, s10, s9, $0x38;
	[tilespmem:$0x16400] =	vst v63  }
0x84: {  	_ =	swait.ge [sflag:s11], $0x800  }
0x85: {  	[sflag:s11] =	ssyncset.done $0x0  }
0x86: {  	s21 =	simm.s32 $0x8100;
	s20 =	simm.s32 $0x0;
	[sflag:s11] =	ssyncadd.s32 $0xFFFFF800  }
.LBB2_7:
0x87: {  	s22 =	sshra.s32 s20, $0x2  }
0x88: {  	v9 =	vld [tilespmem:s22+$0x3800];
	_ =	sdelay $0x4  }
0x89: {  	v9 =	vshll.u32 v9, $0x7  }
0x8a: {  	v10 =	vld [tilespmem:s21+$0xFFFFFF00];
	v11 =	vor.u32 v0, v9;
	_ =	sdelay $0x4  }
0x8b: {  	[tilespmem:v11+s16+$0x0] =	vst.idx.add.f32.msk $0xffff, v10  }
0x8c: {  	v11 =	vor.u32 v2, v9;
	v10 =	vld [tilespmem:s21+$0xFFFFFF10];
	_ =	sdelay $0x4  }
0x8d: {  	[tilespmem:v11+s16+$0x0] =	vst.idx.add.f32.msk $0xffff, v10  }
0x8e: {  	v11 =	vor.u32 v3, v9;
	v10 =	vld [tilespmem:s21+$0xFFFFFF20];
	_ =	sdelay $0x4  }
0x8f: {  	[tilespmem:v11+s16+$0x0] =	vst.idx.add.f32.msk $0xffff, v10  }
0x90: {  	v11 =	vor.u32 v4, v9;
	v10 =	vld [tilespmem:s21+$0xFFFFFF30];
	_ =	sdelay $0x4  }
0x91: {  	[tilespmem:v11+s16+$0x0] =	vst.idx.add.f32.msk $0xffff, v10  }
0x92: {  	v11 =	vor.u32 v5, v9;
	v10 =	vld [tilespmem:s21+$0xFFFFFF40];
	_ =	sdelay $0x4  }
0x93: {  	[tilespmem:v11+s16+$0x0] =	vst.idx.add.f32.msk $0xffff, v10  }
0x94: {  	v11 =	vor.u32 v6, v9;
	v10 =	vld [tilespmem:s21+$0xFFFFFF50];
	_ =	sdelay $0x4  }
0x95: {  	[tilespmem:v11+s16+$0x0] =	vst.idx.add.f32.msk $0xffff, v10  }
0x96: {  	v11 =	vor.u32 v7, v9;
	v10 =	vld [tilespmem:s21+$0xFFFFFF60];
	_ =	sdelay $0x4  }
0x97: {  	[tilespmem:v11+s16+$0x0] =	vst.idx.add.f32.msk $0xffff, v10  }
0x98: {  	v9 =	vor.u32 v8, v9;
	v10 =	vld [tilespmem:s21+$0xFFFFFF70];
	_ =	sdelay $0x4  }
0x99: {  	[tilespmem:v9+s16+$0x0] =	vst.idx.add.f32.msk $0xffff, v10  }
0x9a: {  	v9 =	vld [tilespmem:s22+$0x3810];
	_ =	sdelay $0x4  }
0x9b: {  	v9 =	vshll.u32 v9, $0x7  }
0x9c: {  	v10 =	vld [tilespmem:s21+$0xFFFFFF80];
	v11 =	vor.u32 v0, v9;
	_ =	sdelay $0x4  }
0x9d: {  	[tilespmem:v11+s16+$0x0] =	vst.idx.add.f32.msk $0xffff, v10  }
0x9e: {  	v11 =	vor.u32 v2, v9;
	v10 =	vld [tilespmem:s21+$0xFFFFFF90];
	_ =	sdelay $0x4  }
0x9f: {  	[tilespmem:v11+s16+$0x0] =	vst.idx.add.f32.msk $0xffff, v10  }
0xa0: {  	v11 =	vor.u32 v3, v9;
	v10 =	vld [tilespmem:s21+$0xFFFFFFA0];
	_ =	sdelay $0x4  }
0xa1: {  	[tilespmem:v11+s16+$0x0] =	vst.idx.add.f32.msk $0xffff, v10  }
0xa2: {  	v11 =	vor.u32 v4, v9;
	v10 =	vld [tilespmem:s21+$0xFFFFFFB0];
	_ =	sdelay $0x4  }
0xa3: {  	[tilespmem:v11+s16+$0x0] =	vst.idx.add.f32.msk $0xffff, v10  }
0xa4: {  	v11 =	vor.u32 v5, v9;
	v10 =	vld [tilespmem:s21+$0xFFFFFFC0];
	_ =	sdelay $0x4  }
0xa5: {  	[tilespmem:v11+s16+$0x0] =	vst.idx.add.f32.msk $0xffff, v10  }
0xa6: {  	v11 =	vor.u32 v6, v9;
	v10 =	vld [tilespmem:s21+$0xFFFFFFD0];
	_ =	sdelay $0x4  }
0xa7: {  	[tilespmem:v11+s16+$0x0] =	vst.idx.add.f32.msk $0xffff, v10  }
0xa8: {  	v11 =	vor.u32 v7, v9;
	v10 =	vld [tilespmem:s21+$0xFFFFFFE0];
	_ =	sdelay $0x4  }
0xa9: {  	[tilespmem:v11+s16+$0x0] =	vst.idx.add.f32.msk $0xffff, v10  }
0xaa: {  	v9 =	vor.u32 v8, v9;
	v10 =	vld [tilespmem:s21+$0xFFFFFFF0];
	_ =	sdelay $0x4  }
0xab: {  	[tilespmem:v9+s16+$0x0] =	vst.idx.add.f32.msk $0xffff, v10  }
0xac: {  	v9 =	vld [tilespmem:s22+$0x3820];
	_ =	sdelay $0x4  }
0xad: {  	v9 =	vshll.u32 v9, $0x7  }
0xae: {  	v10 =	vld [tilespmem:s21+$0x0];
	v11 =	vor.u32 v0, v9;
	_ =	sdelay $0x4  }
0xaf: {  	[tilespmem:v11+s16+$0x0] =	vst.idx.add.f32.msk $0xffff, v10  }
0xb0: {  	v11 =	vor.u32 v2, v9;
	v10 =	vld [tilespmem:s21+$0x10];
	_ =	sdelay $0x4  }
0xb1: {  	[tilespmem:v11+s16+$0x0] =	vst.idx.add.f32.msk $0xffff, v10  }
0xb2: {  	v11 =	vor.u32 v3, v9;
	v10 =	vld [tilespmem:s21+$0x20];
	_ =	sdelay $0x4  }
0xb3: {  	[tilespmem:v11+s16+$0x0] =	vst.idx.add.f32.msk $0xffff, v10  }
0xb4: {  	v11 =	vor.u32 v4, v9;
	v10 =	vld [tilespmem:s21+$0x30];
	_ =	sdelay $0x4  }
0xb5: {  	[tilespmem:v11+s16+$0x0] =	vst.idx.add.f32.msk $0xffff, v10  }
0xb6: {  	v11 =	vor.u32 v5, v9;
	v10 =	vld [tilespmem:s21+$0x40];
	_ =	sdelay $0x4  }
0xb7: {  	[tilespmem:v11+s16+$0x0] =	vst.idx.add.f32.msk $0xffff, v10  }
0xb8: {  	v11 =	vor.u32 v6, v9;
	v10 =	vld [tilespmem:s21+$0x50];
	_ =	sdelay $0x4  }
0xb9: {  	[tilespmem:v11+s16+$0x0] =	vst.idx.add.f32.msk $0xffff, v10  }
0xba: {  	v11 =	vor.u32 v7, v9;
	v10 =	vld [tilespmem:s21+$0x60];
	_ =	sdelay $0x4  }
0xbb: {  	[tilespmem:v11+s16+$0x0] =	vst.idx.add.f32.msk $0xffff, v10  }
0xbc: {  	v9 =	vor.u32 v8, v9;
	v10 =	vld [tilespmem:s21+$0x70];
	_ =	sdelay $0x4  }
0xbd: {  	[tilespmem:v9+s16+$0x0] =	vst.idx.add.f32.msk $0xffff, v10  }
0xbe: {  	v9 =	vld [tilespmem:s22+$0x3830];
	_ =	sdelay $0x4  }
0xbf: {  	v9 =	vshll.u32 v9, $0x7  }
0xc0: {  	v10 =	vld [tilespmem:s21+$0x80];
	v11 =	vor.u32 v0, v9;
	_ =	sdelay $0x4  }
0xc1: {  	[tilespmem:v11+s16+$0x0] =	vst.idx.add.f32.msk $0xffff, v10  }
0xc2: {  	v11 =	vor.u32 v2, v9;
	v10 =	vld [tilespmem:s21+$0x90];
	_ =	sdelay $0x4  }
0xc3: {  	[tilespmem:v11+s16+$0x0] =	vst.idx.add.f32.msk $0xffff, v10  }
0xc4: {  	v11 =	vor.u32 v3, v9;
	v10 =	vld [tilespmem:s21+$0xA0];
	_ =	sdelay $0x4  }
0xc5: {  	[tilespmem:v11+s16+$0x0] =	vst.idx.add.f32.msk $0xffff, v10  }
0xc6: {  	v11 =	vor.u32 v4, v9;
	v10 =	vld [tilespmem:s21+$0xB0];
	_ =	sdelay $0x4  }
0xc7: {  	[tilespmem:v11+s16+$0x0] =	vst.idx.add.f32.msk $0xffff, v10  }
0xc8: {  	v11 =	vor.u32 v5, v9;
	v10 =	vld [tilespmem:s21+$0xC0];
	_ =	sdelay $0x4  }
0xc9: {  	[tilespmem:v11+s16+$0x0] =	vst.idx.add.f32.msk $0xffff, v10  }
0xca: {  	v11 =	vor.u32 v6, v9;
	v10 =	vld [tilespmem:s21+$0xD0];
	_ =	sdelay $0x4  }
0xcb: {  	[tilespmem:v11+s16+$0x0] =	vst.idx.add.f32.msk $0xffff, v10  }
0xcc: {  	v11 =	vor.u32 v7, v9;
	v10 =	vld [tilespmem:s21+$0xE0];
	_ =	sdelay $0x4  }
0xcd: {  	[tilespmem:v11+s16+$0x0] =	vst.idx.add.f32.msk $0xffff, v10  }
0xce: {  	p0 =	sne.s32 s20, $0x1F00;
	v9 =	vor.u32 v8, v9;
	v10 =	vld [tilespmem:s21+$0xF0]  }
.Ltmp2:
0xcf: {  	_ = 	snop;
	(pc) =	sbr.rel @p0 .LBB2_7-.Ltmp2, $2  }
0xd0: {  	_ =	sdelay $0x2  }
0xd1: {  	s20 =	sadd.s32 $0x100, s20;
	s21 =	sadd.s32 $0x200, s21;
	[tilespmem:v9+s16+$0x0] =	vst.idx.add.f32.msk $0xffff, v10  }
0xd2: {  	s19 =	sadd.s32 $0x1, s19  }
0xd3: {  	p0 =	sne.s32 s19, $0x38  }
.Ltmp3:
0xd4: {  	_ = 	snop;
	(pc) =	sbr.rel @p0 .LBB2_4-.Ltmp3, $1  }
0xd5: {  	_ =	sdelay $0x3  }
0xd6: {  	s18 =	sadd.s32 $0x1, s18  }
0xd7: {  	p0 =	sne.s32 s18, s8  }
.Ltmp4:
0xd8: {  	_ = 	snop;
	(pc) =	sbr.rel @p0 .LBB2_1-.Ltmp4, $4  }
0xd9: {  	[hbm4b:s7+s2] =	stream.linear.scatter [tilespmem:s16], [sflag:$0x3], $0xA000, $0x38;
	[tilespmem:$0x16400] =	vst v63  }
0xda: {  	_ =	swait.ge [sflag:s11], $0xA000  }
0xdb: {  	[sflag:s11] =	ssyncset.done $0x0  }
0xdc: {  	[sflag:s11] =	ssyncadd.s32 $0xFFFF6000  }
0xdd: {  	_ =	sfence.sel $0x180000  }
0xde: {  	[bflag:$0x0] =	sbarrier.arrive $0xFFFF  }
0xdf: {  	p0 =	sne.s32 s0, $0x0;
	_ =	strace $0x9000004D  }
0xe0: {  	s0 =	sadd.s32 @!p0 $0x100000, s1;
	[bflag:$0x2] =	sbarrier.arrive $0xFFFF  }
0xe1: {  	[sflag:s0] =	ssyncadd.tile.s32 @!p0 $0x1;
	_ =	shalt  }
.Lfunc_end2:
_tile_overlayer_lowered:
.L_overlay_start_2:
0xe2: {  	(tag) =	ssettag $0x2  }
0xe3: {  	s0 =	rddreg [dreg:$0x0];
	s2 =	stileid.u32  }
0xe4: {  	s1 =	rddreg [dreg:$0x1];
	p0 =	sne.s32 s2, $0x0  }
0xe5: {  	s3 =	rddreg [dreg:$0x2];
	[bflag:$0x3] =	sbarrier.arrive $0xFFFF;
	s2 =	simm.s32 @!p0 $0x1C03  }
0xe6: {  	[timem:s3], [sflag:s2] =	dma.local @!p0 [hbm:s0], s1  }
0xe7: {  	s0 =	simm.s32 @!p0 $0x3  }
0xe8: {  	_ =	swait.ge @!p0 [sflag:s0], s1  }
0xe9: {  	s1 =	ssub.s32 @!p0 $0x0, s1;
	[sflag:s0] =	ssyncset.done @!p0 $0x0  }
0xea: {  	[sflag:s0] =	ssyncadd.s32 @!p0 s1  }
0xeb: {  	[bflag:$0x3] =	sbarrier.arrive $0xFFFF  }
0xec: {  	_ =	shalt  }

// kernel: kernel.20.cloned.1.call-start
scs
__scs_entry_jumppad:
0x0: {  	(pc) =	sbr.rel $0x88, $3  }
0x1: {  	(tag) =	ssettag $0x0;
	lr =	simm.s32 $0x1  }
0x2: {  	[smem:$0x3F8B] =	sst lr;
	_ =	strace $0xD0000000  }
0x3: {  	_ = 	snop  }
0x4: {  	_ = 	snop  }
0x5: {  	_ = 	snop  }
0x6: {  	_ = 	snop  }
0x7: {  	_ = 	snop  }
__scs_overlays_trampoline_lowered:
0x8: {  	[smem:$0x3F9A] =	sst s0  }
0x9: {  	[smem:$0x3F9B] =	sst s1  }
0xa: {  	[smem:$0x3F9C] =	sst s2  }
0xb: {  	[smem:$0x3F9D] =	sst s3  }
0xc: {  	[smem:$0x3F9E] =	sst s4  }
0xd: {  	[smem:$0x3F9F] =	sst s5  }
0xe: {  	[smem:$0x3FA0] =	sst s6  }
0xf: {  	[smem:$0x3FA1] =	sst s7  }
0x10: {  	[smem:$0x3FA2] =	sst s8  }
0x11: {  	[smem:$0x3FA3] =	sst s9;
	s0 =	simm.s32 @!p0 $0x0  }
0x12: {  	s1 =	sld [smem:$0x3F89];
	s0 =	simm.s32 @p0 $0x1  }
0x13: {  	[smem:$0x3FA4] =	sst s0;
	s0 =	simm.s32 @!p1 $0x0  }
0x14: {  	s2 =	sld [smem:$0x3F88];
	s0 =	simm.s32 @p1 $0x1  }
0x15: {  	[smem:$0x3FA5] =	sst s0;
	s0 =	simm.s32 @!p2 $0x0  }
0x16: {  	s3 =	sld [smem:$0x3FDB];
	s0 =	simm.s32 @p2 $0x1  }
0x17: {  	s4 =	simm.s32 $0x1BF5;
	[smem:$0x3FA7] =	sst s0  }
0x18: {  	s0 =	sld [smem:$0x3F8A];
	_ =	swait.ge [sflag:s4], $0x0  }
0x19: {  	s7 =	sld [smem:$0x3F8B]  }
0x1a: {  	s8 =	sadd.s32 $0xFFFFE003, lr  }
0x1b: {  	s9 =	sadd.s32 $0xFFFFFEF7, lr;
	s5 =	simm.s32 $0xFFFFFFFF;
	p2 =	slt.u32 s8, $0xFFFFF086  }
0x1c: {  	p1 =	slt.u32 s9, $0xF7A;
	s5 =	simm.s32 @!p2 $0x0  }
0x1d: {  	s5 =	simm.s32 @p1 $0x1;
	p0 =	seq.s32 s7, s2  }
0x1e: {  	s7 =	smul.u32 @!p0 $0xF7A, s2;
	p2 =	seq.s32 @!p0 s5, $0x0  }
0x1f: {  	s9 =	smul.u32 $0xF7A, s1;
	s8 =	simm.s32 @!p0 $0x1BF5;
	p2 =	por !p2, p0  }
0x20: {  	[sflag:s8] =	ssyncset.s32 @!p0 $0xFFFFF086;
	s6 =	sadd.s32 @!p0 s3, s7;
	s7 =	simm.s32 @!p0 $0x108  }
0x21: {  	s3 =	sadd.s32 s3, s9;
	s6 =	sadd.s32 @!p0 $0x88, s6;
	s7 =	simm.s32 @p2 $0x1082  }
0x22: {  	[simem:s7], [sflag:s8] =	dma.local @!p0 [hbm:s6], $0xF7A  }
0x23: {  	s9 =	sor.u32 $0xD0000000, s2;
	s6 =	simm.s32 $0x108;
	_ =	swait.ge @!p0 [sflag:s8], $0x0  }
0x24: {  	s3 =	sadd.s32 $0x88, s3;
	s6 =	simm.s32 @!p1 $0x1082;
	[sflag:s4] =	ssyncset.s32 $0xFFFFF086  }
0x25: {  	[simem:s6], [sflag:s4] =	dma.local [hbm:s3], $0xF7A  }
0x26: {  	[smem:$0x3F8B] =	sst s1;
	(tag) =	ssettag s2;
	_ =	strace s9  }
0x27: {  	s1 =	sld [smem:$0x3F9B]  }
0x28: {  	s2 =	sld [smem:$0x3F9C]  }
0x29: {  	s4 =	sld [smem:$0x3F9E]  }
0x2a: {  	p0 =	seq.s32 s5, $0x0;
	s5 =	sld [smem:$0x3F9F]  }
0x2b: {  	s6 =	sld [smem:$0x3FA0]  }
0x2c: {  	s7 =	sld [smem:$0x3FA1]  }
0x2d: {  	s3 =	simm.s32 $0x108;
	s8 =	sld [smem:$0x3FA2]  }
0x2e: {  	s3 =	simm.s32 @!p0 $0x1082;
	s9 =	sld [smem:$0x3FA3]  }
0x2f: {  	lr =	sadd.s32 s0, s3;
	s0 =	sld [smem:$0x3F9A]  }
0x30: {  	s3 =	sld [smem:$0x3F9D]  }
0x31: {  	[smem:$0x3FA6] =	sst s10  }
0x32: {  	s10 =	sld [smem:$0x3FA4];
	_ =	sdelay $0x3  }
0x33: {  	p0 =	seq.s32 s10, $0x1;
	s10 =	sld [smem:$0x3FA6];
	_ =	sdelay $0x3  }
0x34: {  	[smem:$0x3FA6] =	sst s10  }
0x35: {  	s10 =	sld [smem:$0x3FA5];
	_ =	sdelay $0x3  }
0x36: {  	p1 =	seq.s32 s10, $0x1;
	s10 =	sld [smem:$0x3FA6];
	_ =	sdelay $0x3  }
0x37: {  	[smem:$0x3FA6] =	sst s10  }
0x38: {  	s10 =	sld [smem:$0x3FA7]  }
0x39: {  	_ = 	snop;
	(pc) =	sbr.ind lr, $3  }
0x3a: {  	_ = 	snop  }
0x3b: {  	_ = 	snop  }
0x3c: {  	p2 =	seq.s32 s10, $0x1;
	s10 =	sld [smem:$0x3FA6]  }
0x3d: {  	_ =	shalt  }
0x3e: {  	_ =	shalt  }
0x3f: {  	_ =	shalt  }
0x40: {  	_ =	shalt  }
0x41: {  	_ =	shalt  }
0x42: {  	_ =	shalt  }
0x43: {  	_ =	shalt  }
0x44: {  	_ =	shalt  }
0x45: {  	_ =	shalt  }
0x46: {  	_ =	shalt  }
0x47: {  	_ =	shalt  }
0x48: {  	_ =	shalt  }
0x49: {  	_ =	shalt  }
0x4a: {  	_ =	shalt  }
0x4b: {  	_ =	shalt  }
0x4c: {  	_ =	shalt  }
0x4d: {  	_ =	shalt  }
0x4e: {  	_ =	shalt  }
0x4f: {  	_ =	shalt  }
0x50: {  	_ =	shalt  }
0x51: {  	_ =	shalt  }
0x52: {  	_ =	shalt  }
0x53: {  	_ =	shalt  }
0x54: {  	_ =	shalt  }
0x55: {  	_ =	shalt  }
0x56: {  	_ =	shalt  }
0x57: {  	_ =	shalt  }
0x58: {  	_ =	shalt  }
0x59: {  	_ =	shalt  }
0x5a: {  	_ =	shalt  }
0x5b: {  	_ =	shalt  }
0x5c: {  	_ =	shalt  }
0x5d: {  	_ =	shalt  }
0x5e: {  	_ =	shalt  }
0x5f: {  	_ =	shalt  }
0x60: {  	_ =	shalt  }
0x61: {  	_ =	shalt  }
0x62: {  	_ =	shalt  }
0x63: {  	_ =	shalt  }
0x64: {  	_ =	shalt  }
0x65: {  	_ =	shalt  }
0x66: {  	_ =	shalt  }
0x67: {  	_ =	shalt  }
0x68: {  	_ =	shalt  }
0x69: {  	_ =	shalt  }
0x6a: {  	_ =	shalt  }
0x6b: {  	_ =	shalt  }
0x6c: {  	_ =	shalt  }
0x6d: {  	_ =	shalt  }
0x6e: {  	_ =	shalt  }
0x6f: {  	_ =	shalt  }
0x70: {  	_ =	shalt  }
0x71: {  	_ =	shalt  }
0x72: {  	_ =	shalt  }
0x73: {  	_ =	shalt  }
0x74: {  	_ =	shalt  }
0x75: {  	_ =	shalt  }
0x76: {  	_ =	shalt  }
0x77: {  	_ =	shalt  }
0x78: {  	_ =	shalt  }
0x79: {  	_ =	shalt  }
0x7a: {  	_ =	shalt  }
0x7b: {  	_ =	shalt  }
0x7c: {  	_ =	shalt  }
0x7d: {  	_ =	shalt  }
0x7e: {  	_ =	shalt  }
0x7f: {  	_ =	shalt  }
0x80: {  	_ =	shalt  }
0x81: {  	_ =	shalt  }
0x82: {  	_ =	shalt  }
0x83: {  	_ =	shalt  }
0x84: {  	_ =	shalt  }
0x85: {  	_ =	shalt  }
0x86: {  	_ =	shalt  }
0x87: {  	_ =	shalt  }
.Lfunc_end0:
.L_simem_size_0:
called_computation.3_lowered:
.L_overlay_start_0:
0x88: {  	s2 =	sld [smem:$0x3FD9]  }
0x89: {  	s3 =	sld [smem:$0x3FFE];
	_ =	sdelay $0x1  }
0x8a: {  	s1 =	srdreg.scid  }
0x8b: {  	s0 =	sand.u32 $0x1, s1  }
0x8c: {  	s16 =	sshll.u32 s0, $0xA;
	s2 =	sadd.s32 s3, s2  }
0x8d: {  	s2 =	sadd.s32 s2, s16  }
0x8e: {  	[smem:$0x3FB2] =	sst s2  }
0x8f: {  	_ = 	snop  }
0x90: {  	(tm) =	ssettm $0x1  }
0x91: {  	s17 =	sld [smem:$0x3FFB];
	_ =	sdelay $0x3  }
0x92: {  	_ =	strace s17  }
0x93: {  	s2 =	sld [smem:$0x3FFC];
	_ =	sdelay $0x3  }
0x94: {  	_ =	strace s2  }
0x95: {  	s2 =	sld [smem:$0x3FFD];
	_ =	sdelay $0x3  }
0x96: {  	_ =	strace s2  }
0x97: {  	_ =	strace $0x8FFFFFFF  }
0x98: {  	s18 =	sld [smem:$0x3FDB];
	_ =	sdelay $0x1  }
0x99: {  	s19 =	simm.s32 $_scs_section_size  }
0x9a: {  	s4 =	simm.s32 $_size__tile_overlayer_lowered;
	s5 =	simm.s32 $_tile_overlayer_lowered  }
0x9b: {  	s22 =	simm.s32 $0x1BFF;
	s21 =	sshll.u32 s5, $0x1;
	s2 =	sadd.s32 s19, s18  }
0x9c: {  	s6 =	simm.s32 $0x0;
	s20 =	sshll.u32 s4, $0x1;
	s4 =	sadd.s32 s21, s2  }
0x9d: {  	[timem:s6], [sflag:s22] =	dma.local [hbm:s4], s20  }
0x9e: {  	_ =	swait.ge [sflag:s22], s20  }
0x9f: {  	s3 =	ssub.s32 $0x0, s20;
	[sflag:s22] =	ssyncset.done $0x0  }
0xa0: {  	[sflag:s22] =	ssyncadd.s32 s3;
	_ =	sdelay $0x1  }
0xa1: {  	s23 =	simm.s32 $0x1B8B  }
0xa2: {  	_ =	swait.ge [sflag:s23], $0x1  }
0xa3: {  	[sflag:s23] =	ssyncset.done $0x0  }
0xa4: {  	s25 =	simm.s32 $0x1B8E;
	s24 =	sld [smem:$0x3FFE];
	[sflag:s23] =	ssyncadd.s32 $0xFFFFFFFF  }
0xa5: {  	s26 =	simm.s32 $execute0_lowered;
	[smem:$0x3FD2] =	sst s25  }
0xa6: {  	s4 =	sshll.u32 s26, $0x1;
	_ =	strace $0x8000004F;
	[dreg:$0x1] =	wrdreg $0xFFFFFFFF  }
0xa7: {  	s28 =	simm.s32 $_size_execute0_lowered;
	s2 =	sadd.s32 s2, s4;
	[dreg:$0x0] =	wrdreg $0x0  }
0xa8: {  	s4 =	sshll.u32 s28, $0x1;
	[dreg:$0x2] =	wrdreg s2  }
0xa9: {  	[dreg:$0x3] =	wrdreg s4  }
0xaa: {  	[dreg:$0x4] =	wrdreg $0xC0  }
0xab: {  	_ =	task [dreg:s6], $0x5FFFF  }
0xac: {  	[dreg:$0x1] =	wrdreg $0xFFFFFFFF  }
0xad: {  	[dreg:$0x0] =	wrdreg $0x60  }
0xae: {  	[dreg:$0x2] =	wrdreg s24  }
0xaf: {  	[dreg:$0x3] =	wrdreg $0x9  }
0xb0: {  	_ =	task.clear_ibuf [dreg:s6], $0x4FFFF;
	_ =	strace $0x9000004F  }
0xb1: {  	s29 =	simm.s32 $0x9;
	_ =	strace $0x80000051  }
0xb2: {  	_ =	swait.ge [sflag:s29], $0x1  }
0xb3: {  	[sflag:s29] =	ssyncadd.s32 $0xFFFFFFFF  }
0xb4: {  	_ =	strace $0x90000051  }
0xb5: {  	_ =	sfence  }
0xb6: {  	s30 =	sld [smem:$0x0];
	_ =	sdelay $0x2  }
0xb7: {  	s31 =	sshll.u32 s1, $0xD;
	s1 =	sshrl.u32 s1, $0x2  }
0xb8: {  	s3 =	sand.u32 $0x4000, s31;
	s1 =	sadd.s32 s1, s30  }
0xb9: {  	s0 =	sor.u32 s3, s0;
	s1 =	sshll.u32 s1, $0x11  }
0xba: {  	s0 =	sor.u32 s1, s0  }
0xbb: {  	s0 =	sadd.s32 $0x8F2B, s0  }
0xbc: {  	[sflag:s0] =	ssyncadd.remote.s32 $0x1  }
0xbd: {  	_ =	sfence.sel $0xFFFF  }
0xbe: {  	[dreg:$0x0] =	wrdreg $0xFFFFFFFF;
	(pc) =	sbr.abs _section_cstart, $3  }
0xbf: {  	[dreg:$0x1] =	wrdreg $0xFFFFFFFF  }
0xc0: {  	_ =	task.clear_ibuf [dreg:s6], $0x2FFFF;
	_ =	strace $0x9FFFFFFF  }
0xc1: {  	(tm) =	ssettm $0x7FFFFFFF  }
tec
execute0_lowered:
.L_overlay_start_1:
0x0: {  	(tag) =	ssettag $0x1  }
0x1: {  	s1 =	srdreg.scid  }
0x2: {  	s0 =	stileid.u32;
	s5 =	rddreg [dreg:$0x0]  }
0x3: {  	s12 =	simm.s32 $0x4000;
	s13 =	simm.s32 $0x8000;
	s14 =	simm.s32 $0x1  }
0x4: {  	s15 =	simm.s32 $0x3800;
	s16 =	simm.s32 $0xC000;
	s17 =	simm.s32 $0x2  }
0x5: {  	s18 =	simm.s32 $0x0;
	s4 =	sand.u32 $0x1, s1;
	s2 =	sshll.u32 s0, $0x1  }
0x6: {  	s1 =	rddreg [dreg:$0x1];
	s7 =	sshrl.u32 s0, $0x2;
	s6 =	sor.u32 s4, s2  }
0x7: {  	s2 =	simm.s32 $0x0;
	s8 =	smul.u32 $0x1C000, s7;
	s10 =	ssub.s32 $0x2, s4  }
0x8: {  	s7 =	smul.u32 $0x1C0000, s7;
	s4 =	sadd.s32 $0x3B4600, s5;
	s3 =	sshll.u32 s6, $0x7  }
0x9: {  	[smem:$0x7FF] =	sst s2;
	s6 =	smul.u32 $0x1400, s6;
	s31 =	sshrl.u32 s10, $0x1  }
0xa: {  	s9 =	sand.u32 $0x380, s3;
	_ =	strace $0x80000050;
	s3 =	sadd.s32 $0x12A00, s5  }
0xb: {  	v0 =	vlaneseq.u32;
	s10 =	ssub.s32 s10, s31;
	s8 =	sor.u32 s8, s9;
	s11 =	sadd.s32 s6, s5  }
0xc: {  	v1 =	vimm.f32 $0.0e+00;
	v2 =	vor.u32 $0x10, v0;
	s6 =	sor.u32 s9, s7;
	s9 =	simm.s32 $0x80;
	s8 =	sshrl.u32 s8, $0x3  }
0xd: {  	v3 =	vor.u32 $0x20, v0;
	v4 =	vor.u32 $0x30, v0;
	v5 =	vor.u32 $0x40, v0;
	s7 =	sadd.s32 $0x39C00, s11;
	s11 =	simm.s32 $0x3;
	s8 =	sadd.s32 s8, s5  }
0xe: {  	v6 =	vor.u32 $0x50, v0;
	v7 =	vor.u32 $0x60, v0;
	v8 =	vor.u32 $0x70, v0;
	s5 =	sadd.s32 $0x4A00, s8;
	s8 =	smax.u32 s10, $0x1;
	s10 =	simm.s32 $0x400  }
.LBB2_1:
0xf: {  	s19 =	simm.s32 $0x0;
	s20 =	simm.s32 $0x200  }
.LBB2_2:
0x10: {  	p0 =	sne.s32 s20, $0x28E00;
	[tilespmem:s19+$0xC070] =	vst v1  }
0x11: {  	[tilespmem:s19+$0xC000] =	vst v1  }
0x12: {  	[tilespmem:s19+$0xC010] =	vst v1  }
.Ltmp0:
0x13: {  	[tilespmem:s19+$0xC020] =	vst v1;
	(pc) =	sbr.rel @p0 .LBB2_2-.Ltmp0, $4  }
0x14: {  	[tilespmem:s19+$0xC030] =	vst v1  }
0x15: {  	[tilespmem:s19+$0xC040] =	vst v1  }
0x16: {  	[tilespmem:s19+$0xC050] =	vst v1  }
0x17: {  	[tilespmem:s19+$0xC060] =	vst v1;
	s19 =	sshra.s32 s20, $0x2;
	s20 =	sadd.s32 $0x200, s20  }
0x18: {  	[tilespmem:s19+$0xC070] =	vst v1  }
0x19: {  	[tilespmem:s19+$0xC000] =	vst v1  }
0x1a: {  	[tilespmem:s19+$0xC010] =	vst v1  }
0x1b: {  	[tilespmem:s19+$0xC020] =	vst v1  }
0x1c: {  	[tilespmem:s19+$0xC030] =	vst v1  }
0x1d: {  	[tilespmem:s19+$0xC040] =	vst v1  }
0x1e: {  	[tilespmem:s19+$0xC050] =	vst v1  }
0x1f: {  	[tilespmem:s19+$0xC060] =	vst v1;
	s19 =	simm.s32 $0x0  }
0x20: {  	[tilespmem:s19], [sflag:$0x3] =	stream.strided.gather [hbm4b:s5+s9], $0x3800, s10, s9, $0x38;
	[tilespmem:$0x16400] =	vst v63  }
0x21: {  	_ =	swait.ge [sflag:s11], $0x3800  }
0x22: {  	[sflag:s11] =	ssyncset.done $0x0  }
0x23: {  	[sflag:s11] =	ssyncadd.s32 $0xFFFFC800  }
0x24: {  	[tilespmem:s12], [sflag:$0x1] =	stream.indirect.gather [hbm4b:s3+s9], $0x80, s19, s9, $0xb8;
	[tilespmem:$0x16400] =	vst v63  }
.LBB2_4:
0x25: {  	s20 =	sshllo.u32 s19, $0x1  }
0x26: {  	s21 =	sshll.u32 s20, $0x7  }
0x27: {  	s31 =	sshll.u32 s19, $0xF;
	s21 =	sand.u32 $0x3FFFFF80, s21  }
0x28: {  	[tilespmem:s13], [sflag:$0x2] =	stream.indirect.gather [hbm4b:s3+s9], $0x80, s21, s9, $0xb8;
	[tilespmem:$0x16400] =	vst v63  }
0x29: {  	s21 =	sadd.s32 s6, s31;
	_ =	swait.ge [sflag:s14], $0x4000  }
0x2a: {  	s21 =	sshrl.u32 s21, $0x3;
	[sflag:s14] =	ssyncset.done $0x0  }
0x2b: {  	s21 =	sadd.s32 s4, s21;
	[sflag:s14] =	ssyncadd.s32 $0xFFFFC000  }
0x2c: {  	[tilespmem:s15], [sflag:$0x3] =	stream.strided.gather [hbm4b:s21+s9], $0x800, s10, s9, $0x38;
	[tilespmem:$0x16400] =	vst v63  }
0x2d: {  	_ =	swait.ge [sflag:s11], $0x800  }
0x2e: {  	[sflag:s11] =	ssyncset.done $0x0  }
0x2f: {  	s22 =	simm.s32 $0x0;
	s21 =	simm.s32 $0x4100;
	[sflag:s11] =	ssyncadd.s32 $0xFFFFF800  }
.LBB2_5:
0x30: {  	s23 =	sshra.s32 s22, $0x2  }
0x31: {  	v9 =	vld [tilespmem:s23+$0x3800];
	_ =	sdelay $0x4  }
0x32: {  	v9 =	vshll.u32 v9, $0x7  }
0x33: {  	v10 =	vld [tilespmem:s21+$0xFFFFFF00];
	v11 =	vor.u32 v0, v9;
	_ =	sdelay $0x4  }
0x34: {  	[tilespmem:v11+s16+$0x0] =	vst.idx.add.f32.msk $0xffff, v10  }
0x35: {  	v11 =	vor.u32 v2, v9;
	v10 =	vld [tilespmem:s21+$0xFFFFFF10];
	_ =	sdelay $0x4  }
0x36: {  	[tilespmem:v11+s16+$0x0] =	vst.idx.add.f32.msk $0xffff, v10  }
0x37: {  	v11 =	vor.u32 v3, v9;
	v10 =	vld [tilespmem:s21+$0xFFFFFF20];
	_ =	sdelay $0x4  }
0x38: {  	[tilespmem:v11+s16+$0x0] =	vst.idx.add.f32.msk $0xffff, v10  }
0x39: {  	v11 =	vor.u32 v4, v9;
	v10 =	vld [tilespmem:s21+$0xFFFFFF30];
	_ =	sdelay $0x4  }
0x3a: {  	[tilespmem:v11+s16+$0x0] =	vst.idx.add.f32.msk $0xffff, v10  }
0x3b: {  	v11 =	vor.u32 v5, v9;
	v10 =	vld [tilespmem:s21+$0xFFFFFF40];
	_ =	sdelay $0x4  }
0x3c: {  	[tilespmem:v11+s16+$0x0] =	vst.idx.add.f32.msk $0xffff, v10  }
0x3d: {  	v11 =	vor.u32 v6, v9;
	v10 =	vld [tilespmem:s21+$0xFFFFFF50];
	_ =	sdelay $0x4  }
0x3e: {  	[tilespmem:v11+s16+$0x0] =	vst.idx.add.f32.msk $0xffff, v10  }
0x3f: {  	v11 =	vor.u32 v7, v9;
	v10 =	vld [tilespmem:s21+$0xFFFFFF60];
	_ =	sdelay $0x4  }
0x40: {  	[tilespmem:v11+s16+$0x0] =	vst.idx.add.f32.msk $0xffff, v10  }
0x41: {  	v9 =	vor.u32 v8, v9;
	v10 =	vld [tilespmem:s21+$0xFFFFFF70];
	_ =	sdelay $0x4  }
0x42: {  	[tilespmem:v9+s16+$0x0] =	vst.idx.add.f32.msk $0xffff, v10  }
0x43: {  	v9 =	vld [tilespmem:s23+$0x3810];
	_ =	sdelay $0x4  }
0x44: {  	v9 =	vshll.u32 v9, $0x7  }
0x45: {  	v10 =	vld [tilespmem:s21+$0xFFFFFF80];
	v11 =	vor.u32 v0, v9;
	_ =	sdelay $0x4  }
0x46: {  	[tilespmem:v11+s16+$0x0] =	vst.idx.add.f32.msk $0xffff, v10  }
0x47: {  	v11 =	vor.u32 v2, v9;
	v10 =	vld [tilespmem:s21+$0xFFFFFF90];
	_ =	sdelay $0x4  }
0x48: {  	[tilespmem:v11+s16+$0x0] =	vst.idx.add.f32.msk $0xffff, v10  }
0x49: {  	v11 =	vor.u32 v3, v9;
	v10 =	vld [tilespmem:s21+$0xFFFFFFA0];
	_ =	sdelay $0x4  }
0x4a: {  	[tilespmem:v11+s16+$0x0] =	vst.idx.add.f32.msk $0xffff, v10  }
0x4b: {  	v11 =	vor.u32 v4, v9;
	v10 =	vld [tilespmem:s21+$0xFFFFFFB0];
	_ =	sdelay $0x4  }
0x4c: {  	[tilespmem:v11+s16+$0x0] =	vst.idx.add.f32.msk $0xffff, v10  }
0x4d: {  	v11 =	vor.u32 v5, v9;
	v10 =	vld [tilespmem:s21+$0xFFFFFFC0];
	_ =	sdelay $0x4  }
0x4e: {  	[tilespmem:v11+s16+$0x0] =	vst.idx.add.f32.msk $0xffff, v10  }
0x4f: {  	v11 =	vor.u32 v6, v9;
	v10 =	vld [tilespmem:s21+$0xFFFFFFD0];
	_ =	sdelay $0x4  }
0x50: {  	[tilespmem:v11+s16+$0x0] =	vst.idx.add.f32.msk $0xffff, v10  }
0x51: {  	v11 =	vor.u32 v7, v9;
	v10 =	vld [tilespmem:s21+$0xFFFFFFE0];
	_ =	sdelay $0x4  }
0x52: {  	[tilespmem:v11+s16+$0x0] =	vst.idx.add.f32.msk $0xffff, v10  }
0x53: {  	v9 =	vor.u32 v8, v9;
	v10 =	vld [tilespmem:s21+$0xFFFFFFF0];
	_ =	sdelay $0x4  }
0x54: {  	[tilespmem:v9+s16+$0x0] =	vst.idx.add.f32.msk $0xffff, v10  }
0x55: {  	v9 =	vld [tilespmem:s23+$0x3820];
	_ =	sdelay $0x4  }
0x56: {  	v9 =	vshll.u32 v9, $0x7  }
0x57: {  	v10 =	vld [tilespmem:s21+$0x0];
	v11 =	vor.u32 v0, v9;
	_ =	sdelay $0x4  }
0x58: {  	[tilespmem:v11+s16+$0x0] =	vst.idx.add.f32.msk $0xffff, v10  }
0x59: {  	v11 =	vor.u32 v2, v9;
	v10 =	vld [tilespmem:s21+$0x10];
	_ =	sdelay $0x4  }
0x5a: {  	[tilespmem:v11+s16+$0x0] =	vst.idx.add.f32.msk $0xffff, v10  }
0x5b: {  	v11 =	vor.u32 v3, v9;
	v10 =	vld [tilespmem:s21+$0x20];
	_ =	sdelay $0x4  }
0x5c: {  	[tilespmem:v11+s16+$0x0] =	vst.idx.add.f32.msk $0xffff, v10  }
0x5d: {  	v11 =	vor.u32 v4, v9;
	v10 =	vld [tilespmem:s21+$0x30];
	_ =	sdelay $0x4  }
0x5e: {  	[tilespmem:v11+s16+$0x0] =	vst.idx.add.f32.msk $0xffff, v10  }
0x5f: {  	v11 =	vor.u32 v5, v9;
	v10 =	vld [tilespmem:s21+$0x40];
	_ =	sdelay $0x4  }
0x60: {  	[tilespmem:v11+s16+$0x0] =	vst.idx.add.f32.msk $0xffff, v10  }
0x61: {  	v11 =	vor.u32 v6, v9;
	v10 =	vld [tilespmem:s21+$0x50];
	_ =	sdelay $0x4  }
0x62: {  	[tilespmem:v11+s16+$0x0] =	vst.idx.add.f32.msk $0xffff, v10  }
0x63: {  	v11 =	vor.u32 v7, v9;
	v10 =	vld [tilespmem:s21+$0x60];
	_ =	sdelay $0x4  }
0x64: {  	[tilespmem:v11+s16+$0x0] =	vst.idx.add.f32.msk $0xffff, v10  }
0x65: {  	v9 =	vor.u32 v8, v9;
	v10 =	vld [tilespmem:s21+$0x70];
	_ =	sdelay $0x4  }
0x66: {  	[tilespmem:v9+s16+$0x0] =	vst.idx.add.f32.msk $0xffff, v10  }
0x67: {  	v9 =	vld [tilespmem:s23+$0x3830];
	_ =	sdelay $0x4  }
0x68: {  	v9 =	vshll.u32 v9, $0x7  }
0x69: {  	v10 =	vld [tilespmem:s21+$0x80];
	v11 =	vor.u32 v0, v9;
	_ =	sdelay $0x4  }
0x6a: {  	[tilespmem:v11+s16+$0x0] =	vst.idx.add.f32.msk $0xffff, v10  }
0x6b: {  	v11 =	vor.u32 v2, v9;
	v10 =	vld [tilespmem:s21+$0x90];
	_ =	sdelay $0x4  }
0x6c: {  	[tilespmem:v11+s16+$0x0] =	vst.idx.add.f32.msk $0xffff, v10  }
0x6d: {  	v11 =	vor.u32 v3, v9;
	v10 =	vld [tilespmem:s21+$0xA0];
	_ =	sdelay $0x4  }
0x6e: {  	[tilespmem:v11+s16+$0x0] =	vst.idx.add.f32.msk $0xffff, v10  }
0x6f: {  	v11 =	vor.u32 v4, v9;
	v10 =	vld [tilespmem:s21+$0xB0];
	_ =	sdelay $0x4  }
0x70: {  	[tilespmem:v11+s16+$0x0] =	vst.idx.add.f32.msk $0xffff, v10  }
0x71: {  	v11 =	vor.u32 v5, v9;
	v10 =	vld [tilespmem:s21+$0xC0];
	_ =	sdelay $0x4  }
0x72: {  	[tilespmem:v11+s16+$0x0] =	vst.idx.add.f32.msk $0xffff, v10  }
0x73: {  	v11 =	vor.u32 v6, v9;
	v10 =	vld [tilespmem:s21+$0xD0];
	_ =	sdelay $0x4  }
0x74: {  	[tilespmem:v11+s16+$0x0] =	vst.idx.add.f32.msk $0xffff, v10  }
0x75: {  	v11 =	vor.u32 v7, v9;
	v10 =	vld [tilespmem:s21+$0xE0];
	_ =	sdelay $0x4  }
0x76: {  	[tilespmem:v11+s16+$0x0] =	vst.idx.add.f32.msk $0xffff, v10  }
0x77: {  	p0 =	sne.s32 s22, $0x1F00;
	v9 =	vor.u32 v8, v9;
	v10 =	vld [tilespmem:s21+$0xF0]  }
.Ltmp1:
0x78: {  	_ = 	snop;
	(pc) =	sbr.rel @p0 .LBB2_5-.Ltmp1, $2  }
0x79: {  	_ =	sdelay $0x2  }
0x7a: {  	s22 =	sadd.s32 $0x100, s22;
	s21 =	sadd.s32 $0x200, s21;
	[tilespmem:v9+s16+$0x0] =	vst.idx.add.f32.msk $0xffff, v10  }
0x7b: {  	p0 =	seq.s32 s19, $0x37  }
0x7c: {  	s21 =	sshll.u32 @!p0 s19, $0x8  }
0x7d: {  	s20 =	sshll.u32 s20, $0xE;
	s21 =	sand.u32 @!p0 $0x3FFFFF00, s21  }
0x7e: {  	s22 =	simm.s32 @!p0 $0x80;
	s23 =	simm.s32 @!p0 $0x4000;
	s21 =	sadd.s32 @!p0 $0x100, s21  }
0x7f: {  	[tilespmem:s23], [sflag:$0x1] =	stream.indirect.gather @!p0 [hbm4b:s3+s22], $0x80, s21, s22, $0xb8;
	[tilespmem:$0x16400] =	vst v63  }
0x80: {  	s20 =	sadd.s32 s6, s20;
	_ =	swait.ge [sflag:s17], $0x4000  }
0x81: {  	s20 =	sshrl.u32 s20, $0x3;
	[sflag:s17] =	ssyncset.done $0x0  }
0x82: {  	s20 =	sadd.s32 s4, s20;
	[sflag:s17] =	ssyncadd.s32 $0xFFFFC000  }
0x83: {  	[tilespmem:s15], [sflag:$0x3] =	stream.strided.gather [hbm4b:s20+s9], $0x800, s10, s9, $0x38;
	[tilespmem:$0x16400] =	vst v63  }
0x84: {  	_ =	swait.ge [sflag:s11], $0x800  }
0x85: {  	[sflag:s11] =	ssyncset.done $0x0  }
0x86: {  	s21 =	simm.s32 $0x8100;
	s20 =	simm.s32 $0x0;
	[sflag:s11] =	ssyncadd.s32 $0xFFFFF800  }
.LBB2_7:
0x87: {  	s22 =	sshra.s32 s20, $0x2  }
0x88: {  	v9 =	vld [tilespmem:s22+$0x3800];
	_ =	sdelay $0x4  }
0x89: {  	v9 =	vshll.u32 v9, $0x7  }
0x8a: {  	v10 =	vld [tilespmem:s21+$0xFFFFFF00];
	v11 =	vor.u32 v0, v9;
	_ =	sdelay $0x4  }
0x8b: {  	[tilespmem:v11+s16+$0x0] =	vst.idx.add.f32.msk $0xffff, v10  }
0x8c: {  	v11 =	vor.u32 v2, v9;
	v10 =	vld [tilespmem:s21+$0xFFFFFF10];
	_ =	sdelay $0x4  }
0x8d: {  	[tilespmem:v11+s16+$0x0] =	vst.idx.add.f32.msk $0xffff, v10  }
0x8e: {  	v11 =	vor.u32 v3, v9;
	v10 =	vld [tilespmem:s21+$0xFFFFFF20];
	_ =	sdelay $0x4  }
0x8f: {  	[tilespmem:v11+s16+$0x0] =	vst.idx.add.f32.msk $0xffff, v10  }
0x90: {  	v11 =	vor.u32 v4, v9;
	v10 =	vld [tilespmem:s21+$0xFFFFFF30];
	_ =	sdelay $0x4  }
0x91: {  	[tilespmem:v11+s16+$0x0] =	vst.idx.add.f32.msk $0xffff, v10  }
0x92: {  	v11 =	vor.u32 v5, v9;
	v10 =	vld [tilespmem:s21+$0xFFFFFF40];
	_ =	sdelay $0x4  }
0x93: {  	[tilespmem:v11+s16+$0x0] =	vst.idx.add.f32.msk $0xffff, v10  }
0x94: {  	v11 =	vor.u32 v6, v9;
	v10 =	vld [tilespmem:s21+$0xFFFFFF50];
	_ =	sdelay $0x4  }
0x95: {  	[tilespmem:v11+s16+$0x0] =	vst.idx.add.f32.msk $0xffff, v10  }
0x96: {  	v11 =	vor.u32 v7, v9;
	v10 =	vld [tilespmem:s21+$0xFFFFFF60];
	_ =	sdelay $0x4  }
0x97: {  	[tilespmem:v11+s16+$0x0] =	vst.idx.add.f32.msk $0xffff, v10  }
0x98: {  	v9 =	vor.u32 v8, v9;
	v10 =	vld [tilespmem:s21+$0xFFFFFF70];
	_ =	sdelay $0x4  }
0x99: {  	[tilespmem:v9+s16+$0x0] =	vst.idx.add.f32.msk $0xffff, v10  }
0x9a: {  	v9 =	vld [tilespmem:s22+$0x3810];
	_ =	sdelay $0x4  }
0x9b: {  	v9 =	vshll.u32 v9, $0x7  }
0x9c: {  	v10 =	vld [tilespmem:s21+$0xFFFFFF80];
	v11 =	vor.u32 v0, v9;
	_ =	sdelay $0x4  }
0x9d: {  	[tilespmem:v11+s16+$0x0] =	vst.idx.add.f32.msk $0xffff, v10  }
0x9e: {  	v11 =	vor.u32 v2, v9;
	v10 =	vld [tilespmem:s21+$0xFFFFFF90];
	_ =	sdelay $0x4  }
0x9f: {  	[tilespmem:v11+s16+$0x0] =	vst.idx.add.f32.msk $0xffff, v10  }
0xa0: {  	v11 =	vor.u32 v3, v9;
	v10 =	vld [tilespmem:s21+$0xFFFFFFA0];
	_ =	sdelay $0x4  }
0xa1: {  	[tilespmem:v11+s16+$0x0] =	vst.idx.add.f32.msk $0xffff, v10  }
0xa2: {  	v11 =	vor.u32 v4, v9;
	v10 =	vld [tilespmem:s21+$0xFFFFFFB0];
	_ =	sdelay $0x4  }
0xa3: {  	[tilespmem:v11+s16+$0x0] =	vst.idx.add.f32.msk $0xffff, v10  }
0xa4: {  	v11 =	vor.u32 v5, v9;
	v10 =	vld [tilespmem:s21+$0xFFFFFFC0];
	_ =	sdelay $0x4  }
0xa5: {  	[tilespmem:v11+s16+$0x0] =	vst.idx.add.f32.msk $0xffff, v10  }
0xa6: {  	v11 =	vor.u32 v6, v9;
	v10 =	vld [tilespmem:s21+$0xFFFFFFD0];
	_ =	sdelay $0x4  }
0xa7: {  	[tilespmem:v11+s16+$0x0] =	vst.idx.add.f32.msk $0xffff, v10  }
0xa8: {  	v11 =	vor.u32 v7, v9;
	v10 =	vld [tilespmem:s21+$0xFFFFFFE0];
	_ =	sdelay $0x4  }
0xa9: {  	[tilespmem:v11+s16+$0x0] =	vst.idx.add.f32.msk $0xffff, v10  }
0xaa: {  	v9 =	vor.u32 v8, v9;
	v10 =	vld [tilespmem:s21+$0xFFFFFFF0];
	_ =	sdelay $0x4  }
0xab: {  	[tilespmem:v9+s16+$0x0] =	vst.idx.add.f32.msk $0xffff, v10  }
0xac: {  	v9 =	vld [tilespmem:s22+$0x3820];
	_ =	sdelay $0x4  }
0xad: {  	v9 =	vshll.u32 v9, $0x7  }
0xae: {  	v10 =	vld [tilespmem:s21+$0x0];
	v11 =	vor.u32 v0, v9;
	_ =	sdelay $0x4  }
0xaf: {  	[tilespmem:v11+s16+$0x0] =	vst.idx.add.f32.msk $0xffff, v10  }
0xb0: {  	v11 =	vor.u32 v2, v9;
	v10 =	vld [tilespmem:s21+$0x10];
	_ =	sdelay $0x4  }
0xb1: {  	[tilespmem:v11+s16+$0x0] =	vst.idx.add.f32.msk $0xffff, v10  }
0xb2: {  	v11 =	vor.u32 v3, v9;
	v10 =	vld [tilespmem:s21+$0x20];
	_ =	sdelay $0x4  }
0xb3: {  	[tilespmem:v11+s16+$0x0] =	vst.idx.add.f32.msk $0xffff, v10  }
0xb4: {  	v11 =	vor.u32 v4, v9;
	v10 =	vld [tilespmem:s21+$0x30];
	_ =	sdelay $0x4  }
0xb5: {  	[tilespmem:v11+s16+$0x0] =	vst.idx.add.f32.msk $0xffff, v10  }
0xb6: {  	v11 =	vor.u32 v5, v9;
	v10 =	vld [tilespmem:s21+$0x40];
	_ =	sdelay $0x4  }
0xb7: {  	[tilespmem:v11+s16+$0x0] =	vst.idx.add.f32.msk $0xffff, v10  }
0xb8: {  	v11 =	vor.u32 v6, v9;
	v10 =	vld [tilespmem:s21+$0x50];
	_ =	sdelay $0x4  }
0xb9: {  	[tilespmem:v11+s16+$0x0] =	vst.idx.add.f32.msk $0xffff, v10  }
0xba: {  	v11 =	vor.u32 v7, v9;
	v10 =	vld [tilespmem:s21+$0x60];
	_ =	sdelay $0x4  }
0xbb: {  	[tilespmem:v11+s16+$0x0] =	vst.idx.add.f32.msk $0xffff, v10  }
0xbc: {  	v9 =	vor.u32 v8, v9;
	v10 =	vld [tilespmem:s21+$0x70];
	_ =	sdelay $0x4  }
0xbd: {  	[tilespmem:v9+s16+$0x0] =	vst.idx.add.f32.msk $0xffff, v10  }
0xbe: {  	v9 =	vld [tilespmem:s22+$0x3830];
	_ =	sdelay $0x4  }
0xbf: {  	v9 =	vshll.u32 v9, $0x7  }
0xc0: {  	v10 =	vld [tilespmem:s21+$0x80];
	v11 =	vor.u32 v0, v9;
	_ =	sdelay $0x4  }
0xc1: {  	[tilespmem:v11+s16+$0x0] =	vst.idx.add.f32.msk $0xffff, v10  }
0xc2: {  	v11 =	vor.u32 v2, v9;
	v10 =	vld [tilespmem:s21+$0x90];
	_ =	sdelay $0x4  }
0xc3: {  	[tilespmem:v11+s16+$0x0] =	vst.idx.add.f32.msk $0xffff, v10  }
0xc4: {  	v11 =	vor.u32 v3, v9;
	v10 =	vld [tilespmem:s21+$0xA0];
	_ =	sdelay $0x4  }
0xc5: {  	[tilespmem:v11+s16+$0x0] =	vst.idx.add.f32.msk $0xffff, v10  }
0xc6: {  	v11 =	vor.u32 v4, v9;
	v10 =	vld [tilespmem:s21+$0xB0];
	_ =	sdelay $0x4  }
0xc7: {  	[tilespmem:v11+s16+$0x0] =	vst.idx.add.f32.msk $0xffff, v10  }
0xc8: {  	v11 =	vor.u32 v5, v9;
	v10 =	vld [tilespmem:s21+$0xC0];
	_ =	sdelay $0x4  }
0xc9: {  	[tilespmem:v11+s16+$0x0] =	vst.idx.add.f32.msk $0xffff, v10  }
0xca: {  	v11 =	vor.u32 v6, v9;
	v10 =	vld [tilespmem:s21+$0xD0];
	_ =	sdelay $0x4  }
0xcb: {  	[tilespmem:v11+s16+$0x0] =	vst.idx.add.f32.msk $0xffff, v10  }
0xcc: {  	v11 =	vor.u32 v7, v9;
	v10 =	vld [tilespmem:s21+$0xE0];
	_ =	sdelay $0x4  }
0xcd: {  	[tilespmem:v11+s16+$0x0] =	vst.idx.add.f32.msk $0xffff, v10  }
0xce: {  	p0 =	sne.s32 s20, $0x1F00;
	v9 =	vor.u32 v8, v9;
	v10 =	vld [tilespmem:s21+$0xF0]  }
.Ltmp2:
0xcf: {  	_ = 	snop;
	(pc) =	sbr.rel @p0 .LBB2_7-.Ltmp2, $2  }
0xd0: {  	_ =	sdelay $0x2  }
0xd1: {  	s20 =	sadd.s32 $0x100, s20;
	s21 =	sadd.s32 $0x200, s21;
	[tilespmem:v9+s16+$0x0] =	vst.idx.add.f32.msk $0xffff, v10  }
0xd2: {  	s19 =	sadd.s32 $0x1, s19  }
0xd3: {  	p0 =	sne.s32 s19, $0x38  }
.Ltmp3:
0xd4: {  	_ = 	snop;
	(pc) =	sbr.rel @p0 .LBB2_4-.Ltmp3, $1  }
0xd5: {  	_ =	sdelay $0x3  }
0xd6: {  	s18 =	sadd.s32 $0x1, s18  }
0xd7: {  	p0 =	sne.s32 s18, s8  }
.Ltmp4:
0xd8: {  	_ = 	snop;
	(pc) =	sbr.rel @p0 .LBB2_1-.Ltmp4, $4  }
0xd9: {  	[hbm4b:s7+s2] =	stream.linear.scatter [tilespmem:s16], [sflag:$0x3], $0xA000, $0x38;
	[tilespmem:$0x16400] =	vst v63  }
0xda: {  	_ =	swait.ge [sflag:s11], $0xA000  }
0xdb: {  	[sflag:s11] =	ssyncset.done $0x0  }
0xdc: {  	[sflag:s11] =	ssyncadd.s32 $0xFFFF6000  }
0xdd: {  	_ =	sfence.sel $0x180000  }
0xde: {  	[bflag:$0x0] =	sbarrier.arrive $0xFFFF  }
0xdf: {  	p0 =	sne.s32 s0, $0x0;
	_ =	strace $0x90000050  }
0xe0: {  	s0 =	sadd.s32 @!p0 $0x100000, s1;
	[bflag:$0x2] =	sbarrier.arrive $0xFFFF  }
0xe1: {  	[sflag:s0] =	ssyncadd.tile.s32 @!p0 $0x1;
	_ =	shalt  }
.Lfunc_end2:
_tile_overlayer_lowered:
.L_overlay_start_2:
0xe2: {  	(tag) =	ssettag $0x2  }
0xe3: {  	s0 =	rddreg [dreg:$0x0];
	s2 =	stileid.u32  }
0xe4: {  	s1 =	rddreg [dreg:$0x1];
	p0 =	sne.s32 s2, $0x0  }
0xe5: {  	s3 =	rddreg [dreg:$0x2];
	[bflag:$0x3] =	sbarrier.arrive $0xFFFF;
	s2 =	simm.s32 @!p0 $0x1C03  }
0xe6: {  	[timem:s3], [sflag:s2] =	dma.local @!p0 [hbm:s0], s1  }
0xe7: {  	s0 =	simm.s32 @!p0 $0x3  }
0xe8: {  	_ =	swait.ge @!p0 [sflag:s0], s1  }
0xe9: {  	s1 =	ssub.s32 @!p0 $0x0, s1;
	[sflag:s0] =	ssyncset.done @!p0 $0x0  }
0xea: {  	[sflag:s0] =	ssyncadd.s32 @!p0 s1  }
0xeb: {  	[bflag:$0x3] =	sbarrier.arrive $0xFFFF  }
0xec: {  	_ =	shalt  }

// kernel: kernel.23.cloned.1.call-start
scs
__scs_entry_jumppad:
0x0: {  	(pc) =	sbr.rel $0x88, $3  }
0x1: {  	(tag) =	ssettag $0x0;
	lr =	simm.s32 $0x1  }
0x2: {  	[smem:$0x3F8B] =	sst lr;
	_ =	strace $0xD0000000  }
0x3: {  	_ = 	snop  }
0x4: {  	_ = 	snop  }
0x5: {  	_ = 	snop  }
0x6: {  	_ = 	snop  }
0x7: {  	_ = 	snop  }
__scs_overlays_trampoline_lowered:
0x8: {  	[smem:$0x3F9A] =	sst s0  }
0x9: {  	[smem:$0x3F9B] =	sst s1  }
0xa: {  	[smem:$0x3F9C] =	sst s2  }
0xb: {  	[smem:$0x3F9D] =	sst s3  }
0xc: {  	[smem:$0x3F9E] =	sst s4  }
0xd: {  	[smem:$0x3F9F] =	sst s5  }
0xe: {  	[smem:$0x3FA0] =	sst s6  }
0xf: {  	[smem:$0x3FA1] =	sst s7  }
0x10: {  	[smem:$0x3FA2] =	sst s8  }
0x11: {  	[smem:$0x3FA3] =	sst s9;
	s0 =	simm.s32 @!p0 $0x0  }
0x12: {  	s1 =	sld [smem:$0x3F89];
	s0 =	simm.s32 @p0 $0x1  }
0x13: {  	[smem:$0x3FA4] =	sst s0;
	s0 =	simm.s32 @!p1 $0x0  }
0x14: {  	s2 =	sld [smem:$0x3F88];
	s0 =	simm.s32 @p1 $0x1  }
0x15: {  	[smem:$0x3FA5] =	sst s0;
	s0 =	simm.s32 @!p2 $0x0  }
0x16: {  	s3 =	sld [smem:$0x3FDB];
	s0 =	simm.s32 @p2 $0x1  }
0x17: {  	s4 =	simm.s32 $0x1BF5;
	[smem:$0x3FA7] =	sst s0  }
0x18: {  	s0 =	sld [smem:$0x3F8A];
	_ =	swait.ge [sflag:s4], $0x0  }
0x19: {  	s7 =	sld [smem:$0x3F8B]  }
0x1a: {  	s8 =	sadd.s32 $0xFFFFE003, lr  }
0x1b: {  	s9 =	sadd.s32 $0xFFFFFEF7, lr;
	s5 =	simm.s32 $0xFFFFFFFF;
	p2 =	slt.u32 s8, $0xFFFFF086  }
0x1c: {  	p1 =	slt.u32 s9, $0xF7A;
	s5 =	simm.s32 @!p2 $0x0  }
0x1d: {  	s5 =	simm.s32 @p1 $0x1;
	p0 =	seq.s32 s7, s2  }
0x1e: {  	s7 =	smul.u32 @!p0 $0xF7A, s2;
	p2 =	seq.s32 @!p0 s5, $0x0  }
0x1f: {  	s9 =	smul.u32 $0xF7A, s1;
	s8 =	simm.s32 @!p0 $0x1BF5;
	p2 =	por !p2, p0  }
0x20: {  	[sflag:s8] =	ssyncset.s32 @!p0 $0xFFFFF086;
	s6 =	sadd.s32 @!p0 s3, s7;
	s7 =	simm.s32 @!p0 $0x108  }
0x21: {  	s3 =	sadd.s32 s3, s9;
	s6 =	sadd.s32 @!p0 $0x88, s6;
	s7 =	simm.s32 @p2 $0x1082  }
0x22: {  	[simem:s7], [sflag:s8] =	dma.local @!p0 [hbm:s6], $0xF7A  }
0x23: {  	s9 =	sor.u32 $0xD0000000, s2;
	s6 =	simm.s32 $0x108;
	_ =	swait.ge @!p0 [sflag:s8], $0x0  }
0x24: {  	s3 =	sadd.s32 $0x88, s3;
	s6 =	simm.s32 @!p1 $0x1082;
	[sflag:s4] =	ssyncset.s32 $0xFFFFF086  }
0x25: {  	[simem:s6], [sflag:s4] =	dma.local [hbm:s3], $0xF7A  }
0x26: {  	[smem:$0x3F8B] =	sst s1;
	(tag) =	ssettag s2;
	_ =	strace s9  }
0x27: {  	s1 =	sld [smem:$0x3F9B]  }
0x28: {  	s2 =	sld [smem:$0x3F9C]  }
0x29: {  	s4 =	sld [smem:$0x3F9E]  }
0x2a: {  	p0 =	seq.s32 s5, $0x0;
	s5 =	sld [smem:$0x3F9F]  }
0x2b: {  	s6 =	sld [smem:$0x3FA0]  }
0x2c: {  	s7 =	sld [smem:$0x3FA1]  }
0x2d: {  	s3 =	simm.s32 $0x108;
	s8 =	sld [smem:$0x3FA2]  }
0x2e: {  	s3 =	simm.s32 @!p0 $0x1082;
	s9 =	sld [smem:$0x3FA3]  }
0x2f: {  	lr =	sadd.s32 s0, s3;
	s0 =	sld [smem:$0x3F9A]  }
0x30: {  	s3 =	sld [smem:$0x3F9D]  }
0x31: {  	[smem:$0x3FA6] =	sst s10  }
0x32: {  	s10 =	sld [smem:$0x3FA4];
	_ =	sdelay $0x3  }
0x33: {  	p0 =	seq.s32 s10, $0x1;
	s10 =	sld [smem:$0x3FA6];
	_ =	sdelay $0x3  }
0x34: {  	[smem:$0x3FA6] =	sst s10  }
0x35: {  	s10 =	sld [smem:$0x3FA5];
	_ =	sdelay $0x3  }
0x36: {  	p1 =	seq.s32 s10, $0x1;
	s10 =	sld [smem:$0x3FA6];
	_ =	sdelay $0x3  }
0x37: {  	[smem:$0x3FA6] =	sst s10  }
0x38: {  	s10 =	sld [smem:$0x3FA7]  }
0x39: {  	_ = 	snop;
	(pc) =	sbr.ind lr, $3  }
0x3a: {  	_ = 	snop  }
0x3b: {  	_ = 	snop  }
0x3c: {  	p2 =	seq.s32 s10, $0x1;
	s10 =	sld [smem:$0x3FA6]  }
0x3d: {  	_ =	shalt  }
0x3e: {  	_ =	shalt  }
0x3f: {  	_ =	shalt  }
0x40: {  	_ =	shalt  }
0x41: {  	_ =	shalt  }
0x42: {  	_ =	shalt  }
0x43: {  	_ =	shalt  }
0x44: {  	_ =	shalt  }
0x45: {  	_ =	shalt  }
0x46: {  	_ =	shalt  }
0x47: {  	_ =	shalt  }
0x48: {  	_ =	shalt  }
0x49: {  	_ =	shalt  }
0x4a: {  	_ =	shalt  }
0x4b: {  	_ =	shalt  }
0x4c: {  	_ =	shalt  }
0x4d: {  	_ =	shalt  }
0x4e: {  	_ =	shalt  }
0x4f: {  	_ =	shalt  }
0x50: {  	_ =	shalt  }
0x51: {  	_ =	shalt  }
0x52: {  	_ =	shalt  }
0x53: {  	_ =	shalt  }
0x54: {  	_ =	shalt  }
0x55: {  	_ =	shalt  }
0x56: {  	_ =	shalt  }
0x57: {  	_ =	shalt  }
0x58: {  	_ =	shalt  }
0x59: {  	_ =	shalt  }
0x5a: {  	_ =	shalt  }
0x5b: {  	_ =	shalt  }
0x5c: {  	_ =	shalt  }
0x5d: {  	_ =	shalt  }
0x5e: {  	_ =	shalt  }
0x5f: {  	_ =	shalt  }
0x60: {  	_ =	shalt  }
0x61: {  	_ =	shalt  }
0x62: {  	_ =	shalt  }
0x63: {  	_ =	shalt  }
0x64: {  	_ =	shalt  }
0x65: {  	_ =	shalt  }
0x66: {  	_ =	shalt  }
0x67: {  	_ =	shalt  }
0x68: {  	_ =	shalt  }
0x69: {  	_ =	shalt  }
0x6a: {  	_ =	shalt  }
0x6b: {  	_ =	shalt  }
0x6c: {  	_ =	shalt  }
0x6d: {  	_ =	shalt  }
0x6e: {  	_ =	shalt  }
0x6f: {  	_ =	shalt  }
0x70: {  	_ =	shalt  }
0x71: {  	_ =	shalt  }
0x72: {  	_ =	shalt  }
0x73: {  	_ =	shalt  }
0x74: {  	_ =	shalt  }
0x75: {  	_ =	shalt  }
0x76: {  	_ =	shalt  }
0x77: {  	_ =	shalt  }
0x78: {  	_ =	shalt  }
0x79: {  	_ =	shalt  }
0x7a: {  	_ =	shalt  }
0x7b: {  	_ =	shalt  }
0x7c: {  	_ =	shalt  }
0x7d: {  	_ =	shalt  }
0x7e: {  	_ =	shalt  }
0x7f: {  	_ =	shalt  }
0x80: {  	_ =	shalt  }
0x81: {  	_ =	shalt  }
0x82: {  	_ =	shalt  }
0x83: {  	_ =	shalt  }
0x84: {  	_ =	shalt  }
0x85: {  	_ =	shalt  }
0x86: {  	_ =	shalt  }
0x87: {  	_ =	shalt  }
.Lfunc_end0:
.L_simem_size_0:
called_computation.4_lowered:
.L_overlay_start_0:
0x88: {  	s2 =	sld [smem:$0x3FD9]  }
0x89: {  	s3 =	sld [smem:$0x3FFE];
	_ =	sdelay $0x1  }
0x8a: {  	s1 =	srdreg.scid  }
0x8b: {  	s0 =	sand.u32 $0x1, s1  }
0x8c: {  	s16 =	sshll.u32 s0, $0xA;
	s2 =	sadd.s32 s3, s2  }
0x8d: {  	s2 =	sadd.s32 s2, s16  }
0x8e: {  	[smem:$0x3FB2] =	sst s2  }
0x8f: {  	_ = 	snop  }
0x90: {  	(tm) =	ssettm $0x1  }
0x91: {  	s17 =	sld [smem:$0x3FFB];
	_ =	sdelay $0x3  }
0x92: {  	_ =	strace s17  }
0x93: {  	s2 =	sld [smem:$0x3FFC];
	_ =	sdelay $0x3  }
0x94: {  	_ =	strace s2  }
0x95: {  	s2 =	sld [smem:$0x3FFD];
	_ =	sdelay $0x3  }
0x96: {  	_ =	strace s2  }
0x97: {  	_ =	strace $0x8FFFFFFF  }
0x98: {  	s18 =	sld [smem:$0x3FDB];
	_ =	sdelay $0x1  }
0x99: {  	s19 =	simm.s32 $_scs_section_size  }
0x9a: {  	s4 =	simm.s32 $_size__tile_overlayer_lowered;
	s5 =	simm.s32 $_tile_overlayer_lowered  }
0x9b: {  	s22 =	simm.s32 $0x1BFF;
	s21 =	sshll.u32 s5, $0x1;
	s2 =	sadd.s32 s19, s18  }
0x9c: {  	s6 =	simm.s32 $0x0;
	s20 =	sshll.u32 s4, $0x1;
	s4 =	sadd.s32 s21, s2  }
0x9d: {  	[timem:s6], [sflag:s22] =	dma.local [hbm:s4], s20  }
0x9e: {  	_ =	swait.ge [sflag:s22], s20  }
0x9f: {  	s3 =	ssub.s32 $0x0, s20;
	[sflag:s22] =	ssyncset.done $0x0  }
0xa0: {  	[sflag:s22] =	ssyncadd.s32 s3;
	_ =	sdelay $0x1  }
0xa1: {  	s23 =	simm.s32 $0x1B8B  }
0xa2: {  	_ =	swait.ge [sflag:s23], $0x1  }
0xa3: {  	[sflag:s23] =	ssyncset.done $0x0  }
0xa4: {  	s25 =	simm.s32 $0x1B8E;
	s24 =	sld [smem:$0x3FFE];
	[sflag:s23] =	ssyncadd.s32 $0xFFFFFFFF  }
0xa5: {  	s26 =	simm.s32 $execute0_lowered;
	[smem:$0x3FD2] =	sst s25  }
0xa6: {  	s4 =	sshll.u32 s26, $0x1;
	_ =	strace $0x80000052;
	[dreg:$0x1] =	wrdreg $0xFFFFFFFF  }
0xa7: {  	s28 =	simm.s32 $_size_execute0_lowered;
	s2 =	sadd.s32 s2, s4;
	[dreg:$0x0] =	wrdreg $0x0  }
0xa8: {  	s4 =	sshll.u32 s28, $0x1;
	[dreg:$0x2] =	wrdreg s2  }
0xa9: {  	[dreg:$0x3] =	wrdreg s4  }
0xaa: {  	[dreg:$0x4] =	wrdreg $0xC0  }
0xab: {  	_ =	task [dreg:s6], $0x5FFFF  }
0xac: {  	[dreg:$0x1] =	wrdreg $0xFFFFFFFF  }
0xad: {  	[dreg:$0x0] =	wrdreg $0x60  }
0xae: {  	[dreg:$0x2] =	wrdreg s24  }
0xaf: {  	[dreg:$0x3] =	wrdreg $0x9  }
0xb0: {  	_ =	task.clear_ibuf [dreg:s6], $0x4FFFF;
	_ =	strace $0x90000052  }
0xb1: {  	s29 =	simm.s32 $0x9;
	_ =	strace $0x80000054  }
0xb2: {  	_ =	swait.ge [sflag:s29], $0x1  }
0xb3: {  	[sflag:s29] =	ssyncadd.s32 $0xFFFFFFFF  }
0xb4: {  	_ =	strace $0x90000054  }
0xb5: {  	_ =	sfence  }
0xb6: {  	s30 =	sld [smem:$0x0];
	_ =	sdelay $0x2  }
0xb7: {  	s31 =	sshll.u32 s1, $0xD;
	s1 =	sshrl.u32 s1, $0x2  }
0xb8: {  	s3 =	sand.u32 $0x4000, s31;
	s1 =	sadd.s32 s1, s30  }
0xb9: {  	s0 =	sor.u32 s3, s0;
	s1 =	sshll.u32 s1, $0x11  }
0xba: {  	s0 =	sor.u32 s1, s0  }
0xbb: {  	s0 =	sadd.s32 $0x8F2B, s0  }
0xbc: {  	[sflag:s0] =	ssyncadd.remote.s32 $0x1  }
0xbd: {  	_ =	sfence.sel $0xFFFF  }
0xbe: {  	[dreg:$0x0] =	wrdreg $0xFFFFFFFF;
	(pc) =	sbr.abs _section_cstart, $3  }
0xbf: {  	[dreg:$0x1] =	wrdreg $0xFFFFFFFF  }
0xc0: {  	_ =	task.clear_ibuf [dreg:s6], $0x2FFFF;
	_ =	strace $0x9FFFFFFF  }
0xc1: {  	(tm) =	ssettm $0x7FFFFFFF  }
tec
execute0_lowered:
.L_overlay_start_1:
0x0: {  	(tag) =	ssettag $0x1  }
0x1: {  	s1 =	srdreg.scid;
	s0 =	stileid.u32  }
0x2: {  	s11 =	sand.u32 $0x1, s1;
	s29 =	sshll.u32 s0, $0x1  }
0x3: {  	s9 =	rddreg [dreg:$0x0];
	s10 =	sor.u32 s11, s29  }
0x4: {  	s2 =	simm.s32 $0x0;
	s1 =	rddreg [dreg:$0x1];
	s3 =	sshll.u32 s10, $0x6  }
0x5: {  	[smem:$0x7FF] =	sst s2;
	s3 =	sadd.s32 s3, s9  }
0x6: {  	_ =	strace $0x80000053;
	s4 =	sadd.s32 $0x61C00, s3;
	s3 =	simm.s32 $0x2  }
0x7: {  	[tilespmem:s2], [sflag:$0x2] =	stream.linear.gather [hbm4b:s4+s2], $0x180, $0x38;
	[tilespmem:$0x4200] =	vst v63  }
0x8: {  	_ =	swait.ge [sflag:s3], $0x180  }
0x9: {  	s6 =	simm.s32 $0x80;
	s7 =	simm.s32 $0x200;
	[sflag:s3] =	ssyncset.done $0x0  }
0xa: {  	s8 =	simm.s32 $0x1;
	s5 =	sadd.s32 $0x4A00, s9;
	[sflag:s3] =	ssyncadd.s32 $0xFFFFFE80  }
0xb: {  	[tilespmem:s7], [sflag:$0x1] =	stream.indirect.gather [hbm4b:s5+s6], $0x80, s2, s6, $0xb8;
	[tilespmem:$0x4200] =	vst v63  }
0xc: {  	s12 =	smul.u32 $0x1800, s10;
	_ =	swait.ge [sflag:s8], $0x4000  }
0xd: {  	s13 =	sadd.s32 $0x2BC00, s9;
	[sflag:s8] =	ssyncset.done $0x0  }
0xe: {  	s9 =	sadd.s32 s13, s12;
	[sflag:s8] =	ssyncadd.s32 $0xFFFFC000  }
0xf: {  	[hbm4b:s9+s2] =	stream.linear.scatter [tilespmem:s7], [sflag:$0x2], $0x4000, $0x38;
	[tilespmem:$0x4200] =	vst v63  }
0x10: {  	_ =	swait.ge [sflag:s3], $0x4000  }
0x11: {  	[sflag:s3] =	ssyncset.done $0x0  }
0x12: {  	s10 =	smul.u32 $0xC000, s10;
	[sflag:s3] =	ssyncadd.s32 $0xFFFFC000  }
0x13: {  	[tilespmem:s7], [sflag:$0x1] =	stream.indirect.gather [hbm4b:s5+s6], $0x80, s6, s6, $0xb8;
	[tilespmem:$0x4200] =	vst v63  }
0x14: {  	s10 =	sshrl.u32 s10, $0x3;
	_ =	swait.ge [sflag:s8], $0x4000  }
0x15: {  	s30 =	sadd.s32 s13, s10;
	[sflag:s8] =	ssyncset.done $0x0  }
0x16: {  	s31 =	ssub.s32 $0x2, s11;
	s10 =	sadd.s32 $0x800, s30;
	[sflag:s8] =	ssyncadd.s32 $0xFFFFC000  }
0x17: {  	[hbm4b:s10+s2] =	stream.linear.scatter [tilespmem:s7], [sflag:$0x2], $0x4000, $0x38;
	[tilespmem:$0x4200] =	vst v63  }
0x18: {  	s14 =	sshrl.u32 s31, $0x1;
	_ =	swait.ge [sflag:s3], $0x4000  }
0x19: {  	s13 =	ssub.s32 s31, s14;
	[sflag:s3] =	ssyncset.done $0x0  }
0x1a: {  	s11 =	simm.s32 $0x100;
	s13 =	smax.u32 s13, $0x1;
	[sflag:s3] =	ssyncadd.s32 $0xFFFFC000  }
0x1b: {  	[tilespmem:s7], [sflag:$0x1] =	stream.indirect.gather [hbm4b:s5+s6], $0x80, s11, s6, $0xb8;
	[tilespmem:$0x4200] =	vst v63  }
0x1c: {  	p0 =	sne.s32 s13, $0x1;
	_ =	swait.ge [sflag:s8], $0x4000  }
.Ltmp0:
0x1d: {  	[sflag:s8] =	ssyncset.done $0x0;
	(pc) =	sbr.rel @!p0 .LBB2_2-.Ltmp0, $4  }
0x1e: {  	s12 =	sadd.s32 $0x1000, s30;
	[sflag:s8] =	ssyncadd.s32 $0xFFFFC000  }
0x1f: {  	[hbm4b:s12+s2] =	stream.linear.scatter [tilespmem:s7], [sflag:$0x2], $0x4000, $0x38;
	[tilespmem:$0x4200] =	vst v63  }
0x20: {  	_ =	swait.ge [sflag:s3], $0x4000  }
0x21: {  	s13 =	sadd.s32 $0xFFFFFFFF, s13;
	[sflag:s3] =	ssyncset.done $0x0  }
.LBB2_1:
0x22: {  	p0 =	sne.s32 s13, $0x1;
	s13 =	sadd.s32 $0xFFFFFFFF, s13;
	[sflag:s3] =	ssyncadd.s32 $0xFFFFC000  }
0x23: {  	[tilespmem:s2], [sflag:$0x2] =	stream.linear.gather [hbm4b:s4+s2], $0x180, $0x38;
	[tilespmem:$0x4200] =	vst v63  }
0x24: {  	_ =	swait.ge [sflag:s3], $0x180  }
0x25: {  	[sflag:s3] =	ssyncset.done $0x0  }
0x26: {  	[sflag:s3] =	ssyncadd.s32 $0xFFFFFE80  }
0x27: {  	[tilespmem:s7], [sflag:$0x1] =	stream.indirect.gather [hbm4b:s5+s6], $0x80, s2, s6, $0xb8;
	[tilespmem:$0x4200] =	vst v63  }
0x28: {  	_ =	swait.ge [sflag:s8], $0x4000  }
0x29: {  	[sflag:s8] =	ssyncset.done $0x0  }
0x2a: {  	[sflag:s8] =	ssyncadd.s32 $0xFFFFC000  }
0x2b: {  	[hbm4b:s9+s2] =	stream.linear.scatter [tilespmem:s7], [sflag:$0x2], $0x4000, $0x38;
	[tilespmem:$0x4200] =	vst v63  }
0x2c: {  	_ =	swait.ge [sflag:s3], $0x4000  }
0x2d: {  	[sflag:s3] =	ssyncset.done $0x0  }
0x2e: {  	[sflag:s3] =	ssyncadd.s32 $0xFFFFC000  }
0x2f: {  	[tilespmem:s7], [sflag:$0x1] =	stream.indirect.gather [hbm4b:s5+s6], $0x80, s6, s6, $0xb8;
	[tilespmem:$0x4200] =	vst v63  }
0x30: {  	_ =	swait.ge [sflag:s8], $0x4000  }
0x31: {  	[sflag:s8] =	ssyncset.done $0x0  }
0x32: {  	[sflag:s8] =	ssyncadd.s32 $0xFFFFC000  }
0x33: {  	[hbm4b:s10+s2] =	stream.linear.scatter [tilespmem:s7], [sflag:$0x2], $0x4000, $0x38;
	[tilespmem:$0x4200] =	vst v63  }
0x34: {  	_ =	swait.ge [sflag:s3], $0x4000  }
0x35: {  	[sflag:s3] =	ssyncset.done $0x0  }
0x36: {  	[sflag:s3] =	ssyncadd.s32 $0xFFFFC000  }
0x37: {  	[tilespmem:s7], [sflag:$0x1] =	stream.indirect.gather [hbm4b:s5+s6], $0x80, s11, s6, $0xb8;
	[tilespmem:$0x4200] =	vst v63  }
0x38: {  	_ =	swait.ge [sflag:s8], $0x4000  }
.Ltmp1:
0x39: {  	[sflag:s8] =	ssyncset.done $0x0;
	(pc) =	sbr.rel @p0 .LBB2_1-.Ltmp1, $4  }
0x3a: {  	[sflag:s8] =	ssyncadd.s32 $0xFFFFC000  }
0x3b: {  	[hbm4b:s12+s2] =	stream.linear.scatter [tilespmem:s7], [sflag:$0x2], $0x4000, $0x38;
	[tilespmem:$0x4200] =	vst v63  }
0x3c: {  	_ =	swait.ge [sflag:s3], $0x4000  }
0x3d: {  	[sflag:s3] =	ssyncset.done $0x0  }
.LBB2_2:
0x3e: {  	[sflag:s3] =	ssyncadd.s32 $0xFFFFC000  }
0x3f: {  	_ =	sfence.sel $0x180000  }
0x40: {  	[bflag:$0x0] =	sbarrier.arrive $0xFFFF  }
0x41: {  	p0 =	sne.s32 s0, $0x0;
	_ =	strace $0x90000053  }
0x42: {  	s0 =	sadd.s32 @!p0 $0x100000, s1;
	[bflag:$0x2] =	sbarrier.arrive $0xFFFF  }
0x43: {  	[sflag:s0] =	ssyncadd.tile.s32 @!p0 $0x1;
	_ =	shalt  }
.Lfunc_end2:
_tile_overlayer_lowered:
.L_overlay_start_2:
0x44: {  	(tag) =	ssettag $0x2  }
0x45: {  	s0 =	rddreg [dreg:$0x0];
	s2 =	stileid.u32  }
0x46: {  	s1 =	rddreg [dreg:$0x1];
	p0 =	sne.s32 s2, $0x0  }
0x47: {  	s3 =	rddreg [dreg:$0x2];
	[bflag:$0x3] =	sbarrier.arrive $0xFFFF;
	s2 =	simm.s32 @!p0 $0x1C02  }
0x48: {  	[timem:s3], [sflag:s2] =	dma.local @!p0 [hbm:s0], s1  }
0x49: {  	s0 =	simm.s32 @!p0 $0x2  }
0x4a: {  	_ =	swait.ge @!p0 [sflag:s0], s1  }
0x4b: {  	s1 =	ssub.s32 @!p0 $0x0, s1;
	[sflag:s0] =	ssyncset.done @!p0 $0x0  }
0x4c: {  	[sflag:s0] =	ssyncadd.s32 @!p0 s1  }
0x4d: {  	[bflag:$0x3] =	sbarrier.arrive $0xFFFF  }
0x4e: {  	_ =	shalt  }

</sc_bundles>
